<compile_context>
chip_gen: v7x
topology: tpu7x:2x2x1
jax: 0.10.2.dev20260603
libtpu: 0.0.44.dev20260713+nightly
codegen_flags: <defaults>
</compile_context>

<pallas_src>
import functools

import jax
import jax.numpy as jnp
from jax import lax
from jax.experimental import pallas as pl
from jax.experimental.pallas import tpu as pltpu
from jax.experimental.pallas import tpu_sc as plsc

_N = 4096
_M = 1024
_B = 4
_G = 8
_C = 32
_MG = _M * _G
_PB = _N // _B
_TAB = _PB + 16
_SENT = _PB + 3
_MAXD2 = 2.4 * 2.4
_R2 = (2.4 * 2.0) * (2.4 * 2.0)
_BIG = 1e10
_INF = 1e30

_NW = 32
_CPW = _MG // _NW
_NG = _CPW // 16
_FTW = _C * _TAB


def _rsqrt(x):
    xc = jnp.maximum(x, jnp.float32(4.0 ** -11))
    y = jnp.full((16,), 0.35355339, jnp.float32)
    for k in range(1, 13):
        y = jnp.where(xc < 4.0 ** (2 - k),
                      jnp.float32(1.41421356 * 2.0 ** (k - 2)), y)
    y = jnp.where(xc > 1e9, jnp.float32(1e-5), y)
    xh = xc * 0.5
    for _ in range(5):
        y = y * (1.5 - xh * y * y)
    return y


def _body(cp_h, sp_h, ft_h, ws_h, out_h,
          gx_v, gy_v, gz_v, bgx_v, bgy_v, bgz_v, bnx_v, bny_v, bnz_v, sqn_v,
          sx_v, sy_v, sz_v, bsx_v, bsy_v, bsz_v, sqs_v, cl_v, ft_v, ws_v,
          out_v, dma_sem):
    wid = lax.axis_index("s") * 2 + lax.axis_index("c")
    b = wid // 8
    cbase = wid * _CPW

    copies = []
    cdsts = (gx_v, gy_v, gz_v, bgx_v, bgy_v, bgz_v, bnx_v, bny_v, bnz_v, sqn_v)
    for k, dst in enumerate(cdsts):
        copies.append(pltpu.async_copy(
            cp_h.at[pl.ds(k * _MG + cbase, _CPW)], dst, dma_sem))
    sdsts = (sx_v, sy_v, sz_v, bsx_v, bsy_v, bsz_v)
    for k, dst in enumerate(sdsts):
        copies.append(pltpu.async_copy(
            sp_h.at[pl.ds((k * _B + b) * _TAB, _TAB)], dst, dma_sem))
    copies.append(pltpu.async_copy(ft_h.at[pl.ds(b * _FTW, _FTW)], ft_v, dma_sem))
    copies.append(pltpu.async_copy(ws_h, ws_v, dma_sem))
    for cpy in copies:
        cpy.wait()

    def sqs_step(t, _):
        xv = sx_v[pl.ds(t * 16, 16)]
        yv = sy_v[pl.ds(t * 16, 16)]
        zv = sz_v[pl.ds(t * 16, 16)]
        sqs_v[pl.ds(t * 16, 16)] = (xv * xv + yv * yv) + zv * zv
        return 0

    lax.fori_loop(0, _TAB // 16, sqs_step, 0)

    is_b0 = (b == 0)
    m_init = jnp.where(is_b0, _INF, _BIG)

    def group(g, _):
        gxv = gx_v[pl.ds(g * 16, 16)]
        gyv = gy_v[pl.ds(g * 16, 16)]
        gzv = gz_v[pl.ds(g * 16, 16)]
        bgxv = bgx_v[pl.ds(g * 16, 16)]
        bgyv = bgy_v[pl.ds(g * 16, 16)]
        bgzv = bgz_v[pl.ds(g * 16, 16)]
        bnxv = bnx_v[pl.ds(g * 16, 16)]
        bnyv = bny_v[pl.ds(g * 16, 16)]
        bnzv = bnz_v[pl.ds(g * 16, 16)]
        sqnv = sqn_v[pl.ds(g * 16, 16)]
        sqgv = (gxv * gxv + gyv * gyv) + gzv * gzv

        bnxA = jnp.broadcast_to(bnxv[0], (16,))
        bnyA = jnp.broadcast_to(bnyv[0], (16,))
        bnzA = jnp.broadcast_to(bnzv[0], (16,))
        sqnA = jnp.broadcast_to(sqnv[0], (16,))
        bnxB = jnp.broadcast_to(bnxv[8], (16,))
        bnyB = jnp.broadcast_to(bnyv[8], (16,))
        bnzB = jnp.broadcast_to(bnzv[8], (16,))
        sqnB = jnp.broadcast_to(sqnv[8], (16,))
        iota = lax.iota(jnp.int32, 16)

        def p1(t, off):
            for u in range(2):
                base = (t * 2 + u) * 16
                svx = bsx_v[pl.ds(base, 16)]
                svy = bsy_v[pl.ds(base, 16)]
                svz = bsz_v[pl.ds(base, 16)]
                svq = sqs_v[pl.ds(base, 16)]
                dotA = (bnxA * svx + bnyA * svy) + bnzA * svz
                dA = (sqnA + svq) - (dotA + dotA)
                dotB = (bnxB * svx + bnyB * svy) + bnzB * svz
                dB = (sqnB + svq) - (dotB + dotB)
                mA = dA <= _R2
                mB = dB <= _R2
                mk = mA | mB
                idxv = (jnp.full((16,), base, jnp.int32) + iota
                        + jnp.where(mA, 65536, 0) + jnp.where(mB, 131072, 0))
                plsc.store_compressed(cl_v.at[pl.ds(off, 16)], idxv, mask=mk)
                pc = plsc.all_reduce_population_count(mk)
                off = off + pc[0]
            return off

        n_cand = lax.fori_loop(0, _PB // 32, p1, jnp.int32(0))
        cl_v[pl.ds(n_cand, 16)] = jnp.full((16,), _SENT, jnp.int32)

        def eval_cand(bsx, bsy, bsz, sqs):
            dot = (bgxv * bsx + bgyv * bsy) + bgzv * bsz
            d2 = (sqgv + sqs) - (dot + dot)
            dotc = (bnxv * bsx + bnyv * bsy) + bnzv * bsz
            d2c = (sqnv + sqs) - (dotc + dotc)
            valid = (d2 <= _MAXD2) & (d2c <= _R2)
            return valid, d2

        def insert(carry, key, jv):
            m1, m2, m3, i1, i2, i3 = carry
            c1 = key < m1
            c2 = key < m2
            c3 = key < m3
            m3n = jnp.where(c2, m2, jnp.where(c3, key, m3))
            i3n = jnp.where(c2, i2, jnp.where(c3, jv, i3))
            m2n = jnp.where(c1, m1, jnp.where(c2, key, m2))
            i2n = jnp.where(c1, i1, jnp.where(c2, jv, i2))
            m1 = jnp.where(c1, key, m1)
            i1 = jnp.where(c1, jv, i1)
            return m1, m2n, m3n, i1, i2n, i3n

        m0 = jnp.full((16,), m_init, jnp.float32)
        carry = (m0, m0, m0,
                 jnp.full((16,), _PB, jnp.int32),
                 jnp.full((16,), _PB + 1, jnp.int32),
                 jnp.full((16,), _PB + 2, jnp.int32))

        svx0 = bsx_v[pl.ds(0, 16)]
        svy0 = bsy_v[pl.ds(0, 16)]
        svz0 = bsz_v[pl.ds(0, 16)]
        svq0 = sqs_v[pl.ds(0, 16)]
        for u in range(6):
            valid, _ = eval_cand(jnp.broadcast_to(svx0[u], (16,)),
                                 jnp.broadcast_to(svy0[u], (16,)),
                                 jnp.broadcast_to(svz0[u], (16,)),
                                 jnp.broadcast_to(svq0[u], (16,)))
            key = jnp.where(valid, _INF, _BIG)
            carry = insert(carry, key, jnp.full((16,), u, jnp.int32))

        halfsel = jnp.where(iota < 8, jnp.int32(65536), jnp.int32(131072))

        def p2(t, carry):
            civ = cl_v[pl.ds(t * 16, 16)]
            jv16 = civ & 0xFFFF
            cxv = plsc.load_gather(bsx_v, [jv16])
            cyv = plsc.load_gather(bsy_v, [jv16])
            czv = plsc.load_gather(bsz_v, [jv16])
            cqv = plsc.load_gather(sqs_v, [jv16])
            for u in range(16):
                bsx = jnp.broadcast_to(cxv[u], (16,))
                bsy = jnp.broadcast_to(cyv[u], (16,))
                bsz = jnp.broadcast_to(czv[u], (16,))
                sqs = jnp.broadcast_to(cqv[u], (16,))
                dot = (bgxv * bsx + bgyv * bsy) + bgzv * bsz
                d2 = (sqgv + sqs) - (dot + dot)
                pok = (jnp.broadcast_to(civ[u], (16,)) & halfsel) != 0
                valid = (d2 <= _MAXD2) & pok
                key = jnp.where(valid, d2, _BIG)
                carry = insert(carry, key, jnp.broadcast_to(jv16[u], (16,)))
            return carry

        nblk = (n_cand + 15) // 16
        m1, m2, m3, i1, i2, i3 = lax.fori_loop(0, nblk, p2, carry)

        empty = m1 >= (_BIG * 0.5)
        zero = jnp.zeros((16,), jnp.float32)
        ws = []
        for mk in (m1, m2, m3):
            mk0 = jnp.maximum(mk, 0.0)
            dist = mk0 * _rsqrt(mk0)
            ws.append(1.0 / (dist + 1e-8))
        norm = jnp.maximum(ws[0] + ws[1] + ws[2], 1e-8)
        w1 = jnp.where(empty, zero, ws[0] / norm)
        w2 = jnp.where(empty, zero, ws[1] / norm)
        w3 = jnp.where(empty, zero, ws[2] / norm)

        loc = []
        for ik in (i1, i2, i3):
            nx = plsc.load_gather(sx_v, [ik])
            ny = plsc.load_gather(sy_v, [ik])
            nz = plsc.load_gather(sz_v, [ik])
            loc.append(jnp.where(empty, zero, gxv - nx))
            loc.append(jnp.where(empty, zero, gyv - ny))
            loc.append(jnp.where(empty, zero, gzv - nz))

        def outcol(c, _):
            off = jnp.full((16,), c * _TAB, jnp.int32)
            p1 = plsc.load_gather(ft_v, [i1 + off])
            p2 = plsc.load_gather(ft_v, [i2 + off])
            p3 = plsc.load_gather(ft_v, [i3 + off])
            acc = (p1 * w1 + p2 * w2) + p3 * w3
            wv = ws_v[pl.ds(c * 16, 16)]
            a0 = (loc[0] * jnp.broadcast_to(wv[0], (16,))
                  + loc[1] * jnp.broadcast_to(wv[1], (16,))
                  + loc[2] * jnp.broadcast_to(wv[2], (16,)))
            a1 = (loc[3] * jnp.broadcast_to(wv[3], (16,))
                  + loc[4] * jnp.broadcast_to(wv[4], (16,))
                  + loc[5] * jnp.broadcast_to(wv[5], (16,)))
            a2 = (loc[6] * jnp.broadcast_to(wv[6], (16,))
                  + loc[7] * jnp.broadcast_to(wv[7], (16,))
                  + loc[8] * jnp.broadcast_to(wv[8], (16,)))
            acc = ((acc + a0) + (a1 + a2)) + jnp.broadcast_to(wv[9], (16,))
            out_v[pl.ds(c * _CPW + g * 16, 16)] = jnp.maximum(acc, 0.0)
            return 0

        lax.fori_loop(0, _C, outcol, 0)
        return 0

    lax.fori_loop(0, _NG, group, 0)
    pltpu.sync_copy(out_v, out_h.at[pl.ds(wid * (_C * _CPW), _C * _CPW)])


def _proj_body(sf_ref, w_ref, out_ref):
    out_ref[...] = jax.lax.dot_general(
        sf_ref[...], w_ref[...], (((1,), (0,)), ((), ())),
        precision=jax.lax.Precision.HIGHEST,
        preferred_element_type=jnp.float32)


def _proj(sf, wf):
    return pl.pallas_call(
        _proj_body,
        out_shape=jax.ShapeDtypeStruct((_N, _C), jnp.float32),
    )(sf, wf)


@jax.jit
def _run(cpack, spack, fa, wsf):
    mesh = plsc.VectorSubcoreMesh(core_axis_name="c", subcore_axis_name="s")
    k = functools.partial(
        pl.kernel, _body, mesh=mesh,
        compiler_params=pltpu.CompilerParams(needs_layout_passes=False),
        out_type=jax.ShapeDtypeStruct((_NW * _C * _CPW,), jnp.float32),
        scratch_types=[pltpu.VMEM((_CPW,), jnp.float32)] * 10
        + [pltpu.VMEM((_TAB,), jnp.float32)] * 6
        + [
            pltpu.VMEM((_TAB,), jnp.float32),
            pltpu.VMEM((_TAB,), jnp.int32),
            pltpu.VMEM((_FTW,), jnp.float32),
            pltpu.VMEM((_C * 16,), jnp.float32),
            pltpu.VMEM((_C * _CPW,), jnp.float32),
            pltpu.SemaphoreType.DMA,
        ],
    )()
    return k(cpack, spack, fa, wsf)


def kernel(support_xyz, support_features, xyz_batch_cnt, new_xyz,
           new_xyz_grid_centers, new_xyz_batch_cnt, W, gamma, beta):
    def bf(x):
        return lax.reduce_precision(x, exponent_bits=8, mantissa_bits=7)

    gcf = new_xyz_grid_centers.reshape(_MG, 3)
    bgc = bf(gcf)

    par = jnp.repeat(new_xyz, _G, axis=0)
    sqn = (par[:, 0] * par[:, 0] + par[:, 1] * par[:, 1]) + par[:, 2] * par[:, 2]
    bpar = bf(par)

    cpack = jnp.concatenate(
        [gcf.T, bgc.T, bpar.T, sqn[None]], axis=0).reshape(-1)

    sb = support_xyz.reshape(_B, _PB, 3)
    extra = jnp.broadcast_to(support_xyz[0:3][None], (_B, 3, 3))
    padx = jnp.full((_B, _TAB - _PB - 3, 3), 1e6, jnp.float32)
    sa = jnp.concatenate([sb, extra, padx], axis=1)
    bsa = bf(sa)
    spack = jnp.concatenate(
        [sa.transpose(2, 0, 1), bsa.transpose(2, 0, 1)], axis=0).reshape(-1)

    scale = gamma * (1.0 / jnp.sqrt(jnp.float32(1.0 + 1e-5)))
    proj = _proj(support_features, W[:_C] * scale[None, :])

    fb = proj.reshape(_B, _PB, _C).transpose(0, 2, 1)
    fextra = jnp.broadcast_to(proj[0:3].T[None], (_B, _C, 3))
    fpad = jnp.zeros((_B, _C, _TAB - _PB - 3), jnp.float32)
    fa = jnp.concatenate([fb, fextra, fpad], axis=2).reshape(-1)

    wloc = jnp.concatenate(
        [(W[_C:] * scale[None, :]).T, beta[:, None],
         jnp.zeros((_C, 6), jnp.float32)], axis=1).reshape(-1)

    out = _run(cpack, spack, fa, wloc)
    return out.reshape(_NW, _C, _CPW).transpose(0, 2, 1).reshape(_MG, _C)

# --- scband reference (transcript-rebuilt; emitter-appended) ---
"""Pipeline reference for scband-vector-pool-local-interpolate-module-10213432230651 (READ-ONLY COPY).

The authoritative reference and input builder live on the scoring server;
editing this copy changes nothing except your own understanding.
"""

import jax, jax.numpy as jnp
import numpy as np

N = 4096
M = 1024
B = 4
G = 8
C = 32
MAXD = 2.4
MULT = 2.0
BIG = 1e10


def setup_inputs(seed: int = 0):
    key = jax.random.key(seed)
    ks = jax.random.split(key, 6)
    support_xyz = jax.random.uniform(ks[0], (N, 3), dtype=jnp.float32) * 20.0
    support_features = jax.random.normal(ks[1], (N, C), dtype=jnp.float32)
    xyz_batch_cnt = jnp.full((B,), N // B, dtype=jnp.int32)
    new_xyz = jax.random.uniform(ks[2], (M, 3), dtype=jnp.float32) * 20.0
    ii, jj, kk = np.meshgrid(np.arange(2), np.arange(2), np.arange(2), indexing='ij')
    offs = ((np.stack([ii, jj, kk], -1).reshape(-1, 3).astype(np.float32) + 0.5) / 2.0) * (2.0 * MAXD) - MAXD
    new_xyz_grid_centers = new_xyz[:, None, :] + jnp.asarray(offs, dtype=jnp.float32)
    new_xyz_batch_cnt = jnp.full((B,), M // B, dtype=jnp.int32)
    W = jax.random.normal(ks[3], (C + 9, 32), dtype=jnp.float32) * 0.05
    gamma = jnp.ones((32,), jnp.float32)
    beta = jnp.zeros((32,), jnp.float32)
    return {
        'support_xyz': support_xyz,
        'support_features': support_features,
        'xyz_batch_cnt': xyz_batch_cnt,
        'new_xyz': new_xyz,
        'new_xyz_grid_centers': new_xyz_grid_centers,
        'new_xyz_batch_cnt': new_xyz_batch_cnt,
        'W': W,
        'gamma': gamma,
        'beta': beta,
    }


def _sqnorm(x):
    return jnp.sum(x * x, axis=-1)


def _three_nn(support_xyz, xyz_batch_cnt, new_xyz, grid_centers, new_xyz_batch_cnt):
    # two-step 3-NN: (1) candidates = support points in same batch within
    # MAXD*MULT of the parent center; (2) ball 3-NN of each grid center among
    # candidates within MAXD (neighbor_type=1).
    sb = jnp.repeat(jnp.arange(B), xyz_batch_cnt, total_repeat_length=N)
    nb = jnp.repeat(jnp.arange(B), new_xyz_batch_cnt, total_repeat_length=M)
    d2_center = _sqnorm(new_xyz)[:, None] + _sqnorm(support_xyz)[None, :] - 2.0 * (new_xyz @ support_xyz.T)
    same_batch = nb[:, None] == sb[None, :]
    r = MAXD * MULT
    cand = same_batch & (d2_center <= r * r)  # (M, N)
    gc = grid_centers.reshape(M * G, 3)
    d2_grid = _sqnorm(gc)[:, None] + _sqnorm(support_xyz)[None, :] - 2.0 * (gc @ support_xyz.T)  # (M*G, N)
    cand_g = jnp.broadcast_to(cand[:, None, :], (M, G, N)).reshape(M * G, N)
    valid = cand_g & (d2_grid <= MAXD * MAXD)
    dmask = jnp.where(valid, d2_grid, BIG)
    neg, idx = jax.lax.top_k(-dmask, 3)
    d2_top = -neg
    dist = jnp.sqrt(jnp.clip(d2_top, 0.0, None))
    has_any = d2_top[:, 0] < BIG * 0.5
    idx = jnp.where(has_any[:, None], idx, -1)
    return dist.reshape(M, G, 3), idx.reshape(M, G, 3)


def reference(support_xyz, support_features, xyz_batch_cnt, new_xyz, new_xyz_grid_centers, new_xyz_batch_cnt, W, gamma, beta):
    dist, idx = _three_nn(support_xyz, xyz_batch_cnt, new_xyz, new_xyz_grid_centers, new_xyz_batch_cnt)
    dist = jax.lax.stop_gradient(dist)  # torch.no_grad() in original
    idx = jax.lax.stop_gradient(idx)
    dist_recip = 1.0 / (dist + 1e-8)
    norm = jnp.sum(dist_recip, axis=-1, keepdims=True)
    weight = dist_recip / jnp.clip(norm, 1e-8, None)
    idx_flat = idx.reshape(-1, 3)
    empty_mask = idx_flat[:, 0] == -1
    idx_flat = jnp.where(empty_mask[:, None], 0, idx_flat)
    # three_interpolate
    feats = jnp.take(support_features, idx_flat, axis=0)  # (M*G, 3, C)
    interpolated = jnp.sum(feats * weight.reshape(-1, 3)[:, :, None], axis=1)  # (M*G, C)
    interpolated = interpolated.reshape(M, G, C)
    # use_xyz encoding
    near_known_xyz = jnp.take(support_xyz, idx_flat, axis=0)  # (M*G, 3, 3)
    gc = new_xyz_grid_centers.reshape(-1, 1, 3)
    local_xyz = (gc - near_known_xyz).reshape(M, G, 9)
    interpolated = jnp.concatenate([interpolated, local_xyz], axis=-1)
    new_features = interpolated.reshape(-1, C + 9)
    new_features = jnp.where(empty_mask[:, None], 0.0, new_features)
    # shared MLP: Conv2d 1x1 (no bias) + BatchNorm2d (eval: mean 0, var 1) + ReLU
    out = new_features @ W
    out = out / jnp.sqrt(1.0 + 1e-5) * gamma + beta
    out = jax.nn.relu(out)
    return out

if __name__ == "__main__":
    import jax
    _d = setup_inputs()
    print(jax.jit(kernel)(*tuple(_d.values())))

</pallas_src>

<mosaic_0001>
#map = affine_map<(d0, d1) -> (0)>
module attributes {stable_mosaic.version = 14 : i64} {
  func.func @_body(%arg0: i32, %arg1: i32, %arg2: memref<81920xf32, #tpu.memory_space<hbm>>, %arg3: memref<24960xf32, #tpu.memory_space<hbm>>, %arg4: memref<133120xf32, #tpu.memory_space<hbm>>, %arg5: memref<512xf32, #tpu.memory_space<hbm>>, %arg6: memref<262144xf32, #tpu.memory_space<hbm>>, %arg7: memref<256xf32, #tpu.memory_space<vmem>>, %arg8: memref<256xf32, #tpu.memory_space<vmem>>, %arg9: memref<256xf32, #tpu.memory_space<vmem>>, %arg10: memref<256xf32, #tpu.memory_space<vmem>>, %arg11: memref<256xf32, #tpu.memory_space<vmem>>, %arg12: memref<256xf32, #tpu.memory_space<vmem>>, %arg13: memref<256xf32, #tpu.memory_space<vmem>>, %arg14: memref<256xf32, #tpu.memory_space<vmem>>, %arg15: memref<256xf32, #tpu.memory_space<vmem>>, %arg16: memref<256xf32, #tpu.memory_space<vmem>>, %arg17: memref<1040xf32, #tpu.memory_space<vmem>>, %arg18: memref<1040xf32, #tpu.memory_space<vmem>>, %arg19: memref<1040xf32, #tpu.memory_space<vmem>>, %arg20: memref<1040xf32, #tpu.memory_space<vmem>>, %arg21: memref<1040xf32, #tpu.memory_space<vmem>>, %arg22: memref<1040xf32, #tpu.memory_space<vmem>>, %arg23: memref<1040xf32, #tpu.memory_space<vmem>>, %arg24: memref<1040xi32, #tpu.memory_space<vmem>>, %arg25: memref<33280xf32, #tpu.memory_space<vmem>>, %arg26: memref<512xf32, #tpu.memory_space<vmem>>, %arg27: memref<8192xf32, #tpu.memory_space<vmem>>, %arg28: memref<!tpu.dma_semaphore, #tpu.memory_space<semaphore_mem>>) attributes {dimension_semantics = [#tpu.dimension_semantics<core_parallel>, #tpu.dimension_semantics<subcore_parallel>], iteration_bounds = array<i64: 2, 16>, scalar_prefetch = 0 : i64, scratch_operands = 22 : i64, tpu.core_type = #tpu.core_type<sc_vector_subcore>, window_params = [{transform_indices = #map}, {transform_indices = #map}, {transform_indices = #map}, {transform_indices = #map}, {transform_indices = #map}]} {
    %mul3A = arith.constant 2 : i32
    %mul3A_0 = arith.muli %arg1, %mul3A : i32
    %add3A = arith.addi %mul3A_0, %arg0 : i32
    %jit3A = arith.constant 8 : i32
    %div3A = arith.divsi %add3A, %jit3A : i32
    %sign3A = arith.constant 0 : i32
    %sign3A_1 = arith.cmpi sgt, %add3A, %sign3A : i32
    %sign3A_2 = arith.extui %sign3A_1 : i1 to i32
    %sign3A_3 = arith.constant 0 : i32
    %sign3A_4 = arith.cmpi slt, %add3A, %sign3A_3 : i32
    %sign3A_5 = arith.extui %sign3A_4 : i1 to i32
    %sign3A_6 = arith.subi %sign3A_2, %sign3A_5 : i32
    %sign3A_7 = arith.constant 0 : i32
    %sign3A_8 = arith.cmpi sgt, %jit3A, %sign3A_7 : i32
    %sign3A_9 = arith.extui %sign3A_8 : i1 to i32
    %sign3A_10 = arith.constant 0 : i32
    %sign3A_11 = arith.cmpi slt, %jit3A, %sign3A_10 : i32
    %sign3A_12 = arith.extui %sign3A_11 : i1 to i32
    %sign3A_13 = arith.subi %sign3A_9, %sign3A_12 : i32
    %ne3A = arith.cmpi ne, %sign3A_6, %sign3A_13 : i32
    %rem3A = arith.remsi %add3A, %jit3A : i32
    %ne3A_14 = arith.constant 0 : i32
    %ne3A_15 = arith.cmpi ne, %rem3A, %ne3A_14 : i32
    %and3A = arith.andi %ne3A, %ne3A_15 : i1
    %sub3A = arith.constant 1 : i32
    %sub3A_16 = arith.subi %div3A, %sub3A : i32
    %select_n3A = arith.select %and3A, %sub3A_16, %div3A : i32
    %mul3A_17 = arith.constant 256 : i32
    %mul3A_18 = arith.muli %add3A, %mul3A_17 : i32
    %add3A_19 = arith.constant 0 : i32
    %add3A_20 = arith.addi %add3A_19, %mul3A_18 : i32
    %dma_start3A = tpu.memref_slice %arg2[%add3A_20] : memref<81920xf32, #tpu.memory_space<hbm>> -> memref<256xf32, #tpu.memory_space<hbm>>
    %dma_start3A_21 = tpu.memref_slice %arg2[%add3A_20] : memref<81920xf32, #tpu.memory_space<hbm>> -> memref<256xf32, #tpu.memory_space<hbm>>
    tpu.enqueue_dma source(%dma_start3A_21 : memref<256xf32, #tpu.memory_space<hbm>>) target(%arg7 : memref<256xf32, #tpu.memory_space<vmem>>) target_semaphore(%arg28 : memref<!tpu.dma_semaphore, #tpu.memory_space<semaphore_mem>>)
    %add3A_22 = arith.constant 8192 : i32
    %add3A_23 = arith.addi %add3A_22, %mul3A_18 : i32
    %dma_start3A_24 = tpu.memref_slice %arg2[%add3A_23] : memref<81920xf32, #tpu.memory_space<hbm>> -> memref<256xf32, #tpu.memory_space<hbm>>
    %dma_start3A_25 = tpu.memref_slice %arg2[%add3A_23] : memref<81920xf32, #tpu.memory_space<hbm>> -> memref<256xf32, #tpu.memory_space<hbm>>
    tpu.enqueue_dma source(%dma_start3A_25 : memref<256xf32, #tpu.memory_space<hbm>>) target(%arg8 : memref<256xf32, #tpu.memory_space<vmem>>) target_semaphore(%arg28 : memref<!tpu.dma_semaphore, #tpu.memory_space<semaphore_mem>>)
    %add3A_26 = arith.constant 16384 : i32
    %add3A_27 = arith.addi %add3A_26, %mul3A_18 : i32
    %dma_start3A_28 = tpu.memref_slice %arg2[%add3A_27] : memref<81920xf32, #tpu.memory_space<hbm>> -> memref<256xf32, #tpu.memory_space<hbm>>
    %dma_start3A_29 = tpu.memref_slice %arg2[%add3A_27] : memref<81920xf32, #tpu.memory_space<hbm>> -> memref<256xf32, #tpu.memory_space<hbm>>
    tpu.enqueue_dma source(%dma_start3A_29 : memref<256xf32, #tpu.memory_space<hbm>>) target(%arg9 : memref<256xf32, #tpu.memory_space<vmem>>) target_semaphore(%arg28 : memref<!tpu.dma_semaphore, #tpu.memory_space<semaphore_mem>>)
    %add3A_30 = arith.constant 24576 : i32
    %add3A_31 = arith.addi %add3A_30, %mul3A_18 : i32
    %dma_start3A_32 = tpu.memref_slice %arg2[%add3A_31] : memref<81920xf32, #tpu.memory_space<hbm>> -> memref<256xf32, #tpu.memory_space<hbm>>
    %dma_start3A_33 = tpu.memref_slice %arg2[%add3A_31] : memref<81920xf32, #tpu.memory_space<hbm>> -> memref<256xf32, #tpu.memory_space<hbm>>
    tpu.enqueue_dma source(%dma_start3A_33 : memref<256xf32, #tpu.memory_space<hbm>>) target(%arg10 : memref<256xf32, #tpu.memory_space<vmem>>) target_semaphore(%arg28 : memref<!tpu.dma_semaphore, #tpu.memory_space<semaphore_mem>>)
    %add3A_34 = arith.constant 32768 : i32
    %add3A_35 = arith.addi %add3A_34, %mul3A_18 : i32
    %dma_start3A_36 = tpu.memref_slice %arg2[%add3A_35] : memref<81920xf32, #tpu.memory_space<hbm>> -> memref<256xf32, #tpu.memory_space<hbm>>
    %dma_start3A_37 = tpu.memref_slice %arg2[%add3A_35] : memref<81920xf32, #tpu.memory_space<hbm>> -> memref<256xf32, #tpu.memory_space<hbm>>
    tpu.enqueue_dma source(%dma_start3A_37 : memref<256xf32, #tpu.memory_space<hbm>>) target(%arg11 : memref<256xf32, #tpu.memory_space<vmem>>) target_semaphore(%arg28 : memref<!tpu.dma_semaphore, #tpu.memory_space<semaphore_mem>>)
    %add3A_38 = arith.constant 40960 : i32
    %add3A_39 = arith.addi %add3A_38, %mul3A_18 : i32
    %dma_start3A_40 = tpu.memref_slice %arg2[%add3A_39] : memref<81920xf32, #tpu.memory_space<hbm>> -> memref<256xf32, #tpu.memory_space<hbm>>
    %dma_start3A_41 = tpu.memref_slice %arg2[%add3A_39] : memref<81920xf32, #tpu.memory_space<hbm>> -> memref<256xf32, #tpu.memory_space<hbm>>
    tpu.enqueue_dma source(%dma_start3A_41 : memref<256xf32, #tpu.memory_space<hbm>>) target(%arg12 : memref<256xf32, #tpu.memory_space<vmem>>) target_semaphore(%arg28 : memref<!tpu.dma_semaphore, #tpu.memory_space<semaphore_mem>>)
    %add3A_42 = arith.constant 49152 : i32
    %add3A_43 = arith.addi %add3A_42, %mul3A_18 : i32
    %dma_start3A_44 = tpu.memref_slice %arg2[%add3A_43] : memref<81920xf32, #tpu.memory_space<hbm>> -> memref<256xf32, #tpu.memory_space<hbm>>
    %dma_start3A_45 = tpu.memref_slice %arg2[%add3A_43] : memref<81920xf32, #tpu.memory_space<hbm>> -> memref<256xf32, #tpu.memory_space<hbm>>
    tpu.enqueue_dma source(%dma_start3A_45 : memref<256xf32, #tpu.memory_space<hbm>>) target(%arg13 : memref<256xf32, #tpu.memory_space<vmem>>) target_semaphore(%arg28 : memref<!tpu.dma_semaphore, #tpu.memory_space<semaphore_mem>>)
    %add3A_46 = arith.constant 57344 : i32
    %add3A_47 = arith.addi %add3A_46, %mul3A_18 : i32
    %dma_start3A_48 = tpu.memref_slice %arg2[%add3A_47] : memref<81920xf32, #tpu.memory_space<hbm>> -> memref<256xf32, #tpu.memory_space<hbm>>
    %dma_start3A_49 = tpu.memref_slice %arg2[%add3A_47] : memref<81920xf32, #tpu.memory_space<hbm>> -> memref<256xf32, #tpu.memory_space<hbm>>
    tpu.enqueue_dma source(%dma_start3A_49 : memref<256xf32, #tpu.memory_space<hbm>>) target(%arg14 : memref<256xf32, #tpu.memory_space<vmem>>) target_semaphore(%arg28 : memref<!tpu.dma_semaphore, #tpu.memory_space<semaphore_mem>>)
    %add3A_50 = arith.constant 65536 : i32
    %add3A_51 = arith.addi %add3A_50, %mul3A_18 : i32
    %dma_start3A_52 = tpu.memref_slice %arg2[%add3A_51] : memref<81920xf32, #tpu.memory_space<hbm>> -> memref<256xf32, #tpu.memory_space<hbm>>
    %dma_start3A_53 = tpu.memref_slice %arg2[%add3A_51] : memref<81920xf32, #tpu.memory_space<hbm>> -> memref<256xf32, #tpu.memory_space<hbm>>
    tpu.enqueue_dma source(%dma_start3A_53 : memref<256xf32, #tpu.memory_space<hbm>>) target(%arg15 : memref<256xf32, #tpu.memory_space<vmem>>) target_semaphore(%arg28 : memref<!tpu.dma_semaphore, #tpu.memory_space<semaphore_mem>>)
    %add3A_54 = arith.constant 73728 : i32
    %add3A_55 = arith.addi %add3A_54, %mul3A_18 : i32
    %dma_start3A_56 = tpu.memref_slice %arg2[%add3A_55] : memref<81920xf32, #tpu.memory_space<hbm>> -> memref<256xf32, #tpu.memory_space<hbm>>
    %dma_start3A_57 = tpu.memref_slice %arg2[%add3A_55] : memref<81920xf32, #tpu.memory_space<hbm>> -> memref<256xf32, #tpu.memory_space<hbm>>
    tpu.enqueue_dma source(%dma_start3A_57 : memref<256xf32, #tpu.memory_space<hbm>>) target(%arg16 : memref<256xf32, #tpu.memory_space<vmem>>) target_semaphore(%arg28 : memref<!tpu.dma_semaphore, #tpu.memory_space<semaphore_mem>>)
    %add3A_58 = arith.constant 0 : i32
    %add3A_59 = arith.addi %add3A_58, %select_n3A : i32
    %mul3A_60 = arith.constant 1040 : i32
    %mul3A_61 = arith.muli %add3A_59, %mul3A_60 : i32
    %dma_start3A_62 = tpu.memref_slice %arg3[%mul3A_61] : memref<24960xf32, #tpu.memory_space<hbm>> -> memref<1040xf32, #tpu.memory_space<hbm>>
    %dma_start3A_63 = tpu.memref_slice %arg3[%mul3A_61] : memref<24960xf32, #tpu.memory_space<hbm>> -> memref<1040xf32, #tpu.memory_space<hbm>>
    tpu.enqueue_dma source(%dma_start3A_63 : memref<1040xf32, #tpu.memory_space<hbm>>) target(%arg17 : memref<1040xf32, #tpu.memory_space<vmem>>) target_semaphore(%arg28 : memref<!tpu.dma_semaphore, #tpu.memory_space<semaphore_mem>>)
    %add3A_64 = arith.constant 4 : i32
    %add3A_65 = arith.addi %add3A_64, %select_n3A : i32
    %mul3A_66 = arith.constant 1040 : i32
    %mul3A_67 = arith.muli %add3A_65, %mul3A_66 : i32
    %dma_start3A_68 = tpu.memref_slice %arg3[%mul3A_67] : memref<24960xf32, #tpu.memory_space<hbm>> -> memref<1040xf32, #tpu.memory_space<hbm>>
    %dma_start3A_69 = tpu.memref_slice %arg3[%mul3A_67] : memref<24960xf32, #tpu.memory_space<hbm>> -> memref<1040xf32, #tpu.memory_space<hbm>>
    tpu.enqueue_dma source(%dma_start3A_69 : memref<1040xf32, #tpu.memory_space<hbm>>) target(%arg18 : memref<1040xf32, #tpu.memory_space<vmem>>) target_semaphore(%arg28 : memref<!tpu.dma_semaphore, #tpu.memory_space<semaphore_mem>>)
    %add3A_70 = arith.constant 8 : i32
    %add3A_71 = arith.addi %add3A_70, %select_n3A : i32
    %mul3A_72 = arith.constant 1040 : i32
    %mul3A_73 = arith.muli %add3A_71, %mul3A_72 : i32
    %dma_start3A_74 = tpu.memref_slice %arg3[%mul3A_73] : memref<24960xf32, #tpu.memory_space<hbm>> -> memref<1040xf32, #tpu.memory_space<hbm>>
    %dma_start3A_75 = tpu.memref_slice %arg3[%mul3A_73] : memref<24960xf32, #tpu.memory_space<hbm>> -> memref<1040xf32, #tpu.memory_space<hbm>>
    tpu.enqueue_dma source(%dma_start3A_75 : memref<1040xf32, #tpu.memory_space<hbm>>) target(%arg19 : memref<1040xf32, #tpu.memory_space<vmem>>) target_semaphore(%arg28 : memref<!tpu.dma_semaphore, #tpu.memory_space<semaphore_mem>>)
    %add3A_76 = arith.constant 12 : i32
    %add3A_77 = arith.addi %add3A_76, %select_n3A : i32
    %mul3A_78 = arith.constant 1040 : i32
    %mul3A_79 = arith.muli %add3A_77, %mul3A_78 : i32
    %dma_start3A_80 = tpu.memref_slice %arg3[%mul3A_79] : memref<24960xf32, #tpu.memory_space<hbm>> -> memref<1040xf32, #tpu.memory_space<hbm>>
    %dma_start3A_81 = tpu.memref_slice %arg3[%mul3A_79] : memref<24960xf32, #tpu.memory_space<hbm>> -> memref<1040xf32, #tpu.memory_space<hbm>>
    tpu.enqueue_dma source(%dma_start3A_81 : memref<1040xf32, #tpu.memory_space<hbm>>) target(%arg20 : memref<1040xf32, #tpu.memory_space<vmem>>) target_semaphore(%arg28 : memref<!tpu.dma_semaphore, #tpu.memory_space<semaphore_mem>>)
    %add3A_82 = arith.constant 16 : i32
    %add3A_83 = arith.addi %add3A_82, %select_n3A : i32
    %mul3A_84 = arith.constant 1040 : i32
    %mul3A_85 = arith.muli %add3A_83, %mul3A_84 : i32
    %dma_start3A_86 = tpu.memref_slice %arg3[%mul3A_85] : memref<24960xf32, #tpu.memory_space<hbm>> -> memref<1040xf32, #tpu.memory_space<hbm>>
    %dma_start3A_87 = tpu.memref_slice %arg3[%mul3A_85] : memref<24960xf32, #tpu.memory_space<hbm>> -> memref<1040xf32, #tpu.memory_space<hbm>>
    tpu.enqueue_dma source(%dma_start3A_87 : memref<1040xf32, #tpu.memory_space<hbm>>) target(%arg21 : memref<1040xf32, #tpu.memory_space<vmem>>) target_semaphore(%arg28 : memref<!tpu.dma_semaphore, #tpu.memory_space<semaphore_mem>>)
    %add3A_88 = arith.constant 20 : i32
    %add3A_89 = arith.addi %add3A_88, %select_n3A : i32
    %mul3A_90 = arith.constant 1040 : i32
    %mul3A_91 = arith.muli %add3A_89, %mul3A_90 : i32
    %dma_start3A_92 = tpu.memref_slice %arg3[%mul3A_91] : memref<24960xf32, #tpu.memory_space<hbm>> -> memref<1040xf32, #tpu.memory_space<hbm>>
    %dma_start3A_93 = tpu.memref_slice %arg3[%mul3A_91] : memref<24960xf32, #tpu.memory_space<hbm>> -> memref<1040xf32, #tpu.memory_space<hbm>>
    tpu.enqueue_dma source(%dma_start3A_93 : memref<1040xf32, #tpu.memory_space<hbm>>) target(%arg22 : memref<1040xf32, #tpu.memory_space<vmem>>) target_semaphore(%arg28 : memref<!tpu.dma_semaphore, #tpu.memory_space<semaphore_mem>>)
    %mul3A_94 = arith.constant 33280 : i32
    %mul3A_95 = arith.muli %select_n3A, %mul3A_94 : i32
    %dma_start3A_96 = tpu.memref_slice %arg4[%mul3A_95] : memref<133120xf32, #tpu.memory_space<hbm>> -> memref<33280xf32, #tpu.memory_space<hbm>>
    %dma_start3A_97 = tpu.memref_slice %arg4[%mul3A_95] : memref<133120xf32, #tpu.memory_space<hbm>> -> memref<33280xf32, #tpu.memory_space<hbm>>
    tpu.enqueue_dma source(%dma_start3A_97 : memref<33280xf32, #tpu.memory_space<hbm>>) target(%arg25 : memref<33280xf32, #tpu.memory_space<vmem>>) target_semaphore(%arg28 : memref<!tpu.dma_semaphore, #tpu.memory_space<semaphore_mem>>)
    tpu.enqueue_dma source(%arg5 : memref<512xf32, #tpu.memory_space<hbm>>) target(%arg26 : memref<512xf32, #tpu.memory_space<vmem>>) target_semaphore(%arg28 : memref<!tpu.dma_semaphore, #tpu.memory_space<semaphore_mem>>)
    %dma_wait3A = tpu.memref_slice %arg2[%add3A_20] : memref<81920xf32, #tpu.memory_space<hbm>> -> memref<256xf32, #tpu.memory_space<hbm>>
    %dma_wait3A_98 = tpu.memref_slice %arg2[%add3A_20] : memref<81920xf32, #tpu.memory_space<hbm>> -> memref<256xf32, #tpu.memory_space<hbm>>
    tpu.wait_dma2 semaphore(%arg28 : memref<!tpu.dma_semaphore, #tpu.memory_space<semaphore_mem>>) src(%dma_wait3A_98 : memref<256xf32, #tpu.memory_space<hbm>>) dst(%arg7 : memref<256xf32, #tpu.memory_space<vmem>>)
    %dma_wait3A_99 = tpu.memref_slice %arg2[%add3A_23] : memref<81920xf32, #tpu.memory_space<hbm>> -> memref<256xf32, #tpu.memory_space<hbm>>
    %dma_wait3A_100 = tpu.memref_slice %arg2[%add3A_23] : memref<81920xf32, #tpu.memory_space<hbm>> -> memref<256xf32, #tpu.memory_space<hbm>>
    tpu.wait_dma2 semaphore(%arg28 : memref<!tpu.dma_semaphore, #tpu.memory_space<semaphore_mem>>) src(%dma_wait3A_100 : memref<256xf32, #tpu.memory_space<hbm>>) dst(%arg8 : memref<256xf32, #tpu.memory_space<vmem>>)
    %dma_wait3A_101 = tpu.memref_slice %arg2[%add3A_27] : memref<81920xf32, #tpu.memory_space<hbm>> -> memref<256xf32, #tpu.memory_space<hbm>>
    %dma_wait3A_102 = tpu.memref_slice %arg2[%add3A_27] : memref<81920xf32, #tpu.memory_space<hbm>> -> memref<256xf32, #tpu.memory_space<hbm>>
    tpu.wait_dma2 semaphore(%arg28 : memref<!tpu.dma_semaphore, #tpu.memory_space<semaphore_mem>>) src(%dma_wait3A_102 : memref<256xf32, #tpu.memory_space<hbm>>) dst(%arg9 : memref<256xf32, #tpu.memory_space<vmem>>)
    %dma_wait3A_103 = tpu.memref_slice %arg2[%add3A_31] : memref<81920xf32, #tpu.memory_space<hbm>> -> memref<256xf32, #tpu.memory_space<hbm>>
    %dma_wait3A_104 = tpu.memref_slice %arg2[%add3A_31] : memref<81920xf32, #tpu.memory_space<hbm>> -> memref<256xf32, #tpu.memory_space<hbm>>
    tpu.wait_dma2 semaphore(%arg28 : memref<!tpu.dma_semaphore, #tpu.memory_space<semaphore_mem>>) src(%dma_wait3A_104 : memref<256xf32, #tpu.memory_space<hbm>>) dst(%arg10 : memref<256xf32, #tpu.memory_space<vmem>>)
    %dma_wait3A_105 = tpu.memref_slice %arg2[%add3A_35] : memref<81920xf32, #tpu.memory_space<hbm>> -> memref<256xf32, #tpu.memory_space<hbm>>
    %dma_wait3A_106 = tpu.memref_slice %arg2[%add3A_35] : memref<81920xf32, #tpu.memory_space<hbm>> -> memref<256xf32, #tpu.memory_space<hbm>>
    tpu.wait_dma2 semaphore(%arg28 : memref<!tpu.dma_semaphore, #tpu.memory_space<semaphore_mem>>) src(%dma_wait3A_106 : memref<256xf32, #tpu.memory_space<hbm>>) dst(%arg11 : memref<256xf32, #tpu.memory_space<vmem>>)
    %dma_wait3A_107 = tpu.memref_slice %arg2[%add3A_39] : memref<81920xf32, #tpu.memory_space<hbm>> -> memref<256xf32, #tpu.memory_space<hbm>>
    %dma_wait3A_108 = tpu.memref_slice %arg2[%add3A_39] : memref<81920xf32, #tpu.memory_space<hbm>> -> memref<256xf32, #tpu.memory_space<hbm>>
    tpu.wait_dma2 semaphore(%arg28 : memref<!tpu.dma_semaphore, #tpu.memory_space<semaphore_mem>>) src(%dma_wait3A_108 : memref<256xf32, #tpu.memory_space<hbm>>) dst(%arg12 : memref<256xf32, #tpu.memory_space<vmem>>)
    %dma_wait3A_109 = tpu.memref_slice %arg2[%add3A_43] : memref<81920xf32, #tpu.memory_space<hbm>> -> memref<256xf32, #tpu.memory_space<hbm>>
    %dma_wait3A_110 = tpu.memref_slice %arg2[%add3A_43] : memref<81920xf32, #tpu.memory_space<hbm>> -> memref<256xf32, #tpu.memory_space<hbm>>
    tpu.wait_dma2 semaphore(%arg28 : memref<!tpu.dma_semaphore, #tpu.memory_space<semaphore_mem>>) src(%dma_wait3A_110 : memref<256xf32, #tpu.memory_space<hbm>>) dst(%arg13 : memref<256xf32, #tpu.memory_space<vmem>>)
    %dma_wait3A_111 = tpu.memref_slice %arg2[%add3A_47] : memref<81920xf32, #tpu.memory_space<hbm>> -> memref<256xf32, #tpu.memory_space<hbm>>
    %dma_wait3A_112 = tpu.memref_slice %arg2[%add3A_47] : memref<81920xf32, #tpu.memory_space<hbm>> -> memref<256xf32, #tpu.memory_space<hbm>>
    tpu.wait_dma2 semaphore(%arg28 : memref<!tpu.dma_semaphore, #tpu.memory_space<semaphore_mem>>) src(%dma_wait3A_112 : memref<256xf32, #tpu.memory_space<hbm>>) dst(%arg14 : memref<256xf32, #tpu.memory_space<vmem>>)
    %dma_wait3A_113 = tpu.memref_slice %arg2[%add3A_51] : memref<81920xf32, #tpu.memory_space<hbm>> -> memref<256xf32, #tpu.memory_space<hbm>>
    %dma_wait3A_114 = tpu.memref_slice %arg2[%add3A_51] : memref<81920xf32, #tpu.memory_space<hbm>> -> memref<256xf32, #tpu.memory_space<hbm>>
    tpu.wait_dma2 semaphore(%arg28 : memref<!tpu.dma_semaphore, #tpu.memory_space<semaphore_mem>>) src(%dma_wait3A_114 : memref<256xf32, #tpu.memory_space<hbm>>) dst(%arg15 : memref<256xf32, #tpu.memory_space<vmem>>)
    %dma_wait3A_115 = tpu.memref_slice %arg2[%add3A_55] : memref<81920xf32, #tpu.memory_space<hbm>> -> memref<256xf32, #tpu.memory_space<hbm>>
    %dma_wait3A_116 = tpu.memref_slice %arg2[%add3A_55] : memref<81920xf32, #tpu.memory_space<hbm>> -> memref<256xf32, #tpu.memory_space<hbm>>
    tpu.wait_dma2 semaphore(%arg28 : memref<!tpu.dma_semaphore, #tpu.memory_space<semaphore_mem>>) src(%dma_wait3A_116 : memref<256xf32, #tpu.memory_space<hbm>>) dst(%arg16 : memref<256xf32, #tpu.memory_space<vmem>>)
    %dma_wait3A_117 = tpu.memref_slice %arg3[%mul3A_61] : memref<24960xf32, #tpu.memory_space<hbm>> -> memref<1040xf32, #tpu.memory_space<hbm>>
    %dma_wait3A_118 = tpu.memref_slice %arg3[%mul3A_61] : memref<24960xf32, #tpu.memory_space<hbm>> -> memref<1040xf32, #tpu.memory_space<hbm>>
    tpu.wait_dma2 semaphore(%arg28 : memref<!tpu.dma_semaphore, #tpu.memory_space<semaphore_mem>>) src(%dma_wait3A_118 : memref<1040xf32, #tpu.memory_space<hbm>>) dst(%arg17 : memref<1040xf32, #tpu.memory_space<vmem>>)
    %dma_wait3A_119 = tpu.memref_slice %arg3[%mul3A_67] : memref<24960xf32, #tpu.memory_space<hbm>> -> memref<1040xf32, #tpu.memory_space<hbm>>
    %dma_wait3A_120 = tpu.memref_slice %arg3[%mul3A_67] : memref<24960xf32, #tpu.memory_space<hbm>> -> memref<1040xf32, #tpu.memory_space<hbm>>
    tpu.wait_dma2 semaphore(%arg28 : memref<!tpu.dma_semaphore, #tpu.memory_space<semaphore_mem>>) src(%dma_wait3A_120 : memref<1040xf32, #tpu.memory_space<hbm>>) dst(%arg18 : memref<1040xf32, #tpu.memory_space<vmem>>)
    %dma_wait3A_121 = tpu.memref_slice %arg3[%mul3A_73] : memref<24960xf32, #tpu.memory_space<hbm>> -> memref<1040xf32, #tpu.memory_space<hbm>>
    %dma_wait3A_122 = tpu.memref_slice %arg3[%mul3A_73] : memref<24960xf32, #tpu.memory_space<hbm>> -> memref<1040xf32, #tpu.memory_space<hbm>>
    tpu.wait_dma2 semaphore(%arg28 : memref<!tpu.dma_semaphore, #tpu.memory_space<semaphore_mem>>) src(%dma_wait3A_122 : memref<1040xf32, #tpu.memory_space<hbm>>) dst(%arg19 : memref<1040xf32, #tpu.memory_space<vmem>>)
    %dma_wait3A_123 = tpu.memref_slice %arg3[%mul3A_79] : memref<24960xf32, #tpu.memory_space<hbm>> -> memref<1040xf32, #tpu.memory_space<hbm>>
    %dma_wait3A_124 = tpu.memref_slice %arg3[%mul3A_79] : memref<24960xf32, #tpu.memory_space<hbm>> -> memref<1040xf32, #tpu.memory_space<hbm>>
    tpu.wait_dma2 semaphore(%arg28 : memref<!tpu.dma_semaphore, #tpu.memory_space<semaphore_mem>>) src(%dma_wait3A_124 : memref<1040xf32, #tpu.memory_space<hbm>>) dst(%arg20 : memref<1040xf32, #tpu.memory_space<vmem>>)
    %dma_wait3A_125 = tpu.memref_slice %arg3[%mul3A_85] : memref<24960xf32, #tpu.memory_space<hbm>> -> memref<1040xf32, #tpu.memory_space<hbm>>
    %dma_wait3A_126 = tpu.memref_slice %arg3[%mul3A_85] : memref<24960xf32, #tpu.memory_space<hbm>> -> memref<1040xf32, #tpu.memory_space<hbm>>
    tpu.wait_dma2 semaphore(%arg28 : memref<!tpu.dma_semaphore, #tpu.memory_space<semaphore_mem>>) src(%dma_wait3A_126 : memref<1040xf32, #tpu.memory_space<hbm>>) dst(%arg21 : memref<1040xf32, #tpu.memory_space<vmem>>)
    %dma_wait3A_127 = tpu.memref_slice %arg3[%mul3A_91] : memref<24960xf32, #tpu.memory_space<hbm>> -> memref<1040xf32, #tpu.memory_space<hbm>>
    %dma_wait3A_128 = tpu.memref_slice %arg3[%mul3A_91] : memref<24960xf32, #tpu.memory_space<hbm>> -> memref<1040xf32, #tpu.memory_space<hbm>>
    tpu.wait_dma2 semaphore(%arg28 : memref<!tpu.dma_semaphore, #tpu.memory_space<semaphore_mem>>) src(%dma_wait3A_128 : memref<1040xf32, #tpu.memory_space<hbm>>) dst(%arg22 : memref<1040xf32, #tpu.memory_space<vmem>>)
    %dma_wait3A_129 = tpu.memref_slice %arg4[%mul3A_95] : memref<133120xf32, #tpu.memory_space<hbm>> -> memref<33280xf32, #tpu.memory_space<hbm>>
    %dma_wait3A_130 = tpu.memref_slice %arg4[%mul3A_95] : memref<133120xf32, #tpu.memory_space<hbm>> -> memref<33280xf32, #tpu.memory_space<hbm>>
    tpu.wait_dma2 semaphore(%arg28 : memref<!tpu.dma_semaphore, #tpu.memory_space<semaphore_mem>>) src(%dma_wait3A_130 : memref<33280xf32, #tpu.memory_space<hbm>>) dst(%arg25 : memref<33280xf32, #tpu.memory_space<vmem>>)
    tpu.wait_dma2 semaphore(%arg28 : memref<!tpu.dma_semaphore, #tpu.memory_space<semaphore_mem>>) src(%arg5 : memref<512xf32, #tpu.memory_space<hbm>>) dst(%arg26 : memref<512xf32, #tpu.memory_space<vmem>>)
    %scan3A = arith.constant 0 : i32
    %scan3A_131 = arith.constant 0 : i32
    %scan3A_132 = arith.constant 65 : i32
    %scan3A_133 = arith.addi %scan3A_131, %scan3A_132 : i32
    %scan3A_134 = arith.constant 1 : i32
    %scan3A_135 = scf.for %scan3A_150 = %scan3A_131 to %scan3A_133 step %scan3A_134 iter_args(%scan3A_151 = %scan3A) -> (i32)  : i32 {
      %mul3A_152 = arith.constant 16 : i32
      %mul3A_153 = arith.muli %scan3A_150, %mul3A_152 : i32
      %get3A = arith.index_cast %mul3A_153 : i32 to index
      %get3A_154 = tpu.vector_load %arg17[%get3A] {strides = array<i32>} : memref<1040xf32, #tpu.memory_space<vmem>>, vector<16xf32>,
      %mul3A_155 = arith.constant 16 : i32
      %mul3A_156 = arith.muli %scan3A_150, %mul3A_155 : i32
      %get3A_157 = arith.index_cast %mul3A_156 : i32 to index
      %get3A_158 = tpu.vector_load %arg18[%get3A_157] {strides = array<i32>} : memref<1040xf32, #tpu.memory_space<vmem>>, vector<16xf32>,
      %mul3A_159 = arith.constant 16 : i32
      %mul3A_160 = arith.muli %scan3A_150, %mul3A_159 : i32
      %get3A_161 = arith.index_cast %mul3A_160 : i32 to index
      %get3A_162 = tpu.vector_load %arg19[%get3A_161] {strides = array<i32>} : memref<1040xf32, #tpu.memory_space<vmem>>, vector<16xf32>,
      %mul3A_163 = arith.mulf %get3A_154, %get3A_154 : vector<16xf32>
      %mul3A_164 = arith.mulf %get3A_158, %get3A_158 : vector<16xf32>
      %add3A_165 = arith.addf %mul3A_163, %mul3A_164 : vector<16xf32>
      %mul3A_166 = arith.mulf %get3A_162, %get3A_162 : vector<16xf32>
      %add3A_167 = arith.addf %add3A_165, %mul3A_166 : vector<16xf32>
      %mul3A_168 = arith.constant 16 : i32
      %mul3A_169 = arith.muli %scan3A_150, %mul3A_168 : i32
      %swap3A = arith.index_cast %mul3A_169 : i32 to index
      %swap3A_170 = tpu.vector_load %arg23[%swap3A] {strides = array<i32>} : memref<1040xf32, #tpu.memory_space<vmem>>, vector<16xf32>,
      tpu.vector_store %arg23[%swap3A], %add3A_167 {strides = array<i32>} : memref<1040xf32, #tpu.memory_space<vmem>>, vector<16xf32>,
      %scan3A_171 = arith.constant 0 : i32
      scf.yield %scan3A_171 : i32
    }
    %scan3A_136 = arith.constant 65 : i32
    %eq3A = arith.constant 0 : i32
    %eq3A_137 = arith.cmpi eq, %select_n3A, %eq3A : i32
    %jit3A_138 = arith.constant 1.000000e+30 : f32
    %jit3A_139 = arith.constant 1.000000e+10 : f32
    %select_n3A_140 = arith.select %eq3A_137, %jit3A_138, %jit3A_139 : f32
    %scan3A_141 = arith.constant 0 : i32
    %scan3A_142 = arith.constant 0 : i32
    %scan3A_143 = arith.constant 16 : i32
    %scan3A_144 = arith.addi %scan3A_142, %scan3A_143 : i32
    %scan3A_145 = arith.constant 1 : i32
    %scan3A_146 = scf.for %scan3A_150 = %scan3A_142 to %scan3A_144 step %scan3A_145 iter_args(%scan3A_151 = %scan3A_141) -> (i32)  : i32 {
      %mul3A_152 = arith.constant 16 : i32
      %mul3A_153 = arith.muli %scan3A_150, %mul3A_152 : i32
      %get3A = arith.index_cast %mul3A_153 : i32 to index
      %get3A_154 = tpu.vector_load %arg7[%get3A] {strides = array<i32>} : memref<256xf32, #tpu.memory_space<vmem>>, vector<16xf32>,
      %mul3A_155 = arith.constant 16 : i32
      %mul3A_156 = arith.muli %scan3A_150, %mul3A_155 : i32
      %get3A_157 = arith.index_cast %mul3A_156 : i32 to index
      %get3A_158 = tpu.vector_load %arg8[%get3A_157] {strides = array<i32>} : memref<256xf32, #tpu.memory_space<vmem>>, vector<16xf32>,
      %mul3A_159 = arith.constant 16 : i32
      %mul3A_160 = arith.muli %scan3A_150, %mul3A_159 : i32
      %get3A_161 = arith.index_cast %mul3A_160 : i32 to index
      %get3A_162 = tpu.vector_load %arg9[%get3A_161] {strides = array<i32>} : memref<256xf32, #tpu.memory_space<vmem>>, vector<16xf32>,
      %mul3A_163 = arith.constant 16 : i32
      %mul3A_164 = arith.muli %scan3A_150, %mul3A_163 : i32
      %get3A_165 = arith.index_cast %mul3A_164 : i32 to index
      %get3A_166 = tpu.vector_load %arg10[%get3A_165] {strides = array<i32>} : memref<256xf32, #tpu.memory_space<vmem>>, vector<16xf32>,
      %mul3A_167 = arith.constant 16 : i32
      %mul3A_168 = arith.muli %scan3A_150, %mul3A_167 : i32
      %get3A_169 = arith.index_cast %mul3A_168 : i32 to index
      %get3A_170 = tpu.vector_load %arg11[%get3A_169] {strides = array<i32>} : memref<256xf32, #tpu.memory_space<vmem>>, vector<16xf32>,
      %mul3A_171 = arith.constant 16 : i32
      %mul3A_172 = arith.muli %scan3A_150, %mul3A_171 : i32
      %get3A_173 = arith.index_cast %mul3A_172 : i32 to index
      %get3A_174 = tpu.vector_load %arg12[%get3A_173] {strides = array<i32>} : memref<256xf32, #tpu.memory_space<vmem>>, vector<16xf32>,
      %mul3A_175 = arith.constant 16 : i32
      %mul3A_176 = arith.muli %scan3A_150, %mul3A_175 : i32
      %get3A_177 = arith.index_cast %mul3A_176 : i32 to index
      %get3A_178 = tpu.vector_load %arg13[%get3A_177] {strides = array<i32>} : memref<256xf32, #tpu.memory_space<vmem>>, vector<16xf32>,
      %mul3A_179 = arith.constant 16 : i32
      %mul3A_180 = arith.muli %scan3A_150, %mul3A_179 : i32
      %get3A_181 = arith.index_cast %mul3A_180 : i32 to index
      %get3A_182 = tpu.vector_load %arg14[%get3A_181] {strides = array<i32>} : memref<256xf32, #tpu.memory_space<vmem>>, vector<16xf32>,
      %mul3A_183 = arith.constant 16 : i32
      %mul3A_184 = arith.muli %scan3A_150, %mul3A_183 : i32
      %get3A_185 = arith.index_cast %mul3A_184 : i32 to index
      %get3A_186 = tpu.vector_load %arg15[%get3A_185] {strides = array<i32>} : memref<256xf32, #tpu.memory_space<vmem>>, vector<16xf32>,
      %mul3A_187 = arith.constant 16 : i32
      %mul3A_188 = arith.muli %scan3A_150, %mul3A_187 : i32
      %get3A_189 = arith.index_cast %mul3A_188 : i32 to index
      %get3A_190 = tpu.vector_load %arg16[%get3A_189] {strides = array<i32>} : memref<256xf32, #tpu.memory_space<vmem>>, vector<16xf32>,
      %mul3A_191 = arith.mulf %get3A_154, %get3A_154 : vector<16xf32>
      %mul3A_192 = arith.mulf %get3A_158, %get3A_158 : vector<16xf32>
      %add3A_193 = arith.addf %mul3A_191, %mul3A_192 : vector<16xf32>
      %mul3A_194 = arith.mulf %get3A_162, %get3A_162 : vector<16xf32>
      %add3A_195 = arith.addf %add3A_193, %mul3A_194 : vector<16xf32>
      %slice3A = vector.extract_strided_slice %get3A_178 {offsets = [0], sizes = [1], strides = [1]} : vector<16xf32> to vector<1xf32>
      %squeeze3A = vector.extract %slice3A[0] : f32 from vector<1xf32>
      %broadcast_in_dim3A = vector.broadcast %squeeze3A : f32 to vector<16xf32>
      %slice3A_196 = vector.extract_strided_slice %get3A_182 {offsets = [0], sizes = [1], strides = [1]} : vector<16xf32> to vector<1xf32>
      %squeeze3A_197 = vector.extract %slice3A_196[0] : f32 from vector<1xf32>
      %broadcast_in_dim3A_198 = vector.broadcast %squeeze3A_197 : f32 to vector<16xf32>
      %slice3A_199 = vector.extract_strided_slice %get3A_186 {offsets = [0], sizes = [1], strides = [1]} : vector<16xf32> to vector<1xf32>
      %squeeze3A_200 = vector.extract %slice3A_199[0] : f32 from vector<1xf32>
      %broadcast_in_dim3A_201 = vector.broadcast %squeeze3A_200 : f32 to vector<16xf32>
      %slice3A_202 = vector.extract_strided_slice %get3A_190 {offsets = [0], sizes = [1], strides = [1]} : vector<16xf32> to vector<1xf32>
      %squeeze3A_203 = vector.extract %slice3A_202[0] : f32 from vector<1xf32>
      %broadcast_in_dim3A_204 = vector.broadcast %squeeze3A_203 : f32 to vector<16xf32>
      %slice3A_205 = vector.extract_strided_slice %get3A_178 {offsets = [8], sizes = [1], strides = [1]} : vector<16xf32> to vector<1xf32>
      %squeeze3A_206 = vector.extract %slice3A_205[0] : f32 from vector<1xf32>
      %broadcast_in_dim3A_207 = vector.broadcast %squeeze3A_206 : f32 to vector<16xf32>
      %slice3A_208 = vector.extract_strided_slice %get3A_182 {offsets = [8], sizes = [1], strides = [1]} : vector<16xf32> to vector<1xf32>
      %squeeze3A_209 = vector.extract %slice3A_208[0] : f32 from vector<1xf32>
      %broadcast_in_dim3A_210 = vector.broadcast %squeeze3A_209 : f32 to vector<16xf32>
      %slice3A_211 = vector.extract_strided_slice %get3A_186 {offsets = [8], sizes = [1], strides = [1]} : vector<16xf32> to vector<1xf32>
      %squeeze3A_212 = vector.extract %slice3A_211[0] : f32 from vector<1xf32>
      %broadcast_in_dim3A_213 = vector.broadcast %squeeze3A_212 : f32 to vector<16xf32>
      %slice3A_214 = vector.extract_strided_slice %get3A_190 {offsets = [8], sizes = [1], strides = [1]} : vector<16xf32> to vector<1xf32>
      %squeeze3A_215 = vector.extract %slice3A_214[0] : f32 from vector<1xf32>
      %broadcast_in_dim3A_216 = vector.broadcast %squeeze3A_215 : f32 to vector<16xf32>
      %iota3A = tpu.iota {dimensions = array<i32: 0>} : vector<16xi32>
      %scan3A_217 = arith.constant 0 : i32
      %scan3A_218 = arith.constant 0 : i32
      %scan3A_219 = arith.constant 32 : i32
      %scan3A_220 = arith.addi %scan3A_218, %scan3A_219 : i32
      %scan3A_221 = arith.constant 1 : i32
      %scan3A_222 = scf.for %scan3A_1039 = %scan3A_218 to %scan3A_220 step %scan3A_221 iter_args(%scan3A_1040 = %scan3A_217) -> (i32)  : i32 {
        %mul3A_1041 = arith.constant 2 : i32
        %mul3A_1042 = arith.muli %scan3A_1039, %mul3A_1041 : i32
        %add3A_1043 = arith.constant 0 : i32
        %add3A_1044 = arith.addi %mul3A_1042, %add3A_1043 : i32
        %mul3A_1045 = arith.constant 16 : i32
        %mul3A_1046 = arith.muli %add3A_1044, %mul3A_1045 : i32
        %get3A_1047 = arith.index_cast %mul3A_1046 : i32 to index
        %get3A_1048 = tpu.vector_load %arg20[%get3A_1047] {strides = array<i32>} : memref<1040xf32, #tpu.memory_space<vmem>>, vector<16xf32>,
        %get3A_1049 = arith.index_cast %mul3A_1046 : i32 to index
        %get3A_1050 = tpu.vector_load %arg21[%get3A_1049] {strides = array<i32>} : memref<1040xf32, #tpu.memory_space<vmem>>, vector<16xf32>,
        %get3A_1051 = arith.index_cast %mul3A_1046 : i32 to index
        %get3A_1052 = tpu.vector_load %arg22[%get3A_1051] {strides = array<i32>} : memref<1040xf32, #tpu.memory_space<vmem>>, vector<16xf32>,
        %get3A_1053 = arith.index_cast %mul3A_1046 : i32 to index
        %get3A_1054 = tpu.vector_load %arg23[%get3A_1053] {strides = array<i32>} : memref<1040xf32, #tpu.memory_space<vmem>>, vector<16xf32>,
        %mul3A_1055 = arith.mulf %broadcast_in_dim3A, %get3A_1048 : vector<16xf32>
        %mul3A_1056 = arith.mulf %broadcast_in_dim3A_198, %get3A_1050 : vector<16xf32>
        %add3A_1057 = arith.addf %mul3A_1055, %mul3A_1056 : vector<16xf32>
        %mul3A_1058 = arith.mulf %broadcast_in_dim3A_201, %get3A_1052 : vector<16xf32>
        %add3A_1059 = arith.addf %add3A_1057, %mul3A_1058 : vector<16xf32>
        %add3A_1060 = arith.addf %broadcast_in_dim3A_204, %get3A_1054 : vector<16xf32>
        %add3A_1061 = arith.addf %add3A_1059, %add3A_1059 : vector<16xf32>
        %sub3A_1062 = arith.subf %add3A_1060, %add3A_1061 : vector<16xf32>
        %mul3A_1063 = arith.mulf %broadcast_in_dim3A_207, %get3A_1048 : vector<16xf32>
        %mul3A_1064 = arith.mulf %broadcast_in_dim3A_210, %get3A_1050 : vector<16xf32>
        %add3A_1065 = arith.addf %mul3A_1063, %mul3A_1064 : vector<16xf32>
        %mul3A_1066 = arith.mulf %broadcast_in_dim3A_213, %get3A_1052 : vector<16xf32>
        %add3A_1067 = arith.addf %add3A_1065, %mul3A_1066 : vector<16xf32>
        %add3A_1068 = arith.addf %broadcast_in_dim3A_216, %get3A_1054 : vector<16xf32>
        %add3A_1069 = arith.addf %add3A_1067, %add3A_1067 : vector<16xf32>
        %sub3A_1070 = arith.subf %add3A_1068, %add3A_1069 : vector<16xf32>
        %le3A_1071 = arith.constant 2.304000e+01 : f32
        %le3A_1072 = vector.broadcast %le3A_1071 : f32 to vector<16xf32>
        %le3A_1073 = arith.cmpf ole, %sub3A_1062, %le3A_1072 : vector<16xf32>
        %le3A_1074 = arith.constant 2.304000e+01 : f32
        %le3A_1075 = vector.broadcast %le3A_1074 : f32 to vector<16xf32>
        %le3A_1076 = arith.cmpf ole, %sub3A_1070, %le3A_1075 : vector<16xf32>
        %or3A = arith.ori %le3A_1073, %le3A_1076 : vector<16xi1>
        %broadcast_in_dim3A_1077 = vector.broadcast %mul3A_1046 : i32 to vector<16xi32>
        %add3A_1078 = arith.addi %broadcast_in_dim3A_1077, %iota3A : vector<16xi32>
        %jit3A_1079 = arith.constant 65536 : i32
        %jit3A_1080 = arith.constant 0 : i32
        %broadcast_in_dim3A_1081 = vector.broadcast %jit3A_1079 : i32 to vector<16xi32>
        %broadcast_in_dim3A_1082 = vector.broadcast %jit3A_1080 : i32 to vector<16xi32>
        %select_n3A_1083 = arith.select %le3A_1073, %broadcast_in_dim3A_1081, %broadcast_in_dim3A_1082 : vector<16xi1>, vector<16xi32>
        %add3A_1084 = arith.addi %add3A_1078, %select_n3A_1083 : vector<16xi32>
        %jit3A_1085 = arith.constant 131072 : i32
        %jit3A_1086 = arith.constant 0 : i32
        %broadcast_in_dim3A_1087 = vector.broadcast %jit3A_1085 : i32 to vector<16xi32>
        %broadcast_in_dim3A_1088 = vector.broadcast %jit3A_1086 : i32 to vector<16xi32>
        %select_n3A_1089 = arith.select %le3A_1076, %broadcast_in_dim3A_1087, %broadcast_in_dim3A_1088 : vector<16xi1>, vector<16xi32>
        %add3A_1090 = arith.addi %add3A_1084, %select_n3A_1089 : vector<16xi32>
        %swap3A_1091 = arith.index_cast %scan3A_1040 : i32 to index
        %swap3A_1092 = tpu.vector_load %arg24[%swap3A_1091] masked %or3A {strides = array<i32>} : memref<1040xi32, #tpu.memory_space<vmem>>, vector<16xi32>, vector<16xi1>
        tpu.vector_store %arg24[%swap3A_1091], %add3A_1090 masked %or3A {strides = array<i32>} : memref<1040xi32, #tpu.memory_space<vmem>>, vector<16xi32>, vector<16xi1>
        %all_reduce_population_count3A = tpu.all_reduce %or3A {dim = 0 : i64, kind = #tpu.reduction_kind<sum>} : vector<16xi1> -> vector<16xi32>
        %slice3A_1093 = vector.extract_strided_slice %all_reduce_population_count3A {offsets = [0], sizes = [1], strides = [1]} : vector<16xi32> to vector<1xi32>
        %squeeze3A_1094 = vector.extract %slice3A_1093[0] : i32 from vector<1xi32>
        %add3A_1095 = arith.addi %scan3A_1040, %squeeze3A_1094 : i32
        %mul3A_1096 = arith.constant 2 : i32
        %mul3A_1097 = arith.muli %scan3A_1039, %mul3A_1096 : i32
        %add3A_1098 = arith.constant 1 : i32
        %add3A_1099 = arith.addi %mul3A_1097, %add3A_1098 : i32
        %mul3A_1100 = arith.constant 16 : i32
        %mul3A_1101 = arith.muli %add3A_1099, %mul3A_1100 : i32
        %get3A_1102 = arith.index_cast %mul3A_1101 : i32 to index
        %get3A_1103 = tpu.vector_load %arg20[%get3A_1102] {strides = array<i32>} : memref<1040xf32, #tpu.memory_space<vmem>>, vector<16xf32>,
        %get3A_1104 = arith.index_cast %mul3A_1101 : i32 to index
        %get3A_1105 = tpu.vector_load %arg21[%get3A_1104] {strides = array<i32>} : memref<1040xf32, #tpu.memory_space<vmem>>, vector<16xf32>,
        %get3A_1106 = arith.index_cast %mul3A_1101 : i32 to index
        %get3A_1107 = tpu.vector_load %arg22[%get3A_1106] {strides = array<i32>} : memref<1040xf32, #tpu.memory_space<vmem>>, vector<16xf32>,
        %get3A_1108 = arith.index_cast %mul3A_1101 : i32 to index
        %get3A_1109 = tpu.vector_load %arg23[%get3A_1108] {strides = array<i32>} : memref<1040xf32, #tpu.memory_space<vmem>>, vector<16xf32>,
        %mul3A_1110 = arith.mulf %broadcast_in_dim3A, %get3A_1103 : vector<16xf32>
        %mul3A_1111 = arith.mulf %broadcast_in_dim3A_198, %get3A_1105 : vector<16xf32>
        %add3A_1112 = arith.addf %mul3A_1110, %mul3A_1111 : vector<16xf32>
        %mul3A_1113 = arith.mulf %broadcast_in_dim3A_201, %get3A_1107 : vector<16xf32>
        %add3A_1114 = arith.addf %add3A_1112, %mul3A_1113 : vector<16xf32>
        %add3A_1115 = arith.addf %broadcast_in_dim3A_204, %get3A_1109 : vector<16xf32>
        %add3A_1116 = arith.addf %add3A_1114, %add3A_1114 : vector<16xf32>
        %sub3A_1117 = arith.subf %add3A_1115, %add3A_1116 : vector<16xf32>
        %mul3A_1118 = arith.mulf %broadcast_in_dim3A_207, %get3A_1103 : vector<16xf32>
        %mul3A_1119 = arith.mulf %broadcast_in_dim3A_210, %get3A_1105 : vector<16xf32>
        %add3A_1120 = arith.addf %mul3A_1118, %mul3A_1119 : vector<16xf32>
        %mul3A_1121 = arith.mulf %broadcast_in_dim3A_213, %get3A_1107 : vector<16xf32>
        %add3A_1122 = arith.addf %add3A_1120, %mul3A_1121 : vector<16xf32>
        %add3A_1123 = arith.addf %broadcast_in_dim3A_216, %get3A_1109 : vector<16xf32>
        %add3A_1124 = arith.addf %add3A_1122, %add3A_1122 : vector<16xf32>
        %sub3A_1125 = arith.subf %add3A_1123, %add3A_1124 : vector<16xf32>
        %le3A_1126 = arith.constant 2.304000e+01 : f32
        %le3A_1127 = vector.broadcast %le3A_1126 : f32 to vector<16xf32>
        %le3A_1128 = arith.cmpf ole, %sub3A_1117, %le3A_1127 : vector<16xf32>
        %le3A_1129 = arith.constant 2.304000e+01 : f32
        %le3A_1130 = vector.broadcast %le3A_1129 : f32 to vector<16xf32>
        %le3A_1131 = arith.cmpf ole, %sub3A_1125, %le3A_1130 : vector<16xf32>
        %or3A_1132 = arith.ori %le3A_1128, %le3A_1131 : vector<16xi1>
        %broadcast_in_dim3A_1133 = vector.broadcast %mul3A_1101 : i32 to vector<16xi32>
        %add3A_1134 = arith.addi %broadcast_in_dim3A_1133, %iota3A : vector<16xi32>
        %jit3A_1135 = arith.constant 65536 : i32
        %jit3A_1136 = arith.constant 0 : i32
        %broadcast_in_dim3A_1137 = vector.broadcast %jit3A_1135 : i32 to vector<16xi32>
        %broadcast_in_dim3A_1138 = vector.broadcast %jit3A_1136 : i32 to vector<16xi32>
        %select_n3A_1139 = arith.select %le3A_1128, %broadcast_in_dim3A_1137, %broadcast_in_dim3A_1138 : vector<16xi1>, vector<16xi32>
        %add3A_1140 = arith.addi %add3A_1134, %select_n3A_1139 : vector<16xi32>
        %jit3A_1141 = arith.constant 131072 : i32
        %jit3A_1142 = arith.constant 0 : i32
        %broadcast_in_dim3A_1143 = vector.broadcast %jit3A_1141 : i32 to vector<16xi32>
        %broadcast_in_dim3A_1144 = vector.broadcast %jit3A_1142 : i32 to vector<16xi32>
        %select_n3A_1145 = arith.select %le3A_1131, %broadcast_in_dim3A_1143, %broadcast_in_dim3A_1144 : vector<16xi1>, vector<16xi32>
        %add3A_1146 = arith.addi %add3A_1140, %select_n3A_1145 : vector<16xi32>
        %swap3A_1147 = arith.index_cast %add3A_1095 : i32 to index
        %swap3A_1148 = tpu.vector_load %arg24[%swap3A_1147] masked %or3A_1132 {strides = array<i32>} : memref<1040xi32, #tpu.memory_space<vmem>>, vector<16xi32>, vector<16xi1>
        tpu.vector_store %arg24[%swap3A_1147], %add3A_1146 masked %or3A_1132 {strides = array<i32>} : memref<1040xi32, #tpu.memory_space<vmem>>, vector<16xi32>, vector<16xi1>
        %all_reduce_population_count3A_1149 = tpu.all_reduce %or3A_1132 {dim = 0 : i64, kind = #tpu.reduction_kind<sum>} : vector<16xi1> -> vector<16xi32>
        %slice3A_1150 = vector.extract_strided_slice %all_reduce_population_count3A_1149 {offsets = [0], sizes = [1], strides = [1]} : vector<16xi32> to vector<1xi32>
        %squeeze3A_1151 = vector.extract %slice3A_1150[0] : i32 from vector<1xi32>
        %add3A_1152 = arith.addi %add3A_1095, %squeeze3A_1151 : i32
        scf.yield %add3A_1152 : i32
      }
      %scan3A_223 = arith.constant 32 : i32
      %broadcast_in_dim3A_224 = arith.constant 1027 : i32
      %broadcast_in_dim3A_225 = vector.broadcast %broadcast_in_dim3A_224 : i32 to vector<16xi32>
      %swap3A = arith.index_cast %scan3A_222 : i32 to index
      %swap3A_226 = tpu.vector_load %arg24[%swap3A] {strides = array<i32>} : memref<1040xi32, #tpu.memory_space<vmem>>, vector<16xi32>,
      tpu.vector_store %arg24[%swap3A], %broadcast_in_dim3A_225 {strides = array<i32>} : memref<1040xi32, #tpu.memory_space<vmem>>, vector<16xi32>,
      %broadcast_in_dim3A_227 = vector.broadcast %select_n3A_140 : f32 to vector<16xf32>
      %broadcast_in_dim3A_228 = arith.constant 1024 : i32
      %broadcast_in_dim3A_229 = vector.broadcast %broadcast_in_dim3A_228 : i32 to vector<16xi32>
      %broadcast_in_dim3A_230 = arith.constant 1025 : i32
      %broadcast_in_dim3A_231 = vector.broadcast %broadcast_in_dim3A_230 : i32 to vector<16xi32>
      %broadcast_in_dim3A_232 = arith.constant 1026 : i32
      %broadcast_in_dim3A_233 = vector.broadcast %broadcast_in_dim3A_232 : i32 to vector<16xi32>
      %get3A_234 = arith.constant 0 : index
      %get3A_235 = tpu.vector_load %arg20[%get3A_234] {strides = array<i32>} : memref<1040xf32, #tpu.memory_space<vmem>>, vector<16xf32>,
      %get3A_236 = arith.constant 0 : index
      %get3A_237 = tpu.vector_load %arg21[%get3A_236] {strides = array<i32>} : memref<1040xf32, #tpu.memory_space<vmem>>, vector<16xf32>,
      %get3A_238 = arith.constant 0 : index
      %get3A_239 = tpu.vector_load %arg22[%get3A_238] {strides = array<i32>} : memref<1040xf32, #tpu.memory_space<vmem>>, vector<16xf32>,
      %get3A_240 = arith.constant 0 : index
      %get3A_241 = tpu.vector_load %arg23[%get3A_240] {strides = array<i32>} : memref<1040xf32, #tpu.memory_space<vmem>>, vector<16xf32>,
      %slice3A_242 = vector.extract_strided_slice %get3A_235 {offsets = [0], sizes = [1], strides = [1]} : vector<16xf32> to vector<1xf32>
      %squeeze3A_243 = vector.extract %slice3A_242[0] : f32 from vector<1xf32>
      %broadcast_in_dim3A_244 = vector.broadcast %squeeze3A_243 : f32 to vector<16xf32>
      %slice3A_245 = vector.extract_strided_slice %get3A_237 {offsets = [0], sizes = [1], strides = [1]} : vector<16xf32> to vector<1xf32>
      %squeeze3A_246 = vector.extract %slice3A_245[0] : f32 from vector<1xf32>
      %broadcast_in_dim3A_247 = vector.broadcast %squeeze3A_246 : f32 to vector<16xf32>
      %slice3A_248 = vector.extract_strided_slice %get3A_239 {offsets = [0], sizes = [1], strides = [1]} : vector<16xf32> to vector<1xf32>
      %squeeze3A_249 = vector.extract %slice3A_248[0] : f32 from vector<1xf32>
      %broadcast_in_dim3A_250 = vector.broadcast %squeeze3A_249 : f32 to vector<16xf32>
      %slice3A_251 = vector.extract_strided_slice %get3A_241 {offsets = [0], sizes = [1], strides = [1]} : vector<16xf32> to vector<1xf32>
      %squeeze3A_252 = vector.extract %slice3A_251[0] : f32 from vector<1xf32>
      %broadcast_in_dim3A_253 = vector.broadcast %squeeze3A_252 : f32 to vector<16xf32>
      %mul3A_254 = arith.mulf %get3A_166, %broadcast_in_dim3A_244 : vector<16xf32>
      %mul3A_255 = arith.mulf %get3A_170, %broadcast_in_dim3A_247 : vector<16xf32>
      %add3A_256 = arith.addf %mul3A_254, %mul3A_255 : vector<16xf32>
      %mul3A_257 = arith.mulf %get3A_174, %broadcast_in_dim3A_250 : vector<16xf32>
      %add3A_258 = arith.addf %add3A_256, %mul3A_257 : vector<16xf32>
      %add3A_259 = arith.addf %add3A_195, %broadcast_in_dim3A_253 : vector<16xf32>
      %add3A_260 = arith.addf %add3A_258, %add3A_258 : vector<16xf32>
      %sub3A_261 = arith.subf %add3A_259, %add3A_260 : vector<16xf32>
      %mul3A_262 = arith.mulf %get3A_178, %broadcast_in_dim3A_244 : vector<16xf32>
      %mul3A_263 = arith.mulf %get3A_182, %broadcast_in_dim3A_247 : vector<16xf32>
      %add3A_264 = arith.addf %mul3A_262, %mul3A_263 : vector<16xf32>
      %mul3A_265 = arith.mulf %get3A_186, %broadcast_in_dim3A_250 : vector<16xf32>
      %add3A_266 = arith.addf %add3A_264, %mul3A_265 : vector<16xf32>
      %add3A_267 = arith.addf %get3A_190, %broadcast_in_dim3A_253 : vector<16xf32>
      %add3A_268 = arith.addf %add3A_266, %add3A_266 : vector<16xf32>
      %sub3A_269 = arith.subf %add3A_267, %add3A_268 : vector<16xf32>
      %le3A = arith.constant 5.760000e+00 : f32
      %le3A_270 = vector.broadcast %le3A : f32 to vector<16xf32>
      %le3A_271 = arith.cmpf ole, %sub3A_261, %le3A_270 : vector<16xf32>
      %le3A_272 = arith.constant 2.304000e+01 : f32
      %le3A_273 = vector.broadcast %le3A_272 : f32 to vector<16xf32>
      %le3A_274 = arith.cmpf ole, %sub3A_269, %le3A_273 : vector<16xf32>
      %and3A_275 = arith.andi %le3A_271, %le3A_274 : vector<16xi1>
      %jit3A_276 = arith.constant 1.000000e+30 : f32
      %jit3A_277 = arith.constant 1.000000e+10 : f32
      %broadcast_in_dim3A_278 = vector.broadcast %jit3A_276 : f32 to vector<16xf32>
      %broadcast_in_dim3A_279 = vector.broadcast %jit3A_277 : f32 to vector<16xf32>
      %select_n3A_280 = arith.select %and3A_275, %broadcast_in_dim3A_278, %broadcast_in_dim3A_279 : vector<16xi1>, vector<16xf32>
      %broadcast_in_dim3A_281 = arith.constant 0 : i32
      %broadcast_in_dim3A_282 = vector.broadcast %broadcast_in_dim3A_281 : i32 to vector<16xi32>
      %lt3A = arith.cmpf olt, %select_n3A_280, %broadcast_in_dim3A_227 : vector<16xf32>
      %lt3A_283 = arith.cmpf olt, %select_n3A_280, %broadcast_in_dim3A_227 : vector<16xf32>
      %lt3A_284 = arith.cmpf olt, %select_n3A_280, %broadcast_in_dim3A_227 : vector<16xf32>
      %select_n3A_285 = arith.select %lt3A_284, %select_n3A_280, %broadcast_in_dim3A_227 : vector<16xi1>, vector<16xf32>
      %select_n3A_286 = arith.select %lt3A_283, %broadcast_in_dim3A_227, %select_n3A_285 : vector<16xi1>, vector<16xf32>
      %select_n3A_287 = arith.select %lt3A_284, %broadcast_in_dim3A_282, %broadcast_in_dim3A_233 : vector<16xi1>, vector<16xi32>
      %select_n3A_288 = arith.select %lt3A_283, %broadcast_in_dim3A_231, %select_n3A_287 : vector<16xi1>, vector<16xi32>
      %select_n3A_289 = arith.select %lt3A_283, %select_n3A_280, %broadcast_in_dim3A_227 : vector<16xi1>, vector<16xf32>
      %select_n3A_290 = arith.select %lt3A, %broadcast_in_dim3A_227, %select_n3A_289 : vector<16xi1>, vector<16xf32>
      %select_n3A_291 = arith.select %lt3A_283, %broadcast_in_dim3A_282, %broadcast_in_dim3A_231 : vector<16xi1>, vector<16xi32>
      %select_n3A_292 = arith.select %lt3A, %broadcast_in_dim3A_229, %select_n3A_291 : vector<16xi1>, vector<16xi32>
      %select_n3A_293 = arith.select %lt3A, %select_n3A_280, %broadcast_in_dim3A_227 : vector<16xi1>, vector<16xf32>
      %select_n3A_294 = arith.select %lt3A, %broadcast_in_dim3A_282, %broadcast_in_dim3A_229 : vector<16xi1>, vector<16xi32>
      %slice3A_295 = vector.extract_strided_slice %get3A_235 {offsets = [1], sizes = [1], strides = [1]} : vector<16xf32> to vector<1xf32>
      %squeeze3A_296 = vector.extract %slice3A_295[0] : f32 from vector<1xf32>
      %broadcast_in_dim3A_297 = vector.broadcast %squeeze3A_296 : f32 to vector<16xf32>
      %slice3A_298 = vector.extract_strided_slice %get3A_237 {offsets = [1], sizes = [1], strides = [1]} : vector<16xf32> to vector<1xf32>
      %squeeze3A_299 = vector.extract %slice3A_298[0] : f32 from vector<1xf32>
      %broadcast_in_dim3A_300 = vector.broadcast %squeeze3A_299 : f32 to vector<16xf32>
      %slice3A_301 = vector.extract_strided_slice %get3A_239 {offsets = [1], sizes = [1], strides = [1]} : vector<16xf32> to vector<1xf32>
      %squeeze3A_302 = vector.extract %slice3A_301[0] : f32 from vector<1xf32>
      %broadcast_in_dim3A_303 = vector.broadcast %squeeze3A_302 : f32 to vector<16xf32>
      %slice3A_304 = vector.extract_strided_slice %get3A_241 {offsets = [1], sizes = [1], strides = [1]} : vector<16xf32> to vector<1xf32>
      %squeeze3A_305 = vector.extract %slice3A_304[0] : f32 from vector<1xf32>
      %broadcast_in_dim3A_306 = vector.broadcast %squeeze3A_305 : f32 to vector<16xf32>
      %mul3A_307 = arith.mulf %get3A_166, %broadcast_in_dim3A_297 : vector<16xf32>
      %mul3A_308 = arith.mulf %get3A_170, %broadcast_in_dim3A_300 : vector<16xf32>
      %add3A_309 = arith.addf %mul3A_307, %mul3A_308 : vector<16xf32>
      %mul3A_310 = arith.mulf %get3A_174, %broadcast_in_dim3A_303 : vector<16xf32>
      %add3A_311 = arith.addf %add3A_309, %mul3A_310 : vector<16xf32>
      %add3A_312 = arith.addf %add3A_195, %broadcast_in_dim3A_306 : vector<16xf32>
      %add3A_313 = arith.addf %add3A_311, %add3A_311 : vector<16xf32>
      %sub3A_314 = arith.subf %add3A_312, %add3A_313 : vector<16xf32>
      %mul3A_315 = arith.mulf %get3A_178, %broadcast_in_dim3A_297 : vector<16xf32>
      %mul3A_316 = arith.mulf %get3A_182, %broadcast_in_dim3A_300 : vector<16xf32>
      %add3A_317 = arith.addf %mul3A_315, %mul3A_316 : vector<16xf32>
      %mul3A_318 = arith.mulf %get3A_186, %broadcast_in_dim3A_303 : vector<16xf32>
      %add3A_319 = arith.addf %add3A_317, %mul3A_318 : vector<16xf32>
      %add3A_320 = arith.addf %get3A_190, %broadcast_in_dim3A_306 : vector<16xf32>
      %add3A_321 = arith.addf %add3A_319, %add3A_319 : vector<16xf32>
      %sub3A_322 = arith.subf %add3A_320, %add3A_321 : vector<16xf32>
      %le3A_323 = arith.constant 5.760000e+00 : f32
      %le3A_324 = vector.broadcast %le3A_323 : f32 to vector<16xf32>
      %le3A_325 = arith.cmpf ole, %sub3A_314, %le3A_324 : vector<16xf32>
      %le3A_326 = arith.constant 2.304000e+01 : f32
      %le3A_327 = vector.broadcast %le3A_326 : f32 to vector<16xf32>
      %le3A_328 = arith.cmpf ole, %sub3A_322, %le3A_327 : vector<16xf32>
      %and3A_329 = arith.andi %le3A_325, %le3A_328 : vector<16xi1>
      %jit3A_330 = arith.constant 1.000000e+30 : f32
      %jit3A_331 = arith.constant 1.000000e+10 : f32
      %broadcast_in_dim3A_332 = vector.broadcast %jit3A_330 : f32 to vector<16xf32>
      %broadcast_in_dim3A_333 = vector.broadcast %jit3A_331 : f32 to vector<16xf32>
      %select_n3A_334 = arith.select %and3A_329, %broadcast_in_dim3A_332, %broadcast_in_dim3A_333 : vector<16xi1>, vector<16xf32>
      %broadcast_in_dim3A_335 = arith.constant 1 : i32
      %broadcast_in_dim3A_336 = vector.broadcast %broadcast_in_dim3A_335 : i32 to vector<16xi32>
      %lt3A_337 = arith.cmpf olt, %select_n3A_334, %select_n3A_293 : vector<16xf32>
      %lt3A_338 = arith.cmpf olt, %select_n3A_334, %select_n3A_290 : vector<16xf32>
      %lt3A_339 = arith.cmpf olt, %select_n3A_334, %select_n3A_286 : vector<16xf32>
      %select_n3A_340 = arith.select %lt3A_339, %select_n3A_334, %select_n3A_286 : vector<16xi1>, vector<16xf32>
      %select_n3A_341 = arith.select %lt3A_338, %select_n3A_290, %select_n3A_340 : vector<16xi1>, vector<16xf32>
      %select_n3A_342 = arith.select %lt3A_339, %broadcast_in_dim3A_336, %select_n3A_288 : vector<16xi1>, vector<16xi32>
      %select_n3A_343 = arith.select %lt3A_338, %select_n3A_292, %select_n3A_342 : vector<16xi1>, vector<16xi32>
      %select_n3A_344 = arith.select %lt3A_338, %select_n3A_334, %select_n3A_290 : vector<16xi1>, vector<16xf32>
      %select_n3A_345 = arith.select %lt3A_337, %select_n3A_293, %select_n3A_344 : vector<16xi1>, vector<16xf32>
      %select_n3A_346 = arith.select %lt3A_338, %broadcast_in_dim3A_336, %select_n3A_292 : vector<16xi1>, vector<16xi32>
      %select_n3A_347 = arith.select %lt3A_337, %select_n3A_294, %select_n3A_346 : vector<16xi1>, vector<16xi32>
      %select_n3A_348 = arith.select %lt3A_337, %select_n3A_334, %select_n3A_293 : vector<16xi1>, vector<16xf32>
      %select_n3A_349 = arith.select %lt3A_337, %broadcast_in_dim3A_336, %select_n3A_294 : vector<16xi1>, vector<16xi32>
      %slice3A_350 = vector.extract_strided_slice %get3A_235 {offsets = [2], sizes = [1], strides = [1]} : vector<16xf32> to vector<1xf32>
      %squeeze3A_351 = vector.extract %slice3A_350[0] : f32 from vector<1xf32>
      %broadcast_in_dim3A_352 = vector.broadcast %squeeze3A_351 : f32 to vector<16xf32>
      %slice3A_353 = vector.extract_strided_slice %get3A_237 {offsets = [2], sizes = [1], strides = [1]} : vector<16xf32> to vector<1xf32>
      %squeeze3A_354 = vector.extract %slice3A_353[0] : f32 from vector<1xf32>
      %broadcast_in_dim3A_355 = vector.broadcast %squeeze3A_354 : f32 to vector<16xf32>
      %slice3A_356 = vector.extract_strided_slice %get3A_239 {offsets = [2], sizes = [1], strides = [1]} : vector<16xf32> to vector<1xf32>
      %squeeze3A_357 = vector.extract %slice3A_356[0] : f32 from vector<1xf32>
      %broadcast_in_dim3A_358 = vector.broadcast %squeeze3A_357 : f32 to vector<16xf32>
      %slice3A_359 = vector.extract_strided_slice %get3A_241 {offsets = [2], sizes = [1], strides = [1]} : vector<16xf32> to vector<1xf32>
      %squeeze3A_360 = vector.extract %slice3A_359[0] : f32 from vector<1xf32>
      %broadcast_in_dim3A_361 = vector.broadcast %squeeze3A_360 : f32 to vector<16xf32>
      %mul3A_362 = arith.mulf %get3A_166, %broadcast_in_dim3A_352 : vector<16xf32>
      %mul3A_363 = arith.mulf %get3A_170, %broadcast_in_dim3A_355 : vector<16xf32>
      %add3A_364 = arith.addf %mul3A_362, %mul3A_363 : vector<16xf32>
      %mul3A_365 = arith.mulf %get3A_174, %broadcast_in_dim3A_358 : vector<16xf32>
      %add3A_366 = arith.addf %add3A_364, %mul3A_365 : vector<16xf32>
      %add3A_367 = arith.addf %add3A_195, %broadcast_in_dim3A_361 : vector<16xf32>
      %add3A_368 = arith.addf %add3A_366, %add3A_366 : vector<16xf32>
      %sub3A_369 = arith.subf %add3A_367, %add3A_368 : vector<16xf32>
      %mul3A_370 = arith.mulf %get3A_178, %broadcast_in_dim3A_352 : vector<16xf32>
      %mul3A_371 = arith.mulf %get3A_182, %broadcast_in_dim3A_355 : vector<16xf32>
      %add3A_372 = arith.addf %mul3A_370, %mul3A_371 : vector<16xf32>
      %mul3A_373 = arith.mulf %get3A_186, %broadcast_in_dim3A_358 : vector<16xf32>
      %add3A_374 = arith.addf %add3A_372, %mul3A_373 : vector<16xf32>
      %add3A_375 = arith.addf %get3A_190, %broadcast_in_dim3A_361 : vector<16xf32>
      %add3A_376 = arith.addf %add3A_374, %add3A_374 : vector<16xf32>
      %sub3A_377 = arith.subf %add3A_375, %add3A_376 : vector<16xf32>
      %le3A_378 = arith.constant 5.760000e+00 : f32
      %le3A_379 = vector.broadcast %le3A_378 : f32 to vector<16xf32>
      %le3A_380 = arith.cmpf ole, %sub3A_369, %le3A_379 : vector<16xf32>
      %le3A_381 = arith.constant 2.304000e+01 : f32
      %le3A_382 = vector.broadcast %le3A_381 : f32 to vector<16xf32>
      %le3A_383 = arith.cmpf ole, %sub3A_377, %le3A_382 : vector<16xf32>
      %and3A_384 = arith.andi %le3A_380, %le3A_383 : vector<16xi1>
      %jit3A_385 = arith.constant 1.000000e+30 : f32
      %jit3A_386 = arith.constant 1.000000e+10 : f32
      %broadcast_in_dim3A_387 = vector.broadcast %jit3A_385 : f32 to vector<16xf32>
      %broadcast_in_dim3A_388 = vector.broadcast %jit3A_386 : f32 to vector<16xf32>
      %select_n3A_389 = arith.select %and3A_384, %broadcast_in_dim3A_387, %broadcast_in_dim3A_388 : vector<16xi1>, vector<16xf32>
      %broadcast_in_dim3A_390 = arith.constant 2 : i32
      %broadcast_in_dim3A_391 = vector.broadcast %broadcast_in_dim3A_390 : i32 to vector<16xi32>
      %lt3A_392 = arith.cmpf olt, %select_n3A_389, %select_n3A_348 : vector<16xf32>
      %lt3A_393 = arith.cmpf olt, %select_n3A_389, %select_n3A_345 : vector<16xf32>
      %lt3A_394 = arith.cmpf olt, %select_n3A_389, %select_n3A_341 : vector<16xf32>
      %select_n3A_395 = arith.select %lt3A_394, %select_n3A_389, %select_n3A_341 : vector<16xi1>, vector<16xf32>
      %select_n3A_396 = arith.select %lt3A_393, %select_n3A_345, %select_n3A_395 : vector<16xi1>, vector<16xf32>
      %select_n3A_397 = arith.select %lt3A_394, %broadcast_in_dim3A_391, %select_n3A_343 : vector<16xi1>, vector<16xi32>
      %select_n3A_398 = arith.select %lt3A_393, %select_n3A_347, %select_n3A_397 : vector<16xi1>, vector<16xi32>
      %select_n3A_399 = arith.select %lt3A_393, %select_n3A_389, %select_n3A_345 : vector<16xi1>, vector<16xf32>
      %select_n3A_400 = arith.select %lt3A_392, %select_n3A_348, %select_n3A_399 : vector<16xi1>, vector<16xf32>
      %select_n3A_401 = arith.select %lt3A_393, %broadcast_in_dim3A_391, %select_n3A_347 : vector<16xi1>, vector<16xi32>
      %select_n3A_402 = arith.select %lt3A_392, %select_n3A_349, %select_n3A_401 : vector<16xi1>, vector<16xi32>
      %select_n3A_403 = arith.select %lt3A_392, %select_n3A_389, %select_n3A_348 : vector<16xi1>, vector<16xf32>
      %select_n3A_404 = arith.select %lt3A_392, %broadcast_in_dim3A_391, %select_n3A_349 : vector<16xi1>, vector<16xi32>
      %slice3A_405 = vector.extract_strided_slice %get3A_235 {offsets = [3], sizes = [1], strides = [1]} : vector<16xf32> to vector<1xf32>
      %squeeze3A_406 = vector.extract %slice3A_405[0] : f32 from vector<1xf32>
      %broadcast_in_dim3A_407 = vector.broadcast %squeeze3A_406 : f32 to vector<16xf32>
      %slice3A_408 = vector.extract_strided_slice %get3A_237 {offsets = [3], sizes = [1], strides = [1]} : vector<16xf32> to vector<1xf32>
      %squeeze3A_409 = vector.extract %slice3A_408[0] : f32 from vector<1xf32>
      %broadcast_in_dim3A_410 = vector.broadcast %squeeze3A_409 : f32 to vector<16xf32>
      %slice3A_411 = vector.extract_strided_slice %get3A_239 {offsets = [3], sizes = [1], strides = [1]} : vector<16xf32> to vector<1xf32>
      %squeeze3A_412 = vector.extract %slice3A_411[0] : f32 from vector<1xf32>
      %broadcast_in_dim3A_413 = vector.broadcast %squeeze3A_412 : f32 to vector<16xf32>
      %slice3A_414 = vector.extract_strided_slice %get3A_241 {offsets = [3], sizes = [1], strides = [1]} : vector<16xf32> to vector<1xf32>
      %squeeze3A_415 = vector.extract %slice3A_414[0] : f32 from vector<1xf32>
      %broadcast_in_dim3A_416 = vector.broadcast %squeeze3A_415 : f32 to vector<16xf32>
      %mul3A_417 = arith.mulf %get3A_166, %broadcast_in_dim3A_407 : vector<16xf32>
      %mul3A_418 = arith.mulf %get3A_170, %broadcast_in_dim3A_410 : vector<16xf32>
      %add3A_419 = arith.addf %mul3A_417, %mul3A_418 : vector<16xf32>
      %mul3A_420 = arith.mulf %get3A_174, %broadcast_in_dim3A_413 : vector<16xf32>
      %add3A_421 = arith.addf %add3A_419, %mul3A_420 : vector<16xf32>
      %add3A_422 = arith.addf %add3A_195, %broadcast_in_dim3A_416 : vector<16xf32>
      %add3A_423 = arith.addf %add3A_421, %add3A_421 : vector<16xf32>
      %sub3A_424 = arith.subf %add3A_422, %add3A_423 : vector<16xf32>
      %mul3A_425 = arith.mulf %get3A_178, %broadcast_in_dim3A_407 : vector<16xf32>
      %mul3A_426 = arith.mulf %get3A_182, %broadcast_in_dim3A_410 : vector<16xf32>
      %add3A_427 = arith.addf %mul3A_425, %mul3A_426 : vector<16xf32>
      %mul3A_428 = arith.mulf %get3A_186, %broadcast_in_dim3A_413 : vector<16xf32>
      %add3A_429 = arith.addf %add3A_427, %mul3A_428 : vector<16xf32>
      %add3A_430 = arith.addf %get3A_190, %broadcast_in_dim3A_416 : vector<16xf32>
      %add3A_431 = arith.addf %add3A_429, %add3A_429 : vector<16xf32>
      %sub3A_432 = arith.subf %add3A_430, %add3A_431 : vector<16xf32>
      %le3A_433 = arith.constant 5.760000e+00 : f32
      %le3A_434 = vector.broadcast %le3A_433 : f32 to vector<16xf32>
      %le3A_435 = arith.cmpf ole, %sub3A_424, %le3A_434 : vector<16xf32>
      %le3A_436 = arith.constant 2.304000e+01 : f32
      %le3A_437 = vector.broadcast %le3A_436 : f32 to vector<16xf32>
      %le3A_438 = arith.cmpf ole, %sub3A_432, %le3A_437 : vector<16xf32>
      %and3A_439 = arith.andi %le3A_435, %le3A_438 : vector<16xi1>
      %jit3A_440 = arith.constant 1.000000e+30 : f32
      %jit3A_441 = arith.constant 1.000000e+10 : f32
      %broadcast_in_dim3A_442 = vector.broadcast %jit3A_440 : f32 to vector<16xf32>
      %broadcast_in_dim3A_443 = vector.broadcast %jit3A_441 : f32 to vector<16xf32>
      %select_n3A_444 = arith.select %and3A_439, %broadcast_in_dim3A_442, %broadcast_in_dim3A_443 : vector<16xi1>, vector<16xf32>
      %broadcast_in_dim3A_445 = arith.constant 3 : i32
      %broadcast_in_dim3A_446 = vector.broadcast %broadcast_in_dim3A_445 : i32 to vector<16xi32>
      %lt3A_447 = arith.cmpf olt, %select_n3A_444, %select_n3A_403 : vector<16xf32>
      %lt3A_448 = arith.cmpf olt, %select_n3A_444, %select_n3A_400 : vector<16xf32>
      %lt3A_449 = arith.cmpf olt, %select_n3A_444, %select_n3A_396 : vector<16xf32>
      %select_n3A_450 = arith.select %lt3A_449, %select_n3A_444, %select_n3A_396 : vector<16xi1>, vector<16xf32>
      %select_n3A_451 = arith.select %lt3A_448, %select_n3A_400, %select_n3A_450 : vector<16xi1>, vector<16xf32>
      %select_n3A_452 = arith.select %lt3A_449, %broadcast_in_dim3A_446, %select_n3A_398 : vector<16xi1>, vector<16xi32>
      %select_n3A_453 = arith.select %lt3A_448, %select_n3A_402, %select_n3A_452 : vector<16xi1>, vector<16xi32>
      %select_n3A_454 = arith.select %lt3A_448, %select_n3A_444, %select_n3A_400 : vector<16xi1>, vector<16xf32>
      %select_n3A_455 = arith.select %lt3A_447, %select_n3A_403, %select_n3A_454 : vector<16xi1>, vector<16xf32>
      %select_n3A_456 = arith.select %lt3A_448, %broadcast_in_dim3A_446, %select_n3A_402 : vector<16xi1>, vector<16xi32>
      %select_n3A_457 = arith.select %lt3A_447, %select_n3A_404, %select_n3A_456 : vector<16xi1>, vector<16xi32>
      %select_n3A_458 = arith.select %lt3A_447, %select_n3A_444, %select_n3A_403 : vector<16xi1>, vector<16xf32>
      %select_n3A_459 = arith.select %lt3A_447, %broadcast_in_dim3A_446, %select_n3A_404 : vector<16xi1>, vector<16xi32>
      %slice3A_460 = vector.extract_strided_slice %get3A_235 {offsets = [4], sizes = [1], strides = [1]} : vector<16xf32> to vector<1xf32>
      %squeeze3A_461 = vector.extract %slice3A_460[0] : f32 from vector<1xf32>
      %broadcast_in_dim3A_462 = vector.broadcast %squeeze3A_461 : f32 to vector<16xf32>
      %slice3A_463 = vector.extract_strided_slice %get3A_237 {offsets = [4], sizes = [1], strides = [1]} : vector<16xf32> to vector<1xf32>
      %squeeze3A_464 = vector.extract %slice3A_463[0] : f32 from vector<1xf32>
      %broadcast_in_dim3A_465 = vector.broadcast %squeeze3A_464 : f32 to vector<16xf32>
      %slice3A_466 = vector.extract_strided_slice %get3A_239 {offsets = [4], sizes = [1], strides = [1]} : vector<16xf32> to vector<1xf32>
      %squeeze3A_467 = vector.extract %slice3A_466[0] : f32 from vector<1xf32>
      %broadcast_in_dim3A_468 = vector.broadcast %squeeze3A_467 : f32 to vector<16xf32>
      %slice3A_469 = vector.extract_strided_slice %get3A_241 {offsets = [4], sizes = [1], strides = [1]} : vector<16xf32> to vector<1xf32>
      %squeeze3A_470 = vector.extract %slice3A_469[0] : f32 from vector<1xf32>
      %broadcast_in_dim3A_471 = vector.broadcast %squeeze3A_470 : f32 to vector<16xf32>
      %mul3A_472 = arith.mulf %get3A_166, %broadcast_in_dim3A_462 : vector<16xf32>
      %mul3A_473 = arith.mulf %get3A_170, %broadcast_in_dim3A_465 : vector<16xf32>
      %add3A_474 = arith.addf %mul3A_472, %mul3A_473 : vector<16xf32>
      %mul3A_475 = arith.mulf %get3A_174, %broadcast_in_dim3A_468 : vector<16xf32>
      %add3A_476 = arith.addf %add3A_474, %mul3A_475 : vector<16xf32>
      %add3A_477 = arith.addf %add3A_195, %broadcast_in_dim3A_471 : vector<16xf32>
      %add3A_478 = arith.addf %add3A_476, %add3A_476 : vector<16xf32>
      %sub3A_479 = arith.subf %add3A_477, %add3A_478 : vector<16xf32>
      %mul3A_480 = arith.mulf %get3A_178, %broadcast_in_dim3A_462 : vector<16xf32>
      %mul3A_481 = arith.mulf %get3A_182, %broadcast_in_dim3A_465 : vector<16xf32>
      %add3A_482 = arith.addf %mul3A_480, %mul3A_481 : vector<16xf32>
      %mul3A_483 = arith.mulf %get3A_186, %broadcast_in_dim3A_468 : vector<16xf32>
      %add3A_484 = arith.addf %add3A_482, %mul3A_483 : vector<16xf32>
      %add3A_485 = arith.addf %get3A_190, %broadcast_in_dim3A_471 : vector<16xf32>
      %add3A_486 = arith.addf %add3A_484, %add3A_484 : vector<16xf32>
      %sub3A_487 = arith.subf %add3A_485, %add3A_486 : vector<16xf32>
      %le3A_488 = arith.constant 5.760000e+00 : f32
      %le3A_489 = vector.broadcast %le3A_488 : f32 to vector<16xf32>
      %le3A_490 = arith.cmpf ole, %sub3A_479, %le3A_489 : vector<16xf32>
      %le3A_491 = arith.constant 2.304000e+01 : f32
      %le3A_492 = vector.broadcast %le3A_491 : f32 to vector<16xf32>
      %le3A_493 = arith.cmpf ole, %sub3A_487, %le3A_492 : vector<16xf32>
      %and3A_494 = arith.andi %le3A_490, %le3A_493 : vector<16xi1>
      %jit3A_495 = arith.constant 1.000000e+30 : f32
      %jit3A_496 = arith.constant 1.000000e+10 : f32
      %broadcast_in_dim3A_497 = vector.broadcast %jit3A_495 : f32 to vector<16xf32>
      %broadcast_in_dim3A_498 = vector.broadcast %jit3A_496 : f32 to vector<16xf32>
      %select_n3A_499 = arith.select %and3A_494, %broadcast_in_dim3A_497, %broadcast_in_dim3A_498 : vector<16xi1>, vector<16xf32>
      %broadcast_in_dim3A_500 = arith.constant 4 : i32
      %broadcast_in_dim3A_501 = vector.broadcast %broadcast_in_dim3A_500 : i32 to vector<16xi32>
      %lt3A_502 = arith.cmpf olt, %select_n3A_499, %select_n3A_458 : vector<16xf32>
      %lt3A_503 = arith.cmpf olt, %select_n3A_499, %select_n3A_455 : vector<16xf32>
      %lt3A_504 = arith.cmpf olt, %select_n3A_499, %select_n3A_451 : vector<16xf32>
      %select_n3A_505 = arith.select %lt3A_504, %select_n3A_499, %select_n3A_451 : vector<16xi1>, vector<16xf32>
      %select_n3A_506 = arith.select %lt3A_503, %select_n3A_455, %select_n3A_505 : vector<16xi1>, vector<16xf32>
      %select_n3A_507 = arith.select %lt3A_504, %broadcast_in_dim3A_501, %select_n3A_453 : vector<16xi1>, vector<16xi32>
      %select_n3A_508 = arith.select %lt3A_503, %select_n3A_457, %select_n3A_507 : vector<16xi1>, vector<16xi32>
      %select_n3A_509 = arith.select %lt3A_503, %select_n3A_499, %select_n3A_455 : vector<16xi1>, vector<16xf32>
      %select_n3A_510 = arith.select %lt3A_502, %select_n3A_458, %select_n3A_509 : vector<16xi1>, vector<16xf32>
      %select_n3A_511 = arith.select %lt3A_503, %broadcast_in_dim3A_501, %select_n3A_457 : vector<16xi1>, vector<16xi32>
      %select_n3A_512 = arith.select %lt3A_502, %select_n3A_459, %select_n3A_511 : vector<16xi1>, vector<16xi32>
      %select_n3A_513 = arith.select %lt3A_502, %select_n3A_499, %select_n3A_458 : vector<16xi1>, vector<16xf32>
      %select_n3A_514 = arith.select %lt3A_502, %broadcast_in_dim3A_501, %select_n3A_459 : vector<16xi1>, vector<16xi32>
      %slice3A_515 = vector.extract_strided_slice %get3A_235 {offsets = [5], sizes = [1], strides = [1]} : vector<16xf32> to vector<1xf32>
      %squeeze3A_516 = vector.extract %slice3A_515[0] : f32 from vector<1xf32>
      %broadcast_in_dim3A_517 = vector.broadcast %squeeze3A_516 : f32 to vector<16xf32>
      %slice3A_518 = vector.extract_strided_slice %get3A_237 {offsets = [5], sizes = [1], strides = [1]} : vector<16xf32> to vector<1xf32>
      %squeeze3A_519 = vector.extract %slice3A_518[0] : f32 from vector<1xf32>
      %broadcast_in_dim3A_520 = vector.broadcast %squeeze3A_519 : f32 to vector<16xf32>
      %slice3A_521 = vector.extract_strided_slice %get3A_239 {offsets = [5], sizes = [1], strides = [1]} : vector<16xf32> to vector<1xf32>
      %squeeze3A_522 = vector.extract %slice3A_521[0] : f32 from vector<1xf32>
      %broadcast_in_dim3A_523 = vector.broadcast %squeeze3A_522 : f32 to vector<16xf32>
      %slice3A_524 = vector.extract_strided_slice %get3A_241 {offsets = [5], sizes = [1], strides = [1]} : vector<16xf32> to vector<1xf32>
      %squeeze3A_525 = vector.extract %slice3A_524[0] : f32 from vector<1xf32>
      %broadcast_in_dim3A_526 = vector.broadcast %squeeze3A_525 : f32 to vector<16xf32>
      %mul3A_527 = arith.mulf %get3A_166, %broadcast_in_dim3A_517 : vector<16xf32>
      %mul3A_528 = arith.mulf %get3A_170, %broadcast_in_dim3A_520 : vector<16xf32>
      %add3A_529 = arith.addf %mul3A_527, %mul3A_528 : vector<16xf32>
      %mul3A_530 = arith.mulf %get3A_174, %broadcast_in_dim3A_523 : vector<16xf32>
      %add3A_531 = arith.addf %add3A_529, %mul3A_530 : vector<16xf32>
      %add3A_532 = arith.addf %add3A_195, %broadcast_in_dim3A_526 : vector<16xf32>
      %add3A_533 = arith.addf %add3A_531, %add3A_531 : vector<16xf32>
      %sub3A_534 = arith.subf %add3A_532, %add3A_533 : vector<16xf32>
      %mul3A_535 = arith.mulf %get3A_178, %broadcast_in_dim3A_517 : vector<16xf32>
      %mul3A_536 = arith.mulf %get3A_182, %broadcast_in_dim3A_520 : vector<16xf32>
      %add3A_537 = arith.addf %mul3A_535, %mul3A_536 : vector<16xf32>
      %mul3A_538 = arith.mulf %get3A_186, %broadcast_in_dim3A_523 : vector<16xf32>
      %add3A_539 = arith.addf %add3A_537, %mul3A_538 : vector<16xf32>
      %add3A_540 = arith.addf %get3A_190, %broadcast_in_dim3A_526 : vector<16xf32>
      %add3A_541 = arith.addf %add3A_539, %add3A_539 : vector<16xf32>
      %sub3A_542 = arith.subf %add3A_540, %add3A_541 : vector<16xf32>
      %le3A_543 = arith.constant 5.760000e+00 : f32
      %le3A_544 = vector.broadcast %le3A_543 : f32 to vector<16xf32>
      %le3A_545 = arith.cmpf ole, %sub3A_534, %le3A_544 : vector<16xf32>
      %le3A_546 = arith.constant 2.304000e+01 : f32
      %le3A_547 = vector.broadcast %le3A_546 : f32 to vector<16xf32>
      %le3A_548 = arith.cmpf ole, %sub3A_542, %le3A_547 : vector<16xf32>
      %and3A_549 = arith.andi %le3A_545, %le3A_548 : vector<16xi1>
      %jit3A_550 = arith.constant 1.000000e+30 : f32
      %jit3A_551 = arith.constant 1.000000e+10 : f32
      %broadcast_in_dim3A_552 = vector.broadcast %jit3A_550 : f32 to vector<16xf32>
      %broadcast_in_dim3A_553 = vector.broadcast %jit3A_551 : f32 to vector<16xf32>
      %select_n3A_554 = arith.select %and3A_549, %broadcast_in_dim3A_552, %broadcast_in_dim3A_553 : vector<16xi1>, vector<16xf32>
      %broadcast_in_dim3A_555 = arith.constant 5 : i32
      %broadcast_in_dim3A_556 = vector.broadcast %broadcast_in_dim3A_555 : i32 to vector<16xi32>
      %lt3A_557 = arith.cmpf olt, %select_n3A_554, %select_n3A_513 : vector<16xf32>
      %lt3A_558 = arith.cmpf olt, %select_n3A_554, %select_n3A_510 : vector<16xf32>
      %lt3A_559 = arith.cmpf olt, %select_n3A_554, %select_n3A_506 : vector<16xf32>
      %select_n3A_560 = arith.select %lt3A_559, %select_n3A_554, %select_n3A_506 : vector<16xi1>, vector<16xf32>
      %select_n3A_561 = arith.select %lt3A_558, %select_n3A_510, %select_n3A_560 : vector<16xi1>, vector<16xf32>
      %select_n3A_562 = arith.select %lt3A_559, %broadcast_in_dim3A_556, %select_n3A_508 : vector<16xi1>, vector<16xi32>
      %select_n3A_563 = arith.select %lt3A_558, %select_n3A_512, %select_n3A_562 : vector<16xi1>, vector<16xi32>
      %select_n3A_564 = arith.select %lt3A_558, %select_n3A_554, %select_n3A_510 : vector<16xi1>, vector<16xf32>
      %select_n3A_565 = arith.select %lt3A_557, %select_n3A_513, %select_n3A_564 : vector<16xi1>, vector<16xf32>
      %select_n3A_566 = arith.select %lt3A_558, %broadcast_in_dim3A_556, %select_n3A_512 : vector<16xi1>, vector<16xi32>
      %select_n3A_567 = arith.select %lt3A_557, %select_n3A_514, %select_n3A_566 : vector<16xi1>, vector<16xi32>
      %select_n3A_568 = arith.select %lt3A_557, %select_n3A_554, %select_n3A_513 : vector<16xi1>, vector<16xf32>
      %select_n3A_569 = arith.select %lt3A_557, %broadcast_in_dim3A_556, %select_n3A_514 : vector<16xi1>, vector<16xi32>
      %lt3A_570 = arith.constant 8 : i32
      %lt3A_571 = vector.broadcast %lt3A_570 : i32 to vector<16xi32>
      %lt3A_572 = arith.cmpi slt, %iota3A, %lt3A_571 : vector<16xi32>
      %jit3A_573 = arith.constant 65536 : i32
      %jit3A_574 = arith.constant 131072 : i32
      %broadcast_in_dim3A_575 = vector.broadcast %jit3A_573 : i32 to vector<16xi32>
      %broadcast_in_dim3A_576 = vector.broadcast %jit3A_574 : i32 to vector<16xi32>
      %select_n3A_577 = arith.select %lt3A_572, %broadcast_in_dim3A_575, %broadcast_in_dim3A_576 : vector<16xi1>, vector<16xi32>
      %add3A_578 = arith.constant 15 : i32
      %add3A_579 = arith.addi %scan3A_222, %add3A_578 : i32
      %jit3A_580 = arith.constant 16 : i32
      %div3A_581 = arith.divsi %add3A_579, %jit3A_580 : i32
      %sign3A_582 = arith.constant 0 : i32
      %sign3A_583 = arith.cmpi sgt, %add3A_579, %sign3A_582 : i32
      %sign3A_584 = arith.extui %sign3A_583 : i1 to i32
      %sign3A_585 = arith.constant 0 : i32
      %sign3A_586 = arith.cmpi slt, %add3A_579, %sign3A_585 : i32
      %sign3A_587 = arith.extui %sign3A_586 : i1 to i32
      %sign3A_588 = arith.subi %sign3A_584, %sign3A_587 : i32
      %sign3A_589 = arith.constant 0 : i32
      %sign3A_590 = arith.cmpi sgt, %jit3A_580, %sign3A_589 : i32
      %sign3A_591 = arith.extui %sign3A_590 : i1 to i32
      %sign3A_592 = arith.constant 0 : i32
      %sign3A_593 = arith.cmpi slt, %jit3A_580, %sign3A_592 : i32
      %sign3A_594 = arith.extui %sign3A_593 : i1 to i32
      %sign3A_595 = arith.subi %sign3A_591, %sign3A_594 : i32
      %ne3A_596 = arith.cmpi ne, %sign3A_588, %sign3A_595 : i32
      %rem3A_597 = arith.remsi %add3A_579, %jit3A_580 : i32
      %ne3A_598 = arith.constant 0 : i32
      %ne3A_599 = arith.cmpi ne, %rem3A_597, %ne3A_598 : i32
      %and3A_600 = arith.andi %ne3A_596, %ne3A_599 : i1
      %sub3A_601 = arith.constant 1 : i32
      %sub3A_602 = arith.subi %div3A_581, %sub3A_601 : i32
      %select_n3A_603 = arith.select %and3A_600, %sub3A_602, %div3A_581 : i32
      %while3A = arith.constant 0 : i32
      %while3A_604 = arith.subi %select_n3A_603, %while3A : i32
      %while3A_605 = arith.addi %while3A, %while3A_604 : i32
      %while3A_606 = arith.constant 1 : i32
      %while3A_607 = arith.divsi %while3A_604, %while3A_606 : i32
      %while3A_608 = arith.muli %while3A_607, %while3A_606 : i32
      %while3A_609 = arith.addi %while3A, %while3A_608 : i32
      %while3A_610 = arith.constant 1 : i32
      %while3A_611:6 = scf.for %while3A_1039 = %while3A to %while3A_609 step %while3A_610 iter_args(%while3A_1040 = %select_n3A_568, %while3A_1041 = %select_n3A_565, %while3A_1042 = %select_n3A_561, %while3A_1043 = %select_n3A_569, %while3A_1044 = %select_n3A_567, %while3A_1045 = %select_n3A_563) -> (vector<16xf32>, vector<16xf32>, vector<16xf32>, vector<16xi32>, vector<16xi32>, vector<16xi32>)  : i32 {
        %mul3A_1046 = arith.constant 16 : i32
        %mul3A_1047 = arith.muli %while3A_1039, %mul3A_1046 : i32
        %get3A_1048 = arith.index_cast %mul3A_1047 : i32 to index
        %get3A_1049 = tpu.vector_load %arg24[%get3A_1048] {strides = array<i32>} : memref<1040xi32, #tpu.memory_space<vmem>>, vector<16xi32>,
        %and3A_1050 = arith.constant 65535 : i32
        %and3A_1051 = vector.broadcast %and3A_1050 : i32 to vector<16xi32>
        %and3A_1052 = arith.andi %get3A_1049, %and3A_1051 : vector<16xi32>
        %gather3A_1053 = tpu.vector_load_idx %arg20[%and3A_1052] : memref<1040xf32, #tpu.memory_space<vmem>>[vector<16xi32>], vector<16xf32>,
        %gather3A_1054 = tpu.vector_load_idx %arg21[%and3A_1052] : memref<1040xf32, #tpu.memory_space<vmem>>[vector<16xi32>], vector<16xf32>,
        %gather3A_1055 = tpu.vector_load_idx %arg22[%and3A_1052] : memref<1040xf32, #tpu.memory_space<vmem>>[vector<16xi32>], vector<16xf32>,
        %gather3A_1056 = tpu.vector_load_idx %arg23[%and3A_1052] : memref<1040xf32, #tpu.memory_space<vmem>>[vector<16xi32>], vector<16xf32>,
        %slice3A_1057 = vector.extract_strided_slice %gather3A_1053 {offsets = [0], sizes = [1], strides = [1]} : vector<16xf32> to vector<1xf32>
        %squeeze3A_1058 = vector.extract %slice3A_1057[0] : f32 from vector<1xf32>
        %broadcast_in_dim3A_1059 = vector.broadcast %squeeze3A_1058 : f32 to vector<16xf32>
        %slice3A_1060 = vector.extract_strided_slice %gather3A_1054 {offsets = [0], sizes = [1], strides = [1]} : vector<16xf32> to vector<1xf32>
        %squeeze3A_1061 = vector.extract %slice3A_1060[0] : f32 from vector<1xf32>
        %broadcast_in_dim3A_1062 = vector.broadcast %squeeze3A_1061 : f32 to vector<16xf32>
        %slice3A_1063 = vector.extract_strided_slice %gather3A_1055 {offsets = [0], sizes = [1], strides = [1]} : vector<16xf32> to vector<1xf32>
        %squeeze3A_1064 = vector.extract %slice3A_1063[0] : f32 from vector<1xf32>
        %broadcast_in_dim3A_1065 = vector.broadcast %squeeze3A_1064 : f32 to vector<16xf32>
        %slice3A_1066 = vector.extract_strided_slice %gather3A_1056 {offsets = [0], sizes = [1], strides = [1]} : vector<16xf32> to vector<1xf32>
        %squeeze3A_1067 = vector.extract %slice3A_1066[0] : f32 from vector<1xf32>
        %broadcast_in_dim3A_1068 = vector.broadcast %squeeze3A_1067 : f32 to vector<16xf32>
        %mul3A_1069 = arith.mulf %get3A_166, %broadcast_in_dim3A_1059 : vector<16xf32>
        %mul3A_1070 = arith.mulf %get3A_170, %broadcast_in_dim3A_1062 : vector<16xf32>
        %add3A_1071 = arith.addf %mul3A_1069, %mul3A_1070 : vector<16xf32>
        %mul3A_1072 = arith.mulf %get3A_174, %broadcast_in_dim3A_1065 : vector<16xf32>
        %add3A_1073 = arith.addf %add3A_1071, %mul3A_1072 : vector<16xf32>
        %add3A_1074 = arith.addf %add3A_195, %broadcast_in_dim3A_1068 : vector<16xf32>
        %add3A_1075 = arith.addf %add3A_1073, %add3A_1073 : vector<16xf32>
        %sub3A_1076 = arith.subf %add3A_1074, %add3A_1075 : vector<16xf32>
        %slice3A_1077 = vector.extract_strided_slice %get3A_1049 {offsets = [0], sizes = [1], strides = [1]} : vector<16xi32> to vector<1xi32>
        %squeeze3A_1078 = vector.extract %slice3A_1077[0] : i32 from vector<1xi32>
        %broadcast_in_dim3A_1079 = vector.broadcast %squeeze3A_1078 : i32 to vector<16xi32>
        %and3A_1080 = arith.andi %broadcast_in_dim3A_1079, %select_n3A_577 : vector<16xi32>
        %ne3A_1081 = arith.constant 0 : i32
        %ne3A_1082 = vector.broadcast %ne3A_1081 : i32 to vector<16xi32>
        %ne3A_1083 = arith.cmpi ne, %and3A_1080, %ne3A_1082 : vector<16xi32>
        %le3A_1084 = arith.constant 5.760000e+00 : f32
        %le3A_1085 = vector.broadcast %le3A_1084 : f32 to vector<16xf32>
        %le3A_1086 = arith.cmpf ole, %sub3A_1076, %le3A_1085 : vector<16xf32>
        %and3A_1087 = arith.andi %le3A_1086, %ne3A_1083 : vector<16xi1>
        %jit3A_1088 = arith.constant 1.000000e+10 : f32
        %broadcast_in_dim3A_1089 = vector.broadcast %jit3A_1088 : f32 to vector<16xf32>
        %select_n3A_1090 = arith.select %and3A_1087, %sub3A_1076, %broadcast_in_dim3A_1089 : vector<16xi1>, vector<16xf32>
        %slice3A_1091 = vector.extract_strided_slice %and3A_1052 {offsets = [0], sizes = [1], strides = [1]} : vector<16xi32> to vector<1xi32>
        %squeeze3A_1092 = vector.extract %slice3A_1091[0] : i32 from vector<1xi32>
        %broadcast_in_dim3A_1093 = vector.broadcast %squeeze3A_1092 : i32 to vector<16xi32>
        %lt3A_1094 = arith.cmpf olt, %select_n3A_1090, %while3A_1040 : vector<16xf32>
        %lt3A_1095 = arith.cmpf olt, %select_n3A_1090, %while3A_1041 : vector<16xf32>
        %lt3A_1096 = arith.cmpf olt, %select_n3A_1090, %while3A_1042 : vector<16xf32>
        %select_n3A_1097 = arith.select %lt3A_1096, %select_n3A_1090, %while3A_1042 : vector<16xi1>, vector<16xf32>
        %select_n3A_1098 = arith.select %lt3A_1095, %while3A_1041, %select_n3A_1097 : vector<16xi1>, vector<16xf32>
        %select_n3A_1099 = arith.select %lt3A_1096, %broadcast_in_dim3A_1093, %while3A_1045 : vector<16xi1>, vector<16xi32>
        %select_n3A_1100 = arith.select %lt3A_1095, %while3A_1044, %select_n3A_1099 : vector<16xi1>, vector<16xi32>
        %select_n3A_1101 = arith.select %lt3A_1095, %select_n3A_1090, %while3A_1041 : vector<16xi1>, vector<16xf32>
        %select_n3A_1102 = arith.select %lt3A_1094, %while3A_1040, %select_n3A_1101 : vector<16xi1>, vector<16xf32>
        %select_n3A_1103 = arith.select %lt3A_1095, %broadcast_in_dim3A_1093, %while3A_1044 : vector<16xi1>, vector<16xi32>
        %select_n3A_1104 = arith.select %lt3A_1094, %while3A_1043, %select_n3A_1103 : vector<16xi1>, vector<16xi32>
        %select_n3A_1105 = arith.select %lt3A_1094, %select_n3A_1090, %while3A_1040 : vector<16xi1>, vector<16xf32>
        %select_n3A_1106 = arith.select %lt3A_1094, %broadcast_in_dim3A_1093, %while3A_1043 : vector<16xi1>, vector<16xi32>
        %slice3A_1107 = vector.extract_strided_slice %gather3A_1053 {offsets = [1], sizes = [1], strides = [1]} : vector<16xf32> to vector<1xf32>
        %squeeze3A_1108 = vector.extract %slice3A_1107[0] : f32 from vector<1xf32>
        %broadcast_in_dim3A_1109 = vector.broadcast %squeeze3A_1108 : f32 to vector<16xf32>
        %slice3A_1110 = vector.extract_strided_slice %gather3A_1054 {offsets = [1], sizes = [1], strides = [1]} : vector<16xf32> to vector<1xf32>
        %squeeze3A_1111 = vector.extract %slice3A_1110[0] : f32 from vector<1xf32>
        %broadcast_in_dim3A_1112 = vector.broadcast %squeeze3A_1111 : f32 to vector<16xf32>
        %slice3A_1113 = vector.extract_strided_slice %gather3A_1055 {offsets = [1], sizes = [1], strides = [1]} : vector<16xf32> to vector<1xf32>
        %squeeze3A_1114 = vector.extract %slice3A_1113[0] : f32 from vector<1xf32>
        %broadcast_in_dim3A_1115 = vector.broadcast %squeeze3A_1114 : f32 to vector<16xf32>
        %slice3A_1116 = vector.extract_strided_slice %gather3A_1056 {offsets = [1], sizes = [1], strides = [1]} : vector<16xf32> to vector<1xf32>
        %squeeze3A_1117 = vector.extract %slice3A_1116[0] : f32 from vector<1xf32>
        %broadcast_in_dim3A_1118 = vector.broadcast %squeeze3A_1117 : f32 to vector<16xf32>
        %mul3A_1119 = arith.mulf %get3A_166, %broadcast_in_dim3A_1109 : vector<16xf32>
        %mul3A_1120 = arith.mulf %get3A_170, %broadcast_in_dim3A_1112 : vector<16xf32>
        %add3A_1121 = arith.addf %mul3A_1119, %mul3A_1120 : vector<16xf32>
        %mul3A_1122 = arith.mulf %get3A_174, %broadcast_in_dim3A_1115 : vector<16xf32>
        %add3A_1123 = arith.addf %add3A_1121, %mul3A_1122 : vector<16xf32>
        %add3A_1124 = arith.addf %add3A_195, %broadcast_in_dim3A_1118 : vector<16xf32>
        %add3A_1125 = arith.addf %add3A_1123, %add3A_1123 : vector<16xf32>
        %sub3A_1126 = arith.subf %add3A_1124, %add3A_1125 : vector<16xf32>
        %slice3A_1127 = vector.extract_strided_slice %get3A_1049 {offsets = [1], sizes = [1], strides = [1]} : vector<16xi32> to vector<1xi32>
        %squeeze3A_1128 = vector.extract %slice3A_1127[0] : i32 from vector<1xi32>
        %broadcast_in_dim3A_1129 = vector.broadcast %squeeze3A_1128 : i32 to vector<16xi32>
        %and3A_1130 = arith.andi %broadcast_in_dim3A_1129, %select_n3A_577 : vector<16xi32>
        %ne3A_1131 = arith.constant 0 : i32
        %ne3A_1132 = vector.broadcast %ne3A_1131 : i32 to vector<16xi32>
        %ne3A_1133 = arith.cmpi ne, %and3A_1130, %ne3A_1132 : vector<16xi32>
        %le3A_1134 = arith.constant 5.760000e+00 : f32
        %le3A_1135 = vector.broadcast %le3A_1134 : f32 to vector<16xf32>
        %le3A_1136 = arith.cmpf ole, %sub3A_1126, %le3A_1135 : vector<16xf32>
        %and3A_1137 = arith.andi %le3A_1136, %ne3A_1133 : vector<16xi1>
        %jit3A_1138 = arith.constant 1.000000e+10 : f32
        %broadcast_in_dim3A_1139 = vector.broadcast %jit3A_1138 : f32 to vector<16xf32>
        %select_n3A_1140 = arith.select %and3A_1137, %sub3A_1126, %broadcast_in_dim3A_1139 : vector<16xi1>, vector<16xf32>
        %slice3A_1141 = vector.extract_strided_slice %and3A_1052 {offsets = [1], sizes = [1], strides = [1]} : vector<16xi32> to vector<1xi32>
        %squeeze3A_1142 = vector.extract %slice3A_1141[0] : i32 from vector<1xi32>
        %broadcast_in_dim3A_1143 = vector.broadcast %squeeze3A_1142 : i32 to vector<16xi32>
        %lt3A_1144 = arith.cmpf olt, %select_n3A_1140, %select_n3A_1105 : vector<16xf32>
        %lt3A_1145 = arith.cmpf olt, %select_n3A_1140, %select_n3A_1102 : vector<16xf32>
        %lt3A_1146 = arith.cmpf olt, %select_n3A_1140, %select_n3A_1098 : vector<16xf32>
        %select_n3A_1147 = arith.select %lt3A_1146, %select_n3A_1140, %select_n3A_1098 : vector<16xi1>, vector<16xf32>
        %select_n3A_1148 = arith.select %lt3A_1145, %select_n3A_1102, %select_n3A_1147 : vector<16xi1>, vector<16xf32>
        %select_n3A_1149 = arith.select %lt3A_1146, %broadcast_in_dim3A_1143, %select_n3A_1100 : vector<16xi1>, vector<16xi32>
        %select_n3A_1150 = arith.select %lt3A_1145, %select_n3A_1104, %select_n3A_1149 : vector<16xi1>, vector<16xi32>
        %select_n3A_1151 = arith.select %lt3A_1145, %select_n3A_1140, %select_n3A_1102 : vector<16xi1>, vector<16xf32>
        %select_n3A_1152 = arith.select %lt3A_1144, %select_n3A_1105, %select_n3A_1151 : vector<16xi1>, vector<16xf32>
        %select_n3A_1153 = arith.select %lt3A_1145, %broadcast_in_dim3A_1143, %select_n3A_1104 : vector<16xi1>, vector<16xi32>
        %select_n3A_1154 = arith.select %lt3A_1144, %select_n3A_1106, %select_n3A_1153 : vector<16xi1>, vector<16xi32>
        %select_n3A_1155 = arith.select %lt3A_1144, %select_n3A_1140, %select_n3A_1105 : vector<16xi1>, vector<16xf32>
        %select_n3A_1156 = arith.select %lt3A_1144, %broadcast_in_dim3A_1143, %select_n3A_1106 : vector<16xi1>, vector<16xi32>
        %slice3A_1157 = vector.extract_strided_slice %gather3A_1053 {offsets = [2], sizes = [1], strides = [1]} : vector<16xf32> to vector<1xf32>
        %squeeze3A_1158 = vector.extract %slice3A_1157[0] : f32 from vector<1xf32>
        %broadcast_in_dim3A_1159 = vector.broadcast %squeeze3A_1158 : f32 to vector<16xf32>
        %slice3A_1160 = vector.extract_strided_slice %gather3A_1054 {offsets = [2], sizes = [1], strides = [1]} : vector<16xf32> to vector<1xf32>
        %squeeze3A_1161 = vector.extract %slice3A_1160[0] : f32 from vector<1xf32>
        %broadcast_in_dim3A_1162 = vector.broadcast %squeeze3A_1161 : f32 to vector<16xf32>
        %slice3A_1163 = vector.extract_strided_slice %gather3A_1055 {offsets = [2], sizes = [1], strides = [1]} : vector<16xf32> to vector<1xf32>
        %squeeze3A_1164 = vector.extract %slice3A_1163[0] : f32 from vector<1xf32>
        %broadcast_in_dim3A_1165 = vector.broadcast %squeeze3A_1164 : f32 to vector<16xf32>
        %slice3A_1166 = vector.extract_strided_slice %gather3A_1056 {offsets = [2], sizes = [1], strides = [1]} : vector<16xf32> to vector<1xf32>
        %squeeze3A_1167 = vector.extract %slice3A_1166[0] : f32 from vector<1xf32>
        %broadcast_in_dim3A_1168 = vector.broadcast %squeeze3A_1167 : f32 to vector<16xf32>
        %mul3A_1169 = arith.mulf %get3A_166, %broadcast_in_dim3A_1159 : vector<16xf32>
        %mul3A_1170 = arith.mulf %get3A_170, %broadcast_in_dim3A_1162 : vector<16xf32>
        %add3A_1171 = arith.addf %mul3A_1169, %mul3A_1170 : vector<16xf32>
        %mul3A_1172 = arith.mulf %get3A_174, %broadcast_in_dim3A_1165 : vector<16xf32>
        %add3A_1173 = arith.addf %add3A_1171, %mul3A_1172 : vector<16xf32>
        %add3A_1174 = arith.addf %add3A_195, %broadcast_in_dim3A_1168 : vector<16xf32>
        %add3A_1175 = arith.addf %add3A_1173, %add3A_1173 : vector<16xf32>
        %sub3A_1176 = arith.subf %add3A_1174, %add3A_1175 : vector<16xf32>
        %slice3A_1177 = vector.extract_strided_slice %get3A_1049 {offsets = [2], sizes = [1], strides = [1]} : vector<16xi32> to vector<1xi32>
        %squeeze3A_1178 = vector.extract %slice3A_1177[0] : i32 from vector<1xi32>
        %broadcast_in_dim3A_1179 = vector.broadcast %squeeze3A_1178 : i32 to vector<16xi32>
        %and3A_1180 = arith.andi %broadcast_in_dim3A_1179, %select_n3A_577 : vector<16xi32>
        %ne3A_1181 = arith.constant 0 : i32
        %ne3A_1182 = vector.broadcast %ne3A_1181 : i32 to vector<16xi32>
        %ne3A_1183 = arith.cmpi ne, %and3A_1180, %ne3A_1182 : vector<16xi32>
        %le3A_1184 = arith.constant 5.760000e+00 : f32
        %le3A_1185 = vector.broadcast %le3A_1184 : f32 to vector<16xf32>
        %le3A_1186 = arith.cmpf ole, %sub3A_1176, %le3A_1185 : vector<16xf32>
        %and3A_1187 = arith.andi %le3A_1186, %ne3A_1183 : vector<16xi1>
        %jit3A_1188 = arith.constant 1.000000e+10 : f32
        %broadcast_in_dim3A_1189 = vector.broadcast %jit3A_1188 : f32 to vector<16xf32>
        %select_n3A_1190 = arith.select %and3A_1187, %sub3A_1176, %broadcast_in_dim3A_1189 : vector<16xi1>, vector<16xf32>
        %slice3A_1191 = vector.extract_strided_slice %and3A_1052 {offsets = [2], sizes = [1], strides = [1]} : vector<16xi32> to vector<1xi32>
        %squeeze3A_1192 = vector.extract %slice3A_1191[0] : i32 from vector<1xi32>
        %broadcast_in_dim3A_1193 = vector.broadcast %squeeze3A_1192 : i32 to vector<16xi32>
        %lt3A_1194 = arith.cmpf olt, %select_n3A_1190, %select_n3A_1155 : vector<16xf32>
        %lt3A_1195 = arith.cmpf olt, %select_n3A_1190, %select_n3A_1152 : vector<16xf32>
        %lt3A_1196 = arith.cmpf olt, %select_n3A_1190, %select_n3A_1148 : vector<16xf32>
        %select_n3A_1197 = arith.select %lt3A_1196, %select_n3A_1190, %select_n3A_1148 : vector<16xi1>, vector<16xf32>
        %select_n3A_1198 = arith.select %lt3A_1195, %select_n3A_1152, %select_n3A_1197 : vector<16xi1>, vector<16xf32>
        %select_n3A_1199 = arith.select %lt3A_1196, %broadcast_in_dim3A_1193, %select_n3A_1150 : vector<16xi1>, vector<16xi32>
        %select_n3A_1200 = arith.select %lt3A_1195, %select_n3A_1154, %select_n3A_1199 : vector<16xi1>, vector<16xi32>
        %select_n3A_1201 = arith.select %lt3A_1195, %select_n3A_1190, %select_n3A_1152 : vector<16xi1>, vector<16xf32>
        %select_n3A_1202 = arith.select %lt3A_1194, %select_n3A_1155, %select_n3A_1201 : vector<16xi1>, vector<16xf32>
        %select_n3A_1203 = arith.select %lt3A_1195, %broadcast_in_dim3A_1193, %select_n3A_1154 : vector<16xi1>, vector<16xi32>
        %select_n3A_1204 = arith.select %lt3A_1194, %select_n3A_1156, %select_n3A_1203 : vector<16xi1>, vector<16xi32>
        %select_n3A_1205 = arith.select %lt3A_1194, %select_n3A_1190, %select_n3A_1155 : vector<16xi1>, vector<16xf32>
        %select_n3A_1206 = arith.select %lt3A_1194, %broadcast_in_dim3A_1193, %select_n3A_1156 : vector<16xi1>, vector<16xi32>
        %slice3A_1207 = vector.extract_strided_slice %gather3A_1053 {offsets = [3], sizes = [1], strides = [1]} : vector<16xf32> to vector<1xf32>
        %squeeze3A_1208 = vector.extract %slice3A_1207[0] : f32 from vector<1xf32>
        %broadcast_in_dim3A_1209 = vector.broadcast %squeeze3A_1208 : f32 to vector<16xf32>
        %slice3A_1210 = vector.extract_strided_slice %gather3A_1054 {offsets = [3], sizes = [1], strides = [1]} : vector<16xf32> to vector<1xf32>
        %squeeze3A_1211 = vector.extract %slice3A_1210[0] : f32 from vector<1xf32>
        %broadcast_in_dim3A_1212 = vector.broadcast %squeeze3A_1211 : f32 to vector<16xf32>
        %slice3A_1213 = vector.extract_strided_slice %gather3A_1055 {offsets = [3], sizes = [1], strides = [1]} : vector<16xf32> to vector<1xf32>
        %squeeze3A_1214 = vector.extract %slice3A_1213[0] : f32 from vector<1xf32>
        %broadcast_in_dim3A_1215 = vector.broadcast %squeeze3A_1214 : f32 to vector<16xf32>
        %slice3A_1216 = vector.extract_strided_slice %gather3A_1056 {offsets = [3], sizes = [1], strides = [1]} : vector<16xf32> to vector<1xf32>
        %squeeze3A_1217 = vector.extract %slice3A_1216[0] : f32 from vector<1xf32>
        %broadcast_in_dim3A_1218 = vector.broadcast %squeeze3A_1217 : f32 to vector<16xf32>
        %mul3A_1219 = arith.mulf %get3A_166, %broadcast_in_dim3A_1209 : vector<16xf32>
        %mul3A_1220 = arith.mulf %get3A_170, %broadcast_in_dim3A_1212 : vector<16xf32>
        %add3A_1221 = arith.addf %mul3A_1219, %mul3A_1220 : vector<16xf32>
        %mul3A_1222 = arith.mulf %get3A_174, %broadcast_in_dim3A_1215 : vector<16xf32>
        %add3A_1223 = arith.addf %add3A_1221, %mul3A_1222 : vector<16xf32>
        %add3A_1224 = arith.addf %add3A_195, %broadcast_in_dim3A_1218 : vector<16xf32>
        %add3A_1225 = arith.addf %add3A_1223, %add3A_1223 : vector<16xf32>
        %sub3A_1226 = arith.subf %add3A_1224, %add3A_1225 : vector<16xf32>
        %slice3A_1227 = vector.extract_strided_slice %get3A_1049 {offsets = [3], sizes = [1], strides = [1]} : vector<16xi32> to vector<1xi32>
        %squeeze3A_1228 = vector.extract %slice3A_1227[0] : i32 from vector<1xi32>
        %broadcast_in_dim3A_1229 = vector.broadcast %squeeze3A_1228 : i32 to vector<16xi32>
        %and3A_1230 = arith.andi %broadcast_in_dim3A_1229, %select_n3A_577 : vector<16xi32>
        %ne3A_1231 = arith.constant 0 : i32
        %ne3A_1232 = vector.broadcast %ne3A_1231 : i32 to vector<16xi32>
        %ne3A_1233 = arith.cmpi ne, %and3A_1230, %ne3A_1232 : vector<16xi32>
        %le3A_1234 = arith.constant 5.760000e+00 : f32
        %le3A_1235 = vector.broadcast %le3A_1234 : f32 to vector<16xf32>
        %le3A_1236 = arith.cmpf ole, %sub3A_1226, %le3A_1235 : vector<16xf32>
        %and3A_1237 = arith.andi %le3A_1236, %ne3A_1233 : vector<16xi1>
        %jit3A_1238 = arith.constant 1.000000e+10 : f32
        %broadcast_in_dim3A_1239 = vector.broadcast %jit3A_1238 : f32 to vector<16xf32>
        %select_n3A_1240 = arith.select %and3A_1237, %sub3A_1226, %broadcast_in_dim3A_1239 : vector<16xi1>, vector<16xf32>
        %slice3A_1241 = vector.extract_strided_slice %and3A_1052 {offsets = [3], sizes = [1], strides = [1]} : vector<16xi32> to vector<1xi32>
        %squeeze3A_1242 = vector.extract %slice3A_1241[0] : i32 from vector<1xi32>
        %broadcast_in_dim3A_1243 = vector.broadcast %squeeze3A_1242 : i32 to vector<16xi32>
        %lt3A_1244 = arith.cmpf olt, %select_n3A_1240, %select_n3A_1205 : vector<16xf32>
        %lt3A_1245 = arith.cmpf olt, %select_n3A_1240, %select_n3A_1202 : vector<16xf32>
        %lt3A_1246 = arith.cmpf olt, %select_n3A_1240, %select_n3A_1198 : vector<16xf32>
        %select_n3A_1247 = arith.select %lt3A_1246, %select_n3A_1240, %select_n3A_1198 : vector<16xi1>, vector<16xf32>
        %select_n3A_1248 = arith.select %lt3A_1245, %select_n3A_1202, %select_n3A_1247 : vector<16xi1>, vector<16xf32>
        %select_n3A_1249 = arith.select %lt3A_1246, %broadcast_in_dim3A_1243, %select_n3A_1200 : vector<16xi1>, vector<16xi32>
        %select_n3A_1250 = arith.select %lt3A_1245, %select_n3A_1204, %select_n3A_1249 : vector<16xi1>, vector<16xi32>
        %select_n3A_1251 = arith.select %lt3A_1245, %select_n3A_1240, %select_n3A_1202 : vector<16xi1>, vector<16xf32>
        %select_n3A_1252 = arith.select %lt3A_1244, %select_n3A_1205, %select_n3A_1251 : vector<16xi1>, vector<16xf32>
        %select_n3A_1253 = arith.select %lt3A_1245, %broadcast_in_dim3A_1243, %select_n3A_1204 : vector<16xi1>, vector<16xi32>
        %select_n3A_1254 = arith.select %lt3A_1244, %select_n3A_1206, %select_n3A_1253 : vector<16xi1>, vector<16xi32>
        %select_n3A_1255 = arith.select %lt3A_1244, %select_n3A_1240, %select_n3A_1205 : vector<16xi1>, vector<16xf32>
        %select_n3A_1256 = arith.select %lt3A_1244, %broadcast_in_dim3A_1243, %select_n3A_1206 : vector<16xi1>, vector<16xi32>
        %slice3A_1257 = vector.extract_strided_slice %gather3A_1053 {offsets = [4], sizes = [1], strides = [1]} : vector<16xf32> to vector<1xf32>
        %squeeze3A_1258 = vector.extract %slice3A_1257[0] : f32 from vector<1xf32>
        %broadcast_in_dim3A_1259 = vector.broadcast %squeeze3A_1258 : f32 to vector<16xf32>
        %slice3A_1260 = vector.extract_strided_slice %gather3A_1054 {offsets = [4], sizes = [1], strides = [1]} : vector<16xf32> to vector<1xf32>
        %squeeze3A_1261 = vector.extract %slice3A_1260[0] : f32 from vector<1xf32>
        %broadcast_in_dim3A_1262 = vector.broadcast %squeeze3A_1261 : f32 to vector<16xf32>
        %slice3A_1263 = vector.extract_strided_slice %gather3A_1055 {offsets = [4], sizes = [1], strides = [1]} : vector<16xf32> to vector<1xf32>
        %squeeze3A_1264 = vector.extract %slice3A_1263[0] : f32 from vector<1xf32>
        %broadcast_in_dim3A_1265 = vector.broadcast %squeeze3A_1264 : f32 to vector<16xf32>
        %slice3A_1266 = vector.extract_strided_slice %gather3A_1056 {offsets = [4], sizes = [1], strides = [1]} : vector<16xf32> to vector<1xf32>
        %squeeze3A_1267 = vector.extract %slice3A_1266[0] : f32 from vector<1xf32>
        %broadcast_in_dim3A_1268 = vector.broadcast %squeeze3A_1267 : f32 to vector<16xf32>
        %mul3A_1269 = arith.mulf %get3A_166, %broadcast_in_dim3A_1259 : vector<16xf32>
        %mul3A_1270 = arith.mulf %get3A_170, %broadcast_in_dim3A_1262 : vector<16xf32>
        %add3A_1271 = arith.addf %mul3A_1269, %mul3A_1270 : vector<16xf32>
        %mul3A_1272 = arith.mulf %get3A_174, %broadcast_in_dim3A_1265 : vector<16xf32>
        %add3A_1273 = arith.addf %add3A_1271, %mul3A_1272 : vector<16xf32>
        %add3A_1274 = arith.addf %add3A_195, %broadcast_in_dim3A_1268 : vector<16xf32>
        %add3A_1275 = arith.addf %add3A_1273, %add3A_1273 : vector<16xf32>
        %sub3A_1276 = arith.subf %add3A_1274, %add3A_1275 : vector<16xf32>
        %slice3A_1277 = vector.extract_strided_slice %get3A_1049 {offsets = [4], sizes = [1], strides = [1]} : vector<16xi32> to vector<1xi32>
        %squeeze3A_1278 = vector.extract %slice3A_1277[0] : i32 from vector<1xi32>
        %broadcast_in_dim3A_1279 = vector.broadcast %squeeze3A_1278 : i32 to vector<16xi32>
        %and3A_1280 = arith.andi %broadcast_in_dim3A_1279, %select_n3A_577 : vector<16xi32>
        %ne3A_1281 = arith.constant 0 : i32
        %ne3A_1282 = vector.broadcast %ne3A_1281 : i32 to vector<16xi32>
        %ne3A_1283 = arith.cmpi ne, %and3A_1280, %ne3A_1282 : vector<16xi32>
        %le3A_1284 = arith.constant 5.760000e+00 : f32
        %le3A_1285 = vector.broadcast %le3A_1284 : f32 to vector<16xf32>
        %le3A_1286 = arith.cmpf ole, %sub3A_1276, %le3A_1285 : vector<16xf32>
        %and3A_1287 = arith.andi %le3A_1286, %ne3A_1283 : vector<16xi1>
        %jit3A_1288 = arith.constant 1.000000e+10 : f32
        %broadcast_in_dim3A_1289 = vector.broadcast %jit3A_1288 : f32 to vector<16xf32>
        %select_n3A_1290 = arith.select %and3A_1287, %sub3A_1276, %broadcast_in_dim3A_1289 : vector<16xi1>, vector<16xf32>
        %slice3A_1291 = vector.extract_strided_slice %and3A_1052 {offsets = [4], sizes = [1], strides = [1]} : vector<16xi32> to vector<1xi32>
        %squeeze3A_1292 = vector.extract %slice3A_1291[0] : i32 from vector<1xi32>
        %broadcast_in_dim3A_1293 = vector.broadcast %squeeze3A_1292 : i32 to vector<16xi32>
        %lt3A_1294 = arith.cmpf olt, %select_n3A_1290, %select_n3A_1255 : vector<16xf32>
        %lt3A_1295 = arith.cmpf olt, %select_n3A_1290, %select_n3A_1252 : vector<16xf32>
        %lt3A_1296 = arith.cmpf olt, %select_n3A_1290, %select_n3A_1248 : vector<16xf32>
        %select_n3A_1297 = arith.select %lt3A_1296, %select_n3A_1290, %select_n3A_1248 : vector<16xi1>, vector<16xf32>
        %select_n3A_1298 = arith.select %lt3A_1295, %select_n3A_1252, %select_n3A_1297 : vector<16xi1>, vector<16xf32>
        %select_n3A_1299 = arith.select %lt3A_1296, %broadcast_in_dim3A_1293, %select_n3A_1250 : vector<16xi1>, vector<16xi32>
        %select_n3A_1300 = arith.select %lt3A_1295, %select_n3A_1254, %select_n3A_1299 : vector<16xi1>, vector<16xi32>
        %select_n3A_1301 = arith.select %lt3A_1295, %select_n3A_1290, %select_n3A_1252 : vector<16xi1>, vector<16xf32>
        %select_n3A_1302 = arith.select %lt3A_1294, %select_n3A_1255, %select_n3A_1301 : vector<16xi1>, vector<16xf32>
        %select_n3A_1303 = arith.select %lt3A_1295, %broadcast_in_dim3A_1293, %select_n3A_1254 : vector<16xi1>, vector<16xi32>
        %select_n3A_1304 = arith.select %lt3A_1294, %select_n3A_1256, %select_n3A_1303 : vector<16xi1>, vector<16xi32>
        %select_n3A_1305 = arith.select %lt3A_1294, %select_n3A_1290, %select_n3A_1255 : vector<16xi1>, vector<16xf32>
        %select_n3A_1306 = arith.select %lt3A_1294, %broadcast_in_dim3A_1293, %select_n3A_1256 : vector<16xi1>, vector<16xi32>
        %slice3A_1307 = vector.extract_strided_slice %gather3A_1053 {offsets = [5], sizes = [1], strides = [1]} : vector<16xf32> to vector<1xf32>
        %squeeze3A_1308 = vector.extract %slice3A_1307[0] : f32 from vector<1xf32>
        %broadcast_in_dim3A_1309 = vector.broadcast %squeeze3A_1308 : f32 to vector<16xf32>
        %slice3A_1310 = vector.extract_strided_slice %gather3A_1054 {offsets = [5], sizes = [1], strides = [1]} : vector<16xf32> to vector<1xf32>
        %squeeze3A_1311 = vector.extract %slice3A_1310[0] : f32 from vector<1xf32>
        %broadcast_in_dim3A_1312 = vector.broadcast %squeeze3A_1311 : f32 to vector<16xf32>
        %slice3A_1313 = vector.extract_strided_slice %gather3A_1055 {offsets = [5], sizes = [1], strides = [1]} : vector<16xf32> to vector<1xf32>
        %squeeze3A_1314 = vector.extract %slice3A_1313[0] : f32 from vector<1xf32>
        %broadcast_in_dim3A_1315 = vector.broadcast %squeeze3A_1314 : f32 to vector<16xf32>
        %slice3A_1316 = vector.extract_strided_slice %gather3A_1056 {offsets = [5], sizes = [1], strides = [1]} : vector<16xf32> to vector<1xf32>
        %squeeze3A_1317 = vector.extract %slice3A_1316[0] : f32 from vector<1xf32>
        %broadcast_in_dim3A_1318 = vector.broadcast %squeeze3A_1317 : f32 to vector<16xf32>
        %mul3A_1319 = arith.mulf %get3A_166, %broadcast_in_dim3A_1309 : vector<16xf32>
        %mul3A_1320 = arith.mulf %get3A_170, %broadcast_in_dim3A_1312 : vector<16xf32>
        %add3A_1321 = arith.addf %mul3A_1319, %mul3A_1320 : vector<16xf32>
        %mul3A_1322 = arith.mulf %get3A_174, %broadcast_in_dim3A_1315 : vector<16xf32>
        %add3A_1323 = arith.addf %add3A_1321, %mul3A_1322 : vector<16xf32>
        %add3A_1324 = arith.addf %add3A_195, %broadcast_in_dim3A_1318 : vector<16xf32>
        %add3A_1325 = arith.addf %add3A_1323, %add3A_1323 : vector<16xf32>
        %sub3A_1326 = arith.subf %add3A_1324, %add3A_1325 : vector<16xf32>
        %slice3A_1327 = vector.extract_strided_slice %get3A_1049 {offsets = [5], sizes = [1], strides = [1]} : vector<16xi32> to vector<1xi32>
        %squeeze3A_1328 = vector.extract %slice3A_1327[0] : i32 from vector<1xi32>
        %broadcast_in_dim3A_1329 = vector.broadcast %squeeze3A_1328 : i32 to vector<16xi32>
        %and3A_1330 = arith.andi %broadcast_in_dim3A_1329, %select_n3A_577 : vector<16xi32>
        %ne3A_1331 = arith.constant 0 : i32
        %ne3A_1332 = vector.broadcast %ne3A_1331 : i32 to vector<16xi32>
        %ne3A_1333 = arith.cmpi ne, %and3A_1330, %ne3A_1332 : vector<16xi32>
        %le3A_1334 = arith.constant 5.760000e+00 : f32
        %le3A_1335 = vector.broadcast %le3A_1334 : f32 to vector<16xf32>
        %le3A_1336 = arith.cmpf ole, %sub3A_1326, %le3A_1335 : vector<16xf32>
        %and3A_1337 = arith.andi %le3A_1336, %ne3A_1333 : vector<16xi1>
        %jit3A_1338 = arith.constant 1.000000e+10 : f32
        %broadcast_in_dim3A_1339 = vector.broadcast %jit3A_1338 : f32 to vector<16xf32>
        %select_n3A_1340 = arith.select %and3A_1337, %sub3A_1326, %broadcast_in_dim3A_1339 : vector<16xi1>, vector<16xf32>
        %slice3A_1341 = vector.extract_strided_slice %and3A_1052 {offsets = [5], sizes = [1], strides = [1]} : vector<16xi32> to vector<1xi32>
        %squeeze3A_1342 = vector.extract %slice3A_1341[0] : i32 from vector<1xi32>
        %broadcast_in_dim3A_1343 = vector.broadcast %squeeze3A_1342 : i32 to vector<16xi32>
        %lt3A_1344 = arith.cmpf olt, %select_n3A_1340, %select_n3A_1305 : vector<16xf32>
        %lt3A_1345 = arith.cmpf olt, %select_n3A_1340, %select_n3A_1302 : vector<16xf32>
        %lt3A_1346 = arith.cmpf olt, %select_n3A_1340, %select_n3A_1298 : vector<16xf32>
        %select_n3A_1347 = arith.select %lt3A_1346, %select_n3A_1340, %select_n3A_1298 : vector<16xi1>, vector<16xf32>
        %select_n3A_1348 = arith.select %lt3A_1345, %select_n3A_1302, %select_n3A_1347 : vector<16xi1>, vector<16xf32>
        %select_n3A_1349 = arith.select %lt3A_1346, %broadcast_in_dim3A_1343, %select_n3A_1300 : vector<16xi1>, vector<16xi32>
        %select_n3A_1350 = arith.select %lt3A_1345, %select_n3A_1304, %select_n3A_1349 : vector<16xi1>, vector<16xi32>
        %select_n3A_1351 = arith.select %lt3A_1345, %select_n3A_1340, %select_n3A_1302 : vector<16xi1>, vector<16xf32>
        %select_n3A_1352 = arith.select %lt3A_1344, %select_n3A_1305, %select_n3A_1351 : vector<16xi1>, vector<16xf32>
        %select_n3A_1353 = arith.select %lt3A_1345, %broadcast_in_dim3A_1343, %select_n3A_1304 : vector<16xi1>, vector<16xi32>
        %select_n3A_1354 = arith.select %lt3A_1344, %select_n3A_1306, %select_n3A_1353 : vector<16xi1>, vector<16xi32>
        %select_n3A_1355 = arith.select %lt3A_1344, %select_n3A_1340, %select_n3A_1305 : vector<16xi1>, vector<16xf32>
        %select_n3A_1356 = arith.select %lt3A_1344, %broadcast_in_dim3A_1343, %select_n3A_1306 : vector<16xi1>, vector<16xi32>
        %slice3A_1357 = vector.extract_strided_slice %gather3A_1053 {offsets = [6], sizes = [1], strides = [1]} : vector<16xf32> to vector<1xf32>
        %squeeze3A_1358 = vector.extract %slice3A_1357[0] : f32 from vector<1xf32>
        %broadcast_in_dim3A_1359 = vector.broadcast %squeeze3A_1358 : f32 to vector<16xf32>
        %slice3A_1360 = vector.extract_strided_slice %gather3A_1054 {offsets = [6], sizes = [1], strides = [1]} : vector<16xf32> to vector<1xf32>
        %squeeze3A_1361 = vector.extract %slice3A_1360[0] : f32 from vector<1xf32>
        %broadcast_in_dim3A_1362 = vector.broadcast %squeeze3A_1361 : f32 to vector<16xf32>
        %slice3A_1363 = vector.extract_strided_slice %gather3A_1055 {offsets = [6], sizes = [1], strides = [1]} : vector<16xf32> to vector<1xf32>
        %squeeze3A_1364 = vector.extract %slice3A_1363[0] : f32 from vector<1xf32>
        %broadcast_in_dim3A_1365 = vector.broadcast %squeeze3A_1364 : f32 to vector<16xf32>
        %slice3A_1366 = vector.extract_strided_slice %gather3A_1056 {offsets = [6], sizes = [1], strides = [1]} : vector<16xf32> to vector<1xf32>
        %squeeze3A_1367 = vector.extract %slice3A_1366[0] : f32 from vector<1xf32>
        %broadcast_in_dim3A_1368 = vector.broadcast %squeeze3A_1367 : f32 to vector<16xf32>
        %mul3A_1369 = arith.mulf %get3A_166, %broadcast_in_dim3A_1359 : vector<16xf32>
        %mul3A_1370 = arith.mulf %get3A_170, %broadcast_in_dim3A_1362 : vector<16xf32>
        %add3A_1371 = arith.addf %mul3A_1369, %mul3A_1370 : vector<16xf32>
        %mul3A_1372 = arith.mulf %get3A_174, %broadcast_in_dim3A_1365 : vector<16xf32>
        %add3A_1373 = arith.addf %add3A_1371, %mul3A_1372 : vector<16xf32>
        %add3A_1374 = arith.addf %add3A_195, %broadcast_in_dim3A_1368 : vector<16xf32>
        %add3A_1375 = arith.addf %add3A_1373, %add3A_1373 : vector<16xf32>
        %sub3A_1376 = arith.subf %add3A_1374, %add3A_1375 : vector<16xf32>
        %slice3A_1377 = vector.extract_strided_slice %get3A_1049 {offsets = [6], sizes = [1], strides = [1]} : vector<16xi32> to vector<1xi32>
        %squeeze3A_1378 = vector.extract %slice3A_1377[0] : i32 from vector<1xi32>
        %broadcast_in_dim3A_1379 = vector.broadcast %squeeze3A_1378 : i32 to vector<16xi32>
        %and3A_1380 = arith.andi %broadcast_in_dim3A_1379, %select_n3A_577 : vector<16xi32>
        %ne3A_1381 = arith.constant 0 : i32
        %ne3A_1382 = vector.broadcast %ne3A_1381 : i32 to vector<16xi32>
        %ne3A_1383 = arith.cmpi ne, %and3A_1380, %ne3A_1382 : vector<16xi32>
        %le3A_1384 = arith.constant 5.760000e+00 : f32
        %le3A_1385 = vector.broadcast %le3A_1384 : f32 to vector<16xf32>
        %le3A_1386 = arith.cmpf ole, %sub3A_1376, %le3A_1385 : vector<16xf32>
        %and3A_1387 = arith.andi %le3A_1386, %ne3A_1383 : vector<16xi1>
        %jit3A_1388 = arith.constant 1.000000e+10 : f32
        %broadcast_in_dim3A_1389 = vector.broadcast %jit3A_1388 : f32 to vector<16xf32>
        %select_n3A_1390 = arith.select %and3A_1387, %sub3A_1376, %broadcast_in_dim3A_1389 : vector<16xi1>, vector<16xf32>
        %slice3A_1391 = vector.extract_strided_slice %and3A_1052 {offsets = [6], sizes = [1], strides = [1]} : vector<16xi32> to vector<1xi32>
        %squeeze3A_1392 = vector.extract %slice3A_1391[0] : i32 from vector<1xi32>
        %broadcast_in_dim3A_1393 = vector.broadcast %squeeze3A_1392 : i32 to vector<16xi32>
        %lt3A_1394 = arith.cmpf olt, %select_n3A_1390, %select_n3A_1355 : vector<16xf32>
        %lt3A_1395 = arith.cmpf olt, %select_n3A_1390, %select_n3A_1352 : vector<16xf32>
        %lt3A_1396 = arith.cmpf olt, %select_n3A_1390, %select_n3A_1348 : vector<16xf32>
        %select_n3A_1397 = arith.select %lt3A_1396, %select_n3A_1390, %select_n3A_1348 : vector<16xi1>, vector<16xf32>
        %select_n3A_1398 = arith.select %lt3A_1395, %select_n3A_1352, %select_n3A_1397 : vector<16xi1>, vector<16xf32>
        %select_n3A_1399 = arith.select %lt3A_1396, %broadcast_in_dim3A_1393, %select_n3A_1350 : vector<16xi1>, vector<16xi32>
        %select_n3A_1400 = arith.select %lt3A_1395, %select_n3A_1354, %select_n3A_1399 : vector<16xi1>, vector<16xi32>
        %select_n3A_1401 = arith.select %lt3A_1395, %select_n3A_1390, %select_n3A_1352 : vector<16xi1>, vector<16xf32>
        %select_n3A_1402 = arith.select %lt3A_1394, %select_n3A_1355, %select_n3A_1401 : vector<16xi1>, vector<16xf32>
        %select_n3A_1403 = arith.select %lt3A_1395, %broadcast_in_dim3A_1393, %select_n3A_1354 : vector<16xi1>, vector<16xi32>
        %select_n3A_1404 = arith.select %lt3A_1394, %select_n3A_1356, %select_n3A_1403 : vector<16xi1>, vector<16xi32>
        %select_n3A_1405 = arith.select %lt3A_1394, %select_n3A_1390, %select_n3A_1355 : vector<16xi1>, vector<16xf32>
        %select_n3A_1406 = arith.select %lt3A_1394, %broadcast_in_dim3A_1393, %select_n3A_1356 : vector<16xi1>, vector<16xi32>
        %slice3A_1407 = vector.extract_strided_slice %gather3A_1053 {offsets = [7], sizes = [1], strides = [1]} : vector<16xf32> to vector<1xf32>
        %squeeze3A_1408 = vector.extract %slice3A_1407[0] : f32 from vector<1xf32>
        %broadcast_in_dim3A_1409 = vector.broadcast %squeeze3A_1408 : f32 to vector<16xf32>
        %slice3A_1410 = vector.extract_strided_slice %gather3A_1054 {offsets = [7], sizes = [1], strides = [1]} : vector<16xf32> to vector<1xf32>
        %squeeze3A_1411 = vector.extract %slice3A_1410[0] : f32 from vector<1xf32>
        %broadcast_in_dim3A_1412 = vector.broadcast %squeeze3A_1411 : f32 to vector<16xf32>
        %slice3A_1413 = vector.extract_strided_slice %gather3A_1055 {offsets = [7], sizes = [1], strides = [1]} : vector<16xf32> to vector<1xf32>
        %squeeze3A_1414 = vector.extract %slice3A_1413[0] : f32 from vector<1xf32>
        %broadcast_in_dim3A_1415 = vector.broadcast %squeeze3A_1414 : f32 to vector<16xf32>
        %slice3A_1416 = vector.extract_strided_slice %gather3A_1056 {offsets = [7], sizes = [1], strides = [1]} : vector<16xf32> to vector<1xf32>
        %squeeze3A_1417 = vector.extract %slice3A_1416[0] : f32 from vector<1xf32>
        %broadcast_in_dim3A_1418 = vector.broadcast %squeeze3A_1417 : f32 to vector<16xf32>
        %mul3A_1419 = arith.mulf %get3A_166, %broadcast_in_dim3A_1409 : vector<16xf32>
        %mul3A_1420 = arith.mulf %get3A_170, %broadcast_in_dim3A_1412 : vector<16xf32>
        %add3A_1421 = arith.addf %mul3A_1419, %mul3A_1420 : vector<16xf32>
        %mul3A_1422 = arith.mulf %get3A_174, %broadcast_in_dim3A_1415 : vector<16xf32>
        %add3A_1423 = arith.addf %add3A_1421, %mul3A_1422 : vector<16xf32>
        %add3A_1424 = arith.addf %add3A_195, %broadcast_in_dim3A_1418 : vector<16xf32>
        %add3A_1425 = arith.addf %add3A_1423, %add3A_1423 : vector<16xf32>
        %sub3A_1426 = arith.subf %add3A_1424, %add3A_1425 : vector<16xf32>
        %slice3A_1427 = vector.extract_strided_slice %get3A_1049 {offsets = [7], sizes = [1], strides = [1]} : vector<16xi32> to vector<1xi32>
        %squeeze3A_1428 = vector.extract %slice3A_1427[0] : i32 from vector<1xi32>
        %broadcast_in_dim3A_1429 = vector.broadcast %squeeze3A_1428 : i32 to vector<16xi32>
        %and3A_1430 = arith.andi %broadcast_in_dim3A_1429, %select_n3A_577 : vector<16xi32>
        %ne3A_1431 = arith.constant 0 : i32
        %ne3A_1432 = vector.broadcast %ne3A_1431 : i32 to vector<16xi32>
        %ne3A_1433 = arith.cmpi ne, %and3A_1430, %ne3A_1432 : vector<16xi32>
        %le3A_1434 = arith.constant 5.760000e+00 : f32
        %le3A_1435 = vector.broadcast %le3A_1434 : f32 to vector<16xf32>
        %le3A_1436 = arith.cmpf ole, %sub3A_1426, %le3A_1435 : vector<16xf32>
        %and3A_1437 = arith.andi %le3A_1436, %ne3A_1433 : vector<16xi1>
        %jit3A_1438 = arith.constant 1.000000e+10 : f32
        %broadcast_in_dim3A_1439 = vector.broadcast %jit3A_1438 : f32 to vector<16xf32>
        %select_n3A_1440 = arith.select %and3A_1437, %sub3A_1426, %broadcast_in_dim3A_1439 : vector<16xi1>, vector<16xf32>
        %slice3A_1441 = vector.extract_strided_slice %and3A_1052 {offsets = [7], sizes = [1], strides = [1]} : vector<16xi32> to vector<1xi32>
        %squeeze3A_1442 = vector.extract %slice3A_1441[0] : i32 from vector<1xi32>
        %broadcast_in_dim3A_1443 = vector.broadcast %squeeze3A_1442 : i32 to vector<16xi32>
        %lt3A_1444 = arith.cmpf olt, %select_n3A_1440, %select_n3A_1405 : vector<16xf32>
        %lt3A_1445 = arith.cmpf olt, %select_n3A_1440, %select_n3A_1402 : vector<16xf32>
        %lt3A_1446 = arith.cmpf olt, %select_n3A_1440, %select_n3A_1398 : vector<16xf32>
        %select_n3A_1447 = arith.select %lt3A_1446, %select_n3A_1440, %select_n3A_1398 : vector<16xi1>, vector<16xf32>
        %select_n3A_1448 = arith.select %lt3A_1445, %select_n3A_1402, %select_n3A_1447 : vector<16xi1>, vector<16xf32>
        %select_n3A_1449 = arith.select %lt3A_1446, %broadcast_in_dim3A_1443, %select_n3A_1400 : vector<16xi1>, vector<16xi32>
        %select_n3A_1450 = arith.select %lt3A_1445, %select_n3A_1404, %select_n3A_1449 : vector<16xi1>, vector<16xi32>
        %select_n3A_1451 = arith.select %lt3A_1445, %select_n3A_1440, %select_n3A_1402 : vector<16xi1>, vector<16xf32>
        %select_n3A_1452 = arith.select %lt3A_1444, %select_n3A_1405, %select_n3A_1451 : vector<16xi1>, vector<16xf32>
        %select_n3A_1453 = arith.select %lt3A_1445, %broadcast_in_dim3A_1443, %select_n3A_1404 : vector<16xi1>, vector<16xi32>
        %select_n3A_1454 = arith.select %lt3A_1444, %select_n3A_1406, %select_n3A_1453 : vector<16xi1>, vector<16xi32>
        %select_n3A_1455 = arith.select %lt3A_1444, %select_n3A_1440, %select_n3A_1405 : vector<16xi1>, vector<16xf32>
        %select_n3A_1456 = arith.select %lt3A_1444, %broadcast_in_dim3A_1443, %select_n3A_1406 : vector<16xi1>, vector<16xi32>
        %slice3A_1457 = vector.extract_strided_slice %gather3A_1053 {offsets = [8], sizes = [1], strides = [1]} : vector<16xf32> to vector<1xf32>
        %squeeze3A_1458 = vector.extract %slice3A_1457[0] : f32 from vector<1xf32>
        %broadcast_in_dim3A_1459 = vector.broadcast %squeeze3A_1458 : f32 to vector<16xf32>
        %slice3A_1460 = vector.extract_strided_slice %gather3A_1054 {offsets = [8], sizes = [1], strides = [1]} : vector<16xf32> to vector<1xf32>
        %squeeze3A_1461 = vector.extract %slice3A_1460[0] : f32 from vector<1xf32>
        %broadcast_in_dim3A_1462 = vector.broadcast %squeeze3A_1461 : f32 to vector<16xf32>
        %slice3A_1463 = vector.extract_strided_slice %gather3A_1055 {offsets = [8], sizes = [1], strides = [1]} : vector<16xf32> to vector<1xf32>
        %squeeze3A_1464 = vector.extract %slice3A_1463[0] : f32 from vector<1xf32>
        %broadcast_in_dim3A_1465 = vector.broadcast %squeeze3A_1464 : f32 to vector<16xf32>
        %slice3A_1466 = vector.extract_strided_slice %gather3A_1056 {offsets = [8], sizes = [1], strides = [1]} : vector<16xf32> to vector<1xf32>
        %squeeze3A_1467 = vector.extract %slice3A_1466[0] : f32 from vector<1xf32>
        %broadcast_in_dim3A_1468 = vector.broadcast %squeeze3A_1467 : f32 to vector<16xf32>
        %mul3A_1469 = arith.mulf %get3A_166, %broadcast_in_dim3A_1459 : vector<16xf32>
        %mul3A_1470 = arith.mulf %get3A_170, %broadcast_in_dim3A_1462 : vector<16xf32>
        %add3A_1471 = arith.addf %mul3A_1469, %mul3A_1470 : vector<16xf32>
        %mul3A_1472 = arith.mulf %get3A_174, %broadcast_in_dim3A_1465 : vector<16xf32>
        %add3A_1473 = arith.addf %add3A_1471, %mul3A_1472 : vector<16xf32>
        %add3A_1474 = arith.addf %add3A_195, %broadcast_in_dim3A_1468 : vector<16xf32>
        %add3A_1475 = arith.addf %add3A_1473, %add3A_1473 : vector<16xf32>
        %sub3A_1476 = arith.subf %add3A_1474, %add3A_1475 : vector<16xf32>
        %slice3A_1477 = vector.extract_strided_slice %get3A_1049 {offsets = [8], sizes = [1], strides = [1]} : vector<16xi32> to vector<1xi32>
        %squeeze3A_1478 = vector.extract %slice3A_1477[0] : i32 from vector<1xi32>
        %broadcast_in_dim3A_1479 = vector.broadcast %squeeze3A_1478 : i32 to vector<16xi32>
        %and3A_1480 = arith.andi %broadcast_in_dim3A_1479, %select_n3A_577 : vector<16xi32>
        %ne3A_1481 = arith.constant 0 : i32
        %ne3A_1482 = vector.broadcast %ne3A_1481 : i32 to vector<16xi32>
        %ne3A_1483 = arith.cmpi ne, %and3A_1480, %ne3A_1482 : vector<16xi32>
        %le3A_1484 = arith.constant 5.760000e+00 : f32
        %le3A_1485 = vector.broadcast %le3A_1484 : f32 to vector<16xf32>
        %le3A_1486 = arith.cmpf ole, %sub3A_1476, %le3A_1485 : vector<16xf32>
        %and3A_1487 = arith.andi %le3A_1486, %ne3A_1483 : vector<16xi1>
        %jit3A_1488 = arith.constant 1.000000e+10 : f32
        %broadcast_in_dim3A_1489 = vector.broadcast %jit3A_1488 : f32 to vector<16xf32>
        %select_n3A_1490 = arith.select %and3A_1487, %sub3A_1476, %broadcast_in_dim3A_1489 : vector<16xi1>, vector<16xf32>
        %slice3A_1491 = vector.extract_strided_slice %and3A_1052 {offsets = [8], sizes = [1], strides = [1]} : vector<16xi32> to vector<1xi32>
        %squeeze3A_1492 = vector.extract %slice3A_1491[0] : i32 from vector<1xi32>
        %broadcast_in_dim3A_1493 = vector.broadcast %squeeze3A_1492 : i32 to vector<16xi32>
        %lt3A_1494 = arith.cmpf olt, %select_n3A_1490, %select_n3A_1455 : vector<16xf32>
        %lt3A_1495 = arith.cmpf olt, %select_n3A_1490, %select_n3A_1452 : vector<16xf32>
        %lt3A_1496 = arith.cmpf olt, %select_n3A_1490, %select_n3A_1448 : vector<16xf32>
        %select_n3A_1497 = arith.select %lt3A_1496, %select_n3A_1490, %select_n3A_1448 : vector<16xi1>, vector<16xf32>
        %select_n3A_1498 = arith.select %lt3A_1495, %select_n3A_1452, %select_n3A_1497 : vector<16xi1>, vector<16xf32>
        %select_n3A_1499 = arith.select %lt3A_1496, %broadcast_in_dim3A_1493, %select_n3A_1450 : vector<16xi1>, vector<16xi32>
        %select_n3A_1500 = arith.select %lt3A_1495, %select_n3A_1454, %select_n3A_1499 : vector<16xi1>, vector<16xi32>
        %select_n3A_1501 = arith.select %lt3A_1495, %select_n3A_1490, %select_n3A_1452 : vector<16xi1>, vector<16xf32>
        %select_n3A_1502 = arith.select %lt3A_1494, %select_n3A_1455, %select_n3A_1501 : vector<16xi1>, vector<16xf32>
        %select_n3A_1503 = arith.select %lt3A_1495, %broadcast_in_dim3A_1493, %select_n3A_1454 : vector<16xi1>, vector<16xi32>
        %select_n3A_1504 = arith.select %lt3A_1494, %select_n3A_1456, %select_n3A_1503 : vector<16xi1>, vector<16xi32>
        %select_n3A_1505 = arith.select %lt3A_1494, %select_n3A_1490, %select_n3A_1455 : vector<16xi1>, vector<16xf32>
        %select_n3A_1506 = arith.select %lt3A_1494, %broadcast_in_dim3A_1493, %select_n3A_1456 : vector<16xi1>, vector<16xi32>
        %slice3A_1507 = vector.extract_strided_slice %gather3A_1053 {offsets = [9], sizes = [1], strides = [1]} : vector<16xf32> to vector<1xf32>
        %squeeze3A_1508 = vector.extract %slice3A_1507[0] : f32 from vector<1xf32>
        %broadcast_in_dim3A_1509 = vector.broadcast %squeeze3A_1508 : f32 to vector<16xf32>
        %slice3A_1510 = vector.extract_strided_slice %gather3A_1054 {offsets = [9], sizes = [1], strides = [1]} : vector<16xf32> to vector<1xf32>
        %squeeze3A_1511 = vector.extract %slice3A_1510[0] : f32 from vector<1xf32>
        %broadcast_in_dim3A_1512 = vector.broadcast %squeeze3A_1511 : f32 to vector<16xf32>
        %slice3A_1513 = vector.extract_strided_slice %gather3A_1055 {offsets = [9], sizes = [1], strides = [1]} : vector<16xf32> to vector<1xf32>
        %squeeze3A_1514 = vector.extract %slice3A_1513[0] : f32 from vector<1xf32>
        %broadcast_in_dim3A_1515 = vector.broadcast %squeeze3A_1514 : f32 to vector<16xf32>
        %slice3A_1516 = vector.extract_strided_slice %gather3A_1056 {offsets = [9], sizes = [1], strides = [1]} : vector<16xf32> to vector<1xf32>
        %squeeze3A_1517 = vector.extract %slice3A_1516[0] : f32 from vector<1xf32>
        %broadcast_in_dim3A_1518 = vector.broadcast %squeeze3A_1517 : f32 to vector<16xf32>
        %mul3A_1519 = arith.mulf %get3A_166, %broadcast_in_dim3A_1509 : vector<16xf32>
        %mul3A_1520 = arith.mulf %get3A_170, %broadcast_in_dim3A_1512 : vector<16xf32>
        %add3A_1521 = arith.addf %mul3A_1519, %mul3A_1520 : vector<16xf32>
        %mul3A_1522 = arith.mulf %get3A_174, %broadcast_in_dim3A_1515 : vector<16xf32>
        %add3A_1523 = arith.addf %add3A_1521, %mul3A_1522 : vector<16xf32>
        %add3A_1524 = arith.addf %add3A_195, %broadcast_in_dim3A_1518 : vector<16xf32>
        %add3A_1525 = arith.addf %add3A_1523, %add3A_1523 : vector<16xf32>
        %sub3A_1526 = arith.subf %add3A_1524, %add3A_1525 : vector<16xf32>
        %slice3A_1527 = vector.extract_strided_slice %get3A_1049 {offsets = [9], sizes = [1], strides = [1]} : vector<16xi32> to vector<1xi32>
        %squeeze3A_1528 = vector.extract %slice3A_1527[0] : i32 from vector<1xi32>
        %broadcast_in_dim3A_1529 = vector.broadcast %squeeze3A_1528 : i32 to vector<16xi32>
        %and3A_1530 = arith.andi %broadcast_in_dim3A_1529, %select_n3A_577 : vector<16xi32>
        %ne3A_1531 = arith.constant 0 : i32
        %ne3A_1532 = vector.broadcast %ne3A_1531 : i32 to vector<16xi32>
        %ne3A_1533 = arith.cmpi ne, %and3A_1530, %ne3A_1532 : vector<16xi32>
        %le3A_1534 = arith.constant 5.760000e+00 : f32
        %le3A_1535 = vector.broadcast %le3A_1534 : f32 to vector<16xf32>
        %le3A_1536 = arith.cmpf ole, %sub3A_1526, %le3A_1535 : vector<16xf32>
        %and3A_1537 = arith.andi %le3A_1536, %ne3A_1533 : vector<16xi1>
        %jit3A_1538 = arith.constant 1.000000e+10 : f32
        %broadcast_in_dim3A_1539 = vector.broadcast %jit3A_1538 : f32 to vector<16xf32>
        %select_n3A_1540 = arith.select %and3A_1537, %sub3A_1526, %broadcast_in_dim3A_1539 : vector<16xi1>, vector<16xf32>
        %slice3A_1541 = vector.extract_strided_slice %and3A_1052 {offsets = [9], sizes = [1], strides = [1]} : vector<16xi32> to vector<1xi32>
        %squeeze3A_1542 = vector.extract %slice3A_1541[0] : i32 from vector<1xi32>
        %broadcast_in_dim3A_1543 = vector.broadcast %squeeze3A_1542 : i32 to vector<16xi32>
        %lt3A_1544 = arith.cmpf olt, %select_n3A_1540, %select_n3A_1505 : vector<16xf32>
        %lt3A_1545 = arith.cmpf olt, %select_n3A_1540, %select_n3A_1502 : vector<16xf32>
        %lt3A_1546 = arith.cmpf olt, %select_n3A_1540, %select_n3A_1498 : vector<16xf32>
        %select_n3A_1547 = arith.select %lt3A_1546, %select_n3A_1540, %select_n3A_1498 : vector<16xi1>, vector<16xf32>
        %select_n3A_1548 = arith.select %lt3A_1545, %select_n3A_1502, %select_n3A_1547 : vector<16xi1>, vector<16xf32>
        %select_n3A_1549 = arith.select %lt3A_1546, %broadcast_in_dim3A_1543, %select_n3A_1500 : vector<16xi1>, vector<16xi32>
        %select_n3A_1550 = arith.select %lt3A_1545, %select_n3A_1504, %select_n3A_1549 : vector<16xi1>, vector<16xi32>
        %select_n3A_1551 = arith.select %lt3A_1545, %select_n3A_1540, %select_n3A_1502 : vector<16xi1>, vector<16xf32>
        %select_n3A_1552 = arith.select %lt3A_1544, %select_n3A_1505, %select_n3A_1551 : vector<16xi1>, vector<16xf32>
        %select_n3A_1553 = arith.select %lt3A_1545, %broadcast_in_dim3A_1543, %select_n3A_1504 : vector<16xi1>, vector<16xi32>
        %select_n3A_1554 = arith.select %lt3A_1544, %select_n3A_1506, %select_n3A_1553 : vector<16xi1>, vector<16xi32>
        %select_n3A_1555 = arith.select %lt3A_1544, %select_n3A_1540, %select_n3A_1505 : vector<16xi1>, vector<16xf32>
        %select_n3A_1556 = arith.select %lt3A_1544, %broadcast_in_dim3A_1543, %select_n3A_1506 : vector<16xi1>, vector<16xi32>
        %slice3A_1557 = vector.extract_strided_slice %gather3A_1053 {offsets = [10], sizes = [1], strides = [1]} : vector<16xf32> to vector<1xf32>
        %squeeze3A_1558 = vector.extract %slice3A_1557[0] : f32 from vector<1xf32>
        %broadcast_in_dim3A_1559 = vector.broadcast %squeeze3A_1558 : f32 to vector<16xf32>
        %slice3A_1560 = vector.extract_strided_slice %gather3A_1054 {offsets = [10], sizes = [1], strides = [1]} : vector<16xf32> to vector<1xf32>
        %squeeze3A_1561 = vector.extract %slice3A_1560[0] : f32 from vector<1xf32>
        %broadcast_in_dim3A_1562 = vector.broadcast %squeeze3A_1561 : f32 to vector<16xf32>
        %slice3A_1563 = vector.extract_strided_slice %gather3A_1055 {offsets = [10], sizes = [1], strides = [1]} : vector<16xf32> to vector<1xf32>
        %squeeze3A_1564 = vector.extract %slice3A_1563[0] : f32 from vector<1xf32>
        %broadcast_in_dim3A_1565 = vector.broadcast %squeeze3A_1564 : f32 to vector<16xf32>
        %slice3A_1566 = vector.extract_strided_slice %gather3A_1056 {offsets = [10], sizes = [1], strides = [1]} : vector<16xf32> to vector<1xf32>
        %squeeze3A_1567 = vector.extract %slice3A_1566[0] : f32 from vector<1xf32>
        %broadcast_in_dim3A_1568 = vector.broadcast %squeeze3A_1567 : f32 to vector<16xf32>
        %mul3A_1569 = arith.mulf %get3A_166, %broadcast_in_dim3A_1559 : vector<16xf32>
        %mul3A_1570 = arith.mulf %get3A_170, %broadcast_in_dim3A_1562 : vector<16xf32>
        %add3A_1571 = arith.addf %mul3A_1569, %mul3A_1570 : vector<16xf32>
        %mul3A_1572 = arith.mulf %get3A_174, %broadcast_in_dim3A_1565 : vector<16xf32>
        %add3A_1573 = arith.addf %add3A_1571, %mul3A_1572 : vector<16xf32>
        %add3A_1574 = arith.addf %add3A_195, %broadcast_in_dim3A_1568 : vector<16xf32>
        %add3A_1575 = arith.addf %add3A_1573, %add3A_1573 : vector<16xf32>
        %sub3A_1576 = arith.subf %add3A_1574, %add3A_1575 : vector<16xf32>
        %slice3A_1577 = vector.extract_strided_slice %get3A_1049 {offsets = [10], sizes = [1], strides = [1]} : vector<16xi32> to vector<1xi32>
        %squeeze3A_1578 = vector.extract %slice3A_1577[0] : i32 from vector<1xi32>
        %broadcast_in_dim3A_1579 = vector.broadcast %squeeze3A_1578 : i32 to vector<16xi32>
        %and3A_1580 = arith.andi %broadcast_in_dim3A_1579, %select_n3A_577 : vector<16xi32>
        %ne3A_1581 = arith.constant 0 : i32
        %ne3A_1582 = vector.broadcast %ne3A_1581 : i32 to vector<16xi32>
        %ne3A_1583 = arith.cmpi ne, %and3A_1580, %ne3A_1582 : vector<16xi32>
        %le3A_1584 = arith.constant 5.760000e+00 : f32
        %le3A_1585 = vector.broadcast %le3A_1584 : f32 to vector<16xf32>
        %le3A_1586 = arith.cmpf ole, %sub3A_1576, %le3A_1585 : vector<16xf32>
        %and3A_1587 = arith.andi %le3A_1586, %ne3A_1583 : vector<16xi1>
        %jit3A_1588 = arith.constant 1.000000e+10 : f32
        %broadcast_in_dim3A_1589 = vector.broadcast %jit3A_1588 : f32 to vector<16xf32>
        %select_n3A_1590 = arith.select %and3A_1587, %sub3A_1576, %broadcast_in_dim3A_1589 : vector<16xi1>, vector<16xf32>
        %slice3A_1591 = vector.extract_strided_slice %and3A_1052 {offsets = [10], sizes = [1], strides = [1]} : vector<16xi32> to vector<1xi32>
        %squeeze3A_1592 = vector.extract %slice3A_1591[0] : i32 from vector<1xi32>
        %broadcast_in_dim3A_1593 = vector.broadcast %squeeze3A_1592 : i32 to vector<16xi32>
        %lt3A_1594 = arith.cmpf olt, %select_n3A_1590, %select_n3A_1555 : vector<16xf32>
        %lt3A_1595 = arith.cmpf olt, %select_n3A_1590, %select_n3A_1552 : vector<16xf32>
        %lt3A_1596 = arith.cmpf olt, %select_n3A_1590, %select_n3A_1548 : vector<16xf32>
        %select_n3A_1597 = arith.select %lt3A_1596, %select_n3A_1590, %select_n3A_1548 : vector<16xi1>, vector<16xf32>
        %select_n3A_1598 = arith.select %lt3A_1595, %select_n3A_1552, %select_n3A_1597 : vector<16xi1>, vector<16xf32>
        %select_n3A_1599 = arith.select %lt3A_1596, %broadcast_in_dim3A_1593, %select_n3A_1550 : vector<16xi1>, vector<16xi32>
        %select_n3A_1600 = arith.select %lt3A_1595, %select_n3A_1554, %select_n3A_1599 : vector<16xi1>, vector<16xi32>
        %select_n3A_1601 = arith.select %lt3A_1595, %select_n3A_1590, %select_n3A_1552 : vector<16xi1>, vector<16xf32>
        %select_n3A_1602 = arith.select %lt3A_1594, %select_n3A_1555, %select_n3A_1601 : vector<16xi1>, vector<16xf32>
        %select_n3A_1603 = arith.select %lt3A_1595, %broadcast_in_dim3A_1593, %select_n3A_1554 : vector<16xi1>, vector<16xi32>
        %select_n3A_1604 = arith.select %lt3A_1594, %select_n3A_1556, %select_n3A_1603 : vector<16xi1>, vector<16xi32>
        %select_n3A_1605 = arith.select %lt3A_1594, %select_n3A_1590, %select_n3A_1555 : vector<16xi1>, vector<16xf32>
        %select_n3A_1606 = arith.select %lt3A_1594, %broadcast_in_dim3A_1593, %select_n3A_1556 : vector<16xi1>, vector<16xi32>
        %slice3A_1607 = vector.extract_strided_slice %gather3A_1053 {offsets = [11], sizes = [1], strides = [1]} : vector<16xf32> to vector<1xf32>
        %squeeze3A_1608 = vector.extract %slice3A_1607[0] : f32 from vector<1xf32>
        %broadcast_in_dim3A_1609 = vector.broadcast %squeeze3A_1608 : f32 to vector<16xf32>
        %slice3A_1610 = vector.extract_strided_slice %gather3A_1054 {offsets = [11], sizes = [1], strides = [1]} : vector<16xf32> to vector<1xf32>
        %squeeze3A_1611 = vector.extract %slice3A_1610[0] : f32 from vector<1xf32>
        %broadcast_in_dim3A_1612 = vector.broadcast %squeeze3A_1611 : f32 to vector<16xf32>
        %slice3A_1613 = vector.extract_strided_slice %gather3A_1055 {offsets = [11], sizes = [1], strides = [1]} : vector<16xf32> to vector<1xf32>
        %squeeze3A_1614 = vector.extract %slice3A_1613[0] : f32 from vector<1xf32>
        %broadcast_in_dim3A_1615 = vector.broadcast %squeeze3A_1614 : f32 to vector<16xf32>
        %slice3A_1616 = vector.extract_strided_slice %gather3A_1056 {offsets = [11], sizes = [1], strides = [1]} : vector<16xf32> to vector<1xf32>
        %squeeze3A_1617 = vector.extract %slice3A_1616[0] : f32 from vector<1xf32>
        %broadcast_in_dim3A_1618 = vector.broadcast %squeeze3A_1617 : f32 to vector<16xf32>
        %mul3A_1619 = arith.mulf %get3A_166, %broadcast_in_dim3A_1609 : vector<16xf32>
        %mul3A_1620 = arith.mulf %get3A_170, %broadcast_in_dim3A_1612 : vector<16xf32>
        %add3A_1621 = arith.addf %mul3A_1619, %mul3A_1620 : vector<16xf32>
        %mul3A_1622 = arith.mulf %get3A_174, %broadcast_in_dim3A_1615 : vector<16xf32>
        %add3A_1623 = arith.addf %add3A_1621, %mul3A_1622 : vector<16xf32>
        %add3A_1624 = arith.addf %add3A_195, %broadcast_in_dim3A_1618 : vector<16xf32>
        %add3A_1625 = arith.addf %add3A_1623, %add3A_1623 : vector<16xf32>
        %sub3A_1626 = arith.subf %add3A_1624, %add3A_1625 : vector<16xf32>
        %slice3A_1627 = vector.extract_strided_slice %get3A_1049 {offsets = [11], sizes = [1], strides = [1]} : vector<16xi32> to vector<1xi32>
        %squeeze3A_1628 = vector.extract %slice3A_1627[0] : i32 from vector<1xi32>
        %broadcast_in_dim3A_1629 = vector.broadcast %squeeze3A_1628 : i32 to vector<16xi32>
        %and3A_1630 = arith.andi %broadcast_in_dim3A_1629, %select_n3A_577 : vector<16xi32>
        %ne3A_1631 = arith.constant 0 : i32
        %ne3A_1632 = vector.broadcast %ne3A_1631 : i32 to vector<16xi32>
        %ne3A_1633 = arith.cmpi ne, %and3A_1630, %ne3A_1632 : vector<16xi32>
        %le3A_1634 = arith.constant 5.760000e+00 : f32
        %le3A_1635 = vector.broadcast %le3A_1634 : f32 to vector<16xf32>
        %le3A_1636 = arith.cmpf ole, %sub3A_1626, %le3A_1635 : vector<16xf32>
        %and3A_1637 = arith.andi %le3A_1636, %ne3A_1633 : vector<16xi1>
        %jit3A_1638 = arith.constant 1.000000e+10 : f32
        %broadcast_in_dim3A_1639 = vector.broadcast %jit3A_1638 : f32 to vector<16xf32>
        %select_n3A_1640 = arith.select %and3A_1637, %sub3A_1626, %broadcast_in_dim3A_1639 : vector<16xi1>, vector<16xf32>
        %slice3A_1641 = vector.extract_strided_slice %and3A_1052 {offsets = [11], sizes = [1], strides = [1]} : vector<16xi32> to vector<1xi32>
        %squeeze3A_1642 = vector.extract %slice3A_1641[0] : i32 from vector<1xi32>
        %broadcast_in_dim3A_1643 = vector.broadcast %squeeze3A_1642 : i32 to vector<16xi32>
        %lt3A_1644 = arith.cmpf olt, %select_n3A_1640, %select_n3A_1605 : vector<16xf32>
        %lt3A_1645 = arith.cmpf olt, %select_n3A_1640, %select_n3A_1602 : vector<16xf32>
        %lt3A_1646 = arith.cmpf olt, %select_n3A_1640, %select_n3A_1598 : vector<16xf32>
        %select_n3A_1647 = arith.select %lt3A_1646, %select_n3A_1640, %select_n3A_1598 : vector<16xi1>, vector<16xf32>
        %select_n3A_1648 = arith.select %lt3A_1645, %select_n3A_1602, %select_n3A_1647 : vector<16xi1>, vector<16xf32>
        %select_n3A_1649 = arith.select %lt3A_1646, %broadcast_in_dim3A_1643, %select_n3A_1600 : vector<16xi1>, vector<16xi32>
        %select_n3A_1650 = arith.select %lt3A_1645, %select_n3A_1604, %select_n3A_1649 : vector<16xi1>, vector<16xi32>
        %select_n3A_1651 = arith.select %lt3A_1645, %select_n3A_1640, %select_n3A_1602 : vector<16xi1>, vector<16xf32>
        %select_n3A_1652 = arith.select %lt3A_1644, %select_n3A_1605, %select_n3A_1651 : vector<16xi1>, vector<16xf32>
        %select_n3A_1653 = arith.select %lt3A_1645, %broadcast_in_dim3A_1643, %select_n3A_1604 : vector<16xi1>, vector<16xi32>
        %select_n3A_1654 = arith.select %lt3A_1644, %select_n3A_1606, %select_n3A_1653 : vector<16xi1>, vector<16xi32>
        %select_n3A_1655 = arith.select %lt3A_1644, %select_n3A_1640, %select_n3A_1605 : vector<16xi1>, vector<16xf32>
        %select_n3A_1656 = arith.select %lt3A_1644, %broadcast_in_dim3A_1643, %select_n3A_1606 : vector<16xi1>, vector<16xi32>
        %slice3A_1657 = vector.extract_strided_slice %gather3A_1053 {offsets = [12], sizes = [1], strides = [1]} : vector<16xf32> to vector<1xf32>
        %squeeze3A_1658 = vector.extract %slice3A_1657[0] : f32 from vector<1xf32>
        %broadcast_in_dim3A_1659 = vector.broadcast %squeeze3A_1658 : f32 to vector<16xf32>
        %slice3A_1660 = vector.extract_strided_slice %gather3A_1054 {offsets = [12], sizes = [1], strides = [1]} : vector<16xf32> to vector<1xf32>
        %squeeze3A_1661 = vector.extract %slice3A_1660[0] : f32 from vector<1xf32>
        %broadcast_in_dim3A_1662 = vector.broadcast %squeeze3A_1661 : f32 to vector<16xf32>
        %slice3A_1663 = vector.extract_strided_slice %gather3A_1055 {offsets = [12], sizes = [1], strides = [1]} : vector<16xf32> to vector<1xf32>
        %squeeze3A_1664 = vector.extract %slice3A_1663[0] : f32 from vector<1xf32>
        %broadcast_in_dim3A_1665 = vector.broadcast %squeeze3A_1664 : f32 to vector<16xf32>
        %slice3A_1666 = vector.extract_strided_slice %gather3A_1056 {offsets = [12], sizes = [1], strides = [1]} : vector<16xf32> to vector<1xf32>
        %squeeze3A_1667 = vector.extract %slice3A_1666[0] : f32 from vector<1xf32>
        %broadcast_in_dim3A_1668 = vector.broadcast %squeeze3A_1667 : f32 to vector<16xf32>
        %mul3A_1669 = arith.mulf %get3A_166, %broadcast_in_dim3A_1659 : vector<16xf32>
        %mul3A_1670 = arith.mulf %get3A_170, %broadcast_in_dim3A_1662 : vector<16xf32>
        %add3A_1671 = arith.addf %mul3A_1669, %mul3A_1670 : vector<16xf32>
        %mul3A_1672 = arith.mulf %get3A_174, %broadcast_in_dim3A_1665 : vector<16xf32>
        %add3A_1673 = arith.addf %add3A_1671, %mul3A_1672 : vector<16xf32>
        %add3A_1674 = arith.addf %add3A_195, %broadcast_in_dim3A_1668 : vector<16xf32>
        %add3A_1675 = arith.addf %add3A_1673, %add3A_1673 : vector<16xf32>
        %sub3A_1676 = arith.subf %add3A_1674, %add3A_1675 : vector<16xf32>
        %slice3A_1677 = vector.extract_strided_slice %get3A_1049 {offsets = [12], sizes = [1], strides = [1]} : vector<16xi32> to vector<1xi32>
        %squeeze3A_1678 = vector.extract %slice3A_1677[0] : i32 from vector<1xi32>
        %broadcast_in_dim3A_1679 = vector.broadcast %squeeze3A_1678 : i32 to vector<16xi32>
        %and3A_1680 = arith.andi %broadcast_in_dim3A_1679, %select_n3A_577 : vector<16xi32>
        %ne3A_1681 = arith.constant 0 : i32
        %ne3A_1682 = vector.broadcast %ne3A_1681 : i32 to vector<16xi32>
        %ne3A_1683 = arith.cmpi ne, %and3A_1680, %ne3A_1682 : vector<16xi32>
        %le3A_1684 = arith.constant 5.760000e+00 : f32
        %le3A_1685 = vector.broadcast %le3A_1684 : f32 to vector<16xf32>
        %le3A_1686 = arith.cmpf ole, %sub3A_1676, %le3A_1685 : vector<16xf32>
        %and3A_1687 = arith.andi %le3A_1686, %ne3A_1683 : vector<16xi1>
        %jit3A_1688 = arith.constant 1.000000e+10 : f32
        %broadcast_in_dim3A_1689 = vector.broadcast %jit3A_1688 : f32 to vector<16xf32>
        %select_n3A_1690 = arith.select %and3A_1687, %sub3A_1676, %broadcast_in_dim3A_1689 : vector<16xi1>, vector<16xf32>
        %slice3A_1691 = vector.extract_strided_slice %and3A_1052 {offsets = [12], sizes = [1], strides = [1]} : vector<16xi32> to vector<1xi32>
        %squeeze3A_1692 = vector.extract %slice3A_1691[0] : i32 from vector<1xi32>
        %broadcast_in_dim3A_1693 = vector.broadcast %squeeze3A_1692 : i32 to vector<16xi32>
        %lt3A_1694 = arith.cmpf olt, %select_n3A_1690, %select_n3A_1655 : vector<16xf32>
        %lt3A_1695 = arith.cmpf olt, %select_n3A_1690, %select_n3A_1652 : vector<16xf32>
        %lt3A_1696 = arith.cmpf olt, %select_n3A_1690, %select_n3A_1648 : vector<16xf32>
        %select_n3A_1697 = arith.select %lt3A_1696, %select_n3A_1690, %select_n3A_1648 : vector<16xi1>, vector<16xf32>
        %select_n3A_1698 = arith.select %lt3A_1695, %select_n3A_1652, %select_n3A_1697 : vector<16xi1>, vector<16xf32>
        %select_n3A_1699 = arith.select %lt3A_1696, %broadcast_in_dim3A_1693, %select_n3A_1650 : vector<16xi1>, vector<16xi32>
        %select_n3A_1700 = arith.select %lt3A_1695, %select_n3A_1654, %select_n3A_1699 : vector<16xi1>, vector<16xi32>
        %select_n3A_1701 = arith.select %lt3A_1695, %select_n3A_1690, %select_n3A_1652 : vector<16xi1>, vector<16xf32>
        %select_n3A_1702 = arith.select %lt3A_1694, %select_n3A_1655, %select_n3A_1701 : vector<16xi1>, vector<16xf32>
        %select_n3A_1703 = arith.select %lt3A_1695, %broadcast_in_dim3A_1693, %select_n3A_1654 : vector<16xi1>, vector<16xi32>
        %select_n3A_1704 = arith.select %lt3A_1694, %select_n3A_1656, %select_n3A_1703 : vector<16xi1>, vector<16xi32>
        %select_n3A_1705 = arith.select %lt3A_1694, %select_n3A_1690, %select_n3A_1655 : vector<16xi1>, vector<16xf32>
        %select_n3A_1706 = arith.select %lt3A_1694, %broadcast_in_dim3A_1693, %select_n3A_1656 : vector<16xi1>, vector<16xi32>
        %slice3A_1707 = vector.extract_strided_slice %gather3A_1053 {offsets = [13], sizes = [1], strides = [1]} : vector<16xf32> to vector<1xf32>
        %squeeze3A_1708 = vector.extract %slice3A_1707[0] : f32 from vector<1xf32>
        %broadcast_in_dim3A_1709 = vector.broadcast %squeeze3A_1708 : f32 to vector<16xf32>
        %slice3A_1710 = vector.extract_strided_slice %gather3A_1054 {offsets = [13], sizes = [1], strides = [1]} : vector<16xf32> to vector<1xf32>
        %squeeze3A_1711 = vector.extract %slice3A_1710[0] : f32 from vector<1xf32>
        %broadcast_in_dim3A_1712 = vector.broadcast %squeeze3A_1711 : f32 to vector<16xf32>
        %slice3A_1713 = vector.extract_strided_slice %gather3A_1055 {offsets = [13], sizes = [1], strides = [1]} : vector<16xf32> to vector<1xf32>
        %squeeze3A_1714 = vector.extract %slice3A_1713[0] : f32 from vector<1xf32>
        %broadcast_in_dim3A_1715 = vector.broadcast %squeeze3A_1714 : f32 to vector<16xf32>
        %slice3A_1716 = vector.extract_strided_slice %gather3A_1056 {offsets = [13], sizes = [1], strides = [1]} : vector<16xf32> to vector<1xf32>
        %squeeze3A_1717 = vector.extract %slice3A_1716[0] : f32 from vector<1xf32>
        %broadcast_in_dim3A_1718 = vector.broadcast %squeeze3A_1717 : f32 to vector<16xf32>
        %mul3A_1719 = arith.mulf %get3A_166, %broadcast_in_dim3A_1709 : vector<16xf32>
        %mul3A_1720 = arith.mulf %get3A_170, %broadcast_in_dim3A_1712 : vector<16xf32>
        %add3A_1721 = arith.addf %mul3A_1719, %mul3A_1720 : vector<16xf32>
        %mul3A_1722 = arith.mulf %get3A_174, %broadcast_in_dim3A_1715 : vector<16xf32>
        %add3A_1723 = arith.addf %add3A_1721, %mul3A_1722 : vector<16xf32>
        %add3A_1724 = arith.addf %add3A_195, %broadcast_in_dim3A_1718 : vector<16xf32>
        %add3A_1725 = arith.addf %add3A_1723, %add3A_1723 : vector<16xf32>
        %sub3A_1726 = arith.subf %add3A_1724, %add3A_1725 : vector<16xf32>
        %slice3A_1727 = vector.extract_strided_slice %get3A_1049 {offsets = [13], sizes = [1], strides = [1]} : vector<16xi32> to vector<1xi32>
        %squeeze3A_1728 = vector.extract %slice3A_1727[0] : i32 from vector<1xi32>
        %broadcast_in_dim3A_1729 = vector.broadcast %squeeze3A_1728 : i32 to vector<16xi32>
        %and3A_1730 = arith.andi %broadcast_in_dim3A_1729, %select_n3A_577 : vector<16xi32>
        %ne3A_1731 = arith.constant 0 : i32
        %ne3A_1732 = vector.broadcast %ne3A_1731 : i32 to vector<16xi32>
        %ne3A_1733 = arith.cmpi ne, %and3A_1730, %ne3A_1732 : vector<16xi32>
        %le3A_1734 = arith.constant 5.760000e+00 : f32
        %le3A_1735 = vector.broadcast %le3A_1734 : f32 to vector<16xf32>
        %le3A_1736 = arith.cmpf ole, %sub3A_1726, %le3A_1735 : vector<16xf32>
        %and3A_1737 = arith.andi %le3A_1736, %ne3A_1733 : vector<16xi1>
        %jit3A_1738 = arith.constant 1.000000e+10 : f32
        %broadcast_in_dim3A_1739 = vector.broadcast %jit3A_1738 : f32 to vector<16xf32>
        %select_n3A_1740 = arith.select %and3A_1737, %sub3A_1726, %broadcast_in_dim3A_1739 : vector<16xi1>, vector<16xf32>
        %slice3A_1741 = vector.extract_strided_slice %and3A_1052 {offsets = [13], sizes = [1], strides = [1]} : vector<16xi32> to vector<1xi32>
        %squeeze3A_1742 = vector.extract %slice3A_1741[0] : i32 from vector<1xi32>
        %broadcast_in_dim3A_1743 = vector.broadcast %squeeze3A_1742 : i32 to vector<16xi32>
        %lt3A_1744 = arith.cmpf olt, %select_n3A_1740, %select_n3A_1705 : vector<16xf32>
        %lt3A_1745 = arith.cmpf olt, %select_n3A_1740, %select_n3A_1702 : vector<16xf32>
        %lt3A_1746 = arith.cmpf olt, %select_n3A_1740, %select_n3A_1698 : vector<16xf32>
        %select_n3A_1747 = arith.select %lt3A_1746, %select_n3A_1740, %select_n3A_1698 : vector<16xi1>, vector<16xf32>
        %select_n3A_1748 = arith.select %lt3A_1745, %select_n3A_1702, %select_n3A_1747 : vector<16xi1>, vector<16xf32>
        %select_n3A_1749 = arith.select %lt3A_1746, %broadcast_in_dim3A_1743, %select_n3A_1700 : vector<16xi1>, vector<16xi32>
        %select_n3A_1750 = arith.select %lt3A_1745, %select_n3A_1704, %select_n3A_1749 : vector<16xi1>, vector<16xi32>
        %select_n3A_1751 = arith.select %lt3A_1745, %select_n3A_1740, %select_n3A_1702 : vector<16xi1>, vector<16xf32>
        %select_n3A_1752 = arith.select %lt3A_1744, %select_n3A_1705, %select_n3A_1751 : vector<16xi1>, vector<16xf32>
        %select_n3A_1753 = arith.select %lt3A_1745, %broadcast_in_dim3A_1743, %select_n3A_1704 : vector<16xi1>, vector<16xi32>
        %select_n3A_1754 = arith.select %lt3A_1744, %select_n3A_1706, %select_n3A_1753 : vector<16xi1>, vector<16xi32>
        %select_n3A_1755 = arith.select %lt3A_1744, %select_n3A_1740, %select_n3A_1705 : vector<16xi1>, vector<16xf32>
        %select_n3A_1756 = arith.select %lt3A_1744, %broadcast_in_dim3A_1743, %select_n3A_1706 : vector<16xi1>, vector<16xi32>
        %slice3A_1757 = vector.extract_strided_slice %gather3A_1053 {offsets = [14], sizes = [1], strides = [1]} : vector<16xf32> to vector<1xf32>
        %squeeze3A_1758 = vector.extract %slice3A_1757[0] : f32 from vector<1xf32>
        %broadcast_in_dim3A_1759 = vector.broadcast %squeeze3A_1758 : f32 to vector<16xf32>
        %slice3A_1760 = vector.extract_strided_slice %gather3A_1054 {offsets = [14], sizes = [1], strides = [1]} : vector<16xf32> to vector<1xf32>
        %squeeze3A_1761 = vector.extract %slice3A_1760[0] : f32 from vector<1xf32>
        %broadcast_in_dim3A_1762 = vector.broadcast %squeeze3A_1761 : f32 to vector<16xf32>
        %slice3A_1763 = vector.extract_strided_slice %gather3A_1055 {offsets = [14], sizes = [1], strides = [1]} : vector<16xf32> to vector<1xf32>
        %squeeze3A_1764 = vector.extract %slice3A_1763[0] : f32 from vector<1xf32>
        %broadcast_in_dim3A_1765 = vector.broadcast %squeeze3A_1764 : f32 to vector<16xf32>
        %slice3A_1766 = vector.extract_strided_slice %gather3A_1056 {offsets = [14], sizes = [1], strides = [1]} : vector<16xf32> to vector<1xf32>
        %squeeze3A_1767 = vector.extract %slice3A_1766[0] : f32 from vector<1xf32>
        %broadcast_in_dim3A_1768 = vector.broadcast %squeeze3A_1767 : f32 to vector<16xf32>
        %mul3A_1769 = arith.mulf %get3A_166, %broadcast_in_dim3A_1759 : vector<16xf32>
        %mul3A_1770 = arith.mulf %get3A_170, %broadcast_in_dim3A_1762 : vector<16xf32>
        %add3A_1771 = arith.addf %mul3A_1769, %mul3A_1770 : vector<16xf32>
        %mul3A_1772 = arith.mulf %get3A_174, %broadcast_in_dim3A_1765 : vector<16xf32>
        %add3A_1773 = arith.addf %add3A_1771, %mul3A_1772 : vector<16xf32>
        %add3A_1774 = arith.addf %add3A_195, %broadcast_in_dim3A_1768 : vector<16xf32>
        %add3A_1775 = arith.addf %add3A_1773, %add3A_1773 : vector<16xf32>
        %sub3A_1776 = arith.subf %add3A_1774, %add3A_1775 : vector<16xf32>
        %slice3A_1777 = vector.extract_strided_slice %get3A_1049 {offsets = [14], sizes = [1], strides = [1]} : vector<16xi32> to vector<1xi32>
        %squeeze3A_1778 = vector.extract %slice3A_1777[0] : i32 from vector<1xi32>
        %broadcast_in_dim3A_1779 = vector.broadcast %squeeze3A_1778 : i32 to vector<16xi32>
        %and3A_1780 = arith.andi %broadcast_in_dim3A_1779, %select_n3A_577 : vector<16xi32>
        %ne3A_1781 = arith.constant 0 : i32
        %ne3A_1782 = vector.broadcast %ne3A_1781 : i32 to vector<16xi32>
        %ne3A_1783 = arith.cmpi ne, %and3A_1780, %ne3A_1782 : vector<16xi32>
        %le3A_1784 = arith.constant 5.760000e+00 : f32
        %le3A_1785 = vector.broadcast %le3A_1784 : f32 to vector<16xf32>
        %le3A_1786 = arith.cmpf ole, %sub3A_1776, %le3A_1785 : vector<16xf32>
        %and3A_1787 = arith.andi %le3A_1786, %ne3A_1783 : vector<16xi1>
        %jit3A_1788 = arith.constant 1.000000e+10 : f32
        %broadcast_in_dim3A_1789 = vector.broadcast %jit3A_1788 : f32 to vector<16xf32>
        %select_n3A_1790 = arith.select %and3A_1787, %sub3A_1776, %broadcast_in_dim3A_1789 : vector<16xi1>, vector<16xf32>
        %slice3A_1791 = vector.extract_strided_slice %and3A_1052 {offsets = [14], sizes = [1], strides = [1]} : vector<16xi32> to vector<1xi32>
        %squeeze3A_1792 = vector.extract %slice3A_1791[0] : i32 from vector<1xi32>
        %broadcast_in_dim3A_1793 = vector.broadcast %squeeze3A_1792 : i32 to vector<16xi32>
        %lt3A_1794 = arith.cmpf olt, %select_n3A_1790, %select_n3A_1755 : vector<16xf32>
        %lt3A_1795 = arith.cmpf olt, %select_n3A_1790, %select_n3A_1752 : vector<16xf32>
        %lt3A_1796 = arith.cmpf olt, %select_n3A_1790, %select_n3A_1748 : vector<16xf32>
        %select_n3A_1797 = arith.select %lt3A_1796, %select_n3A_1790, %select_n3A_1748 : vector<16xi1>, vector<16xf32>
        %select_n3A_1798 = arith.select %lt3A_1795, %select_n3A_1752, %select_n3A_1797 : vector<16xi1>, vector<16xf32>
        %select_n3A_1799 = arith.select %lt3A_1796, %broadcast_in_dim3A_1793, %select_n3A_1750 : vector<16xi1>, vector<16xi32>
        %select_n3A_1800 = arith.select %lt3A_1795, %select_n3A_1754, %select_n3A_1799 : vector<16xi1>, vector<16xi32>
        %select_n3A_1801 = arith.select %lt3A_1795, %select_n3A_1790, %select_n3A_1752 : vector<16xi1>, vector<16xf32>
        %select_n3A_1802 = arith.select %lt3A_1794, %select_n3A_1755, %select_n3A_1801 : vector<16xi1>, vector<16xf32>
        %select_n3A_1803 = arith.select %lt3A_1795, %broadcast_in_dim3A_1793, %select_n3A_1754 : vector<16xi1>, vector<16xi32>
        %select_n3A_1804 = arith.select %lt3A_1794, %select_n3A_1756, %select_n3A_1803 : vector<16xi1>, vector<16xi32>
        %select_n3A_1805 = arith.select %lt3A_1794, %select_n3A_1790, %select_n3A_1755 : vector<16xi1>, vector<16xf32>
        %select_n3A_1806 = arith.select %lt3A_1794, %broadcast_in_dim3A_1793, %select_n3A_1756 : vector<16xi1>, vector<16xi32>
        %slice3A_1807 = vector.extract_strided_slice %gather3A_1053 {offsets = [15], sizes = [1], strides = [1]} : vector<16xf32> to vector<1xf32>
        %squeeze3A_1808 = vector.extract %slice3A_1807[0] : f32 from vector<1xf32>
        %broadcast_in_dim3A_1809 = vector.broadcast %squeeze3A_1808 : f32 to vector<16xf32>
        %slice3A_1810 = vector.extract_strided_slice %gather3A_1054 {offsets = [15], sizes = [1], strides = [1]} : vector<16xf32> to vector<1xf32>
        %squeeze3A_1811 = vector.extract %slice3A_1810[0] : f32 from vector<1xf32>
        %broadcast_in_dim3A_1812 = vector.broadcast %squeeze3A_1811 : f32 to vector<16xf32>
        %slice3A_1813 = vector.extract_strided_slice %gather3A_1055 {offsets = [15], sizes = [1], strides = [1]} : vector<16xf32> to vector<1xf32>
        %squeeze3A_1814 = vector.extract %slice3A_1813[0] : f32 from vector<1xf32>
        %broadcast_in_dim3A_1815 = vector.broadcast %squeeze3A_1814 : f32 to vector<16xf32>
        %slice3A_1816 = vector.extract_strided_slice %gather3A_1056 {offsets = [15], sizes = [1], strides = [1]} : vector<16xf32> to vector<1xf32>
        %squeeze3A_1817 = vector.extract %slice3A_1816[0] : f32 from vector<1xf32>
        %broadcast_in_dim3A_1818 = vector.broadcast %squeeze3A_1817 : f32 to vector<16xf32>
        %mul3A_1819 = arith.mulf %get3A_166, %broadcast_in_dim3A_1809 : vector<16xf32>
        %mul3A_1820 = arith.mulf %get3A_170, %broadcast_in_dim3A_1812 : vector<16xf32>
        %add3A_1821 = arith.addf %mul3A_1819, %mul3A_1820 : vector<16xf32>
        %mul3A_1822 = arith.mulf %get3A_174, %broadcast_in_dim3A_1815 : vector<16xf32>
        %add3A_1823 = arith.addf %add3A_1821, %mul3A_1822 : vector<16xf32>
        %add3A_1824 = arith.addf %add3A_195, %broadcast_in_dim3A_1818 : vector<16xf32>
        %add3A_1825 = arith.addf %add3A_1823, %add3A_1823 : vector<16xf32>
        %sub3A_1826 = arith.subf %add3A_1824, %add3A_1825 : vector<16xf32>
        %slice3A_1827 = vector.extract_strided_slice %get3A_1049 {offsets = [15], sizes = [1], strides = [1]} : vector<16xi32> to vector<1xi32>
        %squeeze3A_1828 = vector.extract %slice3A_1827[0] : i32 from vector<1xi32>
        %broadcast_in_dim3A_1829 = vector.broadcast %squeeze3A_1828 : i32 to vector<16xi32>
        %and3A_1830 = arith.andi %broadcast_in_dim3A_1829, %select_n3A_577 : vector<16xi32>
        %ne3A_1831 = arith.constant 0 : i32
        %ne3A_1832 = vector.broadcast %ne3A_1831 : i32 to vector<16xi32>
        %ne3A_1833 = arith.cmpi ne, %and3A_1830, %ne3A_1832 : vector<16xi32>
        %le3A_1834 = arith.constant 5.760000e+00 : f32
        %le3A_1835 = vector.broadcast %le3A_1834 : f32 to vector<16xf32>
        %le3A_1836 = arith.cmpf ole, %sub3A_1826, %le3A_1835 : vector<16xf32>
        %and3A_1837 = arith.andi %le3A_1836, %ne3A_1833 : vector<16xi1>
        %jit3A_1838 = arith.constant 1.000000e+10 : f32
        %broadcast_in_dim3A_1839 = vector.broadcast %jit3A_1838 : f32 to vector<16xf32>
        %select_n3A_1840 = arith.select %and3A_1837, %sub3A_1826, %broadcast_in_dim3A_1839 : vector<16xi1>, vector<16xf32>
        %slice3A_1841 = vector.extract_strided_slice %and3A_1052 {offsets = [15], sizes = [1], strides = [1]} : vector<16xi32> to vector<1xi32>
        %squeeze3A_1842 = vector.extract %slice3A_1841[0] : i32 from vector<1xi32>
        %broadcast_in_dim3A_1843 = vector.broadcast %squeeze3A_1842 : i32 to vector<16xi32>
        %lt3A_1844 = arith.cmpf olt, %select_n3A_1840, %select_n3A_1805 : vector<16xf32>
        %lt3A_1845 = arith.cmpf olt, %select_n3A_1840, %select_n3A_1802 : vector<16xf32>
        %lt3A_1846 = arith.cmpf olt, %select_n3A_1840, %select_n3A_1798 : vector<16xf32>
        %select_n3A_1847 = arith.select %lt3A_1846, %select_n3A_1840, %select_n3A_1798 : vector<16xi1>, vector<16xf32>
        %select_n3A_1848 = arith.select %lt3A_1845, %select_n3A_1802, %select_n3A_1847 : vector<16xi1>, vector<16xf32>
        %select_n3A_1849 = arith.select %lt3A_1846, %broadcast_in_dim3A_1843, %select_n3A_1800 : vector<16xi1>, vector<16xi32>
        %select_n3A_1850 = arith.select %lt3A_1845, %select_n3A_1804, %select_n3A_1849 : vector<16xi1>, vector<16xi32>
        %select_n3A_1851 = arith.select %lt3A_1845, %select_n3A_1840, %select_n3A_1802 : vector<16xi1>, vector<16xf32>
        %select_n3A_1852 = arith.select %lt3A_1844, %select_n3A_1805, %select_n3A_1851 : vector<16xi1>, vector<16xf32>
        %select_n3A_1853 = arith.select %lt3A_1845, %broadcast_in_dim3A_1843, %select_n3A_1804 : vector<16xi1>, vector<16xi32>
        %select_n3A_1854 = arith.select %lt3A_1844, %select_n3A_1806, %select_n3A_1853 : vector<16xi1>, vector<16xi32>
        %select_n3A_1855 = arith.select %lt3A_1844, %select_n3A_1840, %select_n3A_1805 : vector<16xi1>, vector<16xf32>
        %select_n3A_1856 = arith.select %lt3A_1844, %broadcast_in_dim3A_1843, %select_n3A_1806 : vector<16xi1>, vector<16xi32>
        scf.yield %select_n3A_1855, %select_n3A_1852, %select_n3A_1848, %select_n3A_1856, %select_n3A_1854, %select_n3A_1850 : vector<16xf32>, vector<16xf32>, vector<16xf32>, vector<16xi32>, vector<16xi32>, vector<16xi32>
      }
      %while3A_612 = arith.constant 1 : i32
      %while3A_613:6 = scf.for %while3A_1039 = %while3A_609 to %while3A_605 step %while3A_612 iter_args(%while3A_1040 = %while3A_611#0, %while3A_1041 = %while3A_611#1, %while3A_1042 = %while3A_611#2, %while3A_1043 = %while3A_611#3, %while3A_1044 = %while3A_611#4, %while3A_1045 = %while3A_611#5) -> (vector<16xf32>, vector<16xf32>, vector<16xf32>, vector<16xi32>, vector<16xi32>, vector<16xi32>)  : i32 {
        %mul3A_1046 = arith.constant 16 : i32
        %mul3A_1047 = arith.muli %while3A_1039, %mul3A_1046 : i32
        %get3A_1048 = arith.index_cast %mul3A_1047 : i32 to index
        %get3A_1049 = tpu.vector_load %arg24[%get3A_1048] {strides = array<i32>} : memref<1040xi32, #tpu.memory_space<vmem>>, vector<16xi32>,
        %and3A_1050 = arith.constant 65535 : i32
        %and3A_1051 = vector.broadcast %and3A_1050 : i32 to vector<16xi32>
        %and3A_1052 = arith.andi %get3A_1049, %and3A_1051 : vector<16xi32>
        %gather3A_1053 = tpu.vector_load_idx %arg20[%and3A_1052] : memref<1040xf32, #tpu.memory_space<vmem>>[vector<16xi32>], vector<16xf32>,
        %gather3A_1054 = tpu.vector_load_idx %arg21[%and3A_1052] : memref<1040xf32, #tpu.memory_space<vmem>>[vector<16xi32>], vector<16xf32>,
        %gather3A_1055 = tpu.vector_load_idx %arg22[%and3A_1052] : memref<1040xf32, #tpu.memory_space<vmem>>[vector<16xi32>], vector<16xf32>,
        %gather3A_1056 = tpu.vector_load_idx %arg23[%and3A_1052] : memref<1040xf32, #tpu.memory_space<vmem>>[vector<16xi32>], vector<16xf32>,
        %slice3A_1057 = vector.extract_strided_slice %gather3A_1053 {offsets = [0], sizes = [1], strides = [1]} : vector<16xf32> to vector<1xf32>
        %squeeze3A_1058 = vector.extract %slice3A_1057[0] : f32 from vector<1xf32>
        %broadcast_in_dim3A_1059 = vector.broadcast %squeeze3A_1058 : f32 to vector<16xf32>
        %slice3A_1060 = vector.extract_strided_slice %gather3A_1054 {offsets = [0], sizes = [1], strides = [1]} : vector<16xf32> to vector<1xf32>
        %squeeze3A_1061 = vector.extract %slice3A_1060[0] : f32 from vector<1xf32>
        %broadcast_in_dim3A_1062 = vector.broadcast %squeeze3A_1061 : f32 to vector<16xf32>
        %slice3A_1063 = vector.extract_strided_slice %gather3A_1055 {offsets = [0], sizes = [1], strides = [1]} : vector<16xf32> to vector<1xf32>
        %squeeze3A_1064 = vector.extract %slice3A_1063[0] : f32 from vector<1xf32>
        %broadcast_in_dim3A_1065 = vector.broadcast %squeeze3A_1064 : f32 to vector<16xf32>
        %slice3A_1066 = vector.extract_strided_slice %gather3A_1056 {offsets = [0], sizes = [1], strides = [1]} : vector<16xf32> to vector<1xf32>
        %squeeze3A_1067 = vector.extract %slice3A_1066[0] : f32 from vector<1xf32>
        %broadcast_in_dim3A_1068 = vector.broadcast %squeeze3A_1067 : f32 to vector<16xf32>
        %mul3A_1069 = arith.mulf %get3A_166, %broadcast_in_dim3A_1059 : vector<16xf32>
        %mul3A_1070 = arith.mulf %get3A_170, %broadcast_in_dim3A_1062 : vector<16xf32>
        %add3A_1071 = arith.addf %mul3A_1069, %mul3A_1070 : vector<16xf32>
        %mul3A_1072 = arith.mulf %get3A_174, %broadcast_in_dim3A_1065 : vector<16xf32>
        %add3A_1073 = arith.addf %add3A_1071, %mul3A_1072 : vector<16xf32>
        %add3A_1074 = arith.addf %add3A_195, %broadcast_in_dim3A_1068 : vector<16xf32>
        %add3A_1075 = arith.addf %add3A_1073, %add3A_1073 : vector<16xf32>
        %sub3A_1076 = arith.subf %add3A_1074, %add3A_1075 : vector<16xf32>
        %slice3A_1077 = vector.extract_strided_slice %get3A_1049 {offsets = [0], sizes = [1], strides = [1]} : vector<16xi32> to vector<1xi32>
        %squeeze3A_1078 = vector.extract %slice3A_1077[0] : i32 from vector<1xi32>
        %broadcast_in_dim3A_1079 = vector.broadcast %squeeze3A_1078 : i32 to vector<16xi32>
        %and3A_1080 = arith.andi %broadcast_in_dim3A_1079, %select_n3A_577 : vector<16xi32>
        %ne3A_1081 = arith.constant 0 : i32
        %ne3A_1082 = vector.broadcast %ne3A_1081 : i32 to vector<16xi32>
        %ne3A_1083 = arith.cmpi ne, %and3A_1080, %ne3A_1082 : vector<16xi32>
        %le3A_1084 = arith.constant 5.760000e+00 : f32
        %le3A_1085 = vector.broadcast %le3A_1084 : f32 to vector<16xf32>
        %le3A_1086 = arith.cmpf ole, %sub3A_1076, %le3A_1085 : vector<16xf32>
        %and3A_1087 = arith.andi %le3A_1086, %ne3A_1083 : vector<16xi1>
        %jit3A_1088 = arith.constant 1.000000e+10 : f32
        %broadcast_in_dim3A_1089 = vector.broadcast %jit3A_1088 : f32 to vector<16xf32>
        %select_n3A_1090 = arith.select %and3A_1087, %sub3A_1076, %broadcast_in_dim3A_1089 : vector<16xi1>, vector<16xf32>
        %slice3A_1091 = vector.extract_strided_slice %and3A_1052 {offsets = [0], sizes = [1], strides = [1]} : vector<16xi32> to vector<1xi32>
        %squeeze3A_1092 = vector.extract %slice3A_1091[0] : i32 from vector<1xi32>
        %broadcast_in_dim3A_1093 = vector.broadcast %squeeze3A_1092 : i32 to vector<16xi32>
        %lt3A_1094 = arith.cmpf olt, %select_n3A_1090, %while3A_1040 : vector<16xf32>
        %lt3A_1095 = arith.cmpf olt, %select_n3A_1090, %while3A_1041 : vector<16xf32>
        %lt3A_1096 = arith.cmpf olt, %select_n3A_1090, %while3A_1042 : vector<16xf32>
        %select_n3A_1097 = arith.select %lt3A_1096, %select_n3A_1090, %while3A_1042 : vector<16xi1>, vector<16xf32>
        %select_n3A_1098 = arith.select %lt3A_1095, %while3A_1041, %select_n3A_1097 : vector<16xi1>, vector<16xf32>
        %select_n3A_1099 = arith.select %lt3A_1096, %broadcast_in_dim3A_1093, %while3A_1045 : vector<16xi1>, vector<16xi32>
        %select_n3A_1100 = arith.select %lt3A_1095, %while3A_1044, %select_n3A_1099 : vector<16xi1>, vector<16xi32>
        %select_n3A_1101 = arith.select %lt3A_1095, %select_n3A_1090, %while3A_1041 : vector<16xi1>, vector<16xf32>
        %select_n3A_1102 = arith.select %lt3A_1094, %while3A_1040, %select_n3A_1101 : vector<16xi1>, vector<16xf32>
        %select_n3A_1103 = arith.select %lt3A_1095, %broadcast_in_dim3A_1093, %while3A_1044 : vector<16xi1>, vector<16xi32>
        %select_n3A_1104 = arith.select %lt3A_1094, %while3A_1043, %select_n3A_1103 : vector<16xi1>, vector<16xi32>
        %select_n3A_1105 = arith.select %lt3A_1094, %select_n3A_1090, %while3A_1040 : vector<16xi1>, vector<16xf32>
        %select_n3A_1106 = arith.select %lt3A_1094, %broadcast_in_dim3A_1093, %while3A_1043 : vector<16xi1>, vector<16xi32>
        %slice3A_1107 = vector.extract_strided_slice %gather3A_1053 {offsets = [1], sizes = [1], strides = [1]} : vector<16xf32> to vector<1xf32>
        %squeeze3A_1108 = vector.extract %slice3A_1107[0] : f32 from vector<1xf32>
        %broadcast_in_dim3A_1109 = vector.broadcast %squeeze3A_1108 : f32 to vector<16xf32>
        %slice3A_1110 = vector.extract_strided_slice %gather3A_1054 {offsets = [1], sizes = [1], strides = [1]} : vector<16xf32> to vector<1xf32>
        %squeeze3A_1111 = vector.extract %slice3A_1110[0] : f32 from vector<1xf32>
        %broadcast_in_dim3A_1112 = vector.broadcast %squeeze3A_1111 : f32 to vector<16xf32>
        %slice3A_1113 = vector.extract_strided_slice %gather3A_1055 {offsets = [1], sizes = [1], strides = [1]} : vector<16xf32> to vector<1xf32>
        %squeeze3A_1114 = vector.extract %slice3A_1113[0] : f32 from vector<1xf32>
        %broadcast_in_dim3A_1115 = vector.broadcast %squeeze3A_1114 : f32 to vector<16xf32>
        %slice3A_1116 = vector.extract_strided_slice %gather3A_1056 {offsets = [1], sizes = [1], strides = [1]} : vector<16xf32> to vector<1xf32>
        %squeeze3A_1117 = vector.extract %slice3A_1116[0] : f32 from vector<1xf32>
        %broadcast_in_dim3A_1118 = vector.broadcast %squeeze3A_1117 : f32 to vector<16xf32>
        %mul3A_1119 = arith.mulf %get3A_166, %broadcast_in_dim3A_1109 : vector<16xf32>
        %mul3A_1120 = arith.mulf %get3A_170, %broadcast_in_dim3A_1112 : vector<16xf32>
        %add3A_1121 = arith.addf %mul3A_1119, %mul3A_1120 : vector<16xf32>
        %mul3A_1122 = arith.mulf %get3A_174, %broadcast_in_dim3A_1115 : vector<16xf32>
        %add3A_1123 = arith.addf %add3A_1121, %mul3A_1122 : vector<16xf32>
        %add3A_1124 = arith.addf %add3A_195, %broadcast_in_dim3A_1118 : vector<16xf32>
        %add3A_1125 = arith.addf %add3A_1123, %add3A_1123 : vector<16xf32>
        %sub3A_1126 = arith.subf %add3A_1124, %add3A_1125 : vector<16xf32>
        %slice3A_1127 = vector.extract_strided_slice %get3A_1049 {offsets = [1], sizes = [1], strides = [1]} : vector<16xi32> to vector<1xi32>
        %squeeze3A_1128 = vector.extract %slice3A_1127[0] : i32 from vector<1xi32>
        %broadcast_in_dim3A_1129 = vector.broadcast %squeeze3A_1128 : i32 to vector<16xi32>
        %and3A_1130 = arith.andi %broadcast_in_dim3A_1129, %select_n3A_577 : vector<16xi32>
        %ne3A_1131 = arith.constant 0 : i32
        %ne3A_1132 = vector.broadcast %ne3A_1131 : i32 to vector<16xi32>
        %ne3A_1133 = arith.cmpi ne, %and3A_1130, %ne3A_1132 : vector<16xi32>
        %le3A_1134 = arith.constant 5.760000e+00 : f32
        %le3A_1135 = vector.broadcast %le3A_1134 : f32 to vector<16xf32>
        %le3A_1136 = arith.cmpf ole, %sub3A_1126, %le3A_1135 : vector<16xf32>
        %and3A_1137 = arith.andi %le3A_1136, %ne3A_1133 : vector<16xi1>
        %jit3A_1138 = arith.constant 1.000000e+10 : f32
        %broadcast_in_dim3A_1139 = vector.broadcast %jit3A_1138 : f32 to vector<16xf32>
        %select_n3A_1140 = arith.select %and3A_1137, %sub3A_1126, %broadcast_in_dim3A_1139 : vector<16xi1>, vector<16xf32>
        %slice3A_1141 = vector.extract_strided_slice %and3A_1052 {offsets = [1], sizes = [1], strides = [1]} : vector<16xi32> to vector<1xi32>
        %squeeze3A_1142 = vector.extract %slice3A_1141[0] : i32 from vector<1xi32>
        %broadcast_in_dim3A_1143 = vector.broadcast %squeeze3A_1142 : i32 to vector<16xi32>
        %lt3A_1144 = arith.cmpf olt, %select_n3A_1140, %select_n3A_1105 : vector<16xf32>
        %lt3A_1145 = arith.cmpf olt, %select_n3A_1140, %select_n3A_1102 : vector<16xf32>
        %lt3A_1146 = arith.cmpf olt, %select_n3A_1140, %select_n3A_1098 : vector<16xf32>
        %select_n3A_1147 = arith.select %lt3A_1146, %select_n3A_1140, %select_n3A_1098 : vector<16xi1>, vector<16xf32>
        %select_n3A_1148 = arith.select %lt3A_1145, %select_n3A_1102, %select_n3A_1147 : vector<16xi1>, vector<16xf32>
        %select_n3A_1149 = arith.select %lt3A_1146, %broadcast_in_dim3A_1143, %select_n3A_1100 : vector<16xi1>, vector<16xi32>
        %select_n3A_1150 = arith.select %lt3A_1145, %select_n3A_1104, %select_n3A_1149 : vector<16xi1>, vector<16xi32>
        %select_n3A_1151 = arith.select %lt3A_1145, %select_n3A_1140, %select_n3A_1102 : vector<16xi1>, vector<16xf32>
        %select_n3A_1152 = arith.select %lt3A_1144, %select_n3A_1105, %select_n3A_1151 : vector<16xi1>, vector<16xf32>
        %select_n3A_1153 = arith.select %lt3A_1145, %broadcast_in_dim3A_1143, %select_n3A_1104 : vector<16xi1>, vector<16xi32>
        %select_n3A_1154 = arith.select %lt3A_1144, %select_n3A_1106, %select_n3A_1153 : vector<16xi1>, vector<16xi32>
        %select_n3A_1155 = arith.select %lt3A_1144, %select_n3A_1140, %select_n3A_1105 : vector<16xi1>, vector<16xf32>
        %select_n3A_1156 = arith.select %lt3A_1144, %broadcast_in_dim3A_1143, %select_n3A_1106 : vector<16xi1>, vector<16xi32>
        %slice3A_1157 = vector.extract_strided_slice %gather3A_1053 {offsets = [2], sizes = [1], strides = [1]} : vector<16xf32> to vector<1xf32>
        %squeeze3A_1158 = vector.extract %slice3A_1157[0] : f32 from vector<1xf32>
        %broadcast_in_dim3A_1159 = vector.broadcast %squeeze3A_1158 : f32 to vector<16xf32>
        %slice3A_1160 = vector.extract_strided_slice %gather3A_1054 {offsets = [2], sizes = [1], strides = [1]} : vector<16xf32> to vector<1xf32>
        %squeeze3A_1161 = vector.extract %slice3A_1160[0] : f32 from vector<1xf32>
        %broadcast_in_dim3A_1162 = vector.broadcast %squeeze3A_1161 : f32 to vector<16xf32>
        %slice3A_1163 = vector.extract_strided_slice %gather3A_1055 {offsets = [2], sizes = [1], strides = [1]} : vector<16xf32> to vector<1xf32>
        %squeeze3A_1164 = vector.extract %slice3A_1163[0] : f32 from vector<1xf32>
        %broadcast_in_dim3A_1165 = vector.broadcast %squeeze3A_1164 : f32 to vector<16xf32>
        %slice3A_1166 = vector.extract_strided_slice %gather3A_1056 {offsets = [2], sizes = [1], strides = [1]} : vector<16xf32> to vector<1xf32>
        %squeeze3A_1167 = vector.extract %slice3A_1166[0] : f32 from vector<1xf32>
        %broadcast_in_dim3A_1168 = vector.broadcast %squeeze3A_1167 : f32 to vector<16xf32>
        %mul3A_1169 = arith.mulf %get3A_166, %broadcast_in_dim3A_1159 : vector<16xf32>
        %mul3A_1170 = arith.mulf %get3A_170, %broadcast_in_dim3A_1162 : vector<16xf32>
        %add3A_1171 = arith.addf %mul3A_1169, %mul3A_1170 : vector<16xf32>
        %mul3A_1172 = arith.mulf %get3A_174, %broadcast_in_dim3A_1165 : vector<16xf32>
        %add3A_1173 = arith.addf %add3A_1171, %mul3A_1172 : vector<16xf32>
        %add3A_1174 = arith.addf %add3A_195, %broadcast_in_dim3A_1168 : vector<16xf32>
        %add3A_1175 = arith.addf %add3A_1173, %add3A_1173 : vector<16xf32>
        %sub3A_1176 = arith.subf %add3A_1174, %add3A_1175 : vector<16xf32>
        %slice3A_1177 = vector.extract_strided_slice %get3A_1049 {offsets = [2], sizes = [1], strides = [1]} : vector<16xi32> to vector<1xi32>
        %squeeze3A_1178 = vector.extract %slice3A_1177[0] : i32 from vector<1xi32>
        %broadcast_in_dim3A_1179 = vector.broadcast %squeeze3A_1178 : i32 to vector<16xi32>
        %and3A_1180 = arith.andi %broadcast_in_dim3A_1179, %select_n3A_577 : vector<16xi32>
        %ne3A_1181 = arith.constant 0 : i32
        %ne3A_1182 = vector.broadcast %ne3A_1181 : i32 to vector<16xi32>
        %ne3A_1183 = arith.cmpi ne, %and3A_1180, %ne3A_1182 : vector<16xi32>
        %le3A_1184 = arith.constant 5.760000e+00 : f32
        %le3A_1185 = vector.broadcast %le3A_1184 : f32 to vector<16xf32>
        %le3A_1186 = arith.cmpf ole, %sub3A_1176, %le3A_1185 : vector<16xf32>
        %and3A_1187 = arith.andi %le3A_1186, %ne3A_1183 : vector<16xi1>
        %jit3A_1188 = arith.constant 1.000000e+10 : f32
        %broadcast_in_dim3A_1189 = vector.broadcast %jit3A_1188 : f32 to vector<16xf32>
        %select_n3A_1190 = arith.select %and3A_1187, %sub3A_1176, %broadcast_in_dim3A_1189 : vector<16xi1>, vector<16xf32>
        %slice3A_1191 = vector.extract_strided_slice %and3A_1052 {offsets = [2], sizes = [1], strides = [1]} : vector<16xi32> to vector<1xi32>
        %squeeze3A_1192 = vector.extract %slice3A_1191[0] : i32 from vector<1xi32>
        %broadcast_in_dim3A_1193 = vector.broadcast %squeeze3A_1192 : i32 to vector<16xi32>
        %lt3A_1194 = arith.cmpf olt, %select_n3A_1190, %select_n3A_1155 : vector<16xf32>
        %lt3A_1195 = arith.cmpf olt, %select_n3A_1190, %select_n3A_1152 : vector<16xf32>
        %lt3A_1196 = arith.cmpf olt, %select_n3A_1190, %select_n3A_1148 : vector<16xf32>
        %select_n3A_1197 = arith.select %lt3A_1196, %select_n3A_1190, %select_n3A_1148 : vector<16xi1>, vector<16xf32>
        %select_n3A_1198 = arith.select %lt3A_1195, %select_n3A_1152, %select_n3A_1197 : vector<16xi1>, vector<16xf32>
        %select_n3A_1199 = arith.select %lt3A_1196, %broadcast_in_dim3A_1193, %select_n3A_1150 : vector<16xi1>, vector<16xi32>
        %select_n3A_1200 = arith.select %lt3A_1195, %select_n3A_1154, %select_n3A_1199 : vector<16xi1>, vector<16xi32>
        %select_n3A_1201 = arith.select %lt3A_1195, %select_n3A_1190, %select_n3A_1152 : vector<16xi1>, vector<16xf32>
        %select_n3A_1202 = arith.select %lt3A_1194, %select_n3A_1155, %select_n3A_1201 : vector<16xi1>, vector<16xf32>
        %select_n3A_1203 = arith.select %lt3A_1195, %broadcast_in_dim3A_1193, %select_n3A_1154 : vector<16xi1>, vector<16xi32>
        %select_n3A_1204 = arith.select %lt3A_1194, %select_n3A_1156, %select_n3A_1203 : vector<16xi1>, vector<16xi32>
        %select_n3A_1205 = arith.select %lt3A_1194, %select_n3A_1190, %select_n3A_1155 : vector<16xi1>, vector<16xf32>
        %select_n3A_1206 = arith.select %lt3A_1194, %broadcast_in_dim3A_1193, %select_n3A_1156 : vector<16xi1>, vector<16xi32>
        %slice3A_1207 = vector.extract_strided_slice %gather3A_1053 {offsets = [3], sizes = [1], strides = [1]} : vector<16xf32> to vector<1xf32>
        %squeeze3A_1208 = vector.extract %slice3A_1207[0] : f32 from vector<1xf32>
        %broadcast_in_dim3A_1209 = vector.broadcast %squeeze3A_1208 : f32 to vector<16xf32>
        %slice3A_1210 = vector.extract_strided_slice %gather3A_1054 {offsets = [3], sizes = [1], strides = [1]} : vector<16xf32> to vector<1xf32>
        %squeeze3A_1211 = vector.extract %slice3A_1210[0] : f32 from vector<1xf32>
        %broadcast_in_dim3A_1212 = vector.broadcast %squeeze3A_1211 : f32 to vector<16xf32>
        %slice3A_1213 = vector.extract_strided_slice %gather3A_1055 {offsets = [3], sizes = [1], strides = [1]} : vector<16xf32> to vector<1xf32>
        %squeeze3A_1214 = vector.extract %slice3A_1213[0] : f32 from vector<1xf32>
        %broadcast_in_dim3A_1215 = vector.broadcast %squeeze3A_1214 : f32 to vector<16xf32>
        %slice3A_1216 = vector.extract_strided_slice %gather3A_1056 {offsets = [3], sizes = [1], strides = [1]} : vector<16xf32> to vector<1xf32>
        %squeeze3A_1217 = vector.extract %slice3A_1216[0] : f32 from vector<1xf32>
        %broadcast_in_dim3A_1218 = vector.broadcast %squeeze3A_1217 : f32 to vector<16xf32>
        %mul3A_1219 = arith.mulf %get3A_166, %broadcast_in_dim3A_1209 : vector<16xf32>
        %mul3A_1220 = arith.mulf %get3A_170, %broadcast_in_dim3A_1212 : vector<16xf32>
        %add3A_1221 = arith.addf %mul3A_1219, %mul3A_1220 : vector<16xf32>
        %mul3A_1222 = arith.mulf %get3A_174, %broadcast_in_dim3A_1215 : vector<16xf32>
        %add3A_1223 = arith.addf %add3A_1221, %mul3A_1222 : vector<16xf32>
        %add3A_1224 = arith.addf %add3A_195, %broadcast_in_dim3A_1218 : vector<16xf32>
        %add3A_1225 = arith.addf %add3A_1223, %add3A_1223 : vector<16xf32>
        %sub3A_1226 = arith.subf %add3A_1224, %add3A_1225 : vector<16xf32>
        %slice3A_1227 = vector.extract_strided_slice %get3A_1049 {offsets = [3], sizes = [1], strides = [1]} : vector<16xi32> to vector<1xi32>
        %squeeze3A_1228 = vector.extract %slice3A_1227[0] : i32 from vector<1xi32>
        %broadcast_in_dim3A_1229 = vector.broadcast %squeeze3A_1228 : i32 to vector<16xi32>
        %and3A_1230 = arith.andi %broadcast_in_dim3A_1229, %select_n3A_577 : vector<16xi32>
        %ne3A_1231 = arith.constant 0 : i32
        %ne3A_1232 = vector.broadcast %ne3A_1231 : i32 to vector<16xi32>
        %ne3A_1233 = arith.cmpi ne, %and3A_1230, %ne3A_1232 : vector<16xi32>
        %le3A_1234 = arith.constant 5.760000e+00 : f32
        %le3A_1235 = vector.broadcast %le3A_1234 : f32 to vector<16xf32>
        %le3A_1236 = arith.cmpf ole, %sub3A_1226, %le3A_1235 : vector<16xf32>
        %and3A_1237 = arith.andi %le3A_1236, %ne3A_1233 : vector<16xi1>
        %jit3A_1238 = arith.constant 1.000000e+10 : f32
        %broadcast_in_dim3A_1239 = vector.broadcast %jit3A_1238 : f32 to vector<16xf32>
        %select_n3A_1240 = arith.select %and3A_1237, %sub3A_1226, %broadcast_in_dim3A_1239 : vector<16xi1>, vector<16xf32>
        %slice3A_1241 = vector.extract_strided_slice %and3A_1052 {offsets = [3], sizes = [1], strides = [1]} : vector<16xi32> to vector<1xi32>
        %squeeze3A_1242 = vector.extract %slice3A_1241[0] : i32 from vector<1xi32>
        %broadcast_in_dim3A_1243 = vector.broadcast %squeeze3A_1242 : i32 to vector<16xi32>
        %lt3A_1244 = arith.cmpf olt, %select_n3A_1240, %select_n3A_1205 : vector<16xf32>
        %lt3A_1245 = arith.cmpf olt, %select_n3A_1240, %select_n3A_1202 : vector<16xf32>
        %lt3A_1246 = arith.cmpf olt, %select_n3A_1240, %select_n3A_1198 : vector<16xf32>
        %select_n3A_1247 = arith.select %lt3A_1246, %select_n3A_1240, %select_n3A_1198 : vector<16xi1>, vector<16xf32>
        %select_n3A_1248 = arith.select %lt3A_1245, %select_n3A_1202, %select_n3A_1247 : vector<16xi1>, vector<16xf32>
        %select_n3A_1249 = arith.select %lt3A_1246, %broadcast_in_dim3A_1243, %select_n3A_1200 : vector<16xi1>, vector<16xi32>
        %select_n3A_1250 = arith.select %lt3A_1245, %select_n3A_1204, %select_n3A_1249 : vector<16xi1>, vector<16xi32>
        %select_n3A_1251 = arith.select %lt3A_1245, %select_n3A_1240, %select_n3A_1202 : vector<16xi1>, vector<16xf32>
        %select_n3A_1252 = arith.select %lt3A_1244, %select_n3A_1205, %select_n3A_1251 : vector<16xi1>, vector<16xf32>
        %select_n3A_1253 = arith.select %lt3A_1245, %broadcast_in_dim3A_1243, %select_n3A_1204 : vector<16xi1>, vector<16xi32>
        %select_n3A_1254 = arith.select %lt3A_1244, %select_n3A_1206, %select_n3A_1253 : vector<16xi1>, vector<16xi32>
        %select_n3A_1255 = arith.select %lt3A_1244, %select_n3A_1240, %select_n3A_1205 : vector<16xi1>, vector<16xf32>
        %select_n3A_1256 = arith.select %lt3A_1244, %broadcast_in_dim3A_1243, %select_n3A_1206 : vector<16xi1>, vector<16xi32>
        %slice3A_1257 = vector.extract_strided_slice %gather3A_1053 {offsets = [4], sizes = [1], strides = [1]} : vector<16xf32> to vector<1xf32>
        %squeeze3A_1258 = vector.extract %slice3A_1257[0] : f32 from vector<1xf32>
        %broadcast_in_dim3A_1259 = vector.broadcast %squeeze3A_1258 : f32 to vector<16xf32>
        %slice3A_1260 = vector.extract_strided_slice %gather3A_1054 {offsets = [4], sizes = [1], strides = [1]} : vector<16xf32> to vector<1xf32>
        %squeeze3A_1261 = vector.extract %slice3A_1260[0] : f32 from vector<1xf32>
        %broadcast_in_dim3A_1262 = vector.broadcast %squeeze3A_1261 : f32 to vector<16xf32>
        %slice3A_1263 = vector.extract_strided_slice %gather3A_1055 {offsets = [4], sizes = [1], strides = [1]} : vector<16xf32> to vector<1xf32>
        %squeeze3A_1264 = vector.extract %slice3A_1263[0] : f32 from vector<1xf32>
        %broadcast_in_dim3A_1265 = vector.broadcast %squeeze3A_1264 : f32 to vector<16xf32>
        %slice3A_1266 = vector.extract_strided_slice %gather3A_1056 {offsets = [4], sizes = [1], strides = [1]} : vector<16xf32> to vector<1xf32>
        %squeeze3A_1267 = vector.extract %slice3A_1266[0] : f32 from vector<1xf32>
        %broadcast_in_dim3A_1268 = vector.broadcast %squeeze3A_1267 : f32 to vector<16xf32>
        %mul3A_1269 = arith.mulf %get3A_166, %broadcast_in_dim3A_1259 : vector<16xf32>
        %mul3A_1270 = arith.mulf %get3A_170, %broadcast_in_dim3A_1262 : vector<16xf32>
        %add3A_1271 = arith.addf %mul3A_1269, %mul3A_1270 : vector<16xf32>
        %mul3A_1272 = arith.mulf %get3A_174, %broadcast_in_dim3A_1265 : vector<16xf32>
        %add3A_1273 = arith.addf %add3A_1271, %mul3A_1272 : vector<16xf32>
        %add3A_1274 = arith.addf %add3A_195, %broadcast_in_dim3A_1268 : vector<16xf32>
        %add3A_1275 = arith.addf %add3A_1273, %add3A_1273 : vector<16xf32>
        %sub3A_1276 = arith.subf %add3A_1274, %add3A_1275 : vector<16xf32>
        %slice3A_1277 = vector.extract_strided_slice %get3A_1049 {offsets = [4], sizes = [1], strides = [1]} : vector<16xi32> to vector<1xi32>
        %squeeze3A_1278 = vector.extract %slice3A_1277[0] : i32 from vector<1xi32>
        %broadcast_in_dim3A_1279 = vector.broadcast %squeeze3A_1278 : i32 to vector<16xi32>
        %and3A_1280 = arith.andi %broadcast_in_dim3A_1279, %select_n3A_577 : vector<16xi32>
        %ne3A_1281 = arith.constant 0 : i32
        %ne3A_1282 = vector.broadcast %ne3A_1281 : i32 to vector<16xi32>
        %ne3A_1283 = arith.cmpi ne, %and3A_1280, %ne3A_1282 : vector<16xi32>
        %le3A_1284 = arith.constant 5.760000e+00 : f32
        %le3A_1285 = vector.broadcast %le3A_1284 : f32 to vector<16xf32>
        %le3A_1286 = arith.cmpf ole, %sub3A_1276, %le3A_1285 : vector<16xf32>
        %and3A_1287 = arith.andi %le3A_1286, %ne3A_1283 : vector<16xi1>
        %jit3A_1288 = arith.constant 1.000000e+10 : f32
        %broadcast_in_dim3A_1289 = vector.broadcast %jit3A_1288 : f32 to vector<16xf32>
        %select_n3A_1290 = arith.select %and3A_1287, %sub3A_1276, %broadcast_in_dim3A_1289 : vector<16xi1>, vector<16xf32>
        %slice3A_1291 = vector.extract_strided_slice %and3A_1052 {offsets = [4], sizes = [1], strides = [1]} : vector<16xi32> to vector<1xi32>
        %squeeze3A_1292 = vector.extract %slice3A_1291[0] : i32 from vector<1xi32>
        %broadcast_in_dim3A_1293 = vector.broadcast %squeeze3A_1292 : i32 to vector<16xi32>
        %lt3A_1294 = arith.cmpf olt, %select_n3A_1290, %select_n3A_1255 : vector<16xf32>
        %lt3A_1295 = arith.cmpf olt, %select_n3A_1290, %select_n3A_1252 : vector<16xf32>
        %lt3A_1296 = arith.cmpf olt, %select_n3A_1290, %select_n3A_1248 : vector<16xf32>
        %select_n3A_1297 = arith.select %lt3A_1296, %select_n3A_1290, %select_n3A_1248 : vector<16xi1>, vector<16xf32>
        %select_n3A_1298 = arith.select %lt3A_1295, %select_n3A_1252, %select_n3A_1297 : vector<16xi1>, vector<16xf32>
        %select_n3A_1299 = arith.select %lt3A_1296, %broadcast_in_dim3A_1293, %select_n3A_1250 : vector<16xi1>, vector<16xi32>
        %select_n3A_1300 = arith.select %lt3A_1295, %select_n3A_1254, %select_n3A_1299 : vector<16xi1>, vector<16xi32>
        %select_n3A_1301 = arith.select %lt3A_1295, %select_n3A_1290, %select_n3A_1252 : vector<16xi1>, vector<16xf32>
        %select_n3A_1302 = arith.select %lt3A_1294, %select_n3A_1255, %select_n3A_1301 : vector<16xi1>, vector<16xf32>
        %select_n3A_1303 = arith.select %lt3A_1295, %broadcast_in_dim3A_1293, %select_n3A_1254 : vector<16xi1>, vector<16xi32>
        %select_n3A_1304 = arith.select %lt3A_1294, %select_n3A_1256, %select_n3A_1303 : vector<16xi1>, vector<16xi32>
        %select_n3A_1305 = arith.select %lt3A_1294, %select_n3A_1290, %select_n3A_1255 : vector<16xi1>, vector<16xf32>
        %select_n3A_1306 = arith.select %lt3A_1294, %broadcast_in_dim3A_1293, %select_n3A_1256 : vector<16xi1>, vector<16xi32>
        %slice3A_1307 = vector.extract_strided_slice %gather3A_1053 {offsets = [5], sizes = [1], strides = [1]} : vector<16xf32> to vector<1xf32>
        %squeeze3A_1308 = vector.extract %slice3A_1307[0] : f32 from vector<1xf32>
        %broadcast_in_dim3A_1309 = vector.broadcast %squeeze3A_1308 : f32 to vector<16xf32>
        %slice3A_1310 = vector.extract_strided_slice %gather3A_1054 {offsets = [5], sizes = [1], strides = [1]} : vector<16xf32> to vector<1xf32>
        %squeeze3A_1311 = vector.extract %slice3A_1310[0] : f32 from vector<1xf32>
        %broadcast_in_dim3A_1312 = vector.broadcast %squeeze3A_1311 : f32 to vector<16xf32>
        %slice3A_1313 = vector.extract_strided_slice %gather3A_1055 {offsets = [5], sizes = [1], strides = [1]} : vector<16xf32> to vector<1xf32>
        %squeeze3A_1314 = vector.extract %slice3A_1313[0] : f32 from vector<1xf32>
        %broadcast_in_dim3A_1315 = vector.broadcast %squeeze3A_1314 : f32 to vector<16xf32>
        %slice3A_1316 = vector.extract_strided_slice %gather3A_1056 {offsets = [5], sizes = [1], strides = [1]} : vector<16xf32> to vector<1xf32>
        %squeeze3A_1317 = vector.extract %slice3A_1316[0] : f32 from vector<1xf32>
        %broadcast_in_dim3A_1318 = vector.broadcast %squeeze3A_1317 : f32 to vector<16xf32>
        %mul3A_1319 = arith.mulf %get3A_166, %broadcast_in_dim3A_1309 : vector<16xf32>
        %mul3A_1320 = arith.mulf %get3A_170, %broadcast_in_dim3A_1312 : vector<16xf32>
        %add3A_1321 = arith.addf %mul3A_1319, %mul3A_1320 : vector<16xf32>
        %mul3A_1322 = arith.mulf %get3A_174, %broadcast_in_dim3A_1315 : vector<16xf32>
        %add3A_1323 = arith.addf %add3A_1321, %mul3A_1322 : vector<16xf32>
        %add3A_1324 = arith.addf %add3A_195, %broadcast_in_dim3A_1318 : vector<16xf32>
        %add3A_1325 = arith.addf %add3A_1323, %add3A_1323 : vector<16xf32>
        %sub3A_1326 = arith.subf %add3A_1324, %add3A_1325 : vector<16xf32>
        %slice3A_1327 = vector.extract_strided_slice %get3A_1049 {offsets = [5], sizes = [1], strides = [1]} : vector<16xi32> to vector<1xi32>
        %squeeze3A_1328 = vector.extract %slice3A_1327[0] : i32 from vector<1xi32>
        %broadcast_in_dim3A_1329 = vector.broadcast %squeeze3A_1328 : i32 to vector<16xi32>
        %and3A_1330 = arith.andi %broadcast_in_dim3A_1329, %select_n3A_577 : vector<16xi32>
        %ne3A_1331 = arith.constant 0 : i32
        %ne3A_1332 = vector.broadcast %ne3A_1331 : i32 to vector<16xi32>
        %ne3A_1333 = arith.cmpi ne, %and3A_1330, %ne3A_1332 : vector<16xi32>
        %le3A_1334 = arith.constant 5.760000e+00 : f32
        %le3A_1335 = vector.broadcast %le3A_1334 : f32 to vector<16xf32>
        %le3A_1336 = arith.cmpf ole, %sub3A_1326, %le3A_1335 : vector<16xf32>
        %and3A_1337 = arith.andi %le3A_1336, %ne3A_1333 : vector<16xi1>
        %jit3A_1338 = arith.constant 1.000000e+10 : f32
        %broadcast_in_dim3A_1339 = vector.broadcast %jit3A_1338 : f32 to vector<16xf32>
        %select_n3A_1340 = arith.select %and3A_1337, %sub3A_1326, %broadcast_in_dim3A_1339 : vector<16xi1>, vector<16xf32>
        %slice3A_1341 = vector.extract_strided_slice %and3A_1052 {offsets = [5], sizes = [1], strides = [1]} : vector<16xi32> to vector<1xi32>
        %squeeze3A_1342 = vector.extract %slice3A_1341[0] : i32 from vector<1xi32>
        %broadcast_in_dim3A_1343 = vector.broadcast %squeeze3A_1342 : i32 to vector<16xi32>
        %lt3A_1344 = arith.cmpf olt, %select_n3A_1340, %select_n3A_1305 : vector<16xf32>
        %lt3A_1345 = arith.cmpf olt, %select_n3A_1340, %select_n3A_1302 : vector<16xf32>
        %lt3A_1346 = arith.cmpf olt, %select_n3A_1340, %select_n3A_1298 : vector<16xf32>
        %select_n3A_1347 = arith.select %lt3A_1346, %select_n3A_1340, %select_n3A_1298 : vector<16xi1>, vector<16xf32>
        %select_n3A_1348 = arith.select %lt3A_1345, %select_n3A_1302, %select_n3A_1347 : vector<16xi1>, vector<16xf32>
        %select_n3A_1349 = arith.select %lt3A_1346, %broadcast_in_dim3A_1343, %select_n3A_1300 : vector<16xi1>, vector<16xi32>
        %select_n3A_1350 = arith.select %lt3A_1345, %select_n3A_1304, %select_n3A_1349 : vector<16xi1>, vector<16xi32>
        %select_n3A_1351 = arith.select %lt3A_1345, %select_n3A_1340, %select_n3A_1302 : vector<16xi1>, vector<16xf32>
        %select_n3A_1352 = arith.select %lt3A_1344, %select_n3A_1305, %select_n3A_1351 : vector<16xi1>, vector<16xf32>
        %select_n3A_1353 = arith.select %lt3A_1345, %broadcast_in_dim3A_1343, %select_n3A_1304 : vector<16xi1>, vector<16xi32>
        %select_n3A_1354 = arith.select %lt3A_1344, %select_n3A_1306, %select_n3A_1353 : vector<16xi1>, vector<16xi32>
        %select_n3A_1355 = arith.select %lt3A_1344, %select_n3A_1340, %select_n3A_1305 : vector<16xi1>, vector<16xf32>
        %select_n3A_1356 = arith.select %lt3A_1344, %broadcast_in_dim3A_1343, %select_n3A_1306 : vector<16xi1>, vector<16xi32>
        %slice3A_1357 = vector.extract_strided_slice %gather3A_1053 {offsets = [6], sizes = [1], strides = [1]} : vector<16xf32> to vector<1xf32>
        %squeeze3A_1358 = vector.extract %slice3A_1357[0] : f32 from vector<1xf32>
        %broadcast_in_dim3A_1359 = vector.broadcast %squeeze3A_1358 : f32 to vector<16xf32>
        %slice3A_1360 = vector.extract_strided_slice %gather3A_1054 {offsets = [6], sizes = [1], strides = [1]} : vector<16xf32> to vector<1xf32>
        %squeeze3A_1361 = vector.extract %slice3A_1360[0] : f32 from vector<1xf32>
        %broadcast_in_dim3A_1362 = vector.broadcast %squeeze3A_1361 : f32 to vector<16xf32>
        %slice3A_1363 = vector.extract_strided_slice %gather3A_1055 {offsets = [6], sizes = [1], strides = [1]} : vector<16xf32> to vector<1xf32>
        %squeeze3A_1364 = vector.extract %slice3A_1363[0] : f32 from vector<1xf32>
        %broadcast_in_dim3A_1365 = vector.broadcast %squeeze3A_1364 : f32 to vector<16xf32>
        %slice3A_1366 = vector.extract_strided_slice %gather3A_1056 {offsets = [6], sizes = [1], strides = [1]} : vector<16xf32> to vector<1xf32>
        %squeeze3A_1367 = vector.extract %slice3A_1366[0] : f32 from vector<1xf32>
        %broadcast_in_dim3A_1368 = vector.broadcast %squeeze3A_1367 : f32 to vector<16xf32>
        %mul3A_1369 = arith.mulf %get3A_166, %broadcast_in_dim3A_1359 : vector<16xf32>
        %mul3A_1370 = arith.mulf %get3A_170, %broadcast_in_dim3A_1362 : vector<16xf32>
        %add3A_1371 = arith.addf %mul3A_1369, %mul3A_1370 : vector<16xf32>
        %mul3A_1372 = arith.mulf %get3A_174, %broadcast_in_dim3A_1365 : vector<16xf32>
        %add3A_1373 = arith.addf %add3A_1371, %mul3A_1372 : vector<16xf32>
        %add3A_1374 = arith.addf %add3A_195, %broadcast_in_dim3A_1368 : vector<16xf32>
        %add3A_1375 = arith.addf %add3A_1373, %add3A_1373 : vector<16xf32>
        %sub3A_1376 = arith.subf %add3A_1374, %add3A_1375 : vector<16xf32>
        %slice3A_1377 = vector.extract_strided_slice %get3A_1049 {offsets = [6], sizes = [1], strides = [1]} : vector<16xi32> to vector<1xi32>
        %squeeze3A_1378 = vector.extract %slice3A_1377[0] : i32 from vector<1xi32>
        %broadcast_in_dim3A_1379 = vector.broadcast %squeeze3A_1378 : i32 to vector<16xi32>
        %and3A_1380 = arith.andi %broadcast_in_dim3A_1379, %select_n3A_577 : vector<16xi32>
        %ne3A_1381 = arith.constant 0 : i32
        %ne3A_1382 = vector.broadcast %ne3A_1381 : i32 to vector<16xi32>
        %ne3A_1383 = arith.cmpi ne, %and3A_1380, %ne3A_1382 : vector<16xi32>
        %le3A_1384 = arith.constant 5.760000e+00 : f32
        %le3A_1385 = vector.broadcast %le3A_1384 : f32 to vector<16xf32>
        %le3A_1386 = arith.cmpf ole, %sub3A_1376, %le3A_1385 : vector<16xf32>
        %and3A_1387 = arith.andi %le3A_1386, %ne3A_1383 : vector<16xi1>
        %jit3A_1388 = arith.constant 1.000000e+10 : f32
        %broadcast_in_dim3A_1389 = vector.broadcast %jit3A_1388 : f32 to vector<16xf32>
        %select_n3A_1390 = arith.select %and3A_1387, %sub3A_1376, %broadcast_in_dim3A_1389 : vector<16xi1>, vector<16xf32>
        %slice3A_1391 = vector.extract_strided_slice %and3A_1052 {offsets = [6], sizes = [1], strides = [1]} : vector<16xi32> to vector<1xi32>
        %squeeze3A_1392 = vector.extract %slice3A_1391[0] : i32 from vector<1xi32>
        %broadcast_in_dim3A_1393 = vector.broadcast %squeeze3A_1392 : i32 to vector<16xi32>
        %lt3A_1394 = arith.cmpf olt, %select_n3A_1390, %select_n3A_1355 : vector<16xf32>
        %lt3A_1395 = arith.cmpf olt, %select_n3A_1390, %select_n3A_1352 : vector<16xf32>
        %lt3A_1396 = arith.cmpf olt, %select_n3A_1390, %select_n3A_1348 : vector<16xf32>
        %select_n3A_1397 = arith.select %lt3A_1396, %select_n3A_1390, %select_n3A_1348 : vector<16xi1>, vector<16xf32>
        %select_n3A_1398 = arith.select %lt3A_1395, %select_n3A_1352, %select_n3A_1397 : vector<16xi1>, vector<16xf32>
        %select_n3A_1399 = arith.select %lt3A_1396, %broadcast_in_dim3A_1393, %select_n3A_1350 : vector<16xi1>, vector<16xi32>
        %select_n3A_1400 = arith.select %lt3A_1395, %select_n3A_1354, %select_n3A_1399 : vector<16xi1>, vector<16xi32>
        %select_n3A_1401 = arith.select %lt3A_1395, %select_n3A_1390, %select_n3A_1352 : vector<16xi1>, vector<16xf32>
        %select_n3A_1402 = arith.select %lt3A_1394, %select_n3A_1355, %select_n3A_1401 : vector<16xi1>, vector<16xf32>
        %select_n3A_1403 = arith.select %lt3A_1395, %broadcast_in_dim3A_1393, %select_n3A_1354 : vector<16xi1>, vector<16xi32>
        %select_n3A_1404 = arith.select %lt3A_1394, %select_n3A_1356, %select_n3A_1403 : vector<16xi1>, vector<16xi32>
        %select_n3A_1405 = arith.select %lt3A_1394, %select_n3A_1390, %select_n3A_1355 : vector<16xi1>, vector<16xf32>
        %select_n3A_1406 = arith.select %lt3A_1394, %broadcast_in_dim3A_1393, %select_n3A_1356 : vector<16xi1>, vector<16xi32>
        %slice3A_1407 = vector.extract_strided_slice %gather3A_1053 {offsets = [7], sizes = [1], strides = [1]} : vector<16xf32> to vector<1xf32>
        %squeeze3A_1408 = vector.extract %slice3A_1407[0] : f32 from vector<1xf32>
        %broadcast_in_dim3A_1409 = vector.broadcast %squeeze3A_1408 : f32 to vector<16xf32>
        %slice3A_1410 = vector.extract_strided_slice %gather3A_1054 {offsets = [7], sizes = [1], strides = [1]} : vector<16xf32> to vector<1xf32>
        %squeeze3A_1411 = vector.extract %slice3A_1410[0] : f32 from vector<1xf32>
        %broadcast_in_dim3A_1412 = vector.broadcast %squeeze3A_1411 : f32 to vector<16xf32>
        %slice3A_1413 = vector.extract_strided_slice %gather3A_1055 {offsets = [7], sizes = [1], strides = [1]} : vector<16xf32> to vector<1xf32>
        %squeeze3A_1414 = vector.extract %slice3A_1413[0] : f32 from vector<1xf32>
        %broadcast_in_dim3A_1415 = vector.broadcast %squeeze3A_1414 : f32 to vector<16xf32>
        %slice3A_1416 = vector.extract_strided_slice %gather3A_1056 {offsets = [7], sizes = [1], strides = [1]} : vector<16xf32> to vector<1xf32>
        %squeeze3A_1417 = vector.extract %slice3A_1416[0] : f32 from vector<1xf32>
        %broadcast_in_dim3A_1418 = vector.broadcast %squeeze3A_1417 : f32 to vector<16xf32>
        %mul3A_1419 = arith.mulf %get3A_166, %broadcast_in_dim3A_1409 : vector<16xf32>
        %mul3A_1420 = arith.mulf %get3A_170, %broadcast_in_dim3A_1412 : vector<16xf32>
        %add3A_1421 = arith.addf %mul3A_1419, %mul3A_1420 : vector<16xf32>
        %mul3A_1422 = arith.mulf %get3A_174, %broadcast_in_dim3A_1415 : vector<16xf32>
        %add3A_1423 = arith.addf %add3A_1421, %mul3A_1422 : vector<16xf32>
        %add3A_1424 = arith.addf %add3A_195, %broadcast_in_dim3A_1418 : vector<16xf32>
        %add3A_1425 = arith.addf %add3A_1423, %add3A_1423 : vector<16xf32>
        %sub3A_1426 = arith.subf %add3A_1424, %add3A_1425 : vector<16xf32>
        %slice3A_1427 = vector.extract_strided_slice %get3A_1049 {offsets = [7], sizes = [1], strides = [1]} : vector<16xi32> to vector<1xi32>
        %squeeze3A_1428 = vector.extract %slice3A_1427[0] : i32 from vector<1xi32>
        %broadcast_in_dim3A_1429 = vector.broadcast %squeeze3A_1428 : i32 to vector<16xi32>
        %and3A_1430 = arith.andi %broadcast_in_dim3A_1429, %select_n3A_577 : vector<16xi32>
        %ne3A_1431 = arith.constant 0 : i32
        %ne3A_1432 = vector.broadcast %ne3A_1431 : i32 to vector<16xi32>
        %ne3A_1433 = arith.cmpi ne, %and3A_1430, %ne3A_1432 : vector<16xi32>
        %le3A_1434 = arith.constant 5.760000e+00 : f32
        %le3A_1435 = vector.broadcast %le3A_1434 : f32 to vector<16xf32>
        %le3A_1436 = arith.cmpf ole, %sub3A_1426, %le3A_1435 : vector<16xf32>
        %and3A_1437 = arith.andi %le3A_1436, %ne3A_1433 : vector<16xi1>
        %jit3A_1438 = arith.constant 1.000000e+10 : f32
        %broadcast_in_dim3A_1439 = vector.broadcast %jit3A_1438 : f32 to vector<16xf32>
        %select_n3A_1440 = arith.select %and3A_1437, %sub3A_1426, %broadcast_in_dim3A_1439 : vector<16xi1>, vector<16xf32>
        %slice3A_1441 = vector.extract_strided_slice %and3A_1052 {offsets = [7], sizes = [1], strides = [1]} : vector<16xi32> to vector<1xi32>
        %squeeze3A_1442 = vector.extract %slice3A_1441[0] : i32 from vector<1xi32>
        %broadcast_in_dim3A_1443 = vector.broadcast %squeeze3A_1442 : i32 to vector<16xi32>
        %lt3A_1444 = arith.cmpf olt, %select_n3A_1440, %select_n3A_1405 : vector<16xf32>
        %lt3A_1445 = arith.cmpf olt, %select_n3A_1440, %select_n3A_1402 : vector<16xf32>
        %lt3A_1446 = arith.cmpf olt, %select_n3A_1440, %select_n3A_1398 : vector<16xf32>
        %select_n3A_1447 = arith.select %lt3A_1446, %select_n3A_1440, %select_n3A_1398 : vector<16xi1>, vector<16xf32>
        %select_n3A_1448 = arith.select %lt3A_1445, %select_n3A_1402, %select_n3A_1447 : vector<16xi1>, vector<16xf32>
        %select_n3A_1449 = arith.select %lt3A_1446, %broadcast_in_dim3A_1443, %select_n3A_1400 : vector<16xi1>, vector<16xi32>
        %select_n3A_1450 = arith.select %lt3A_1445, %select_n3A_1404, %select_n3A_1449 : vector<16xi1>, vector<16xi32>
        %select_n3A_1451 = arith.select %lt3A_1445, %select_n3A_1440, %select_n3A_1402 : vector<16xi1>, vector<16xf32>
        %select_n3A_1452 = arith.select %lt3A_1444, %select_n3A_1405, %select_n3A_1451 : vector<16xi1>, vector<16xf32>
        %select_n3A_1453 = arith.select %lt3A_1445, %broadcast_in_dim3A_1443, %select_n3A_1404 : vector<16xi1>, vector<16xi32>
        %select_n3A_1454 = arith.select %lt3A_1444, %select_n3A_1406, %select_n3A_1453 : vector<16xi1>, vector<16xi32>
        %select_n3A_1455 = arith.select %lt3A_1444, %select_n3A_1440, %select_n3A_1405 : vector<16xi1>, vector<16xf32>
        %select_n3A_1456 = arith.select %lt3A_1444, %broadcast_in_dim3A_1443, %select_n3A_1406 : vector<16xi1>, vector<16xi32>
        %slice3A_1457 = vector.extract_strided_slice %gather3A_1053 {offsets = [8], sizes = [1], strides = [1]} : vector<16xf32> to vector<1xf32>
        %squeeze3A_1458 = vector.extract %slice3A_1457[0] : f32 from vector<1xf32>
        %broadcast_in_dim3A_1459 = vector.broadcast %squeeze3A_1458 : f32 to vector<16xf32>
        %slice3A_1460 = vector.extract_strided_slice %gather3A_1054 {offsets = [8], sizes = [1], strides = [1]} : vector<16xf32> to vector<1xf32>
        %squeeze3A_1461 = vector.extract %slice3A_1460[0] : f32 from vector<1xf32>
        %broadcast_in_dim3A_1462 = vector.broadcast %squeeze3A_1461 : f32 to vector<16xf32>
        %slice3A_1463 = vector.extract_strided_slice %gather3A_1055 {offsets = [8], sizes = [1], strides = [1]} : vector<16xf32> to vector<1xf32>
        %squeeze3A_1464 = vector.extract %slice3A_1463[0] : f32 from vector<1xf32>
        %broadcast_in_dim3A_1465 = vector.broadcast %squeeze3A_1464 : f32 to vector<16xf32>
        %slice3A_1466 = vector.extract_strided_slice %gather3A_1056 {offsets = [8], sizes = [1], strides = [1]} : vector<16xf32> to vector<1xf32>
        %squeeze3A_1467 = vector.extract %slice3A_1466[0] : f32 from vector<1xf32>
        %broadcast_in_dim3A_1468 = vector.broadcast %squeeze3A_1467 : f32 to vector<16xf32>
        %mul3A_1469 = arith.mulf %get3A_166, %broadcast_in_dim3A_1459 : vector<16xf32>
        %mul3A_1470 = arith.mulf %get3A_170, %broadcast_in_dim3A_1462 : vector<16xf32>
        %add3A_1471 = arith.addf %mul3A_1469, %mul3A_1470 : vector<16xf32>
        %mul3A_1472 = arith.mulf %get3A_174, %broadcast_in_dim3A_1465 : vector<16xf32>
        %add3A_1473 = arith.addf %add3A_1471, %mul3A_1472 : vector<16xf32>
        %add3A_1474 = arith.addf %add3A_195, %broadcast_in_dim3A_1468 : vector<16xf32>
        %add3A_1475 = arith.addf %add3A_1473, %add3A_1473 : vector<16xf32>
        %sub3A_1476 = arith.subf %add3A_1474, %add3A_1475 : vector<16xf32>
        %slice3A_1477 = vector.extract_strided_slice %get3A_1049 {offsets = [8], sizes = [1], strides = [1]} : vector<16xi32> to vector<1xi32>
        %squeeze3A_1478 = vector.extract %slice3A_1477[0] : i32 from vector<1xi32>
        %broadcast_in_dim3A_1479 = vector.broadcast %squeeze3A_1478 : i32 to vector<16xi32>
        %and3A_1480 = arith.andi %broadcast_in_dim3A_1479, %select_n3A_577 : vector<16xi32>
        %ne3A_1481 = arith.constant 0 : i32
        %ne3A_1482 = vector.broadcast %ne3A_1481 : i32 to vector<16xi32>
        %ne3A_1483 = arith.cmpi ne, %and3A_1480, %ne3A_1482 : vector<16xi32>
        %le3A_1484 = arith.constant 5.760000e+00 : f32
        %le3A_1485 = vector.broadcast %le3A_1484 : f32 to vector<16xf32>
        %le3A_1486 = arith.cmpf ole, %sub3A_1476, %le3A_1485 : vector<16xf32>
        %and3A_1487 = arith.andi %le3A_1486, %ne3A_1483 : vector<16xi1>
        %jit3A_1488 = arith.constant 1.000000e+10 : f32
        %broadcast_in_dim3A_1489 = vector.broadcast %jit3A_1488 : f32 to vector<16xf32>
        %select_n3A_1490 = arith.select %and3A_1487, %sub3A_1476, %broadcast_in_dim3A_1489 : vector<16xi1>, vector<16xf32>
        %slice3A_1491 = vector.extract_strided_slice %and3A_1052 {offsets = [8], sizes = [1], strides = [1]} : vector<16xi32> to vector<1xi32>
        %squeeze3A_1492 = vector.extract %slice3A_1491[0] : i32 from vector<1xi32>
        %broadcast_in_dim3A_1493 = vector.broadcast %squeeze3A_1492 : i32 to vector<16xi32>
        %lt3A_1494 = arith.cmpf olt, %select_n3A_1490, %select_n3A_1455 : vector<16xf32>
        %lt3A_1495 = arith.cmpf olt, %select_n3A_1490, %select_n3A_1452 : vector<16xf32>
        %lt3A_1496 = arith.cmpf olt, %select_n3A_1490, %select_n3A_1448 : vector<16xf32>
        %select_n3A_1497 = arith.select %lt3A_1496, %select_n3A_1490, %select_n3A_1448 : vector<16xi1>, vector<16xf32>
        %select_n3A_1498 = arith.select %lt3A_1495, %select_n3A_1452, %select_n3A_1497 : vector<16xi1>, vector<16xf32>
        %select_n3A_1499 = arith.select %lt3A_1496, %broadcast_in_dim3A_1493, %select_n3A_1450 : vector<16xi1>, vector<16xi32>
        %select_n3A_1500 = arith.select %lt3A_1495, %select_n3A_1454, %select_n3A_1499 : vector<16xi1>, vector<16xi32>
        %select_n3A_1501 = arith.select %lt3A_1495, %select_n3A_1490, %select_n3A_1452 : vector<16xi1>, vector<16xf32>
        %select_n3A_1502 = arith.select %lt3A_1494, %select_n3A_1455, %select_n3A_1501 : vector<16xi1>, vector<16xf32>
        %select_n3A_1503 = arith.select %lt3A_1495, %broadcast_in_dim3A_1493, %select_n3A_1454 : vector<16xi1>, vector<16xi32>
        %select_n3A_1504 = arith.select %lt3A_1494, %select_n3A_1456, %select_n3A_1503 : vector<16xi1>, vector<16xi32>
        %select_n3A_1505 = arith.select %lt3A_1494, %select_n3A_1490, %select_n3A_1455 : vector<16xi1>, vector<16xf32>
        %select_n3A_1506 = arith.select %lt3A_1494, %broadcast_in_dim3A_1493, %select_n3A_1456 : vector<16xi1>, vector<16xi32>
        %slice3A_1507 = vector.extract_strided_slice %gather3A_1053 {offsets = [9], sizes = [1], strides = [1]} : vector<16xf32> to vector<1xf32>
        %squeeze3A_1508 = vector.extract %slice3A_1507[0] : f32 from vector<1xf32>
        %broadcast_in_dim3A_1509 = vector.broadcast %squeeze3A_1508 : f32 to vector<16xf32>
        %slice3A_1510 = vector.extract_strided_slice %gather3A_1054 {offsets = [9], sizes = [1], strides = [1]} : vector<16xf32> to vector<1xf32>
        %squeeze3A_1511 = vector.extract %slice3A_1510[0] : f32 from vector<1xf32>
        %broadcast_in_dim3A_1512 = vector.broadcast %squeeze3A_1511 : f32 to vector<16xf32>
        %slice3A_1513 = vector.extract_strided_slice %gather3A_1055 {offsets = [9], sizes = [1], strides = [1]} : vector<16xf32> to vector<1xf32>
        %squeeze3A_1514 = vector.extract %slice3A_1513[0] : f32 from vector<1xf32>
        %broadcast_in_dim3A_1515 = vector.broadcast %squeeze3A_1514 : f32 to vector<16xf32>
        %slice3A_1516 = vector.extract_strided_slice %gather3A_1056 {offsets = [9], sizes = [1], strides = [1]} : vector<16xf32> to vector<1xf32>
        %squeeze3A_1517 = vector.extract %slice3A_1516[0] : f32 from vector<1xf32>
        %broadcast_in_dim3A_1518 = vector.broadcast %squeeze3A_1517 : f32 to vector<16xf32>
        %mul3A_1519 = arith.mulf %get3A_166, %broadcast_in_dim3A_1509 : vector<16xf32>
        %mul3A_1520 = arith.mulf %get3A_170, %broadcast_in_dim3A_1512 : vector<16xf32>
        %add3A_1521 = arith.addf %mul3A_1519, %mul3A_1520 : vector<16xf32>
        %mul3A_1522 = arith.mulf %get3A_174, %broadcast_in_dim3A_1515 : vector<16xf32>
        %add3A_1523 = arith.addf %add3A_1521, %mul3A_1522 : vector<16xf32>
        %add3A_1524 = arith.addf %add3A_195, %broadcast_in_dim3A_1518 : vector<16xf32>
        %add3A_1525 = arith.addf %add3A_1523, %add3A_1523 : vector<16xf32>
        %sub3A_1526 = arith.subf %add3A_1524, %add3A_1525 : vector<16xf32>
        %slice3A_1527 = vector.extract_strided_slice %get3A_1049 {offsets = [9], sizes = [1], strides = [1]} : vector<16xi32> to vector<1xi32>
        %squeeze3A_1528 = vector.extract %slice3A_1527[0] : i32 from vector<1xi32>
        %broadcast_in_dim3A_1529 = vector.broadcast %squeeze3A_1528 : i32 to vector<16xi32>
        %and3A_1530 = arith.andi %broadcast_in_dim3A_1529, %select_n3A_577 : vector<16xi32>
        %ne3A_1531 = arith.constant 0 : i32
        %ne3A_1532 = vector.broadcast %ne3A_1531 : i32 to vector<16xi32>
        %ne3A_1533 = arith.cmpi ne, %and3A_1530, %ne3A_1532 : vector<16xi32>
        %le3A_1534 = arith.constant 5.760000e+00 : f32
        %le3A_1535 = vector.broadcast %le3A_1534 : f32 to vector<16xf32>
        %le3A_1536 = arith.cmpf ole, %sub3A_1526, %le3A_1535 : vector<16xf32>
        %and3A_1537 = arith.andi %le3A_1536, %ne3A_1533 : vector<16xi1>
        %jit3A_1538 = arith.constant 1.000000e+10 : f32
        %broadcast_in_dim3A_1539 = vector.broadcast %jit3A_1538 : f32 to vector<16xf32>
        %select_n3A_1540 = arith.select %and3A_1537, %sub3A_1526, %broadcast_in_dim3A_1539 : vector<16xi1>, vector<16xf32>
        %slice3A_1541 = vector.extract_strided_slice %and3A_1052 {offsets = [9], sizes = [1], strides = [1]} : vector<16xi32> to vector<1xi32>
        %squeeze3A_1542 = vector.extract %slice3A_1541[0] : i32 from vector<1xi32>
        %broadcast_in_dim3A_1543 = vector.broadcast %squeeze3A_1542 : i32 to vector<16xi32>
        %lt3A_1544 = arith.cmpf olt, %select_n3A_1540, %select_n3A_1505 : vector<16xf32>
        %lt3A_1545 = arith.cmpf olt, %select_n3A_1540, %select_n3A_1502 : vector<16xf32>
        %lt3A_1546 = arith.cmpf olt, %select_n3A_1540, %select_n3A_1498 : vector<16xf32>
        %select_n3A_1547 = arith.select %lt3A_1546, %select_n3A_1540, %select_n3A_1498 : vector<16xi1>, vector<16xf32>
        %select_n3A_1548 = arith.select %lt3A_1545, %select_n3A_1502, %select_n3A_1547 : vector<16xi1>, vector<16xf32>
        %select_n3A_1549 = arith.select %lt3A_1546, %broadcast_in_dim3A_1543, %select_n3A_1500 : vector<16xi1>, vector<16xi32>
        %select_n3A_1550 = arith.select %lt3A_1545, %select_n3A_1504, %select_n3A_1549 : vector<16xi1>, vector<16xi32>
        %select_n3A_1551 = arith.select %lt3A_1545, %select_n3A_1540, %select_n3A_1502 : vector<16xi1>, vector<16xf32>
        %select_n3A_1552 = arith.select %lt3A_1544, %select_n3A_1505, %select_n3A_1551 : vector<16xi1>, vector<16xf32>
        %select_n3A_1553 = arith.select %lt3A_1545, %broadcast_in_dim3A_1543, %select_n3A_1504 : vector<16xi1>, vector<16xi32>
        %select_n3A_1554 = arith.select %lt3A_1544, %select_n3A_1506, %select_n3A_1553 : vector<16xi1>, vector<16xi32>
        %select_n3A_1555 = arith.select %lt3A_1544, %select_n3A_1540, %select_n3A_1505 : vector<16xi1>, vector<16xf32>
        %select_n3A_1556 = arith.select %lt3A_1544, %broadcast_in_dim3A_1543, %select_n3A_1506 : vector<16xi1>, vector<16xi32>
        %slice3A_1557 = vector.extract_strided_slice %gather3A_1053 {offsets = [10], sizes = [1], strides = [1]} : vector<16xf32> to vector<1xf32>
        %squeeze3A_1558 = vector.extract %slice3A_1557[0] : f32 from vector<1xf32>
        %broadcast_in_dim3A_1559 = vector.broadcast %squeeze3A_1558 : f32 to vector<16xf32>
        %slice3A_1560 = vector.extract_strided_slice %gather3A_1054 {offsets = [10], sizes = [1], strides = [1]} : vector<16xf32> to vector<1xf32>
        %squeeze3A_1561 = vector.extract %slice3A_1560[0] : f32 from vector<1xf32>
        %broadcast_in_dim3A_1562 = vector.broadcast %squeeze3A_1561 : f32 to vector<16xf32>
        %slice3A_1563 = vector.extract_strided_slice %gather3A_1055 {offsets = [10], sizes = [1], strides = [1]} : vector<16xf32> to vector<1xf32>
        %squeeze3A_1564 = vector.extract %slice3A_1563[0] : f32 from vector<1xf32>
        %broadcast_in_dim3A_1565 = vector.broadcast %squeeze3A_1564 : f32 to vector<16xf32>
        %slice3A_1566 = vector.extract_strided_slice %gather3A_1056 {offsets = [10], sizes = [1], strides = [1]} : vector<16xf32> to vector<1xf32>
        %squeeze3A_1567 = vector.extract %slice3A_1566[0] : f32 from vector<1xf32>
        %broadcast_in_dim3A_1568 = vector.broadcast %squeeze3A_1567 : f32 to vector<16xf32>
        %mul3A_1569 = arith.mulf %get3A_166, %broadcast_in_dim3A_1559 : vector<16xf32>
        %mul3A_1570 = arith.mulf %get3A_170, %broadcast_in_dim3A_1562 : vector<16xf32>
        %add3A_1571 = arith.addf %mul3A_1569, %mul3A_1570 : vector<16xf32>
        %mul3A_1572 = arith.mulf %get3A_174, %broadcast_in_dim3A_1565 : vector<16xf32>
        %add3A_1573 = arith.addf %add3A_1571, %mul3A_1572 : vector<16xf32>
        %add3A_1574 = arith.addf %add3A_195, %broadcast_in_dim3A_1568 : vector<16xf32>
        %add3A_1575 = arith.addf %add3A_1573, %add3A_1573 : vector<16xf32>
        %sub3A_1576 = arith.subf %add3A_1574, %add3A_1575 : vector<16xf32>
        %slice3A_1577 = vector.extract_strided_slice %get3A_1049 {offsets = [10], sizes = [1], strides = [1]} : vector<16xi32> to vector<1xi32>
        %squeeze3A_1578 = vector.extract %slice3A_1577[0] : i32 from vector<1xi32>
        %broadcast_in_dim3A_1579 = vector.broadcast %squeeze3A_1578 : i32 to vector<16xi32>
        %and3A_1580 = arith.andi %broadcast_in_dim3A_1579, %select_n3A_577 : vector<16xi32>
        %ne3A_1581 = arith.constant 0 : i32
        %ne3A_1582 = vector.broadcast %ne3A_1581 : i32 to vector<16xi32>
        %ne3A_1583 = arith.cmpi ne, %and3A_1580, %ne3A_1582 : vector<16xi32>
        %le3A_1584 = arith.constant 5.760000e+00 : f32
        %le3A_1585 = vector.broadcast %le3A_1584 : f32 to vector<16xf32>
        %le3A_1586 = arith.cmpf ole, %sub3A_1576, %le3A_1585 : vector<16xf32>
        %and3A_1587 = arith.andi %le3A_1586, %ne3A_1583 : vector<16xi1>
        %jit3A_1588 = arith.constant 1.000000e+10 : f32
        %broadcast_in_dim3A_1589 = vector.broadcast %jit3A_1588 : f32 to vector<16xf32>
        %select_n3A_1590 = arith.select %and3A_1587, %sub3A_1576, %broadcast_in_dim3A_1589 : vector<16xi1>, vector<16xf32>
        %slice3A_1591 = vector.extract_strided_slice %and3A_1052 {offsets = [10], sizes = [1], strides = [1]} : vector<16xi32> to vector<1xi32>
        %squeeze3A_1592 = vector.extract %slice3A_1591[0] : i32 from vector<1xi32>
        %broadcast_in_dim3A_1593 = vector.broadcast %squeeze3A_1592 : i32 to vector<16xi32>
        %lt3A_1594 = arith.cmpf olt, %select_n3A_1590, %select_n3A_1555 : vector<16xf32>
        %lt3A_1595 = arith.cmpf olt, %select_n3A_1590, %select_n3A_1552 : vector<16xf32>
        %lt3A_1596 = arith.cmpf olt, %select_n3A_1590, %select_n3A_1548 : vector<16xf32>
        %select_n3A_1597 = arith.select %lt3A_1596, %select_n3A_1590, %select_n3A_1548 : vector<16xi1>, vector<16xf32>
        %select_n3A_1598 = arith.select %lt3A_1595, %select_n3A_1552, %select_n3A_1597 : vector<16xi1>, vector<16xf32>
        %select_n3A_1599 = arith.select %lt3A_1596, %broadcast_in_dim3A_1593, %select_n3A_1550 : vector<16xi1>, vector<16xi32>
        %select_n3A_1600 = arith.select %lt3A_1595, %select_n3A_1554, %select_n3A_1599 : vector<16xi1>, vector<16xi32>
        %select_n3A_1601 = arith.select %lt3A_1595, %select_n3A_1590, %select_n3A_1552 : vector<16xi1>, vector<16xf32>
        %select_n3A_1602 = arith.select %lt3A_1594, %select_n3A_1555, %select_n3A_1601 : vector<16xi1>, vector<16xf32>
        %select_n3A_1603 = arith.select %lt3A_1595, %broadcast_in_dim3A_1593, %select_n3A_1554 : vector<16xi1>, vector<16xi32>
        %select_n3A_1604 = arith.select %lt3A_1594, %select_n3A_1556, %select_n3A_1603 : vector<16xi1>, vector<16xi32>
        %select_n3A_1605 = arith.select %lt3A_1594, %select_n3A_1590, %select_n3A_1555 : vector<16xi1>, vector<16xf32>
        %select_n3A_1606 = arith.select %lt3A_1594, %broadcast_in_dim3A_1593, %select_n3A_1556 : vector<16xi1>, vector<16xi32>
        %slice3A_1607 = vector.extract_strided_slice %gather3A_1053 {offsets = [11], sizes = [1], strides = [1]} : vector<16xf32> to vector<1xf32>
        %squeeze3A_1608 = vector.extract %slice3A_1607[0] : f32 from vector<1xf32>
        %broadcast_in_dim3A_1609 = vector.broadcast %squeeze3A_1608 : f32 to vector<16xf32>
        %slice3A_1610 = vector.extract_strided_slice %gather3A_1054 {offsets = [11], sizes = [1], strides = [1]} : vector<16xf32> to vector<1xf32>
        %squeeze3A_1611 = vector.extract %slice3A_1610[0] : f32 from vector<1xf32>
        %broadcast_in_dim3A_1612 = vector.broadcast %squeeze3A_1611 : f32 to vector<16xf32>
        %slice3A_1613 = vector.extract_strided_slice %gather3A_1055 {offsets = [11], sizes = [1], strides = [1]} : vector<16xf32> to vector<1xf32>
        %squeeze3A_1614 = vector.extract %slice3A_1613[0] : f32 from vector<1xf32>
        %broadcast_in_dim3A_1615 = vector.broadcast %squeeze3A_1614 : f32 to vector<16xf32>
        %slice3A_1616 = vector.extract_strided_slice %gather3A_1056 {offsets = [11], sizes = [1], strides = [1]} : vector<16xf32> to vector<1xf32>
        %squeeze3A_1617 = vector.extract %slice3A_1616[0] : f32 from vector<1xf32>
        %broadcast_in_dim3A_1618 = vector.broadcast %squeeze3A_1617 : f32 to vector<16xf32>
        %mul3A_1619 = arith.mulf %get3A_166, %broadcast_in_dim3A_1609 : vector<16xf32>
        %mul3A_1620 = arith.mulf %get3A_170, %broadcast_in_dim3A_1612 : vector<16xf32>
        %add3A_1621 = arith.addf %mul3A_1619, %mul3A_1620 : vector<16xf32>
        %mul3A_1622 = arith.mulf %get3A_174, %broadcast_in_dim3A_1615 : vector<16xf32>
        %add3A_1623 = arith.addf %add3A_1621, %mul3A_1622 : vector<16xf32>
        %add3A_1624 = arith.addf %add3A_195, %broadcast_in_dim3A_1618 : vector<16xf32>
        %add3A_1625 = arith.addf %add3A_1623, %add3A_1623 : vector<16xf32>
        %sub3A_1626 = arith.subf %add3A_1624, %add3A_1625 : vector<16xf32>
        %slice3A_1627 = vector.extract_strided_slice %get3A_1049 {offsets = [11], sizes = [1], strides = [1]} : vector<16xi32> to vector<1xi32>
        %squeeze3A_1628 = vector.extract %slice3A_1627[0] : i32 from vector<1xi32>
        %broadcast_in_dim3A_1629 = vector.broadcast %squeeze3A_1628 : i32 to vector<16xi32>
        %and3A_1630 = arith.andi %broadcast_in_dim3A_1629, %select_n3A_577 : vector<16xi32>
        %ne3A_1631 = arith.constant 0 : i32
        %ne3A_1632 = vector.broadcast %ne3A_1631 : i32 to vector<16xi32>
        %ne3A_1633 = arith.cmpi ne, %and3A_1630, %ne3A_1632 : vector<16xi32>
        %le3A_1634 = arith.constant 5.760000e+00 : f32
        %le3A_1635 = vector.broadcast %le3A_1634 : f32 to vector<16xf32>
        %le3A_1636 = arith.cmpf ole, %sub3A_1626, %le3A_1635 : vector<16xf32>
        %and3A_1637 = arith.andi %le3A_1636, %ne3A_1633 : vector<16xi1>
        %jit3A_1638 = arith.constant 1.000000e+10 : f32
        %broadcast_in_dim3A_1639 = vector.broadcast %jit3A_1638 : f32 to vector<16xf32>
        %select_n3A_1640 = arith.select %and3A_1637, %sub3A_1626, %broadcast_in_dim3A_1639 : vector<16xi1>, vector<16xf32>
        %slice3A_1641 = vector.extract_strided_slice %and3A_1052 {offsets = [11], sizes = [1], strides = [1]} : vector<16xi32> to vector<1xi32>
        %squeeze3A_1642 = vector.extract %slice3A_1641[0] : i32 from vector<1xi32>
        %broadcast_in_dim3A_1643 = vector.broadcast %squeeze3A_1642 : i32 to vector<16xi32>
        %lt3A_1644 = arith.cmpf olt, %select_n3A_1640, %select_n3A_1605 : vector<16xf32>
        %lt3A_1645 = arith.cmpf olt, %select_n3A_1640, %select_n3A_1602 : vector<16xf32>
        %lt3A_1646 = arith.cmpf olt, %select_n3A_1640, %select_n3A_1598 : vector<16xf32>
        %select_n3A_1647 = arith.select %lt3A_1646, %select_n3A_1640, %select_n3A_1598 : vector<16xi1>, vector<16xf32>
        %select_n3A_1648 = arith.select %lt3A_1645, %select_n3A_1602, %select_n3A_1647 : vector<16xi1>, vector<16xf32>
        %select_n3A_1649 = arith.select %lt3A_1646, %broadcast_in_dim3A_1643, %select_n3A_1600 : vector<16xi1>, vector<16xi32>
        %select_n3A_1650 = arith.select %lt3A_1645, %select_n3A_1604, %select_n3A_1649 : vector<16xi1>, vector<16xi32>
        %select_n3A_1651 = arith.select %lt3A_1645, %select_n3A_1640, %select_n3A_1602 : vector<16xi1>, vector<16xf32>
        %select_n3A_1652 = arith.select %lt3A_1644, %select_n3A_1605, %select_n3A_1651 : vector<16xi1>, vector<16xf32>
        %select_n3A_1653 = arith.select %lt3A_1645, %broadcast_in_dim3A_1643, %select_n3A_1604 : vector<16xi1>, vector<16xi32>
        %select_n3A_1654 = arith.select %lt3A_1644, %select_n3A_1606, %select_n3A_1653 : vector<16xi1>, vector<16xi32>
        %select_n3A_1655 = arith.select %lt3A_1644, %select_n3A_1640, %select_n3A_1605 : vector<16xi1>, vector<16xf32>
        %select_n3A_1656 = arith.select %lt3A_1644, %broadcast_in_dim3A_1643, %select_n3A_1606 : vector<16xi1>, vector<16xi32>
        %slice3A_1657 = vector.extract_strided_slice %gather3A_1053 {offsets = [12], sizes = [1], strides = [1]} : vector<16xf32> to vector<1xf32>
        %squeeze3A_1658 = vector.extract %slice3A_1657[0] : f32 from vector<1xf32>
        %broadcast_in_dim3A_1659 = vector.broadcast %squeeze3A_1658 : f32 to vector<16xf32>
        %slice3A_1660 = vector.extract_strided_slice %gather3A_1054 {offsets = [12], sizes = [1], strides = [1]} : vector<16xf32> to vector<1xf32>
        %squeeze3A_1661 = vector.extract %slice3A_1660[0] : f32 from vector<1xf32>
        %broadcast_in_dim3A_1662 = vector.broadcast %squeeze3A_1661 : f32 to vector<16xf32>
        %slice3A_1663 = vector.extract_strided_slice %gather3A_1055 {offsets = [12], sizes = [1], strides = [1]} : vector<16xf32> to vector<1xf32>
        %squeeze3A_1664 = vector.extract %slice3A_1663[0] : f32 from vector<1xf32>
        %broadcast_in_dim3A_1665 = vector.broadcast %squeeze3A_1664 : f32 to vector<16xf32>
        %slice3A_1666 = vector.extract_strided_slice %gather3A_1056 {offsets = [12], sizes = [1], strides = [1]} : vector<16xf32> to vector<1xf32>
        %squeeze3A_1667 = vector.extract %slice3A_1666[0] : f32 from vector<1xf32>
        %broadcast_in_dim3A_1668 = vector.broadcast %squeeze3A_1667 : f32 to vector<16xf32>
        %mul3A_1669 = arith.mulf %get3A_166, %broadcast_in_dim3A_1659 : vector<16xf32>
        %mul3A_1670 = arith.mulf %get3A_170, %broadcast_in_dim3A_1662 : vector<16xf32>
        %add3A_1671 = arith.addf %mul3A_1669, %mul3A_1670 : vector<16xf32>
        %mul3A_1672 = arith.mulf %get3A_174, %broadcast_in_dim3A_1665 : vector<16xf32>
        %add3A_1673 = arith.addf %add3A_1671, %mul3A_1672 : vector<16xf32>
        %add3A_1674 = arith.addf %add3A_195, %broadcast_in_dim3A_1668 : vector<16xf32>
        %add3A_1675 = arith.addf %add3A_1673, %add3A_1673 : vector<16xf32>
        %sub3A_1676 = arith.subf %add3A_1674, %add3A_1675 : vector<16xf32>
        %slice3A_1677 = vector.extract_strided_slice %get3A_1049 {offsets = [12], sizes = [1], strides = [1]} : vector<16xi32> to vector<1xi32>
        %squeeze3A_1678 = vector.extract %slice3A_1677[0] : i32 from vector<1xi32>
        %broadcast_in_dim3A_1679 = vector.broadcast %squeeze3A_1678 : i32 to vector<16xi32>
        %and3A_1680 = arith.andi %broadcast_in_dim3A_1679, %select_n3A_577 : vector<16xi32>
        %ne3A_1681 = arith.constant 0 : i32
        %ne3A_1682 = vector.broadcast %ne3A_1681 : i32 to vector<16xi32>
        %ne3A_1683 = arith.cmpi ne, %and3A_1680, %ne3A_1682 : vector<16xi32>
        %le3A_1684 = arith.constant 5.760000e+00 : f32
        %le3A_1685 = vector.broadcast %le3A_1684 : f32 to vector<16xf32>
        %le3A_1686 = arith.cmpf ole, %sub3A_1676, %le3A_1685 : vector<16xf32>
        %and3A_1687 = arith.andi %le3A_1686, %ne3A_1683 : vector<16xi1>
        %jit3A_1688 = arith.constant 1.000000e+10 : f32
        %broadcast_in_dim3A_1689 = vector.broadcast %jit3A_1688 : f32 to vector<16xf32>
        %select_n3A_1690 = arith.select %and3A_1687, %sub3A_1676, %broadcast_in_dim3A_1689 : vector<16xi1>, vector<16xf32>
        %slice3A_1691 = vector.extract_strided_slice %and3A_1052 {offsets = [12], sizes = [1], strides = [1]} : vector<16xi32> to vector<1xi32>
        %squeeze3A_1692 = vector.extract %slice3A_1691[0] : i32 from vector<1xi32>
        %broadcast_in_dim3A_1693 = vector.broadcast %squeeze3A_1692 : i32 to vector<16xi32>
        %lt3A_1694 = arith.cmpf olt, %select_n3A_1690, %select_n3A_1655 : vector<16xf32>
        %lt3A_1695 = arith.cmpf olt, %select_n3A_1690, %select_n3A_1652 : vector<16xf32>
        %lt3A_1696 = arith.cmpf olt, %select_n3A_1690, %select_n3A_1648 : vector<16xf32>
        %select_n3A_1697 = arith.select %lt3A_1696, %select_n3A_1690, %select_n3A_1648 : vector<16xi1>, vector<16xf32>
        %select_n3A_1698 = arith.select %lt3A_1695, %select_n3A_1652, %select_n3A_1697 : vector<16xi1>, vector<16xf32>
        %select_n3A_1699 = arith.select %lt3A_1696, %broadcast_in_dim3A_1693, %select_n3A_1650 : vector<16xi1>, vector<16xi32>
        %select_n3A_1700 = arith.select %lt3A_1695, %select_n3A_1654, %select_n3A_1699 : vector<16xi1>, vector<16xi32>
        %select_n3A_1701 = arith.select %lt3A_1695, %select_n3A_1690, %select_n3A_1652 : vector<16xi1>, vector<16xf32>
        %select_n3A_1702 = arith.select %lt3A_1694, %select_n3A_1655, %select_n3A_1701 : vector<16xi1>, vector<16xf32>
        %select_n3A_1703 = arith.select %lt3A_1695, %broadcast_in_dim3A_1693, %select_n3A_1654 : vector<16xi1>, vector<16xi32>
        %select_n3A_1704 = arith.select %lt3A_1694, %select_n3A_1656, %select_n3A_1703 : vector<16xi1>, vector<16xi32>
        %select_n3A_1705 = arith.select %lt3A_1694, %select_n3A_1690, %select_n3A_1655 : vector<16xi1>, vector<16xf32>
        %select_n3A_1706 = arith.select %lt3A_1694, %broadcast_in_dim3A_1693, %select_n3A_1656 : vector<16xi1>, vector<16xi32>
        %slice3A_1707 = vector.extract_strided_slice %gather3A_1053 {offsets = [13], sizes = [1], strides = [1]} : vector<16xf32> to vector<1xf32>
        %squeeze3A_1708 = vector.extract %slice3A_1707[0] : f32 from vector<1xf32>
        %broadcast_in_dim3A_1709 = vector.broadcast %squeeze3A_1708 : f32 to vector<16xf32>
        %slice3A_1710 = vector.extract_strided_slice %gather3A_1054 {offsets = [13], sizes = [1], strides = [1]} : vector<16xf32> to vector<1xf32>
        %squeeze3A_1711 = vector.extract %slice3A_1710[0] : f32 from vector<1xf32>
        %broadcast_in_dim3A_1712 = vector.broadcast %squeeze3A_1711 : f32 to vector<16xf32>
        %slice3A_1713 = vector.extract_strided_slice %gather3A_1055 {offsets = [13], sizes = [1], strides = [1]} : vector<16xf32> to vector<1xf32>
        %squeeze3A_1714 = vector.extract %slice3A_1713[0] : f32 from vector<1xf32>
        %broadcast_in_dim3A_1715 = vector.broadcast %squeeze3A_1714 : f32 to vector<16xf32>
        %slice3A_1716 = vector.extract_strided_slice %gather3A_1056 {offsets = [13], sizes = [1], strides = [1]} : vector<16xf32> to vector<1xf32>
        %squeeze3A_1717 = vector.extract %slice3A_1716[0] : f32 from vector<1xf32>
        %broadcast_in_dim3A_1718 = vector.broadcast %squeeze3A_1717 : f32 to vector<16xf32>
        %mul3A_1719 = arith.mulf %get3A_166, %broadcast_in_dim3A_1709 : vector<16xf32>
        %mul3A_1720 = arith.mulf %get3A_170, %broadcast_in_dim3A_1712 : vector<16xf32>
        %add3A_1721 = arith.addf %mul3A_1719, %mul3A_1720 : vector<16xf32>
        %mul3A_1722 = arith.mulf %get3A_174, %broadcast_in_dim3A_1715 : vector<16xf32>
        %add3A_1723 = arith.addf %add3A_1721, %mul3A_1722 : vector<16xf32>
        %add3A_1724 = arith.addf %add3A_195, %broadcast_in_dim3A_1718 : vector<16xf32>
        %add3A_1725 = arith.addf %add3A_1723, %add3A_1723 : vector<16xf32>
        %sub3A_1726 = arith.subf %add3A_1724, %add3A_1725 : vector<16xf32>
        %slice3A_1727 = vector.extract_strided_slice %get3A_1049 {offsets = [13], sizes = [1], strides = [1]} : vector<16xi32> to vector<1xi32>
        %squeeze3A_1728 = vector.extract %slice3A_1727[0] : i32 from vector<1xi32>
        %broadcast_in_dim3A_1729 = vector.broadcast %squeeze3A_1728 : i32 to vector<16xi32>
        %and3A_1730 = arith.andi %broadcast_in_dim3A_1729, %select_n3A_577 : vector<16xi32>
        %ne3A_1731 = arith.constant 0 : i32
        %ne3A_1732 = vector.broadcast %ne3A_1731 : i32 to vector<16xi32>
        %ne3A_1733 = arith.cmpi ne, %and3A_1730, %ne3A_1732 : vector<16xi32>
        %le3A_1734 = arith.constant 5.760000e+00 : f32
        %le3A_1735 = vector.broadcast %le3A_1734 : f32 to vector<16xf32>
        %le3A_1736 = arith.cmpf ole, %sub3A_1726, %le3A_1735 : vector<16xf32>
        %and3A_1737 = arith.andi %le3A_1736, %ne3A_1733 : vector<16xi1>
        %jit3A_1738 = arith.constant 1.000000e+10 : f32
        %broadcast_in_dim3A_1739 = vector.broadcast %jit3A_1738 : f32 to vector<16xf32>
        %select_n3A_1740 = arith.select %and3A_1737, %sub3A_1726, %broadcast_in_dim3A_1739 : vector<16xi1>, vector<16xf32>
        %slice3A_1741 = vector.extract_strided_slice %and3A_1052 {offsets = [13], sizes = [1], strides = [1]} : vector<16xi32> to vector<1xi32>
        %squeeze3A_1742 = vector.extract %slice3A_1741[0] : i32 from vector<1xi32>
        %broadcast_in_dim3A_1743 = vector.broadcast %squeeze3A_1742 : i32 to vector<16xi32>
        %lt3A_1744 = arith.cmpf olt, %select_n3A_1740, %select_n3A_1705 : vector<16xf32>
        %lt3A_1745 = arith.cmpf olt, %select_n3A_1740, %select_n3A_1702 : vector<16xf32>
        %lt3A_1746 = arith.cmpf olt, %select_n3A_1740, %select_n3A_1698 : vector<16xf32>
        %select_n3A_1747 = arith.select %lt3A_1746, %select_n3A_1740, %select_n3A_1698 : vector<16xi1>, vector<16xf32>
        %select_n3A_1748 = arith.select %lt3A_1745, %select_n3A_1702, %select_n3A_1747 : vector<16xi1>, vector<16xf32>
        %select_n3A_1749 = arith.select %lt3A_1746, %broadcast_in_dim3A_1743, %select_n3A_1700 : vector<16xi1>, vector<16xi32>
        %select_n3A_1750 = arith.select %lt3A_1745, %select_n3A_1704, %select_n3A_1749 : vector<16xi1>, vector<16xi32>
        %select_n3A_1751 = arith.select %lt3A_1745, %select_n3A_1740, %select_n3A_1702 : vector<16xi1>, vector<16xf32>
        %select_n3A_1752 = arith.select %lt3A_1744, %select_n3A_1705, %select_n3A_1751 : vector<16xi1>, vector<16xf32>
        %select_n3A_1753 = arith.select %lt3A_1745, %broadcast_in_dim3A_1743, %select_n3A_1704 : vector<16xi1>, vector<16xi32>
        %select_n3A_1754 = arith.select %lt3A_1744, %select_n3A_1706, %select_n3A_1753 : vector<16xi1>, vector<16xi32>
        %select_n3A_1755 = arith.select %lt3A_1744, %select_n3A_1740, %select_n3A_1705 : vector<16xi1>, vector<16xf32>
        %select_n3A_1756 = arith.select %lt3A_1744, %broadcast_in_dim3A_1743, %select_n3A_1706 : vector<16xi1>, vector<16xi32>
        %slice3A_1757 = vector.extract_strided_slice %gather3A_1053 {offsets = [14], sizes = [1], strides = [1]} : vector<16xf32> to vector<1xf32>
        %squeeze3A_1758 = vector.extract %slice3A_1757[0] : f32 from vector<1xf32>
        %broadcast_in_dim3A_1759 = vector.broadcast %squeeze3A_1758 : f32 to vector<16xf32>
        %slice3A_1760 = vector.extract_strided_slice %gather3A_1054 {offsets = [14], sizes = [1], strides = [1]} : vector<16xf32> to vector<1xf32>
        %squeeze3A_1761 = vector.extract %slice3A_1760[0] : f32 from vector<1xf32>
        %broadcast_in_dim3A_1762 = vector.broadcast %squeeze3A_1761 : f32 to vector<16xf32>
        %slice3A_1763 = vector.extract_strided_slice %gather3A_1055 {offsets = [14], sizes = [1], strides = [1]} : vector<16xf32> to vector<1xf32>
        %squeeze3A_1764 = vector.extract %slice3A_1763[0] : f32 from vector<1xf32>
        %broadcast_in_dim3A_1765 = vector.broadcast %squeeze3A_1764 : f32 to vector<16xf32>
        %slice3A_1766 = vector.extract_strided_slice %gather3A_1056 {offsets = [14], sizes = [1], strides = [1]} : vector<16xf32> to vector<1xf32>
        %squeeze3A_1767 = vector.extract %slice3A_1766[0] : f32 from vector<1xf32>
        %broadcast_in_dim3A_1768 = vector.broadcast %squeeze3A_1767 : f32 to vector<16xf32>
        %mul3A_1769 = arith.mulf %get3A_166, %broadcast_in_dim3A_1759 : vector<16xf32>
        %mul3A_1770 = arith.mulf %get3A_170, %broadcast_in_dim3A_1762 : vector<16xf32>
        %add3A_1771 = arith.addf %mul3A_1769, %mul3A_1770 : vector<16xf32>
        %mul3A_1772 = arith.mulf %get3A_174, %broadcast_in_dim3A_1765 : vector<16xf32>
        %add3A_1773 = arith.addf %add3A_1771, %mul3A_1772 : vector<16xf32>
        %add3A_1774 = arith.addf %add3A_195, %broadcast_in_dim3A_1768 : vector<16xf32>
        %add3A_1775 = arith.addf %add3A_1773, %add3A_1773 : vector<16xf32>
        %sub3A_1776 = arith.subf %add3A_1774, %add3A_1775 : vector<16xf32>
        %slice3A_1777 = vector.extract_strided_slice %get3A_1049 {offsets = [14], sizes = [1], strides = [1]} : vector<16xi32> to vector<1xi32>
        %squeeze3A_1778 = vector.extract %slice3A_1777[0] : i32 from vector<1xi32>
        %broadcast_in_dim3A_1779 = vector.broadcast %squeeze3A_1778 : i32 to vector<16xi32>
        %and3A_1780 = arith.andi %broadcast_in_dim3A_1779, %select_n3A_577 : vector<16xi32>
        %ne3A_1781 = arith.constant 0 : i32
        %ne3A_1782 = vector.broadcast %ne3A_1781 : i32 to vector<16xi32>
        %ne3A_1783 = arith.cmpi ne, %and3A_1780, %ne3A_1782 : vector<16xi32>
        %le3A_1784 = arith.constant 5.760000e+00 : f32
        %le3A_1785 = vector.broadcast %le3A_1784 : f32 to vector<16xf32>
        %le3A_1786 = arith.cmpf ole, %sub3A_1776, %le3A_1785 : vector<16xf32>
        %and3A_1787 = arith.andi %le3A_1786, %ne3A_1783 : vector<16xi1>
        %jit3A_1788 = arith.constant 1.000000e+10 : f32
        %broadcast_in_dim3A_1789 = vector.broadcast %jit3A_1788 : f32 to vector<16xf32>
        %select_n3A_1790 = arith.select %and3A_1787, %sub3A_1776, %broadcast_in_dim3A_1789 : vector<16xi1>, vector<16xf32>
        %slice3A_1791 = vector.extract_strided_slice %and3A_1052 {offsets = [14], sizes = [1], strides = [1]} : vector<16xi32> to vector<1xi32>
        %squeeze3A_1792 = vector.extract %slice3A_1791[0] : i32 from vector<1xi32>
        %broadcast_in_dim3A_1793 = vector.broadcast %squeeze3A_1792 : i32 to vector<16xi32>
        %lt3A_1794 = arith.cmpf olt, %select_n3A_1790, %select_n3A_1755 : vector<16xf32>
        %lt3A_1795 = arith.cmpf olt, %select_n3A_1790, %select_n3A_1752 : vector<16xf32>
        %lt3A_1796 = arith.cmpf olt, %select_n3A_1790, %select_n3A_1748 : vector<16xf32>
        %select_n3A_1797 = arith.select %lt3A_1796, %select_n3A_1790, %select_n3A_1748 : vector<16xi1>, vector<16xf32>
        %select_n3A_1798 = arith.select %lt3A_1795, %select_n3A_1752, %select_n3A_1797 : vector<16xi1>, vector<16xf32>
        %select_n3A_1799 = arith.select %lt3A_1796, %broadcast_in_dim3A_1793, %select_n3A_1750 : vector<16xi1>, vector<16xi32>
        %select_n3A_1800 = arith.select %lt3A_1795, %select_n3A_1754, %select_n3A_1799 : vector<16xi1>, vector<16xi32>
        %select_n3A_1801 = arith.select %lt3A_1795, %select_n3A_1790, %select_n3A_1752 : vector<16xi1>, vector<16xf32>
        %select_n3A_1802 = arith.select %lt3A_1794, %select_n3A_1755, %select_n3A_1801 : vector<16xi1>, vector<16xf32>
        %select_n3A_1803 = arith.select %lt3A_1795, %broadcast_in_dim3A_1793, %select_n3A_1754 : vector<16xi1>, vector<16xi32>
        %select_n3A_1804 = arith.select %lt3A_1794, %select_n3A_1756, %select_n3A_1803 : vector<16xi1>, vector<16xi32>
        %select_n3A_1805 = arith.select %lt3A_1794, %select_n3A_1790, %select_n3A_1755 : vector<16xi1>, vector<16xf32>
        %select_n3A_1806 = arith.select %lt3A_1794, %broadcast_in_dim3A_1793, %select_n3A_1756 : vector<16xi1>, vector<16xi32>
        %slice3A_1807 = vector.extract_strided_slice %gather3A_1053 {offsets = [15], sizes = [1], strides = [1]} : vector<16xf32> to vector<1xf32>
        %squeeze3A_1808 = vector.extract %slice3A_1807[0] : f32 from vector<1xf32>
        %broadcast_in_dim3A_1809 = vector.broadcast %squeeze3A_1808 : f32 to vector<16xf32>
        %slice3A_1810 = vector.extract_strided_slice %gather3A_1054 {offsets = [15], sizes = [1], strides = [1]} : vector<16xf32> to vector<1xf32>
        %squeeze3A_1811 = vector.extract %slice3A_1810[0] : f32 from vector<1xf32>
        %broadcast_in_dim3A_1812 = vector.broadcast %squeeze3A_1811 : f32 to vector<16xf32>
        %slice3A_1813 = vector.extract_strided_slice %gather3A_1055 {offsets = [15], sizes = [1], strides = [1]} : vector<16xf32> to vector<1xf32>
        %squeeze3A_1814 = vector.extract %slice3A_1813[0] : f32 from vector<1xf32>
        %broadcast_in_dim3A_1815 = vector.broadcast %squeeze3A_1814 : f32 to vector<16xf32>
        %slice3A_1816 = vector.extract_strided_slice %gather3A_1056 {offsets = [15], sizes = [1], strides = [1]} : vector<16xf32> to vector<1xf32>
        %squeeze3A_1817 = vector.extract %slice3A_1816[0] : f32 from vector<1xf32>
        %broadcast_in_dim3A_1818 = vector.broadcast %squeeze3A_1817 : f32 to vector<16xf32>
        %mul3A_1819 = arith.mulf %get3A_166, %broadcast_in_dim3A_1809 : vector<16xf32>
        %mul3A_1820 = arith.mulf %get3A_170, %broadcast_in_dim3A_1812 : vector<16xf32>
        %add3A_1821 = arith.addf %mul3A_1819, %mul3A_1820 : vector<16xf32>
        %mul3A_1822 = arith.mulf %get3A_174, %broadcast_in_dim3A_1815 : vector<16xf32>
        %add3A_1823 = arith.addf %add3A_1821, %mul3A_1822 : vector<16xf32>
        %add3A_1824 = arith.addf %add3A_195, %broadcast_in_dim3A_1818 : vector<16xf32>
        %add3A_1825 = arith.addf %add3A_1823, %add3A_1823 : vector<16xf32>
        %sub3A_1826 = arith.subf %add3A_1824, %add3A_1825 : vector<16xf32>
        %slice3A_1827 = vector.extract_strided_slice %get3A_1049 {offsets = [15], sizes = [1], strides = [1]} : vector<16xi32> to vector<1xi32>
        %squeeze3A_1828 = vector.extract %slice3A_1827[0] : i32 from vector<1xi32>
        %broadcast_in_dim3A_1829 = vector.broadcast %squeeze3A_1828 : i32 to vector<16xi32>
        %and3A_1830 = arith.andi %broadcast_in_dim3A_1829, %select_n3A_577 : vector<16xi32>
        %ne3A_1831 = arith.constant 0 : i32
        %ne3A_1832 = vector.broadcast %ne3A_1831 : i32 to vector<16xi32>
        %ne3A_1833 = arith.cmpi ne, %and3A_1830, %ne3A_1832 : vector<16xi32>
        %le3A_1834 = arith.constant 5.760000e+00 : f32
        %le3A_1835 = vector.broadcast %le3A_1834 : f32 to vector<16xf32>
        %le3A_1836 = arith.cmpf ole, %sub3A_1826, %le3A_1835 : vector<16xf32>
        %and3A_1837 = arith.andi %le3A_1836, %ne3A_1833 : vector<16xi1>
        %jit3A_1838 = arith.constant 1.000000e+10 : f32
        %broadcast_in_dim3A_1839 = vector.broadcast %jit3A_1838 : f32 to vector<16xf32>
        %select_n3A_1840 = arith.select %and3A_1837, %sub3A_1826, %broadcast_in_dim3A_1839 : vector<16xi1>, vector<16xf32>
        %slice3A_1841 = vector.extract_strided_slice %and3A_1052 {offsets = [15], sizes = [1], strides = [1]} : vector<16xi32> to vector<1xi32>
        %squeeze3A_1842 = vector.extract %slice3A_1841[0] : i32 from vector<1xi32>
        %broadcast_in_dim3A_1843 = vector.broadcast %squeeze3A_1842 : i32 to vector<16xi32>
        %lt3A_1844 = arith.cmpf olt, %select_n3A_1840, %select_n3A_1805 : vector<16xf32>
        %lt3A_1845 = arith.cmpf olt, %select_n3A_1840, %select_n3A_1802 : vector<16xf32>
        %lt3A_1846 = arith.cmpf olt, %select_n3A_1840, %select_n3A_1798 : vector<16xf32>
        %select_n3A_1847 = arith.select %lt3A_1846, %select_n3A_1840, %select_n3A_1798 : vector<16xi1>, vector<16xf32>
        %select_n3A_1848 = arith.select %lt3A_1845, %select_n3A_1802, %select_n3A_1847 : vector<16xi1>, vector<16xf32>
        %select_n3A_1849 = arith.select %lt3A_1846, %broadcast_in_dim3A_1843, %select_n3A_1800 : vector<16xi1>, vector<16xi32>
        %select_n3A_1850 = arith.select %lt3A_1845, %select_n3A_1804, %select_n3A_1849 : vector<16xi1>, vector<16xi32>
        %select_n3A_1851 = arith.select %lt3A_1845, %select_n3A_1840, %select_n3A_1802 : vector<16xi1>, vector<16xf32>
        %select_n3A_1852 = arith.select %lt3A_1844, %select_n3A_1805, %select_n3A_1851 : vector<16xi1>, vector<16xf32>
        %select_n3A_1853 = arith.select %lt3A_1845, %broadcast_in_dim3A_1843, %select_n3A_1804 : vector<16xi1>, vector<16xi32>
        %select_n3A_1854 = arith.select %lt3A_1844, %select_n3A_1806, %select_n3A_1853 : vector<16xi1>, vector<16xi32>
        %select_n3A_1855 = arith.select %lt3A_1844, %select_n3A_1840, %select_n3A_1805 : vector<16xi1>, vector<16xf32>
        %select_n3A_1856 = arith.select %lt3A_1844, %broadcast_in_dim3A_1843, %select_n3A_1806 : vector<16xi1>, vector<16xi32>
        scf.yield %select_n3A_1855, %select_n3A_1852, %select_n3A_1848, %select_n3A_1856, %select_n3A_1854, %select_n3A_1850 : vector<16xf32>, vector<16xf32>, vector<16xf32>, vector<16xi32>, vector<16xi32>, vector<16xi32>
      }
      %ge3A = arith.constant 5.000000e+09 : f32
      %ge3A_614 = vector.broadcast %ge3A : f32 to vector<16xf32>
      %ge3A_615 = arith.cmpf oge, %while3A_613#0, %ge3A_614 : vector<16xf32>
      %broadcast_in_dim3A_616 = arith.constant 0.000000e+00 : f32
      %broadcast_in_dim3A_617 = vector.broadcast %broadcast_in_dim3A_616 : f32 to vector<16xf32>
      %max3A = arith.constant 0.000000e+00 : f32
      %max3A_618 = vector.broadcast %max3A : f32 to vector<16xf32>
      %max3A_619 = arith.maximumf %while3A_613#0, %max3A_618 : vector<16xf32>
      %max3A_620 = arith.constant 2.38418579E-7 : f32
      %max3A_621 = vector.broadcast %max3A_620 : f32 to vector<16xf32>
      %max3A_622 = arith.maximumf %max3A_619, %max3A_621 : vector<16xf32>
      %broadcast_in_dim3A_623 = arith.constant 0.353553385 : f32
      %broadcast_in_dim3A_624 = vector.broadcast %broadcast_in_dim3A_623 : f32 to vector<16xf32>
      %lt3A_625 = arith.constant 4.000000e+00 : f32
      %lt3A_626 = vector.broadcast %lt3A_625 : f32 to vector<16xf32>
      %lt3A_627 = arith.cmpf olt, %max3A_622, %lt3A_626 : vector<16xf32>
      %jit3A_628 = arith.constant 0.707106769 : f32
      %broadcast_in_dim3A_629 = vector.broadcast %jit3A_628 : f32 to vector<16xf32>
      %select_n3A_630 = arith.select %lt3A_627, %broadcast_in_dim3A_629, %broadcast_in_dim3A_624 : vector<16xi1>, vector<16xf32>
      %lt3A_631 = arith.constant 1.000000e+00 : f32
      %lt3A_632 = vector.broadcast %lt3A_631 : f32 to vector<16xf32>
      %lt3A_633 = arith.cmpf olt, %max3A_622, %lt3A_632 : vector<16xf32>
      %jit3A_634 = arith.constant 1.41421354 : f32
      %broadcast_in_dim3A_635 = vector.broadcast %jit3A_634 : f32 to vector<16xf32>
      %select_n3A_636 = arith.select %lt3A_633, %broadcast_in_dim3A_635, %select_n3A_630 : vector<16xi1>, vector<16xf32>
      %lt3A_637 = arith.constant 2.500000e-01 : f32
      %lt3A_638 = vector.broadcast %lt3A_637 : f32 to vector<16xf32>
      %lt3A_639 = arith.cmpf olt, %max3A_622, %lt3A_638 : vector<16xf32>
      %jit3A_640 = arith.constant 2.82842708 : f32
      %broadcast_in_dim3A_641 = vector.broadcast %jit3A_640 : f32 to vector<16xf32>
      %select_n3A_642 = arith.select %lt3A_639, %broadcast_in_dim3A_641, %select_n3A_636 : vector<16xi1>, vector<16xf32>
      %lt3A_643 = arith.constant 6.250000e-02 : f32
      %lt3A_644 = vector.broadcast %lt3A_643 : f32 to vector<16xf32>
      %lt3A_645 = arith.cmpf olt, %max3A_622, %lt3A_644 : vector<16xf32>
      %jit3A_646 = arith.constant 5.65685415 : f32
      %broadcast_in_dim3A_647 = vector.broadcast %jit3A_646 : f32 to vector<16xf32>
      %select_n3A_648 = arith.select %lt3A_645, %broadcast_in_dim3A_647, %select_n3A_642 : vector<16xi1>, vector<16xf32>
      %lt3A_649 = arith.constant 1.562500e-02 : f32
      %lt3A_650 = vector.broadcast %lt3A_649 : f32 to vector<16xf32>
      %lt3A_651 = arith.cmpf olt, %max3A_622, %lt3A_650 : vector<16xf32>
      %jit3A_652 = arith.constant 11.3137083 : f32
      %broadcast_in_dim3A_653 = vector.broadcast %jit3A_652 : f32 to vector<16xf32>
      %select_n3A_654 = arith.select %lt3A_651, %broadcast_in_dim3A_653, %select_n3A_648 : vector<16xi1>, vector<16xf32>
      %lt3A_655 = arith.constant 3.906250e-03 : f32
      %lt3A_656 = vector.broadcast %lt3A_655 : f32 to vector<16xf32>
      %lt3A_657 = arith.cmpf olt, %max3A_622, %lt3A_656 : vector<16xf32>
      %jit3A_658 = arith.constant 22.6274166 : f32
      %broadcast_in_dim3A_659 = vector.broadcast %jit3A_658 : f32 to vector<16xf32>
      %select_n3A_660 = arith.select %lt3A_657, %broadcast_in_dim3A_659, %select_n3A_654 : vector<16xi1>, vector<16xf32>
      %lt3A_661 = arith.constant 9.765625E-4 : f32
      %lt3A_662 = vector.broadcast %lt3A_661 : f32 to vector<16xf32>
      %lt3A_663 = arith.cmpf olt, %max3A_622, %lt3A_662 : vector<16xf32>
      %jit3A_664 = arith.constant 45.2548332 : f32
      %broadcast_in_dim3A_665 = vector.broadcast %jit3A_664 : f32 to vector<16xf32>
      %select_n3A_666 = arith.select %lt3A_663, %broadcast_in_dim3A_665, %select_n3A_660 : vector<16xi1>, vector<16xf32>
      %lt3A_667 = arith.constant 2.44140625E-4 : f32
      %lt3A_668 = vector.broadcast %lt3A_667 : f32 to vector<16xf32>
      %lt3A_669 = arith.cmpf olt, %max3A_622, %lt3A_668 : vector<16xf32>
      %jit3A_670 = arith.constant 90.5096664 : f32
      %broadcast_in_dim3A_671 = vector.broadcast %jit3A_670 : f32 to vector<16xf32>
      %select_n3A_672 = arith.select %lt3A_669, %broadcast_in_dim3A_671, %select_n3A_666 : vector<16xi1>, vector<16xf32>
      %lt3A_673 = arith.constant 6.10351563E-5 : f32
      %lt3A_674 = vector.broadcast %lt3A_673 : f32 to vector<16xf32>
      %lt3A_675 = arith.cmpf olt, %max3A_622, %lt3A_674 : vector<16xf32>
      %jit3A_676 = arith.constant 181.019333 : f32
      %broadcast_in_dim3A_677 = vector.broadcast %jit3A_676 : f32 to vector<16xf32>
      %select_n3A_678 = arith.select %lt3A_675, %broadcast_in_dim3A_677, %select_n3A_672 : vector<16xi1>, vector<16xf32>
      %lt3A_679 = arith.constant 1.52587891E-5 : f32
      %lt3A_680 = vector.broadcast %lt3A_679 : f32 to vector<16xf32>
      %lt3A_681 = arith.cmpf olt, %max3A_622, %lt3A_680 : vector<16xf32>
      %jit3A_682 = arith.constant 362.038666 : f32
      %broadcast_in_dim3A_683 = vector.broadcast %jit3A_682 : f32 to vector<16xf32>
      %select_n3A_684 = arith.select %lt3A_681, %broadcast_in_dim3A_683, %select_n3A_678 : vector<16xi1>, vector<16xf32>
      %lt3A_685 = arith.constant 3.81469727E-6 : f32
      %lt3A_686 = vector.broadcast %lt3A_685 : f32 to vector<16xf32>
      %lt3A_687 = arith.cmpf olt, %max3A_622, %lt3A_686 : vector<16xf32>
      %jit3A_688 = arith.constant 724.077331 : f32
      %broadcast_in_dim3A_689 = vector.broadcast %jit3A_688 : f32 to vector<16xf32>
      %select_n3A_690 = arith.select %lt3A_687, %broadcast_in_dim3A_689, %select_n3A_684 : vector<16xi1>, vector<16xf32>
      %lt3A_691 = arith.constant 9.53674316E-7 : f32
      %lt3A_692 = vector.broadcast %lt3A_691 : f32 to vector<16xf32>
      %lt3A_693 = arith.cmpf olt, %max3A_622, %lt3A_692 : vector<16xf32>
      %jit3A_694 = arith.constant 1448.15466 : f32
      %broadcast_in_dim3A_695 = vector.broadcast %jit3A_694 : f32 to vector<16xf32>
      %select_n3A_696 = arith.select %lt3A_693, %broadcast_in_dim3A_695, %select_n3A_690 : vector<16xi1>, vector<16xf32>
      %gt3A = arith.constant 1.000000e+09 : f32
      %gt3A_697 = vector.broadcast %gt3A : f32 to vector<16xf32>
      %gt3A_698 = arith.cmpf ogt, %max3A_622, %gt3A_697 : vector<16xf32>
      %jit3A_699 = arith.constant 9.99999974E-6 : f32
      %broadcast_in_dim3A_700 = vector.broadcast %jit3A_699 : f32 to vector<16xf32>
      %select_n3A_701 = arith.select %gt3A_698, %broadcast_in_dim3A_700, %select_n3A_696 : vector<16xi1>, vector<16xf32>
      %mul3A_702 = arith.constant 5.000000e-01 : f32
      %mul3A_703 = vector.broadcast %mul3A_702 : f32 to vector<16xf32>
      %mul3A_704 = arith.mulf %max3A_622, %mul3A_703 : vector<16xf32>
      %mul3A_705 = arith.mulf %mul3A_704, %select_n3A_701 : vector<16xf32>
      %mul3A_706 = arith.mulf %mul3A_705, %select_n3A_701 : vector<16xf32>
      %sub3A_707 = arith.constant 1.500000e+00 : f32
      %sub3A_708 = vector.broadcast %sub3A_707 : f32 to vector<16xf32>
      %sub3A_709 = arith.subf %sub3A_708, %mul3A_706 : vector<16xf32>
      %mul3A_710 = arith.mulf %select_n3A_701, %sub3A_709 : vector<16xf32>
      %mul3A_711 = arith.mulf %mul3A_704, %mul3A_710 : vector<16xf32>
      %mul3A_712 = arith.mulf %mul3A_711, %mul3A_710 : vector<16xf32>
      %sub3A_713 = arith.constant 1.500000e+00 : f32
      %sub3A_714 = vector.broadcast %sub3A_713 : f32 to vector<16xf32>
      %sub3A_715 = arith.subf %sub3A_714, %mul3A_712 : vector<16xf32>
      %mul3A_716 = arith.mulf %mul3A_710, %sub3A_715 : vector<16xf32>
      %mul3A_717 = arith.mulf %mul3A_704, %mul3A_716 : vector<16xf32>
      %mul3A_718 = arith.mulf %mul3A_717, %mul3A_716 : vector<16xf32>
      %sub3A_719 = arith.constant 1.500000e+00 : f32
      %sub3A_720 = vector.broadcast %sub3A_719 : f32 to vector<16xf32>
      %sub3A_721 = arith.subf %sub3A_720, %mul3A_718 : vector<16xf32>
      %mul3A_722 = arith.mulf %mul3A_716, %sub3A_721 : vector<16xf32>
      %mul3A_723 = arith.mulf %mul3A_704, %mul3A_722 : vector<16xf32>
      %mul3A_724 = arith.mulf %mul3A_723, %mul3A_722 : vector<16xf32>
      %sub3A_725 = arith.constant 1.500000e+00 : f32
      %sub3A_726 = vector.broadcast %sub3A_725 : f32 to vector<16xf32>
      %sub3A_727 = arith.subf %sub3A_726, %mul3A_724 : vector<16xf32>
      %mul3A_728 = arith.mulf %mul3A_722, %sub3A_727 : vector<16xf32>
      %mul3A_729 = arith.mulf %mul3A_704, %mul3A_728 : vector<16xf32>
      %mul3A_730 = arith.mulf %mul3A_729, %mul3A_728 : vector<16xf32>
      %sub3A_731 = arith.constant 1.500000e+00 : f32
      %sub3A_732 = vector.broadcast %sub3A_731 : f32 to vector<16xf32>
      %sub3A_733 = arith.subf %sub3A_732, %mul3A_730 : vector<16xf32>
      %mul3A_734 = arith.mulf %mul3A_728, %sub3A_733 : vector<16xf32>
      %mul3A_735 = arith.mulf %max3A_619, %mul3A_734 : vector<16xf32>
      %add3A_736 = arith.constant 9.99999993E-9 : f32
      %add3A_737 = vector.broadcast %add3A_736 : f32 to vector<16xf32>
      %add3A_738 = arith.addf %mul3A_735, %add3A_737 : vector<16xf32>
      %div3A_739 = arith.constant 1.000000e+00 : f32
      %div3A_740 = vector.broadcast %div3A_739 : f32 to vector<16xf32>
      %div3A_741 = arith.divf %div3A_740, %add3A_738 : vector<16xf32>
      %max3A_742 = arith.constant 0.000000e+00 : f32
      %max3A_743 = vector.broadcast %max3A_742 : f32 to vector<16xf32>
      %max3A_744 = arith.maximumf %while3A_613#1, %max3A_743 : vector<16xf32>
      %max3A_745 = arith.constant 2.38418579E-7 : f32
      %max3A_746 = vector.broadcast %max3A_745 : f32 to vector<16xf32>
      %max3A_747 = arith.maximumf %max3A_744, %max3A_746 : vector<16xf32>
      %broadcast_in_dim3A_748 = arith.constant 0.353553385 : f32
      %broadcast_in_dim3A_749 = vector.broadcast %broadcast_in_dim3A_748 : f32 to vector<16xf32>
      %lt3A_750 = arith.constant 4.000000e+00 : f32
      %lt3A_751 = vector.broadcast %lt3A_750 : f32 to vector<16xf32>
      %lt3A_752 = arith.cmpf olt, %max3A_747, %lt3A_751 : vector<16xf32>
      %jit3A_753 = arith.constant 0.707106769 : f32
      %broadcast_in_dim3A_754 = vector.broadcast %jit3A_753 : f32 to vector<16xf32>
      %select_n3A_755 = arith.select %lt3A_752, %broadcast_in_dim3A_754, %broadcast_in_dim3A_749 : vector<16xi1>, vector<16xf32>
      %lt3A_756 = arith.constant 1.000000e+00 : f32
      %lt3A_757 = vector.broadcast %lt3A_756 : f32 to vector<16xf32>
      %lt3A_758 = arith.cmpf olt, %max3A_747, %lt3A_757 : vector<16xf32>
      %jit3A_759 = arith.constant 1.41421354 : f32
      %broadcast_in_dim3A_760 = vector.broadcast %jit3A_759 : f32 to vector<16xf32>
      %select_n3A_761 = arith.select %lt3A_758, %broadcast_in_dim3A_760, %select_n3A_755 : vector<16xi1>, vector<16xf32>
      %lt3A_762 = arith.constant 2.500000e-01 : f32
      %lt3A_763 = vector.broadcast %lt3A_762 : f32 to vector<16xf32>
      %lt3A_764 = arith.cmpf olt, %max3A_747, %lt3A_763 : vector<16xf32>
      %jit3A_765 = arith.constant 2.82842708 : f32
      %broadcast_in_dim3A_766 = vector.broadcast %jit3A_765 : f32 to vector<16xf32>
      %select_n3A_767 = arith.select %lt3A_764, %broadcast_in_dim3A_766, %select_n3A_761 : vector<16xi1>, vector<16xf32>
      %lt3A_768 = arith.constant 6.250000e-02 : f32
      %lt3A_769 = vector.broadcast %lt3A_768 : f32 to vector<16xf32>
      %lt3A_770 = arith.cmpf olt, %max3A_747, %lt3A_769 : vector<16xf32>
      %jit3A_771 = arith.constant 5.65685415 : f32
      %broadcast_in_dim3A_772 = vector.broadcast %jit3A_771 : f32 to vector<16xf32>
      %select_n3A_773 = arith.select %lt3A_770, %broadcast_in_dim3A_772, %select_n3A_767 : vector<16xi1>, vector<16xf32>
      %lt3A_774 = arith.constant 1.562500e-02 : f32
      %lt3A_775 = vector.broadcast %lt3A_774 : f32 to vector<16xf32>
      %lt3A_776 = arith.cmpf olt, %max3A_747, %lt3A_775 : vector<16xf32>
      %jit3A_777 = arith.constant 11.3137083 : f32
      %broadcast_in_dim3A_778 = vector.broadcast %jit3A_777 : f32 to vector<16xf32>
      %select_n3A_779 = arith.select %lt3A_776, %broadcast_in_dim3A_778, %select_n3A_773 : vector<16xi1>, vector<16xf32>
      %lt3A_780 = arith.constant 3.906250e-03 : f32
      %lt3A_781 = vector.broadcast %lt3A_780 : f32 to vector<16xf32>
      %lt3A_782 = arith.cmpf olt, %max3A_747, %lt3A_781 : vector<16xf32>
      %jit3A_783 = arith.constant 22.6274166 : f32
      %broadcast_in_dim3A_784 = vector.broadcast %jit3A_783 : f32 to vector<16xf32>
      %select_n3A_785 = arith.select %lt3A_782, %broadcast_in_dim3A_784, %select_n3A_779 : vector<16xi1>, vector<16xf32>
      %lt3A_786 = arith.constant 9.765625E-4 : f32
      %lt3A_787 = vector.broadcast %lt3A_786 : f32 to vector<16xf32>
      %lt3A_788 = arith.cmpf olt, %max3A_747, %lt3A_787 : vector<16xf32>
      %jit3A_789 = arith.constant 45.2548332 : f32
      %broadcast_in_dim3A_790 = vector.broadcast %jit3A_789 : f32 to vector<16xf32>
      %select_n3A_791 = arith.select %lt3A_788, %broadcast_in_dim3A_790, %select_n3A_785 : vector<16xi1>, vector<16xf32>
      %lt3A_792 = arith.constant 2.44140625E-4 : f32
      %lt3A_793 = vector.broadcast %lt3A_792 : f32 to vector<16xf32>
      %lt3A_794 = arith.cmpf olt, %max3A_747, %lt3A_793 : vector<16xf32>
      %jit3A_795 = arith.constant 90.5096664 : f32
      %broadcast_in_dim3A_796 = vector.broadcast %jit3A_795 : f32 to vector<16xf32>
      %select_n3A_797 = arith.select %lt3A_794, %broadcast_in_dim3A_796, %select_n3A_791 : vector<16xi1>, vector<16xf32>
      %lt3A_798 = arith.constant 6.10351563E-5 : f32
      %lt3A_799 = vector.broadcast %lt3A_798 : f32 to vector<16xf32>
      %lt3A_800 = arith.cmpf olt, %max3A_747, %lt3A_799 : vector<16xf32>
      %jit3A_801 = arith.constant 181.019333 : f32
      %broadcast_in_dim3A_802 = vector.broadcast %jit3A_801 : f32 to vector<16xf32>
      %select_n3A_803 = arith.select %lt3A_800, %broadcast_in_dim3A_802, %select_n3A_797 : vector<16xi1>, vector<16xf32>
      %lt3A_804 = arith.constant 1.52587891E-5 : f32
      %lt3A_805 = vector.broadcast %lt3A_804 : f32 to vector<16xf32>
      %lt3A_806 = arith.cmpf olt, %max3A_747, %lt3A_805 : vector<16xf32>
      %jit3A_807 = arith.constant 362.038666 : f32
      %broadcast_in_dim3A_808 = vector.broadcast %jit3A_807 : f32 to vector<16xf32>
      %select_n3A_809 = arith.select %lt3A_806, %broadcast_in_dim3A_808, %select_n3A_803 : vector<16xi1>, vector<16xf32>
      %lt3A_810 = arith.constant 3.81469727E-6 : f32
      %lt3A_811 = vector.broadcast %lt3A_810 : f32 to vector<16xf32>
      %lt3A_812 = arith.cmpf olt, %max3A_747, %lt3A_811 : vector<16xf32>
      %jit3A_813 = arith.constant 724.077331 : f32
      %broadcast_in_dim3A_814 = vector.broadcast %jit3A_813 : f32 to vector<16xf32>
      %select_n3A_815 = arith.select %lt3A_812, %broadcast_in_dim3A_814, %select_n3A_809 : vector<16xi1>, vector<16xf32>
      %lt3A_816 = arith.constant 9.53674316E-7 : f32
      %lt3A_817 = vector.broadcast %lt3A_816 : f32 to vector<16xf32>
      %lt3A_818 = arith.cmpf olt, %max3A_747, %lt3A_817 : vector<16xf32>
      %jit3A_819 = arith.constant 1448.15466 : f32
      %broadcast_in_dim3A_820 = vector.broadcast %jit3A_819 : f32 to vector<16xf32>
      %select_n3A_821 = arith.select %lt3A_818, %broadcast_in_dim3A_820, %select_n3A_815 : vector<16xi1>, vector<16xf32>
      %gt3A_822 = arith.constant 1.000000e+09 : f32
      %gt3A_823 = vector.broadcast %gt3A_822 : f32 to vector<16xf32>
      %gt3A_824 = arith.cmpf ogt, %max3A_747, %gt3A_823 : vector<16xf32>
      %jit3A_825 = arith.constant 9.99999974E-6 : f32
      %broadcast_in_dim3A_826 = vector.broadcast %jit3A_825 : f32 to vector<16xf32>
      %select_n3A_827 = arith.select %gt3A_824, %broadcast_in_dim3A_826, %select_n3A_821 : vector<16xi1>, vector<16xf32>
      %mul3A_828 = arith.constant 5.000000e-01 : f32
      %mul3A_829 = vector.broadcast %mul3A_828 : f32 to vector<16xf32>
      %mul3A_830 = arith.mulf %max3A_747, %mul3A_829 : vector<16xf32>
      %mul3A_831 = arith.mulf %mul3A_830, %select_n3A_827 : vector<16xf32>
      %mul3A_832 = arith.mulf %mul3A_831, %select_n3A_827 : vector<16xf32>
      %sub3A_833 = arith.constant 1.500000e+00 : f32
      %sub3A_834 = vector.broadcast %sub3A_833 : f32 to vector<16xf32>
      %sub3A_835 = arith.subf %sub3A_834, %mul3A_832 : vector<16xf32>
      %mul3A_836 = arith.mulf %select_n3A_827, %sub3A_835 : vector<16xf32>
      %mul3A_837 = arith.mulf %mul3A_830, %mul3A_836 : vector<16xf32>
      %mul3A_838 = arith.mulf %mul3A_837, %mul3A_836 : vector<16xf32>
      %sub3A_839 = arith.constant 1.500000e+00 : f32
      %sub3A_840 = vector.broadcast %sub3A_839 : f32 to vector<16xf32>
      %sub3A_841 = arith.subf %sub3A_840, %mul3A_838 : vector<16xf32>
      %mul3A_842 = arith.mulf %mul3A_836, %sub3A_841 : vector<16xf32>
      %mul3A_843 = arith.mulf %mul3A_830, %mul3A_842 : vector<16xf32>
      %mul3A_844 = arith.mulf %mul3A_843, %mul3A_842 : vector<16xf32>
      %sub3A_845 = arith.constant 1.500000e+00 : f32
      %sub3A_846 = vector.broadcast %sub3A_845 : f32 to vector<16xf32>
      %sub3A_847 = arith.subf %sub3A_846, %mul3A_844 : vector<16xf32>
      %mul3A_848 = arith.mulf %mul3A_842, %sub3A_847 : vector<16xf32>
      %mul3A_849 = arith.mulf %mul3A_830, %mul3A_848 : vector<16xf32>
      %mul3A_850 = arith.mulf %mul3A_849, %mul3A_848 : vector<16xf32>
      %sub3A_851 = arith.constant 1.500000e+00 : f32
      %sub3A_852 = vector.broadcast %sub3A_851 : f32 to vector<16xf32>
      %sub3A_853 = arith.subf %sub3A_852, %mul3A_850 : vector<16xf32>
      %mul3A_854 = arith.mulf %mul3A_848, %sub3A_853 : vector<16xf32>
      %mul3A_855 = arith.mulf %mul3A_830, %mul3A_854 : vector<16xf32>
      %mul3A_856 = arith.mulf %mul3A_855, %mul3A_854 : vector<16xf32>
      %sub3A_857 = arith.constant 1.500000e+00 : f32
      %sub3A_858 = vector.broadcast %sub3A_857 : f32 to vector<16xf32>
      %sub3A_859 = arith.subf %sub3A_858, %mul3A_856 : vector<16xf32>
      %mul3A_860 = arith.mulf %mul3A_854, %sub3A_859 : vector<16xf32>
      %mul3A_861 = arith.mulf %max3A_744, %mul3A_860 : vector<16xf32>
      %add3A_862 = arith.constant 9.99999993E-9 : f32
      %add3A_863 = vector.broadcast %add3A_862 : f32 to vector<16xf32>
      %add3A_864 = arith.addf %mul3A_861, %add3A_863 : vector<16xf32>
      %div3A_865 = arith.constant 1.000000e+00 : f32
      %div3A_866 = vector.broadcast %div3A_865 : f32 to vector<16xf32>
      %div3A_867 = arith.divf %div3A_866, %add3A_864 : vector<16xf32>
      %max3A_868 = arith.constant 0.000000e+00 : f32
      %max3A_869 = vector.broadcast %max3A_868 : f32 to vector<16xf32>
      %max3A_870 = arith.maximumf %while3A_613#2, %max3A_869 : vector<16xf32>
      %max3A_871 = arith.constant 2.38418579E-7 : f32
      %max3A_872 = vector.broadcast %max3A_871 : f32 to vector<16xf32>
      %max3A_873 = arith.maximumf %max3A_870, %max3A_872 : vector<16xf32>
      %broadcast_in_dim3A_874 = arith.constant 0.353553385 : f32
      %broadcast_in_dim3A_875 = vector.broadcast %broadcast_in_dim3A_874 : f32 to vector<16xf32>
      %lt3A_876 = arith.constant 4.000000e+00 : f32
      %lt3A_877 = vector.broadcast %lt3A_876 : f32 to vector<16xf32>
      %lt3A_878 = arith.cmpf olt, %max3A_873, %lt3A_877 : vector<16xf32>
      %jit3A_879 = arith.constant 0.707106769 : f32
      %broadcast_in_dim3A_880 = vector.broadcast %jit3A_879 : f32 to vector<16xf32>
      %select_n3A_881 = arith.select %lt3A_878, %broadcast_in_dim3A_880, %broadcast_in_dim3A_875 : vector<16xi1>, vector<16xf32>
      %lt3A_882 = arith.constant 1.000000e+00 : f32
      %lt3A_883 = vector.broadcast %lt3A_882 : f32 to vector<16xf32>
      %lt3A_884 = arith.cmpf olt, %max3A_873, %lt3A_883 : vector<16xf32>
      %jit3A_885 = arith.constant 1.41421354 : f32
      %broadcast_in_dim3A_886 = vector.broadcast %jit3A_885 : f32 to vector<16xf32>
      %select_n3A_887 = arith.select %lt3A_884, %broadcast_in_dim3A_886, %select_n3A_881 : vector<16xi1>, vector<16xf32>
      %lt3A_888 = arith.constant 2.500000e-01 : f32
      %lt3A_889 = vector.broadcast %lt3A_888 : f32 to vector<16xf32>
      %lt3A_890 = arith.cmpf olt, %max3A_873, %lt3A_889 : vector<16xf32>
      %jit3A_891 = arith.constant 2.82842708 : f32
      %broadcast_in_dim3A_892 = vector.broadcast %jit3A_891 : f32 to vector<16xf32>
      %select_n3A_893 = arith.select %lt3A_890, %broadcast_in_dim3A_892, %select_n3A_887 : vector<16xi1>, vector<16xf32>
      %lt3A_894 = arith.constant 6.250000e-02 : f32
      %lt3A_895 = vector.broadcast %lt3A_894 : f32 to vector<16xf32>
      %lt3A_896 = arith.cmpf olt, %max3A_873, %lt3A_895 : vector<16xf32>
      %jit3A_897 = arith.constant 5.65685415 : f32
      %broadcast_in_dim3A_898 = vector.broadcast %jit3A_897 : f32 to vector<16xf32>
      %select_n3A_899 = arith.select %lt3A_896, %broadcast_in_dim3A_898, %select_n3A_893 : vector<16xi1>, vector<16xf32>
      %lt3A_900 = arith.constant 1.562500e-02 : f32
      %lt3A_901 = vector.broadcast %lt3A_900 : f32 to vector<16xf32>
      %lt3A_902 = arith.cmpf olt, %max3A_873, %lt3A_901 : vector<16xf32>
      %jit3A_903 = arith.constant 11.3137083 : f32
      %broadcast_in_dim3A_904 = vector.broadcast %jit3A_903 : f32 to vector<16xf32>
      %select_n3A_905 = arith.select %lt3A_902, %broadcast_in_dim3A_904, %select_n3A_899 : vector<16xi1>, vector<16xf32>
      %lt3A_906 = arith.constant 3.906250e-03 : f32
      %lt3A_907 = vector.broadcast %lt3A_906 : f32 to vector<16xf32>
      %lt3A_908 = arith.cmpf olt, %max3A_873, %lt3A_907 : vector<16xf32>
      %jit3A_909 = arith.constant 22.6274166 : f32
      %broadcast_in_dim3A_910 = vector.broadcast %jit3A_909 : f32 to vector<16xf32>
      %select_n3A_911 = arith.select %lt3A_908, %broadcast_in_dim3A_910, %select_n3A_905 : vector<16xi1>, vector<16xf32>
      %lt3A_912 = arith.constant 9.765625E-4 : f32
      %lt3A_913 = vector.broadcast %lt3A_912 : f32 to vector<16xf32>
      %lt3A_914 = arith.cmpf olt, %max3A_873, %lt3A_913 : vector<16xf32>
      %jit3A_915 = arith.constant 45.2548332 : f32
      %broadcast_in_dim3A_916 = vector.broadcast %jit3A_915 : f32 to vector<16xf32>
      %select_n3A_917 = arith.select %lt3A_914, %broadcast_in_dim3A_916, %select_n3A_911 : vector<16xi1>, vector<16xf32>
      %lt3A_918 = arith.constant 2.44140625E-4 : f32
      %lt3A_919 = vector.broadcast %lt3A_918 : f32 to vector<16xf32>
      %lt3A_920 = arith.cmpf olt, %max3A_873, %lt3A_919 : vector<16xf32>
      %jit3A_921 = arith.constant 90.5096664 : f32
      %broadcast_in_dim3A_922 = vector.broadcast %jit3A_921 : f32 to vector<16xf32>
      %select_n3A_923 = arith.select %lt3A_920, %broadcast_in_dim3A_922, %select_n3A_917 : vector<16xi1>, vector<16xf32>
      %lt3A_924 = arith.constant 6.10351563E-5 : f32
      %lt3A_925 = vector.broadcast %lt3A_924 : f32 to vector<16xf32>
      %lt3A_926 = arith.cmpf olt, %max3A_873, %lt3A_925 : vector<16xf32>
      %jit3A_927 = arith.constant 181.019333 : f32
      %broadcast_in_dim3A_928 = vector.broadcast %jit3A_927 : f32 to vector<16xf32>
      %select_n3A_929 = arith.select %lt3A_926, %broadcast_in_dim3A_928, %select_n3A_923 : vector<16xi1>, vector<16xf32>
      %lt3A_930 = arith.constant 1.52587891E-5 : f32
      %lt3A_931 = vector.broadcast %lt3A_930 : f32 to vector<16xf32>
      %lt3A_932 = arith.cmpf olt, %max3A_873, %lt3A_931 : vector<16xf32>
      %jit3A_933 = arith.constant 362.038666 : f32
      %broadcast_in_dim3A_934 = vector.broadcast %jit3A_933 : f32 to vector<16xf32>
      %select_n3A_935 = arith.select %lt3A_932, %broadcast_in_dim3A_934, %select_n3A_929 : vector<16xi1>, vector<16xf32>
      %lt3A_936 = arith.constant 3.81469727E-6 : f32
      %lt3A_937 = vector.broadcast %lt3A_936 : f32 to vector<16xf32>
      %lt3A_938 = arith.cmpf olt, %max3A_873, %lt3A_937 : vector<16xf32>
      %jit3A_939 = arith.constant 724.077331 : f32
      %broadcast_in_dim3A_940 = vector.broadcast %jit3A_939 : f32 to vector<16xf32>
      %select_n3A_941 = arith.select %lt3A_938, %broadcast_in_dim3A_940, %select_n3A_935 : vector<16xi1>, vector<16xf32>
      %lt3A_942 = arith.constant 9.53674316E-7 : f32
      %lt3A_943 = vector.broadcast %lt3A_942 : f32 to vector<16xf32>
      %lt3A_944 = arith.cmpf olt, %max3A_873, %lt3A_943 : vector<16xf32>
      %jit3A_945 = arith.constant 1448.15466 : f32
      %broadcast_in_dim3A_946 = vector.broadcast %jit3A_945 : f32 to vector<16xf32>
      %select_n3A_947 = arith.select %lt3A_944, %broadcast_in_dim3A_946, %select_n3A_941 : vector<16xi1>, vector<16xf32>
      %gt3A_948 = arith.constant 1.000000e+09 : f32
      %gt3A_949 = vector.broadcast %gt3A_948 : f32 to vector<16xf32>
      %gt3A_950 = arith.cmpf ogt, %max3A_873, %gt3A_949 : vector<16xf32>
      %jit3A_951 = arith.constant 9.99999974E-6 : f32
      %broadcast_in_dim3A_952 = vector.broadcast %jit3A_951 : f32 to vector<16xf32>
      %select_n3A_953 = arith.select %gt3A_950, %broadcast_in_dim3A_952, %select_n3A_947 : vector<16xi1>, vector<16xf32>
      %mul3A_954 = arith.constant 5.000000e-01 : f32
      %mul3A_955 = vector.broadcast %mul3A_954 : f32 to vector<16xf32>
      %mul3A_956 = arith.mulf %max3A_873, %mul3A_955 : vector<16xf32>
      %mul3A_957 = arith.mulf %mul3A_956, %select_n3A_953 : vector<16xf32>
      %mul3A_958 = arith.mulf %mul3A_957, %select_n3A_953 : vector<16xf32>
      %sub3A_959 = arith.constant 1.500000e+00 : f32
      %sub3A_960 = vector.broadcast %sub3A_959 : f32 to vector<16xf32>
      %sub3A_961 = arith.subf %sub3A_960, %mul3A_958 : vector<16xf32>
      %mul3A_962 = arith.mulf %select_n3A_953, %sub3A_961 : vector<16xf32>
      %mul3A_963 = arith.mulf %mul3A_956, %mul3A_962 : vector<16xf32>
      %mul3A_964 = arith.mulf %mul3A_963, %mul3A_962 : vector<16xf32>
      %sub3A_965 = arith.constant 1.500000e+00 : f32
      %sub3A_966 = vector.broadcast %sub3A_965 : f32 to vector<16xf32>
      %sub3A_967 = arith.subf %sub3A_966, %mul3A_964 : vector<16xf32>
      %mul3A_968 = arith.mulf %mul3A_962, %sub3A_967 : vector<16xf32>
      %mul3A_969 = arith.mulf %mul3A_956, %mul3A_968 : vector<16xf32>
      %mul3A_970 = arith.mulf %mul3A_969, %mul3A_968 : vector<16xf32>
      %sub3A_971 = arith.constant 1.500000e+00 : f32
      %sub3A_972 = vector.broadcast %sub3A_971 : f32 to vector<16xf32>
      %sub3A_973 = arith.subf %sub3A_972, %mul3A_970 : vector<16xf32>
      %mul3A_974 = arith.mulf %mul3A_968, %sub3A_973 : vector<16xf32>
      %mul3A_975 = arith.mulf %mul3A_956, %mul3A_974 : vector<16xf32>
      %mul3A_976 = arith.mulf %mul3A_975, %mul3A_974 : vector<16xf32>
      %sub3A_977 = arith.constant 1.500000e+00 : f32
      %sub3A_978 = vector.broadcast %sub3A_977 : f32 to vector<16xf32>
      %sub3A_979 = arith.subf %sub3A_978, %mul3A_976 : vector<16xf32>
      %mul3A_980 = arith.mulf %mul3A_974, %sub3A_979 : vector<16xf32>
      %mul3A_981 = arith.mulf %mul3A_956, %mul3A_980 : vector<16xf32>
      %mul3A_982 = arith.mulf %mul3A_981, %mul3A_980 : vector<16xf32>
      %sub3A_983 = arith.constant 1.500000e+00 : f32
      %sub3A_984 = vector.broadcast %sub3A_983 : f32 to vector<16xf32>
      %sub3A_985 = arith.subf %sub3A_984, %mul3A_982 : vector<16xf32>
      %mul3A_986 = arith.mulf %mul3A_980, %sub3A_985 : vector<16xf32>
      %mul3A_987 = arith.mulf %max3A_870, %mul3A_986 : vector<16xf32>
      %add3A_988 = arith.constant 9.99999993E-9 : f32
      %add3A_989 = vector.broadcast %add3A_988 : f32 to vector<16xf32>
      %add3A_990 = arith.addf %mul3A_987, %add3A_989 : vector<16xf32>
      %div3A_991 = arith.constant 1.000000e+00 : f32
      %div3A_992 = vector.broadcast %div3A_991 : f32 to vector<16xf32>
      %div3A_993 = arith.divf %div3A_992, %add3A_990 : vector<16xf32>
      %add3A_994 = arith.addf %div3A_741, %div3A_867 : vector<16xf32>
      %add3A_995 = arith.addf %add3A_994, %div3A_993 : vector<16xf32>
      %max3A_996 = arith.constant 9.99999993E-9 : f32
      %max3A_997 = vector.broadcast %max3A_996 : f32 to vector<16xf32>
      %max3A_998 = arith.maximumf %add3A_995, %max3A_997 : vector<16xf32>
      %div3A_999 = arith.divf %div3A_741, %max3A_998 : vector<16xf32>
      %select_n3A_1000 = arith.select %ge3A_615, %broadcast_in_dim3A_617, %div3A_999 : vector<16xi1>, vector<16xf32>
      %div3A_1001 = arith.divf %div3A_867, %max3A_998 : vector<16xf32>
      %select_n3A_1002 = arith.select %ge3A_615, %broadcast_in_dim3A_617, %div3A_1001 : vector<16xi1>, vector<16xf32>
      %div3A_1003 = arith.divf %div3A_993, %max3A_998 : vector<16xf32>
      %select_n3A_1004 = arith.select %ge3A_615, %broadcast_in_dim3A_617, %div3A_1003 : vector<16xi1>, vector<16xf32>
      %gather3A = tpu.vector_load_idx %arg17[%while3A_613#3] : memref<1040xf32, #tpu.memory_space<vmem>>[vector<16xi32>], vector<16xf32>,
      %gather3A_1005 = tpu.vector_load_idx %arg18[%while3A_613#3] : memref<1040xf32, #tpu.memory_space<vmem>>[vector<16xi32>], vector<16xf32>,
      %gather3A_1006 = tpu.vector_load_idx %arg19[%while3A_613#3] : memref<1040xf32, #tpu.memory_space<vmem>>[vector<16xi32>], vector<16xf32>,
      %sub3A_1007 = arith.subf %get3A_154, %gather3A : vector<16xf32>
      %select_n3A_1008 = arith.select %ge3A_615, %broadcast_in_dim3A_617, %sub3A_1007 : vector<16xi1>, vector<16xf32>
      %sub3A_1009 = arith.subf %get3A_158, %gather3A_1005 : vector<16xf32>
      %select_n3A_1010 = arith.select %ge3A_615, %broadcast_in_dim3A_617, %sub3A_1009 : vector<16xi1>, vector<16xf32>
      %sub3A_1011 = arith.subf %get3A_162, %gather3A_1006 : vector<16xf32>
      %select_n3A_1012 = arith.select %ge3A_615, %broadcast_in_dim3A_617, %sub3A_1011 : vector<16xi1>, vector<16xf32>
      %gather3A_1013 = tpu.vector_load_idx %arg17[%while3A_613#4] : memref<1040xf32, #tpu.memory_space<vmem>>[vector<16xi32>], vector<16xf32>,
      %gather3A_1014 = tpu.vector_load_idx %arg18[%while3A_613#4] : memref<1040xf32, #tpu.memory_space<vmem>>[vector<16xi32>], vector<16xf32>,
      %gather3A_1015 = tpu.vector_load_idx %arg19[%while3A_613#4] : memref<1040xf32, #tpu.memory_space<vmem>>[vector<16xi32>], vector<16xf32>,
      %sub3A_1016 = arith.subf %get3A_154, %gather3A_1013 : vector<16xf32>
      %select_n3A_1017 = arith.select %ge3A_615, %broadcast_in_dim3A_617, %sub3A_1016 : vector<16xi1>, vector<16xf32>
      %sub3A_1018 = arith.subf %get3A_158, %gather3A_1014 : vector<16xf32>
      %select_n3A_1019 = arith.select %ge3A_615, %broadcast_in_dim3A_617, %sub3A_1018 : vector<16xi1>, vector<16xf32>
      %sub3A_1020 = arith.subf %get3A_162, %gather3A_1015 : vector<16xf32>
      %select_n3A_1021 = arith.select %ge3A_615, %broadcast_in_dim3A_617, %sub3A_1020 : vector<16xi1>, vector<16xf32>
      %gather3A_1022 = tpu.vector_load_idx %arg17[%while3A_613#5] : memref<1040xf32, #tpu.memory_space<vmem>>[vector<16xi32>], vector<16xf32>,
      %gather3A_1023 = tpu.vector_load_idx %arg18[%while3A_613#5] : memref<1040xf32, #tpu.memory_space<vmem>>[vector<16xi32>], vector<16xf32>,
      %gather3A_1024 = tpu.vector_load_idx %arg19[%while3A_613#5] : memref<1040xf32, #tpu.memory_space<vmem>>[vector<16xi32>], vector<16xf32>,
      %sub3A_1025 = arith.subf %get3A_154, %gather3A_1022 : vector<16xf32>
      %select_n3A_1026 = arith.select %ge3A_615, %broadcast_in_dim3A_617, %sub3A_1025 : vector<16xi1>, vector<16xf32>
      %sub3A_1027 = arith.subf %get3A_158, %gather3A_1023 : vector<16xf32>
      %select_n3A_1028 = arith.select %ge3A_615, %broadcast_in_dim3A_617, %sub3A_1027 : vector<16xi1>, vector<16xf32>
      %sub3A_1029 = arith.subf %get3A_162, %gather3A_1024 : vector<16xf32>
      %select_n3A_1030 = arith.select %ge3A_615, %broadcast_in_dim3A_617, %sub3A_1029 : vector<16xi1>, vector<16xf32>
      %scan3A_1031 = arith.constant 0 : i32
      %scan3A_1032 = arith.constant 0 : i32
      %scan3A_1033 = arith.constant 32 : i32
      %scan3A_1034 = arith.addi %scan3A_1032, %scan3A_1033 : i32
      %scan3A_1035 = arith.constant 1 : i32
      %scan3A_1036 = scf.for %scan3A_1039 = %scan3A_1032 to %scan3A_1034 step %scan3A_1035 iter_args(%scan3A_1040 = %scan3A_1031) -> (i32)  : i32 {
        %mul3A_1041 = arith.constant 1040 : i32
        %mul3A_1042 = arith.muli %scan3A_1039, %mul3A_1041 : i32
        %broadcast_in_dim3A_1043 = vector.broadcast %mul3A_1042 : i32 to vector<16xi32>
        %add3A_1044 = arith.addi %while3A_613#3, %broadcast_in_dim3A_1043 : vector<16xi32>
        %gather3A_1045 = tpu.vector_load_idx %arg25[%add3A_1044] : memref<33280xf32, #tpu.memory_space<vmem>>[vector<16xi32>], vector<16xf32>,
        %add3A_1046 = arith.addi %while3A_613#4, %broadcast_in_dim3A_1043 : vector<16xi32>
        %gather3A_1047 = tpu.vector_load_idx %arg25[%add3A_1046] : memref<33280xf32, #tpu.memory_space<vmem>>[vector<16xi32>], vector<16xf32>,
        %add3A_1048 = arith.addi %while3A_613#5, %broadcast_in_dim3A_1043 : vector<16xi32>
        %gather3A_1049 = tpu.vector_load_idx %arg25[%add3A_1048] : memref<33280xf32, #tpu.memory_space<vmem>>[vector<16xi32>], vector<16xf32>,
        %mul3A_1050 = arith.mulf %gather3A_1045, %select_n3A_1000 : vector<16xf32>
        %mul3A_1051 = arith.mulf %gather3A_1047, %select_n3A_1002 : vector<16xf32>
        %add3A_1052 = arith.addf %mul3A_1050, %mul3A_1051 : vector<16xf32>
        %mul3A_1053 = arith.mulf %gather3A_1049, %select_n3A_1004 : vector<16xf32>
        %add3A_1054 = arith.addf %add3A_1052, %mul3A_1053 : vector<16xf32>
        %mul3A_1055 = arith.constant 16 : i32
        %mul3A_1056 = arith.muli %scan3A_1039, %mul3A_1055 : i32
        %get3A_1057 = arith.index_cast %mul3A_1056 : i32 to index
        %get3A_1058 = tpu.vector_load %arg26[%get3A_1057] {strides = array<i32>} : memref<512xf32, #tpu.memory_space<vmem>>, vector<16xf32>,
        %slice3A_1059 = vector.extract_strided_slice %get3A_1058 {offsets = [0], sizes = [1], strides = [1]} : vector<16xf32> to vector<1xf32>
        %squeeze3A_1060 = vector.extract %slice3A_1059[0] : f32 from vector<1xf32>
        %broadcast_in_dim3A_1061 = vector.broadcast %squeeze3A_1060 : f32 to vector<16xf32>
        %mul3A_1062 = arith.mulf %select_n3A_1008, %broadcast_in_dim3A_1061 : vector<16xf32>
        %slice3A_1063 = vector.extract_strided_slice %get3A_1058 {offsets = [1], sizes = [1], strides = [1]} : vector<16xf32> to vector<1xf32>
        %squeeze3A_1064 = vector.extract %slice3A_1063[0] : f32 from vector<1xf32>
        %broadcast_in_dim3A_1065 = vector.broadcast %squeeze3A_1064 : f32 to vector<16xf32>
        %mul3A_1066 = arith.mulf %select_n3A_1010, %broadcast_in_dim3A_1065 : vector<16xf32>
        %add3A_1067 = arith.addf %mul3A_1062, %mul3A_1066 : vector<16xf32>
        %slice3A_1068 = vector.extract_strided_slice %get3A_1058 {offsets = [2], sizes = [1], strides = [1]} : vector<16xf32> to vector<1xf32>
        %squeeze3A_1069 = vector.extract %slice3A_1068[0] : f32 from vector<1xf32>
        %broadcast_in_dim3A_1070 = vector.broadcast %squeeze3A_1069 : f32 to vector<16xf32>
        %mul3A_1071 = arith.mulf %select_n3A_1012, %broadcast_in_dim3A_1070 : vector<16xf32>
        %add3A_1072 = arith.addf %add3A_1067, %mul3A_1071 : vector<16xf32>
        %slice3A_1073 = vector.extract_strided_slice %get3A_1058 {offsets = [3], sizes = [1], strides = [1]} : vector<16xf32> to vector<1xf32>
        %squeeze3A_1074 = vector.extract %slice3A_1073[0] : f32 from vector<1xf32>
        %broadcast_in_dim3A_1075 = vector.broadcast %squeeze3A_1074 : f32 to vector<16xf32>
        %mul3A_1076 = arith.mulf %select_n3A_1017, %broadcast_in_dim3A_1075 : vector<16xf32>
        %slice3A_1077 = vector.extract_strided_slice %get3A_1058 {offsets = [4], sizes = [1], strides = [1]} : vector<16xf32> to vector<1xf32>
        %squeeze3A_1078 = vector.extract %slice3A_1077[0] : f32 from vector<1xf32>
        %broadcast_in_dim3A_1079 = vector.broadcast %squeeze3A_1078 : f32 to vector<16xf32>
        %mul3A_1080 = arith.mulf %select_n3A_1019, %broadcast_in_dim3A_1079 : vector<16xf32>
        %add3A_1081 = arith.addf %mul3A_1076, %mul3A_1080 : vector<16xf32>
        %slice3A_1082 = vector.extract_strided_slice %get3A_1058 {offsets = [5], sizes = [1], strides = [1]} : vector<16xf32> to vector<1xf32>
        %squeeze3A_1083 = vector.extract %slice3A_1082[0] : f32 from vector<1xf32>
        %broadcast_in_dim3A_1084 = vector.broadcast %squeeze3A_1083 : f32 to vector<16xf32>
        %mul3A_1085 = arith.mulf %select_n3A_1021, %broadcast_in_dim3A_1084 : vector<16xf32>
        %add3A_1086 = arith.addf %add3A_1081, %mul3A_1085 : vector<16xf32>
        %slice3A_1087 = vector.extract_strided_slice %get3A_1058 {offsets = [6], sizes = [1], strides = [1]} : vector<16xf32> to vector<1xf32>
        %squeeze3A_1088 = vector.extract %slice3A_1087[0] : f32 from vector<1xf32>
        %broadcast_in_dim3A_1089 = vector.broadcast %squeeze3A_1088 : f32 to vector<16xf32>
        %mul3A_1090 = arith.mulf %select_n3A_1026, %broadcast_in_dim3A_1089 : vector<16xf32>
        %slice3A_1091 = vector.extract_strided_slice %get3A_1058 {offsets = [7], sizes = [1], strides = [1]} : vector<16xf32> to vector<1xf32>
        %squeeze3A_1092 = vector.extract %slice3A_1091[0] : f32 from vector<1xf32>
        %broadcast_in_dim3A_1093 = vector.broadcast %squeeze3A_1092 : f32 to vector<16xf32>
        %mul3A_1094 = arith.mulf %select_n3A_1028, %broadcast_in_dim3A_1093 : vector<16xf32>
        %add3A_1095 = arith.addf %mul3A_1090, %mul3A_1094 : vector<16xf32>
        %slice3A_1096 = vector.extract_strided_slice %get3A_1058 {offsets = [8], sizes = [1], strides = [1]} : vector<16xf32> to vector<1xf32>
        %squeeze3A_1097 = vector.extract %slice3A_1096[0] : f32 from vector<1xf32>
        %broadcast_in_dim3A_1098 = vector.broadcast %squeeze3A_1097 : f32 to vector<16xf32>
        %mul3A_1099 = arith.mulf %select_n3A_1030, %broadcast_in_dim3A_1098 : vector<16xf32>
        %add3A_1100 = arith.addf %add3A_1095, %mul3A_1099 : vector<16xf32>
        %add3A_1101 = arith.addf %add3A_1054, %add3A_1072 : vector<16xf32>
        %add3A_1102 = arith.addf %add3A_1086, %add3A_1100 : vector<16xf32>
        %add3A_1103 = arith.addf %add3A_1101, %add3A_1102 : vector<16xf32>
        %slice3A_1104 = vector.extract_strided_slice %get3A_1058 {offsets = [9], sizes = [1], strides = [1]} : vector<16xf32> to vector<1xf32>
        %squeeze3A_1105 = vector.extract %slice3A_1104[0] : f32 from vector<1xf32>
        %broadcast_in_dim3A_1106 = vector.broadcast %squeeze3A_1105 : f32 to vector<16xf32>
        %add3A_1107 = arith.addf %add3A_1103, %broadcast_in_dim3A_1106 : vector<16xf32>
        %max3A_1108 = arith.constant 0.000000e+00 : f32
        %max3A_1109 = vector.broadcast %max3A_1108 : f32 to vector<16xf32>
        %max3A_1110 = arith.maximumf %add3A_1107, %max3A_1109 : vector<16xf32>
        %mul3A_1111 = arith.constant 256 : i32
        %mul3A_1112 = arith.muli %scan3A_1039, %mul3A_1111 : i32
        %mul3A_1113 = arith.constant 16 : i32
        %mul3A_1114 = arith.muli %scan3A_150, %mul3A_1113 : i32
        %add3A_1115 = arith.addi %mul3A_1112, %mul3A_1114 : i32
        %swap3A_1116 = arith.index_cast %add3A_1115 : i32 to index
        %swap3A_1117 = tpu.vector_load %arg27[%swap3A_1116] {strides = array<i32>} : memref<8192xf32, #tpu.memory_space<vmem>>, vector<16xf32>,
        tpu.vector_store %arg27[%swap3A_1116], %max3A_1110 {strides = array<i32>} : memref<8192xf32, #tpu.memory_space<vmem>>, vector<16xf32>,
        %scan3A_1118 = arith.constant 0 : i32
        scf.yield %scan3A_1118 : i32
      }
      %scan3A_1037 = arith.constant 32 : i32
      %scan3A_1038 = arith.constant 0 : i32
      scf.yield %scan3A_1038 : i32
    }
    %scan3A_147 = arith.constant 16 : i32
    %mul3A_148 = arith.constant 8192 : i32
    %mul3A_149 = arith.muli %add3A, %mul3A_148 : i32
    "tpu.region"() ({
      %run_scoped3A = tpu.sem_alloc : memref<!tpu.dma_semaphore, #tpu.memory_space<semaphore_mem>>
      %dma_start3A_150 = tpu.memref_slice %arg6[%mul3A_149] : memref<262144xf32, #tpu.memory_space<hbm>> -> memref<8192xf32, #tpu.memory_space<hbm>>
      %dma_start3A_151 = tpu.memref_slice %arg6[%mul3A_149] : memref<262144xf32, #tpu.memory_space<hbm>> -> memref<8192xf32, #tpu.memory_space<hbm>>
      tpu.enqueue_dma source(%arg27 : memref<8192xf32, #tpu.memory_space<vmem>>) target(%dma_start3A_151 : memref<8192xf32, #tpu.memory_space<hbm>>) target_semaphore(%run_scoped3A : memref<!tpu.dma_semaphore, #tpu.memory_space<semaphore_mem>>)
      %dma_wait3A_152 = tpu.memref_slice %arg6[%mul3A_149] : memref<262144xf32, #tpu.memory_space<hbm>> -> memref<8192xf32, #tpu.memory_space<hbm>>
      %dma_wait3A_153 = tpu.memref_slice %arg6[%mul3A_149] : memref<262144xf32, #tpu.memory_space<hbm>> -> memref<8192xf32, #tpu.memory_space<hbm>>
      tpu.wait_dma2 semaphore(%run_scoped3A : memref<!tpu.dma_semaphore, #tpu.memory_space<semaphore_mem>>) src(%arg27 : memref<8192xf32, #tpu.memory_space<vmem>>) dst(%dma_wait3A_153 : memref<8192xf32, #tpu.memory_space<hbm>>)
      tpu.yield
    }) : () -> ()
    return
  }
}

</mosaic_0001>

<sc_bundles>
// kernel: _run.3.cloned.1.call-start
scs
__scs_entry_jumppad:
0x0: {  	(pc) =	sbr.rel $0x88, $3  }
0x1: {  	(tag) =	ssettag $0x0;
	lr =	simm.s32 $0x1  }
0x2: {  	[smem:$0x3F9D] =	sst lr;
	_ =	strace $0xD0000000  }
0x3: {  	_ = 	snop  }
0x4: {  	_ = 	snop  }
0x5: {  	_ = 	snop  }
0x6: {  	_ = 	snop  }
0x7: {  	_ = 	snop  }
__scs_overlays_trampoline_lowered:
0x8: {  	[smem:$0x3FAC] =	sst s0  }
0x9: {  	[smem:$0x3FAD] =	sst s1  }
0xa: {  	[smem:$0x3FAE] =	sst s2  }
0xb: {  	[smem:$0x3FAF] =	sst s3  }
0xc: {  	[smem:$0x3FB0] =	sst s4  }
0xd: {  	[smem:$0x3FB1] =	sst s5  }
0xe: {  	[smem:$0x3FB2] =	sst s6  }
0xf: {  	[smem:$0x3FB3] =	sst s7  }
0x10: {  	[smem:$0x3FB4] =	sst s8  }
0x11: {  	[smem:$0x3FB5] =	sst s9;
	s0 =	simm.s32 @!p0 $0x0  }
0x12: {  	s1 =	sld [smem:$0x3F9B];
	s0 =	simm.s32 @p0 $0x1  }
0x13: {  	[smem:$0x3FB6] =	sst s0;
	s0 =	simm.s32 @!p1 $0x0  }
0x14: {  	s2 =	sld [smem:$0x3F9A];
	s0 =	simm.s32 @p1 $0x1  }
0x15: {  	[smem:$0x3FB7] =	sst s0;
	s0 =	simm.s32 @!p2 $0x0  }
0x16: {  	s3 =	sld [smem:$0x3FDB];
	s0 =	simm.s32 @p2 $0x1  }
0x17: {  	s4 =	simm.s32 $0x1BF5;
	[smem:$0x3FB9] =	sst s0  }
0x18: {  	s0 =	sld [smem:$0x3F9C];
	_ =	swait.ge [sflag:s4], $0x0  }
0x19: {  	s7 =	sld [smem:$0x3F9D]  }
0x1a: {  	s8 =	sadd.s32 $0xFFFFE003, lr  }
0x1b: {  	s9 =	sadd.s32 $0xFFFFFEF7, lr;
	s5 =	simm.s32 $0xFFFFFFFF;
	p2 =	slt.u32 s8, $0xFFFFF086  }
0x1c: {  	p1 =	slt.u32 s9, $0xF7A;
	s5 =	simm.s32 @!p2 $0x0  }
0x1d: {  	s5 =	simm.s32 @p1 $0x1;
	p0 =	seq.s32 s7, s2  }
0x1e: {  	s7 =	smul.u32 @!p0 $0xF7A, s2;
	p2 =	seq.s32 @!p0 s5, $0x0  }
0x1f: {  	s9 =	smul.u32 $0xF7A, s1;
	s8 =	simm.s32 @!p0 $0x1BF5;
	p2 =	por !p2, p0  }
0x20: {  	[sflag:s8] =	ssyncset.s32 @!p0 $0xFFFFF086;
	s6 =	sadd.s32 @!p0 s3, s7;
	s7 =	simm.s32 @!p0 $0x108  }
0x21: {  	s3 =	sadd.s32 s3, s9;
	s6 =	sadd.s32 @!p0 $0x88, s6;
	s7 =	simm.s32 @p2 $0x1082  }
0x22: {  	[simem:s7], [sflag:s8] =	dma.local @!p0 [hbm:s6], $0xF7A  }
0x23: {  	s9 =	sor.u32 $0xD0000000, s2;
	s6 =	simm.s32 $0x108;
	_ =	swait.ge @!p0 [sflag:s8], $0x0  }
0x24: {  	s3 =	sadd.s32 $0x88, s3;
	s6 =	simm.s32 @!p1 $0x1082;
	[sflag:s4] =	ssyncset.s32 $0xFFFFF086  }
0x25: {  	[simem:s6], [sflag:s4] =	dma.local [hbm:s3], $0xF7A  }
0x26: {  	[smem:$0x3F9D] =	sst s1;
	(tag) =	ssettag s2;
	_ =	strace s9  }
0x27: {  	s1 =	sld [smem:$0x3FAD]  }
0x28: {  	s2 =	sld [smem:$0x3FAE]  }
0x29: {  	s4 =	sld [smem:$0x3FB0]  }
0x2a: {  	p0 =	seq.s32 s5, $0x0;
	s5 =	sld [smem:$0x3FB1]  }
0x2b: {  	s6 =	sld [smem:$0x3FB2]  }
0x2c: {  	s7 =	sld [smem:$0x3FB3]  }
0x2d: {  	s3 =	simm.s32 $0x108;
	s8 =	sld [smem:$0x3FB4]  }
0x2e: {  	s3 =	simm.s32 @!p0 $0x1082;
	s9 =	sld [smem:$0x3FB5]  }
0x2f: {  	lr =	sadd.s32 s0, s3;
	s0 =	sld [smem:$0x3FAC]  }
0x30: {  	s3 =	sld [smem:$0x3FAF]  }
0x31: {  	[smem:$0x3FB8] =	sst s10  }
0x32: {  	s10 =	sld [smem:$0x3FB6];
	_ =	sdelay $0x3  }
0x33: {  	p0 =	seq.s32 s10, $0x1;
	s10 =	sld [smem:$0x3FB8];
	_ =	sdelay $0x3  }
0x34: {  	[smem:$0x3FB8] =	sst s10  }
0x35: {  	s10 =	sld [smem:$0x3FB7];
	_ =	sdelay $0x3  }
0x36: {  	p1 =	seq.s32 s10, $0x1;
	s10 =	sld [smem:$0x3FB8];
	_ =	sdelay $0x3  }
0x37: {  	[smem:$0x3FB8] =	sst s10  }
0x38: {  	s10 =	sld [smem:$0x3FB9]  }
0x39: {  	_ = 	snop;
	(pc) =	sbr.ind lr, $3  }
0x3a: {  	_ = 	snop  }
0x3b: {  	_ = 	snop  }
0x3c: {  	p2 =	seq.s32 s10, $0x1;
	s10 =	sld [smem:$0x3FB8]  }
0x3d: {  	_ =	shalt  }
0x3e: {  	_ =	shalt  }
0x3f: {  	_ =	shalt  }
0x40: {  	_ =	shalt  }
0x41: {  	_ =	shalt  }
0x42: {  	_ =	shalt  }
0x43: {  	_ =	shalt  }
0x44: {  	_ =	shalt  }
0x45: {  	_ =	shalt  }
0x46: {  	_ =	shalt  }
0x47: {  	_ =	shalt  }
0x48: {  	_ =	shalt  }
0x49: {  	_ =	shalt  }
0x4a: {  	_ =	shalt  }
0x4b: {  	_ =	shalt  }
0x4c: {  	_ =	shalt  }
0x4d: {  	_ =	shalt  }
0x4e: {  	_ =	shalt  }
0x4f: {  	_ =	shalt  }
0x50: {  	_ =	shalt  }
0x51: {  	_ =	shalt  }
0x52: {  	_ =	shalt  }
0x53: {  	_ =	shalt  }
0x54: {  	_ =	shalt  }
0x55: {  	_ =	shalt  }
0x56: {  	_ =	shalt  }
0x57: {  	_ =	shalt  }
0x58: {  	_ =	shalt  }
0x59: {  	_ =	shalt  }
0x5a: {  	_ =	shalt  }
0x5b: {  	_ =	shalt  }
0x5c: {  	_ =	shalt  }
0x5d: {  	_ =	shalt  }
0x5e: {  	_ =	shalt  }
0x5f: {  	_ =	shalt  }
0x60: {  	_ =	shalt  }
0x61: {  	_ =	shalt  }
0x62: {  	_ =	shalt  }
0x63: {  	_ =	shalt  }
0x64: {  	_ =	shalt  }
0x65: {  	_ =	shalt  }
0x66: {  	_ =	shalt  }
0x67: {  	_ =	shalt  }
0x68: {  	_ =	shalt  }
0x69: {  	_ =	shalt  }
0x6a: {  	_ =	shalt  }
0x6b: {  	_ =	shalt  }
0x6c: {  	_ =	shalt  }
0x6d: {  	_ =	shalt  }
0x6e: {  	_ =	shalt  }
0x6f: {  	_ =	shalt  }
0x70: {  	_ =	shalt  }
0x71: {  	_ =	shalt  }
0x72: {  	_ =	shalt  }
0x73: {  	_ =	shalt  }
0x74: {  	_ =	shalt  }
0x75: {  	_ =	shalt  }
0x76: {  	_ =	shalt  }
0x77: {  	_ =	shalt  }
0x78: {  	_ =	shalt  }
0x79: {  	_ =	shalt  }
0x7a: {  	_ =	shalt  }
0x7b: {  	_ =	shalt  }
0x7c: {  	_ =	shalt  }
0x7d: {  	_ =	shalt  }
0x7e: {  	_ =	shalt  }
0x7f: {  	_ =	shalt  }
0x80: {  	_ =	shalt  }
0x81: {  	_ =	shalt  }
0x82: {  	_ =	shalt  }
0x83: {  	_ =	shalt  }
0x84: {  	_ =	shalt  }
0x85: {  	_ =	shalt  }
0x86: {  	_ =	shalt  }
0x87: {  	_ =	shalt  }
.Lfunc_end0:
.L_simem_size_0:
called_computation_lowered:
.L_overlay_start_0:
0x88: {  	s2 =	sld [smem:$0x3FD9]  }
0x89: {  	s3 =	sld [smem:$0x3FFE];
	_ =	sdelay $0x1  }
0x8a: {  	s1 =	srdreg.scid  }
0x8b: {  	s0 =	sand.u32 $0x1, s1  }
0x8c: {  	s18 =	sshll.u32 s0, $0xA;
	s2 =	sadd.s32 s3, s2  }
0x8d: {  	s2 =	sadd.s32 s2, s18  }
0x8e: {  	[smem:$0x3FC4] =	sst s2  }
0x8f: {  	_ = 	snop  }
0x90: {  	s2 =	sld [smem:$0x3FC9]  }
0x91: {  	s19 =	sld [smem:$0x3FC8]  }
0x92: {  	s4 =	sld [smem:$0x3FC7]  }
0x93: {  	s5 =	sld [smem:$0x3FC6]  }
0x94: {  	s6 =	sld [smem:$0x3FD0];
	(tm) =	ssettm $0x1  }
0x95: {  	s7 =	sld [smem:$0x3FFB];
	_ =	sdelay $0x3  }
0x96: {  	_ =	strace s7  }
0x97: {  	s7 =	sld [smem:$0x3FFC];
	_ =	sdelay $0x3  }
0x98: {  	_ =	strace s7  }
0x99: {  	s7 =	sld [smem:$0x3FFD];
	_ =	sdelay $0x3  }
0x9a: {  	_ =	strace s7  }
0x9b: {  	_ =	strace $0x8FFFFFFF  }
0x9c: {  	s20 =	sld [smem:$0x3FDB];
	_ =	sdelay $0x1  }
0x9d: {  	s8 =	simm.s32 $_scs_section_size  }
0x9e: {  	s9 =	simm.s32 $_size__tile_overlayer_lowered;
	s10 =	simm.s32 $_tile_overlayer_lowered  }
0x9f: {  	s23 =	simm.s32 $0x1BFF;
	s22 =	sshll.u32 s10, $0x1;
	s7 =	sadd.s32 s8, s20  }
0xa0: {  	s11 =	simm.s32 $0x0;
	s21 =	sshll.u32 s9, $0x1;
	s9 =	sadd.s32 s22, s7  }
0xa1: {  	[timem:s11], [sflag:s23] =	dma.local [hbm:s9], s21  }
0xa2: {  	_ =	swait.ge [sflag:s23], s21  }
0xa3: {  	s8 =	ssub.s32 $0x0, s21;
	[sflag:s23] =	ssyncset.done $0x0  }
0xa4: {  	[sflag:s23] =	ssyncadd.s32 s8;
	_ =	sdelay $0x1  }
0xa5: {  	s24 =	simm.s32 $0x1B8B  }
0xa6: {  	_ =	swait.ge [sflag:s24], $0x1  }
0xa7: {  	[sflag:s24] =	ssyncset.done $0x0  }
0xa8: {  	s25 =	simm.s32 $0x1B8E;
	[sflag:s24] =	ssyncadd.s32 $0xFFFFFFFF  }
0xa9: {  	s26 =	simm.s32 $execute0_lowered;
	[smem:$0x3FD2] =	sst s25  }
0xaa: {  	s8 =	sshll.u32 s26, $0x1;
	_ =	strace $0x80000046;
	[dreg:$0x1] =	wrdreg $0xFFFFFFFF  }
0xab: {  	s28 =	simm.s32 $_size_execute0_lowered;
	s7 =	sadd.s32 s7, s8;
	[dreg:$0x0] =	wrdreg $0x0  }
0xac: {  	s8 =	sshll.u32 s28, $0x1;
	[dreg:$0x2] =	wrdreg s7  }
0xad: {  	[dreg:$0x3] =	wrdreg s8  }
0xae: {  	[dreg:$0x4] =	wrdreg $0xC0  }
0xaf: {  	_ =	task [dreg:s11], $0x5FFFF  }
0xb0: {  	[dreg:$0x1] =	wrdreg $0xFFFFFFFF  }
0xb1: {  	[dreg:$0x0] =	wrdreg $0x60  }
0xb2: {  	[dreg:$0x2] =	wrdreg s2  }
0xb3: {  	[dreg:$0x3] =	wrdreg s19  }
0xb4: {  	[dreg:$0x4] =	wrdreg s4  }
0xb5: {  	[dreg:$0x5] =	wrdreg s5  }
0xb6: {  	[dreg:$0x6] =	wrdreg s6  }
0xb7: {  	[dreg:$0x7] =	wrdreg $0x9  }
0xb8: {  	_ =	task.clear_ibuf [dreg:s11], $0x8FFFF;
	_ =	strace $0x90000046  }
0xb9: {  	s29 =	simm.s32 $0x9;
	_ =	strace $0x80000048  }
0xba: {  	_ =	swait.ge [sflag:s29], $0x1  }
0xbb: {  	[sflag:s29] =	ssyncadd.s32 $0xFFFFFFFF  }
0xbc: {  	_ =	strace $0x90000048  }
0xbd: {  	_ =	sfence  }
0xbe: {  	s30 =	sld [smem:$0x0];
	_ =	sdelay $0x2  }
0xbf: {  	s31 =	sshll.u32 s1, $0xD;
	s1 =	sshrl.u32 s1, $0x2  }
0xc0: {  	s3 =	sand.u32 $0x4000, s31;
	s1 =	sadd.s32 s1, s30  }
0xc1: {  	s0 =	sor.u32 s3, s0;
	s1 =	sshll.u32 s1, $0x11  }
0xc2: {  	s0 =	sor.u32 s1, s0  }
0xc3: {  	s0 =	sadd.s32 $0x8F2B, s0  }
0xc4: {  	[sflag:s0] =	ssyncadd.remote.s32 $0x1  }
0xc5: {  	_ =	sfence.sel $0xFFFF  }
0xc6: {  	[dreg:$0x0] =	wrdreg $0xFFFFFFFF;
	(pc) =	sbr.abs _section_cstart, $3  }
0xc7: {  	[dreg:$0x1] =	wrdreg $0xFFFFFFFF  }
0xc8: {  	_ =	task.clear_ibuf [dreg:s11], $0x2FFFF;
	_ =	strace $0x9FFFFFFF  }
0xc9: {  	(tm) =	ssettm $0x7FFFFFFF  }
tec
execute0_lowered:
.L_overlay_start_1:
0x0: {  	(tag) =	ssettag $0x1  }
0x1: {  	s0 =	rddreg [dreg:$0x0]  }
0x2: {  	s1 =	rddreg [dreg:$0x1]  }
0x3: {  	s2 =	rddreg [dreg:$0x2]  }
0x4: {  	s3 =	srdreg.scid;
	s9 =	stileid.u32  }
0x5: {  	s5 =	rddreg [dreg:$0x4];
	s4 =	sand.u32 $0x1, s3;
	s6 =	sshll.u32 s9, $0x1  }
0x6: {  	s28 =	simm.s32 $0x2E00;
	s30 =	simm.s32 $0x1;
	s6 =	sor.u32 s4, s6  }
0x7: {  	s31 =	simm.s32 $0x2500;
	s29 =	simm.s32 $0x2;
	s25 =	sshll.u32 s6, $0x5  }
0x8: {  	s3 =	simm.s32 $0x0;
	s7 =	ssub.s32 $0x2, s4;
	s4 =	sadd.s32 s0, s25  }
0x9: {  	s26 =	sshrl.u32 s9, $0x2;
	[smem:$0x7FF] =	sst s3;
	s11 =	sadd.s32 $0x400, s4  }
0xa: {  	_ =	strace $0x80000047;
	s12 =	sadd.s32 $0x800, s4;
	[dreg:$0x6] =	wrdreg s11  }
0xb: {  	s14 =	smul.u32 $0x410, s26;
	s13 =	sadd.s32 $0xC00, s4;
	[dreg:$0x7] =	wrdreg s12  }
0xc: {  	s19 =	smul.u32 $0x82, s26;
	s15 =	sadd.s32 $0x1000, s4;
	[dreg:$0x8] =	wrdreg s13  }
0xd: {  	p0 =	seq.s32 s26, $0x0;
	s16 =	sadd.s32 $0x1400, s4;
	[dreg:$0x9] =	wrdreg s15  }
0xe: {  	s8 =	sshrl.u32 s7, $0x1;
	s17 =	sadd.s32 $0x1800, s4;
	[dreg:$0xa] =	wrdreg s16  }
0xf: {  	s0 =	ssub.s32 s7, s8;
	s18 =	sadd.s32 $0x1C00, s4;
	[dreg:$0xb] =	wrdreg s17  }
0x10: {  	s8 =	sshrl.u32 s14, $0x3;
	s10 =	sadd.s32 $0x2000, s4;
	[dreg:$0xc] =	wrdreg s18  }
0x11: {  	s25 =	smul.u32 $0x1040, s26;
	s20 =	sadd.s32 $0x2400, s4;
	[dreg:$0xd] =	wrdreg s10  }
0x12: {  	s8 =	sadd.s32 s1, s8;
	s1 =	sadd.s32 s1, s19;
	[dreg:$0xe] =	wrdreg s20  }
0x13: {  	s7 =	simm.f32 $1.000000020e+30;
	[dreg:$0xf] =	wrdreg s1;
	s21 =	sadd.s32 $0x208, s8  }
0x14: {  	s26 =	sshll.u32 s6, $0xA;
	s22 =	sadd.s32 $0x410, s8;
	[dreg:$0x10] =	wrdreg s21  }
0x15: {  	s7 =	simm.s32 @!p0 $0x501502F9;
	s23 =	sadd.s32 $0x618, s8;
	[dreg:$0x11] =	wrdreg s22  }
0x16: {  	s24 =	sadd.s32 $0x820, s8;
	s8 =	sadd.s32 $0xA28, s8;
	[dreg:$0x12] =	wrdreg s23  }
0x17: {  	s20 =	sadd.s32 s2, s25;
	s2 =	simm.s32 $0xE80;
	[dreg:$0x13] =	wrdreg s24  }
0x18: {  	s25 =	simm.s32 $0x1C00;
	s1 =	simm.s32 $0x0;
	[dreg:$0x14] =	wrdreg s8  }
0x19: {  	v0 =	vmov s7;
	s21 =	sadd.s32 s5, s26;
	s22 =	smax.u32 s0, $0x1;
	s0 =	simm.s32 $0xA00  }
0x1a: {  	v28 =	vimm.s32 $0x0;
	v36 =	vlaneseq.u32;
	s23 =	simm.s32 $0x1300;
	s24 =	simm.s32 $0x1780;
	[tilespmem:$0x1FFF0] =	vst v0;
	s26 =	simm.s32 $0x2080  }
.LBB2_1:
0x1b: {  	[tilespmem:s3], [sflag:$0x1] =	stream.linear.gather [hbm4b:s4+s3], $0x100, $0x38;
	[tilespmem:$0xD200] =	vst v63  }
0x1c: {  	s5 =	rddreg [dreg:$0x6];
	s6 =	simm.s32 $0x100  }
0x1d: {  	[tilespmem:s6], [sflag:$0x1] =	stream.linear.gather [hbm4b:s5+s3], $0x100, $0x38;
	[tilespmem:$0xD200] =	vst v63  }
0x1e: {  	s10 =	rddreg [dreg:$0x7];
	s11 =	simm.s32 $0x200  }
0x1f: {  	[tilespmem:s11], [sflag:$0x1] =	stream.linear.gather [hbm4b:s10+s3], $0x100, $0x38;
	[tilespmem:$0xD200] =	vst v63  }
0x20: {  	s12 =	rddreg [dreg:$0x8];
	s13 =	simm.s32 $0x300  }
0x21: {  	[tilespmem:s13], [sflag:$0x1] =	stream.linear.gather [hbm4b:s12+s3], $0x100, $0x38;
	[tilespmem:$0xD200] =	vst v63  }
0x22: {  	s14 =	rddreg [dreg:$0x9];
	s15 =	simm.s32 $0x400  }
0x23: {  	[tilespmem:s15], [sflag:$0x1] =	stream.linear.gather [hbm4b:s14+s3], $0x100, $0x38;
	[tilespmem:$0xD200] =	vst v63  }
0x24: {  	s16 =	rddreg [dreg:$0xa];
	s17 =	simm.s32 $0x500  }
0x25: {  	[tilespmem:s17], [sflag:$0x1] =	stream.linear.gather [hbm4b:s16+s3], $0x100, $0x38;
	[tilespmem:$0xD200] =	vst v63  }
0x26: {  	s18 =	rddreg [dreg:$0xb];
	s19 =	simm.s32 $0x600  }
0x27: {  	[tilespmem:s19], [sflag:$0x1] =	stream.linear.gather [hbm4b:s18+s3], $0x100, $0x38;
	[tilespmem:$0xD200] =	vst v63  }
0x28: {  	s7 =	simm.s32 $0x700;
	s6 =	rddreg [dreg:$0xc]  }
0x29: {  	[tilespmem:s7], [sflag:$0x1] =	stream.linear.gather [hbm4b:s6+s3], $0x100, $0x38;
	[tilespmem:$0xD200] =	vst v63  }
0x2a: {  	s8 =	rddreg [dreg:$0xd];
	s9 =	simm.s32 $0x800  }
0x2b: {  	[tilespmem:s9], [sflag:$0x1] =	stream.linear.gather [hbm4b:s8+s3], $0x100, $0x38;
	[tilespmem:$0xD200] =	vst v63  }
0x2c: {  	s10 =	rddreg [dreg:$0xe];
	s11 =	simm.s32 $0x900  }
0x2d: {  	[tilespmem:s11], [sflag:$0x1] =	stream.linear.gather [hbm4b:s10+s3], $0x100, $0x38;
	[tilespmem:$0xD200] =	vst v63  }
0x2e: {  	s12 =	rddreg [dreg:$0xf]  }
0x2f: {  	[tilespmem:s0], [sflag:$0x1] =	stream.linear.gather [hbm4b:s12+s3], $0x410, $0x38;
	[tilespmem:$0xD200] =	vst v63  }
0x30: {  	s13 =	rddreg [dreg:$0x10]  }
0x31: {  	[tilespmem:s2], [sflag:$0x1] =	stream.linear.gather [hbm4b:s13+s3], $0x410, $0x38;
	[tilespmem:$0xD200] =	vst v63  }
0x32: {  	s14 =	rddreg [dreg:$0x11]  }
0x33: {  	[tilespmem:s23], [sflag:$0x1] =	stream.linear.gather [hbm4b:s14+s3], $0x410, $0x38;
	[tilespmem:$0xD200] =	vst v63  }
0x34: {  	s15 =	rddreg [dreg:$0x12]  }
0x35: {  	[tilespmem:s24], [sflag:$0x1] =	stream.linear.gather [hbm4b:s15+s3], $0x410, $0x38;
	[tilespmem:$0xD200] =	vst v63  }
0x36: {  	s16 =	rddreg [dreg:$0x13]  }
0x37: {  	[tilespmem:s25], [sflag:$0x1] =	stream.linear.gather [hbm4b:s16+s3], $0x410, $0x38;
	[tilespmem:$0xD200] =	vst v63  }
0x38: {  	s17 =	rddreg [dreg:$0x14]  }
0x39: {  	[tilespmem:s26], [sflag:$0x1] =	stream.linear.gather [hbm4b:s17+s3], $0x410, $0x38;
	[tilespmem:$0xD200] =	vst v63  }
0x3a: {  	_ = 	snop  }
0x3b: {  	[tilespmem:s28], [sflag:$0x1] =	stream.linear.gather [hbm4b:s20+s3], $0x8200, $0x38;
	[tilespmem:$0xD200] =	vst v63  }
0x3c: {  	s18 =	rddreg [dreg:$0x3];
	s19 =	simm.s32 $0xB000  }
0x3d: {  	[tilespmem:s19], [sflag:$0x1] =	stream.linear.gather [hbm4b:s18+s3], $0x200, $0x38;
	[tilespmem:$0xD200] =	vst v63  }
0x3e: {  	_ =	swait.ge [sflag:s30], $0x100  }
0x3f: {  	[sflag:s30] =	ssyncset.done $0x0  }
0x40: {  	[sflag:s30] =	ssyncadd.s32 $0xFFFFFF00  }
0x41: {  	_ =	swait.ge [sflag:s30], $0x100  }
0x42: {  	[sflag:s30] =	ssyncset.done $0x0  }
0x43: {  	[sflag:s30] =	ssyncadd.s32 $0xFFFFFF00  }
0x44: {  	_ =	swait.ge [sflag:s30], $0x100  }
0x45: {  	[sflag:s30] =	ssyncset.done $0x0  }
0x46: {  	[sflag:s30] =	ssyncadd.s32 $0xFFFFFF00  }
0x47: {  	_ =	swait.ge [sflag:s30], $0x100  }
0x48: {  	[sflag:s30] =	ssyncset.done $0x0  }
0x49: {  	[sflag:s30] =	ssyncadd.s32 $0xFFFFFF00  }
0x4a: {  	_ =	swait.ge [sflag:s30], $0x100  }
0x4b: {  	[sflag:s30] =	ssyncset.done $0x0  }
0x4c: {  	[sflag:s30] =	ssyncadd.s32 $0xFFFFFF00  }
0x4d: {  	_ =	swait.ge [sflag:s30], $0x100  }
0x4e: {  	[sflag:s30] =	ssyncset.done $0x0  }
0x4f: {  	[sflag:s30] =	ssyncadd.s32 $0xFFFFFF00  }
0x50: {  	_ =	swait.ge [sflag:s30], $0x100  }
0x51: {  	[sflag:s30] =	ssyncset.done $0x0  }
0x52: {  	[sflag:s30] =	ssyncadd.s32 $0xFFFFFF00  }
0x53: {  	_ =	swait.ge [sflag:s30], $0x100  }
0x54: {  	[sflag:s30] =	ssyncset.done $0x0  }
0x55: {  	[sflag:s30] =	ssyncadd.s32 $0xFFFFFF00  }
0x56: {  	_ =	swait.ge [sflag:s30], $0x100  }
0x57: {  	[sflag:s30] =	ssyncset.done $0x0  }
0x58: {  	[sflag:s30] =	ssyncadd.s32 $0xFFFFFF00  }
0x59: {  	_ =	swait.ge [sflag:s30], $0x100  }
0x5a: {  	[sflag:s30] =	ssyncset.done $0x0  }
0x5b: {  	[sflag:s30] =	ssyncadd.s32 $0xFFFFFF00  }
0x5c: {  	_ =	swait.ge [sflag:s30], $0x410  }
0x5d: {  	[sflag:s30] =	ssyncset.done $0x0  }
0x5e: {  	[sflag:s30] =	ssyncadd.s32 $0xFFFFFBF0  }
0x5f: {  	_ =	swait.ge [sflag:s30], $0x410  }
0x60: {  	[sflag:s30] =	ssyncset.done $0x0  }
0x61: {  	[sflag:s30] =	ssyncadd.s32 $0xFFFFFBF0  }
0x62: {  	_ =	swait.ge [sflag:s30], $0x410  }
0x63: {  	[sflag:s30] =	ssyncset.done $0x0  }
0x64: {  	[sflag:s30] =	ssyncadd.s32 $0xFFFFFBF0  }
0x65: {  	_ =	swait.ge [sflag:s30], $0x410  }
0x66: {  	[sflag:s30] =	ssyncset.done $0x0  }
0x67: {  	[sflag:s30] =	ssyncadd.s32 $0xFFFFFBF0  }
0x68: {  	_ =	swait.ge [sflag:s30], $0x410  }
0x69: {  	[sflag:s30] =	ssyncset.done $0x0  }
0x6a: {  	[sflag:s30] =	ssyncadd.s32 $0xFFFFFBF0  }
0x6b: {  	_ =	swait.ge [sflag:s30], $0x410  }
0x6c: {  	[sflag:s30] =	ssyncset.done $0x0  }
0x6d: {  	[sflag:s30] =	ssyncadd.s32 $0xFFFFFBF0  }
0x6e: {  	_ =	swait.ge [sflag:s30], $0x8200  }
0x6f: {  	[sflag:s30] =	ssyncset.done $0x0  }
0x70: {  	[sflag:s30] =	ssyncadd.s32 $0xFFFF7E00  }
0x71: {  	_ =	swait.ge [sflag:s30], $0x200  }
0x72: {  	[sflag:s30] =	ssyncset.done $0x0  }
0x73: {  	s5 =	simm.s32 $0x0;
	[sflag:s30] =	ssyncadd.s32 $0xFFFFFE00  }
0x74: {  	v0 =	vld [tilespmem:s5+$0xA00]  }
0x75: {  	v1 =	vld [tilespmem:s5+$0xE80]  }
0x76: {  	v2 =	vld [tilespmem:s5+$0x1300];
	_ =	sdelay $0x2  }
0x77: {  	s6 =	simm.s32 $0x10  }
0x78: {  	v3 =	vmul.f32 v0, v0;
	v1 =	vmul.f32 v1, v1;
	v0 =	vld [tilespmem:s6+$0xA00]  }
0x79: {  	v4 =	vmul.f32 v2, v2;
	v2 =	vld [tilespmem:s6+$0xE80]  }
0x7a: {  	v3 =	vadd.f32 v1, v3  }
0x7b: {  	v1 =	vld [tilespmem:s6+$0x1300]  }
0x7c: {  	s7 =	simm.s32 $0x80;
	v3 =	vadd.f32 v4, v3  }
.LBB2_2:
0x7d: {  	s8 =	sshra.s32 s7, $0x2;
	p0 =	sne.s32 s7, $0x1000  }
.Ltmp0:
0x7e: {  	s7 =	sadd.s32 $0x40, s7;
	v4 =	vmul.f32 v0, v0;
	v0 =	vld [tilespmem:s8+$0xA00];
	v5 =	vmul.f32 v2, v2;
	[tilespmem:s5+$0x2500] =	vst v3;
	(pc) =	sbr.rel @p0 .LBB2_2-.Ltmp0, $4  }
0x7f: {  	s5 =	smov.u32 s6;
	s6 =	smov.u32 s8;
	v2 =	vld [tilespmem:s8+$0xE80]  }
0x80: {  	v3 =	vadd.f32 v5, v4;
	v4 =	vmul.f32 v1, v1  }
0x81: {  	v1 =	vld [tilespmem:s6+$0x1300]  }
0x82: {  	v3 =	vadd.f32 v4, v3  }
0x83: {  	_ = 	snop  }
0x84: {  	v0 =	vmul.f32 v0, v0;
	v2 =	vmul.f32 v2, v2;
	_ =	sdelay $0x1  }
0x85: {  	v0 =	vadd.f32 v2, v0;
	v1 =	vmul.f32 v1, v1;
	_ =	sdelay $0x1  }
0x86: {  	v0 =	vadd.f32 v1, v0  }
0x87: {  	s7 =	simm.s32 $0x0;
	[tilespmem:s5+$0x2500] =	vst v3  }
0x88: {  	s8 =	simm.s32 $0x0;
	s5 =	simm.s32 $0x0;
	[tilespmem:s6+$0x2500] =	vst v0;
	s6 =	simm.s32 $0x0  }
.LBB2_4:
0x89: {  	s9 =	sshll.u32 s8, $0x4  }
0x8a: {  	v19 =	vld [tilespmem:s9+$0x600]  }
0x8b: {  	v18 =	vld [tilespmem:s9+$0x700]  }
0x8c: {  	s10 =	simm.s32 $0x1C10;
	v16 =	vld [tilespmem:s9+$0x800]  }
0x8d: {  	s11 =	simm.s32 $0x1790;
	v0 =	vld [tilespmem:s10+$0xFFFFFFF0]  }
0x8e: {  	v1 =	vld [tilespmem:s11+$0xFFFFFFF0]  }
0x8f: {  	s12 =	simm.s32 $0x2090  }
0x90: {  	v2 =	vld [tilespmem:s12+$0xFFFFFFF0];
	v21 =	vbroadcast v19, $0x0;
	v15 =	vbroadcast v18, $0x0  }
0x91: {  	v20 =	vbroadcast v16, $0x0;
	v24 =	vbroadcast v19, $0x8  }
0x92: {  	v17 =	vld [tilespmem:s9+$0x900];
	v23 =	vbroadcast v18, $0x8;
	v22 =	vbroadcast v16, $0x8  }
0x93: {  	s13 =	simm.s32 $0x2510;
	v3 =	vmul.f32 v0, v15;
	v4 =	vmul.f32 v1, v21  }
0x94: {  	v5 =	vld [tilespmem:s13+$0xFFFFFFF0];
	v0 =	vmul.f32 v0, v23;
	v1 =	vmul.f32 v1, v24  }
0x95: {  	v58 =	vmul.f32 v2, v20;
	v3 =	vadd.f32 v3, v4  }
0x96: {  	v2 =	vmul.f32 v2, v22;
	v0 =	vadd.f32 v0, v1  }
0x97: {  	v25 =	vbroadcast v17, $0x0;
	v1 =	vadd.f32 v58, v3  }
0x98: {  	v26 =	vbroadcast v17, $0x8;
	v0 =	vadd.f32 v2, v0  }
0x99: {  	v2 =	vadd.f32 v5, v25;
	v1 =	vadd.f32 v1, v1  }
0x9a: {  	v3 =	vadd.f32 v5, v26;
	v0 =	vadd.f32 v0, v0  }
0x9b: {  	v1 =	vsub.f32 v2, v1  }
0x9c: {  	v0 =	vsub.f32 v3, v0  }
0x9d: {  	v27 =	vld [tilespmem:s9+$0x0];
	vm0 =	vle.f32 v1, $2.304000090e+01  }
0x9e: {  	v30 =	vld [tilespmem:s9+$0x100];
	vm1 =	vle.f32 v0, $2.304000090e+01;
	v0 =	vsel vm0, $0x10000, v28  }
0x9f: {  	v29 =	vld [tilespmem:s9+$0x200];
	v1 =	vsel vm1, $0x20000, v28;
	v0 =	vor.u32 s5, v0  }
0xa0: {  	v57 =	vld [tilespmem:s9+$0x300];
	v0 =	vor.u32 v1, v0  }
0xa1: {  	v48 =	vld [tilespmem:s9+$0x400];
	vm0 =	vmor vm0, vm1;
	v0 =	vor.u32 v36, v0  }
0xa2: {  	v51 =	vld [tilespmem:s9+$0x500];
	[tilespmem:s5+$0x2980] =	vst.msk vm0, v0  }
0xa3: {  	v0 =	vld [tilespmem:s11+$0x0]  }
0xa4: {  	v1 =	vld [tilespmem:s10+$0x0]  }
0xa5: {  	v2 =	vmpcnt.ones.xlane vm0  }
0xa6: {  	v3 =	vld [tilespmem:s12+$0x0]  }
0xa7: {  	(v2sf) =	vpush v2, $0x0;
	_ =	sdelay $0x1  }
0xa8: {  	v2 =	vmul.f32 v0, v21;
	v59 =	vmul.f32 v1, v15  }
0xa9: {  	v60 =	vld [tilespmem:s13+$0x0];
	v0 =	vmul.f32 v0, v24;
	v1 =	vmul.f32 v1, v23  }
0xaa: {  	v6 =	vmul.f32 v3, v20;
	v2 =	vadd.f32 v59, v2  }
0xab: {  	v3 =	vmul.f32 v3, v22;
	v0 =	vadd.f32 v1, v0  }
0xac: {  	v1 =	vadd.f32 v6, v2  }
0xad: {  	v0 =	vadd.f32 v3, v0  }
0xae: {  	v2 =	vadd.f32 v60, v25;
	v1 =	vadd.f32 v1, v1  }
0xaf: {  	v3 =	vadd.f32 v60, v26;
	v0 =	vadd.f32 v0, v0  }
0xb0: {  	v1 =	vsub.f32 v2, v1  }
0xb1: {  	v0 =	vsub.f32 v3, v0  }
0xb2: {  	vm14 =	vle.f32 v1, $2.304000090e+01  }
0xb3: {  	s16 =	simm.s32 $0x10;
	vm15 =	vle.f32 v0, $2.304000090e+01;
	v0 =	vsel vm14, $0x10000, v28  }
0xb4: {  	v1 =	vsel vm15, $0x20000, v28;
	vm0 =	vmor vm14, vm15;
	v0 =	vor.u32 s16, v0  }
0xb5: {  	s17 =	spop (v2sf);
	v62 =	vmpcnt.ones.xlane vm0;
	v0 =	vor.u32 v1, v0  }
0xb6: {  	s16 =	sadd.s32 $0x0, s17;
	v0 =	vor.u32 v36, v0  }
0xb7: {  	s10 =	simm.s32 $0x1C30;
	(v2sf) =	vpush v62, $0x0;
	[tilespmem:s16+$0x2980] =	vst.msk vm0, v0  }
0xb8: {  	s12 =	simm.s32 $0x17B0;
	v0 =	vld [tilespmem:s10+$0xFFFFFFF0]  }
0xb9: {  	v1 =	vld [tilespmem:s12+$0xFFFFFFF0];
	_ =	sdelay $0x1  }
0xba: {  	s13 =	simm.s32 $0x20B0  }
0xbb: {  	v2 =	vld [tilespmem:s13+$0xFFFFFFF0]  }
0xbc: {  	v3 =	vmul.f32 v0, v15;
	v0 =	vmul.f32 v0, v23  }
0xbd: {  	v61 =	vmul.f32 v1, v21;
	v1 =	vmul.f32 v1, v24  }
0xbe: {  	s18 =	sshll.u32 s7, $0x2;
	s19 =	sand.u32 $0x7, s6;
	s14 =	simm.s32 $0x2530  }
0xbf: {  	s9 =	sand.u32 $0xFFFFFE00, s18;
	s11 =	sshll.u32 s19, $0x6;
	v1 =	vadd.f32 v0, v1;
	v0 =	vld [tilespmem:s14+$0xFFFFFFF0]  }
0xc0: {  	s9 =	sor.u32 s11, s9;
	v63 =	vmul.f32 v2, v22;
	v2 =	vmul.f32 v2, v20;
	v3 =	vadd.f32 v3, v61  }
0xc1: {  	s9 =	sshrl.u32 s9, $0x2  }
0xc2: {  	s15 =	simm.s32 $0x40;
	s11 =	simm.s32 $0x20;
	s9 =	sadd.s32 $0xB200, s9;
	v2 =	vadd.f32 v2, v3;
	v1 =	vadd.f32 v63, v1  }
.LBB2_5:
0xc3: {  	_ = 	snop  }
0xc4: {  	p0 =	sne.s32 s15, $0x3E0;
	s17 =	smov.u32 s15;
	s15 =	sadd.s32 $0x20, s15;
	v3 =	vadd.f32 v0, v25;
	v2 =	vadd.f32 v2, v2  }
0xc5: {  	v0 =	vadd.f32 v0, v26;
	v1 =	vadd.f32 v1, v1;
	s18 =	spop (v2sf)  }
0xc6: {  	v2 =	vsub.f32 v3, v2;
	s16 =	sadd.s32 s16, s18  }
0xc7: {  	v0 =	vsub.f32 v0, v1  }
0xc8: {  	vm0 =	vle.f32 v2, $2.304000090e+01  }
0xc9: {  	vm1 =	vle.f32 v0, $2.304000090e+01;
	v0 =	vsel vm0, $0x10000, v28  }
0xca: {  	vm0 =	vmor vm0, vm1;
	v1 =	vsel vm1, $0x20000, v28;
	v0 =	vor.u32 s11, v0  }
0xcb: {  	v0 =	vor.u32 v1, v0;
	v1 =	vmpcnt.ones.xlane vm0  }
0xcc: {  	v0 =	vor.u32 v36, v0  }
0xcd: {  	[tilespmem:s16+$0x2980] =	vst.msk vm0, v0;
	(v2sf) =	vpush v1, $0x0  }
0xce: {  	v0 =	vld [tilespmem:s12+$0x0]  }
0xcf: {  	v1 =	vld [tilespmem:s10+$0x0]  }
0xd0: {  	v2 =	vld [tilespmem:s13+$0x0];
	_ =	sdelay $0x2  }
0xd1: {  	v3 =	vmul.f32 v0, v21;
	v0 =	vmul.f32 v0, v24  }
0xd2: {  	v4 =	vld [tilespmem:s14+$0x0];
	v5 =	vmul.f32 v1, v15;
	v1 =	vmul.f32 v1, v23  }
0xd3: {  	v6 =	vmul.f32 v2, v20;
	v2 =	vmul.f32 v2, v22  }
0xd4: {  	v3 =	vadd.f32 v5, v3;
	v0 =	vadd.f32 v1, v0;
	_ =	sdelay $0x1  }
0xd5: {  	v1 =	vadd.f32 v6, v3;
	v0 =	vadd.f32 v2, v0  }
0xd6: {  	v2 =	vadd.f32 v4, v25;
	v3 =	vadd.f32 v4, v26  }
0xd7: {  	v1 =	vadd.f32 v1, v1;
	v0 =	vadd.f32 v0, v0;
	_ =	sdelay $0x1  }
0xd8: {  	v1 =	vsub.f32 v2, v1;
	v0 =	vsub.f32 v3, v0;
	s18 =	spop (v2sf);
	_ =	sdelay $0x1  }
0xd9: {  	s19 =	sadd.s32 $0x10, s11;
	s11 =	smov.u32 s17;
	vm0 =	vle.f32 v1, $2.304000090e+01;
	vm1 =	vle.f32 v0, $2.304000090e+01  }
0xda: {  	vm2 =	vmor vm0, vm1;
	v0 =	vsel vm0, $0x10000, v28;
	v1 =	vsel vm1, $0x20000, v28  }
0xdb: {  	v0 =	vor.u32 s19, v0;
	v2 =	vmpcnt.ones.xlane vm2  }
0xdc: {  	s16 =	sadd.s32 s16, s18;
	v0 =	vor.u32 v1, v0  }
0xdd: {  	s12 =	sadd.s32 $0x20, s12;
	v0 =	vor.u32 v36, v0;
	(v2sf) =	vpush v2, $0x0  }
0xde: {  	s10 =	sadd.s32 $0x20, s10;
	[tilespmem:s16+$0x2980] =	vst.msk vm2, v0  }
0xdf: {  	v0 =	vld [tilespmem:s10+$0xFFFFFFF0]  }
0xe0: {  	s13 =	sadd.s32 $0x20, s13;
	v1 =	vld [tilespmem:s12+$0xFFFFFFF0]  }
0xe1: {  	v2 =	vld [tilespmem:s13+$0xFFFFFFF0];
	_ =	sdelay $0x2  }
0xe2: {  	s14 =	sadd.s32 $0x20, s14;
	v3 =	vmul.f32 v0, v15;
	v4 =	vmul.f32 v0, v23  }
.Ltmp1:
0xe3: {  	v5 =	vmul.f32 v1, v21;
	v1 =	vmul.f32 v1, v24;
	(pc) =	sbr.rel @p0 .LBB2_5-.Ltmp1, $3  }
0xe4: {  	v0 =	vld [tilespmem:s14+$0xFFFFFFF0];
	v6 =	vmul.f32 v2, v22  }
0xe5: {  	v2 =	vmul.f32 v2, v20;
	v3 =	vadd.f32 v3, v5;
	v1 =	vadd.f32 v4, v1;
	_ =	sdelay $0x1  }
0xe6: {  	v2 =	vadd.f32 v2, v3;
	v1 =	vadd.f32 v6, v1  }
0xe7: {  	_ = 	snop  }
0xe8: {  	v3 =	vadd.f32 v0, v25;
	v2 =	vadd.f32 v2, v2  }
0xe9: {  	v33 =	vadd.f32 v0, v26;
	v1 =	vadd.f32 v1, v1  }
0xea: {  	v2 =	vsub.f32 v3, v2  }
0xeb: {  	v0 =	vsub.f32 v33, v1  }
0xec: {  	vm0 =	vle.f32 v2, $2.304000090e+01  }
0xed: {  	vm1 =	vle.f32 v0, $2.304000090e+01;
	v34 =	vsel vm0, $0x10000, v28  }
0xee: {  	v35 =	vsel vm1, $0x20000, v28;
	v0 =	vor.u32 s11, v34  }
0xef: {  	s15 =	spop (v2sf);
	v0 =	vor.u32 v35, v0  }
0xf0: {  	s15 =	sadd.s32 s16, s15;
	vm0 =	vmor vm0, vm1;
	v0 =	vor.u32 v36, v0  }
0xf1: {  	[tilespmem:s15+$0x2980] =	vst.msk vm0, v0  }
0xf2: {  	v0 =	vld [tilespmem:s12+$0x0]  }
0xf3: {  	v37 =	vld [tilespmem:s10+$0x0]  }
0xf4: {  	v38 =	vld [tilespmem:s13+$0x0];
	_ =	sdelay $0x2  }
0xf5: {  	v39 =	vmul.f32 v0, v21;
	v0 =	vmul.f32 v0, v24  }
0xf6: {  	v4 =	vld [tilespmem:s14+$0x0];
	v5 =	vmul.f32 v37, v15;
	v1 =	vmul.f32 v37, v23  }
0xf7: {  	v6 =	vmul.f32 v38, v20  }
0xf8: {  	v2 =	vmul.f32 v38, v22;
	v3 =	vadd.f32 v5, v39;
	v0 =	vadd.f32 v1, v0;
	_ =	sdelay $0x1  }
0xf9: {  	v40 =	vadd.f32 v6, v3;
	v0 =	vadd.f32 v2, v0  }
0xfa: {  	v41 =	vadd.f32 v4, v25;
	v42 =	vadd.f32 v4, v26  }
0xfb: {  	v1 =	vadd.f32 v40, v40;
	v0 =	vadd.f32 v0, v0;
	_ =	sdelay $0x1  }
0xfc: {  	v1 =	vsub.f32 v41, v1;
	v0 =	vsub.f32 v42, v0;
	_ =	sdelay $0x1  }
0xfd: {  	vm5 =	vle.f32 v1, $2.304000090e+01;
	vm2 =	vle.f32 v0, $2.304000090e+01  }
0xfe: {  	v43 =	vmpcnt.ones.xlane vm0;
	vm6 =	vmor vm5, vm2  }
0xff: {  	v44 =	vmpcnt.ones.xlane vm6  }
0x100: {  	(v2sf) =	vpush v43, $0x0  }
0x101: {  	(v2sf) =	vpush v44, $0x0;
	_ =	sdelay $0xb  }
0x102: {  	s13 =	sadd.s32 $0x10, s11;
	v45 =	vsel vm5, $0x10000, v28  }
0x103: {  	v46 =	vsel vm2, $0x20000, v28;
	v0 =	vor.u32 s13, v45  }
0x104: {  	s14 =	spop (v2sf);
	v0 =	vor.u32 v46, v0  }
0x105: {  	s10 =	sadd.s32 s15, s14;
	v0 =	vor.u32 v36, v0;
	s16 =	spop (v2sf)  }
0x106: {  	v47 =	vimm.s32 $0x403;
	[tilespmem:s10+$0x2980] =	vst.msk vm6, v0;
	s10 =	sadd.s32 s10, s16  }
0x107: {  	[tilespmem:s10+$0x2980] =	vst v47  }
0x108: {  	v4 =	vld [tilespmem:$0x1780]  }
0x109: {  	v49 =	vld [tilespmem:$0x1C00]  }
0x10a: {  	v50 =	vld [tilespmem:$0x2080]  }
0x10b: {  	v20 =	vld [tilespmem:$0x2500];
	_ =	sdelay $0x1  }
0x10c: {  	v52 =	vmul.f32 v27, v27  }
0x10d: {  	v55 =	vmul.f32 v30, v30;
	v56 =	vmul.f32 v29, v29  }
0x10e: {  	v53 =	vbroadcast v4, $0x0;
	v54 =	vbroadcast v49, $0x0  }
0x10f: {  	v7 =	vbroadcast v50, $0x0;
	v58 =	vbroadcast v20, $0x0  }
0x110: {  	v10 =	vbroadcast v49, $0x1;
	v61 =	vbroadcast v50, $0x1  }
0x111: {  	v13 =	vimm.f32 $1.000000000e+10;
	v41 =	vbroadcast v4, $0x2;
	v45 =	vbroadcast v4, $0x4  }
0x112: {  	v38 =	vimm.s32 $0x402;
	v46 =	vbroadcast v49, $0x4;
	v47 =	vbroadcast v20, $0x4  }
0x113: {  	v39 =	vimm.s32 $0x401;
	v8 =	vmul.f32 v53, v57;
	v9 =	vmul.f32 v54, v48  }
0x114: {  	v0 =	vadd.f32 v55, v52;
	v5 =	vbroadcast v49, $0x5;
	v1 =	vmul.f32 v53, v19  }
0x115: {  	v2 =	vmul.f32 v54, v18;
	v8 =	vadd.f32 v9, v8;
	v9 =	vmul.f32 v7, v51  }
0x116: {  	v14 =	vadd.f32 v56, v0;
	v3 =	vbroadcast v50, $0x5;
	v60 =	vmul.f32 v7, v16  }
0x117: {  	v1 =	vadd.f32 v2, v1;
	v59 =	vadd.f32 v9, v8;
	v9 =	vbroadcast v4, $0x1  }
0x118: {  	v52 =	vbroadcast v20, $0x5;
	v21 =	vmul.f32 v10, v48;
	v0 =	vadd.f32 v58, v17  }
0x119: {  	v8 =	vadd.f32 v58, v14;
	v1 =	vadd.f32 v60, v1;
	v11 =	vmul.f32 v9, v57  }
0x11a: {  	v6 =	vadd.f32 v59, v59;
	v62 =	vmul.f32 v9, v19;
	v9 =	vmul.f32 v10, v18  }
0x11b: {  	v7 =	vmul.f32 v61, v16;
	v1 =	vadd.f32 v1, v1;
	v10 =	vadd.f32 v21, v11  }
0x11c: {  	v11 =	vmul.f32 v61, v51;
	v2 =	vadd.f32 v9, v62;
	v6 =	vsub.f32 v8, v6  }
0x11d: {  	v55 =	vadd.f32 v52, v14;
	v8 =	vbroadcast v20, $0x1;
	v0 =	vsub.f32 v0, v1  }
0x11e: {  	v12 =	vld [tilespmem:$0x1FFF0];
	v9 =	vadd.f32 v11, v10;
	v63 =	vadd.f32 v7, v2;
	vm7 =	vle.f32 v6, $5.760000230e+00  }
0x11f: {  	v32 =	vadd.f32 v8, v14;
	v34 =	vadd.f32 v8, v17;
	v8 =	vbroadcast v49, $0x2  }
0x120: {  	vm8 =	vle.f32 v0, $2.304000090e+01;
	v10 =	vbroadcast v50, $0x2;
	v11 =	vmul.f32 v41, v57  }
0x121: {  	v7 =	vmul.f32 v41, v19;
	vm0 =	vmand vm7, vm8;
	v33 =	vadd.f32 v9, v9  }
0x122: {  	v1 =	vadd.f32 v63, v63;
	v35 =	vsel vm0, $0x7149F2CA, v13;
	v9 =	vimm.s32 $0x400  }
0x123: {  	v21 =	vmul.f32 v8, v48;
	v8 =	vmul.f32 v8, v18;
	vm0 =	vlt.f32 v35, v12  }
0x124: {  	v2 =	vsub.f32 v32, v33;
	v0 =	vsub.f32 v34, v1;
	v37 =	vsel vm0, v35, v12  }
0x125: {  	v9 =	vsel vm0, $0x0, v9;
	v11 =	vadd.f32 v21, v11;
	v21 =	vmul.f32 v10, v51  }
0x126: {  	v7 =	vadd.f32 v8, v7;
	v8 =	vbroadcast v20, $0x2;
	v10 =	vmul.f32 v10, v16  }
0x127: {  	vm9 =	vle.f32 v2, $5.760000230e+00;
	vm10 =	vle.f32 v0, $2.304000090e+01;
	v0 =	vsel vm0, $0x401, v38  }
0x128: {  	v2 =	vsel vm0, $0x400, v39;
	v11 =	vadd.f32 v21, v11;
	v21 =	vadd.f32 v8, v14  }
0x129: {  	v7 =	vadd.f32 v10, v7;
	v8 =	vadd.f32 v8, v17;
	vm1 =	vmand vm9, vm10  }
0x12a: {  	v10 =	vbroadcast v4, $0x3;
	v4 =	vbroadcast v4, $0x5;
	v40 =	vsel vm1, $0x7149F2CA, v13  }
0x12b: {  	v42 =	vadd.f32 v11, v11;
	v7 =	vadd.f32 v7, v7;
	v11 =	vbroadcast v49, $0x3  }
0x12c: {  	v43 =	vmul.f32 v10, v19;
	vm11 =	vlt.f32 v40, v37;
	vm1 =	vlt.f32 v40, v12  }
0x12d: {  	v22 =	vsel vm1, v40, v12;
	v0 =	vsel vm1, v2, v0;
	v2 =	vsel vm1, $0x1, v2  }
0x12e: {  	v1 =	vsel vm11, v40, v37;
	v6 =	vsub.f32 v21, v42;
	v21 =	vbroadcast v50, $0x3  }
0x12f: {  	v7 =	vsub.f32 v8, v7;
	v8 =	vmul.f32 v10, v57;
	v23 =	vmul.f32 v11, v48  }
0x130: {  	v10 =	vmul.f32 v11, v18;
	v22 =	vsel vm11, v37, v22;
	v2 =	vsel vm11, v9, v2  }
0x131: {  	v9 =	vsel vm11, $0x1, v9;
	vm12 =	vle.f32 v6, $5.760000230e+00;
	v44 =	vadd.f32 v23, v8  }
0x132: {  	v8 =	vmul.f32 v21, v51;
	v6 =	vadd.f32 v10, v43;
	v10 =	vmul.f32 v21, v16  }
0x133: {  	vm13 =	vle.f32 v7, $2.304000090e+01;
	v21 =	vbroadcast v20, $0x3;
	v23 =	vmul.f32 v46, v48  }
0x134: {  	vm0 =	vmand vm12, vm13;
	v7 =	vadd.f32 v8, v44;
	v6 =	vadd.f32 v10, v6  }
0x135: {  	v11 =	vsel vm0, $0x7149F2CA, v13;
	v10 =	vadd.f32 v21, v14;
	v21 =	vadd.f32 v21, v17  }
0x136: {  	vm0 =	vlt.f32 v11, v22;
	vm14 =	vlt.f32 v11, v12;
	vm15 =	vlt.f32 v11, v1  }
0x137: {  	v8 =	vsel vm14, v11, v12;
	v7 =	vadd.f32 v7, v7;
	v0 =	vsel vm14, $0x2, v0  }
0x138: {  	v6 =	vadd.f32 v6, v6;
	v8 =	vsel vm0, v22, v8;
	v0 =	vsel vm0, v2, v0  }
0x139: {  	v2 =	vsel vm0, $0x2, v2;
	v7 =	vsub.f32 v10, v7;
	v10 =	vsel vm0, v11, v22  }
0x13a: {  	v6 =	vsub.f32 v21, v6;
	v22 =	vmul.f32 v45, v57;
	v2 =	vsel vm15, v9, v2  }
0x13b: {  	v9 =	vsel vm15, $0x2, v9;
	v10 =	vsel vm15, v1, v10;
	v1 =	vsel vm15, v11, v1  }
0x13c: {  	v11 =	vbroadcast v50, $0x4;
	v50 =	vmul.f32 v3, v51;
	vm4 =	vle.f32 v7, $5.760000230e+00  }
0x13d: {  	vm5 =	vle.f32 v6, $2.304000090e+01;
	v6 =	vmul.f32 v45, v19;
	v7 =	vmul.f32 v46, v18  }
0x13e: {  	v3 =	vmul.f32 v3, v16;
	v22 =	vadd.f32 v23, v22;
	v23 =	vmul.f32 v11, v51  }
0x13f: {  	vm0 =	vmand vm4, vm5;
	v11 =	vmul.f32 v11, v16;
	v6 =	vadd.f32 v7, v6  }
0x140: {  	v21 =	vsel vm0, $0x7149F2CA, v13;
	v7 =	vadd.f32 v47, v17;
	v22 =	vadd.f32 v23, v22  }
0x141: {  	vm0 =	vlt.f32 v21, v8;
	vm6 =	vlt.f32 v21, v1;
	v6 =	vadd.f32 v11, v6  }
0x142: {  	vm7 =	vlt.f32 v21, v10;
	v23 =	vadd.f32 v47, v14;
	v22 =	vadd.f32 v22, v22  }
0x143: {  	v8 =	vsel vm0, v21, v8;
	v0 =	vsel vm0, $0x3, v0;
	v6 =	vadd.f32 v6, v6  }
0x144: {  	v11 =	vsub.f32 v23, v22;
	v22 =	vmul.f32 v4, v57;
	v23 =	vmul.f32 v5, v48  }
0x145: {  	v56 =	vsel vm6, $0x3, v9;
	v4 =	vmul.f32 v4, v19;
	v5 =	vmul.f32 v5, v18  }
0x146: {  	v8 =	vsel vm7, v10, v8;
	v0 =	vsel vm7, v2, v0;
	v6 =	vsub.f32 v7, v6  }
0x147: {  	v10 =	vsel vm7, v21, v10;
	v49 =	vadd.f32 v23, v22;
	v4 =	vadd.f32 v5, v4  }
0x148: {  	v2 =	vsel vm7, $0x3, v2;
	v10 =	vsel vm6, v1, v10;
	vm8 =	vle.f32 v11, $5.760000230e+00  }
0x149: {  	vm9 =	vle.f32 v6, $2.304000090e+01;
	v53 =	vadd.f32 v50, v49;
	v3 =	vadd.f32 v3, v4  }
0x14a: {  	s10 =	sadd.s32 $0xF, s10;
	v2 =	vsel vm6, v9, v2;
	v5 =	vadd.f32 v52, v17;
	vm1 =	vmand vm8, vm9  }
0x14b: {  	s17 =	sand.u32 $0xF, s10;
	v54 =	vsel vm1, $0x7149F2CA, v13;
	v6 =	vadd.f32 v53, v53;
	v3 =	vadd.f32 v3, v3  }
0x14c: {  	s18 =	sshra.s32 s10, $0x1F;
	p0 =	slt.s32 s10, $0x1;
	p1 =	sne.s32 s17, $0x0;
	v1 =	vsel vm6, v21, v1;
	vm1 =	vlt.f32 v54, v8;
	vm10 =	vlt.f32 v54, v10  }
0x14d: {  	s19 =	sshrl.u32 s18, $0x1C;
	p0 =	por !p0, !p1;
	vm13 =	vlt.f32 v54, v1;
	v6 =	vsub.f32 v55, v6;
	v3 =	vsub.f32 v5, v3  }
0x14e: {  	s11 =	simm.s32 $0x1;
	s10 =	sadd.s32 s19, s10;
	p0 =	por !p0, !p0;
	v8 =	vsel vm1, v54, v8;
	v0 =	vsel vm1, $0x4, v0;
	v61 =	vsel vm13, $0x4, v56  }
0x14f: {  	s10 =	sshra.s32 s10, $0x4;
	s11 =	simm.s32 @!p0 $0x0;
	v58 =	vsel vm10, v10, v8;
	vm11 =	vle.f32 v6, $5.760000230e+00;
	vm12 =	vle.f32 v3, $2.304000090e+01  }
0x150: {  	s11 =	ssub.s32 s10, s11;
	v0 =	vsel vm10, v2, v0;
	v8 =	vsel vm10, v54, v10;
	vm0 =	vmand vm11, vm12  }
0x151: {  	p0 =	slt.s32 s11, $0x1;
	v2 =	vsel vm10, $0x4, v2;
	v59 =	vsel vm13, v1, v8;
	v60 =	vsel vm0, $0x7149F2CA, v13  }
.Ltmp2:
0x152: {  	v2 =	vsel vm13, v56, v2;
	v1 =	vsel vm13, v54, v1;
	vm0 =	vlt.f32 v60, v58;
	(pc) =	sbr.rel @p0 .LBB2_10-.Ltmp2, $4  }
0x153: {  	vm14 =	vlt.f32 v60, v1;
	vm15 =	vlt.f32 v60, v59;
	v62 =	vsel vm0, v60, v58  }
0x154: {  	v0 =	vsel vm0, $0x5, v0;
	v3 =	vsel vm15, v60, v59;
	v63 =	vsel vm15, $0x5, v2  }
0x155: {  	v12 =	vsel vm14, v60, v1;
	v32 =	vsel vm14, $0x5, v61;
	v9 =	vsel vm15, v59, v62  }
0x156: {  	[tilespmem:$0x1FFE0] =	vst v14;
	s10 =	simm.s32 $0x2980;
	v22 =	vsel vm15, v2, v0;
	v13 =	vsel vm14, v1, v3;
	v31 =	vsel vm14, v61, v63  }
0x157: {  	v1 =	vld [tilespmem:s10+$0x0];
	_ =	sdelay $0x4  }
0x158: {  	v21 =	vand.u32 $0xFFFF, v1;
	_ =	sdelay $0x2  }
0x159: {  	v28 =	vshrl.u32 v36, $0x3  }
0x15a: {  	v28 =	vmul.u32 $0x10000, v28  }
0x15b: {  	v10 =	vbroadcast v1, $0xF;
	v6 =	vbroadcast v1, $0xD;
	v8 =	vld.idx.msk [tilespmem:v21+s26+$0x0], $0xffff  }
0x15c: {  	[tilespmem:$0x1FE90] =	vst v9;
	v33 =	vadd.s32 $0x10000, v28;
	v9 =	vbroadcast v1, $0xE;
	v2 =	vbroadcast v1, $0xB;
	v11 =	vld.idx.msk [tilespmem:v21+s24+$0x0], $0xffff  }
0x15d: {  	v7 =	vbroadcast v1, $0xC;
	v0 =	vbroadcast v1, $0x9;
	v6 =	vand.u32 v33, v6;
	v16 =	vld.idx.msk [tilespmem:v21+s25+$0x0], $0xffff  }
0x15e: {  	v5 =	vbroadcast v1, $0xA;
	vm2 =	vne.s32 v6, $0x0;
	v6 =	vbroadcast v21, $0xD  }
0x15f: {  	v3 =	vbroadcast v1, $0x7;
	v4 =	vbroadcast v1, $0x8;
	v2 =	vand.u32 v33, v2  }
0x160: {  	vm4 =	vne.s32 v2, $0x0;
	v2 =	vbroadcast v21, $0xC;
	[tilespmem:$0x1FF00] =	vst v6;
	v6 =	vbroadcast v21, $0xE  }
0x161: {  	v17 =	vbroadcast v8, $0xF;
	v18 =	vbroadcast v11, $0xF  }
0x162: {  	v19 =	vbroadcast v16, $0xF;
	v20 =	vbroadcast v11, $0xE  }
0x163: {  	[tilespmem:$0x1FEA0] =	vst v22;
	v22 =	vbroadcast v8, $0xD;
	v23 =	vbroadcast v16, $0xE  }
0x164: {  	v24 =	vbroadcast v11, $0xD;
	v25 =	vbroadcast v16, $0xD  }
0x165: {  	[tilespmem:$0x1FE60] =	vst v30;
	v26 =	vbroadcast v11, $0xC;
	v53 =	vbroadcast v16, $0xC  }
0x166: {  	[tilespmem:$0x1FE70] =	vst v29;
	v29 =	vbroadcast v11, $0xB;
	v30 =	vbroadcast v16, $0xB  }
0x167: {  	[tilespmem:$0x1FEB0] =	vst v31;
	v31 =	vbroadcast v11, $0xA;
	v34 =	vbroadcast v16, $0xA  }
0x168: {  	[tilespmem:$0x1FED0] =	vst v13;
	v15 =	vbroadcast v11, $0x9;
	v13 =	vbroadcast v16, $0x9  }
0x169: {  	v35 =	vbroadcast v11, $0x8;
	v14 =	vbroadcast v16, $0x8  }
0x16a: {  	v54 =	vbroadcast v11, $0x7;
	v38 =	vbroadcast v16, $0x7  }
0x16b: {  	v39 =	vbroadcast v11, $0x6;
	v37 =	vbroadcast v16, $0x6  }
0x16c: {  	v41 =	vbroadcast v11, $0x5;
	v42 =	vbroadcast v16, $0x5  }
0x16d: {  	v43 =	vbroadcast v11, $0x4;
	v44 =	vbroadcast v16, $0x4  }
0x16e: {  	v45 =	vbroadcast v11, $0x3;
	v46 =	vbroadcast v16, $0x3  }
0x16f: {  	[tilespmem:$0x1FEE0] =	vst v12;
	v47 =	vbroadcast v11, $0x2;
	v12 =	vbroadcast v16, $0x2  }
0x170: {  	v49 =	vbroadcast v11, $0x1;
	v50 =	vbroadcast v16, $0x1  }
0x171: {  	v11 =	vbroadcast v11, $0x0;
	v16 =	vbroadcast v16, $0x0  }
0x172: {  	v10 =	vand.u32 v33, v10;
	v18 =	vmul.f32 v18, v57;
	v19 =	vmul.f32 v19, v48  }
0x173: {  	v9 =	vand.u32 v33, v9;
	v55 =	vmul.f32 v24, v57;
	v56 =	vmul.f32 v25, v48  }
0x174: {  	v7 =	vand.u32 v33, v7;
	v58 =	vmul.f32 v20, v57;
	v20 =	vmul.f32 v23, v48  }
0x175: {  	v5 =	vand.u32 v33, v5;
	v23 =	vmul.f32 v29, v57;
	v59 =	vmul.f32 v30, v48  }
0x176: {  	v0 =	vand.u32 v33, v0;
	v60 =	vmul.f32 v53, v48;
	v61 =	vmul.f32 v15, v57  }
0x177: {  	v3 =	vand.u32 v33, v3;
	v62 =	vmul.f32 v13, v48;
	v63 =	vmul.f32 v31, v57  }
0x178: {  	vm15 =	vne.s32 v10, $0x0;
	v36 =	vmul.f32 v34, v48;
	v40 =	vmul.f32 v54, v57  }
0x179: {  	vm0 =	vne.s32 v9, $0x0;
	v29 =	vmul.f32 v38, v48;
	v52 =	vmul.f32 v35, v57  }
0x17a: {  	vm3 =	vne.s32 v7, $0x0;
	v30 =	vmul.f32 v14, v48;
	v31 =	vmul.f32 v42, v48  }
0x17b: {  	vm5 =	vne.s32 v5, $0x0;
	v13 =	vmul.f32 v37, v48;
	v15 =	vmul.f32 v46, v48  }
0x17c: {  	vm6 =	vne.s32 v0, $0x0;
	v14 =	vmul.f32 v43, v57;
	v53 =	vmul.f32 v50, v48  }
0x17d: {  	vm8 =	vne.s32 v3, $0x0;
	v12 =	vmul.f32 v12, v48;
	v11 =	vmul.f32 v11, v57  }
0x17e: {  	[tilespmem:$0x1FF20] =	vst v2;
	v2 =	vand.u32 v33, v4;
	v16 =	vmul.f32 v16, v48;
	v54 =	vbroadcast v8, $0xE  }
0x17f: {  	vm7 =	vne.s32 v2, $0x0;
	v17 =	vmul.f32 v17, v51;
	v22 =	vmul.f32 v22, v51  }
0x180: {  	v34 =	vbroadcast v1, $0x0;
	v18 =	vadd.f32 v19, v18;
	v10 =	vadd.f32 v56, v55  }
0x181: {  	v19 =	vadd.f32 v20, v58;
	v20 =	vmul.f32 v26, v57;
	v23 =	vadd.f32 v59, v23  }
0x182: {  	v24 =	vadd.f32 v62, v61;
	v26 =	vadd.f32 v29, v40;
	v29 =	vmul.f32 v41, v57  }
0x183: {  	[tilespmem:$0x1FE80] =	vst v27;
	v27 =	vadd.f32 v30, v52;
	v30 =	vmul.f32 v39, v57;
	v55 =	vbroadcast v8, $0xC  }
0x184: {  	v25 =	vadd.f32 v36, v63;
	v35 =	vmul.f32 v54, v51;
	v56 =	vbroadcast v8, $0x9  }
0x185: {  	v11 =	vadd.f32 v16, v11;
	v58 =	vbroadcast v8, $0x7;
	v59 =	vbroadcast v8, $0x6  }
0x186: {  	v61 =	vbroadcast v8, $0x4;
	v62 =	vbroadcast v1, $0x2;
	v63 =	vimm.s32 $0x0  }
0x187: {  	v9 =	vsel vm0, $0xFFFFFFFF, v63;
	v20 =	vadd.f32 v60, v20;
	v29 =	vadd.f32 v31, v29  }
0x188: {  	v31 =	vmul.f32 v45, v57;
	v30 =	vadd.f32 v13, v30;
	v13 =	vmul.f32 v44, v48  }
0x189: {  	v17 =	vadd.f32 v17, v18;
	v10 =	vadd.f32 v22, v10;
	v22 =	vbroadcast v8, $0xA  }
0x18a: {  	v16 =	vmul.f32 v55, v51;
	v19 =	vadd.f32 v35, v19;
	v18 =	vmul.f32 v56, v51  }
0x18b: {  	v52 =	vld.idx.msk [tilespmem:v21+s31+$0x0], $0xffff;
	v35 =	vmul.f32 v58, v51;
	v60 =	vbroadcast v8, $0x3;
	[tilespmem:$0x1FEF0] =	vst v9;
	v9 =	vand.u32 v33, v34  }
0x18c: {  	vm0 =	vne.s32 v9, $0x0;
	v31 =	vadd.f32 v15, v31;
	v15 =	vmul.f32 v49, v57  }
0x18d: {  	v14 =	vadd.f32 v13, v14;
	v13 =	vmul.f32 v47, v57;
	v22 =	vmul.f32 v22, v51  }
0x18e: {  	v16 =	vadd.f32 v16, v20;
	v20 =	vbroadcast v8, $0x5;
	v18 =	vadd.f32 v18, v24  }
0x18f: {  	v26 =	vadd.f32 v35, v26;
	v24 =	vmul.f32 v59, v51;
	v35 =	vmul.f32 v61, v51  }
0x190: {  	v28 =	vld [tilespmem:$0x1FFE0];
	v4 =	vadd.f32 v17, v17;
	v7 =	vadd.f32 v19, v19;
	v0 =	vbroadcast v52, $0xF  }
0x191: {  	v2 =	vbroadcast v52, $0xE;
	v15 =	vadd.f32 v53, v15;
	v12 =	vadd.f32 v12, v13  }
0x192: {  	v13 =	vbroadcast v8, $0xB;
	v22 =	vadd.f32 v22, v25;
	v20 =	vmul.f32 v20, v51  }
0x193: {  	[tilespmem:$0x1FEC0] =	vst v32;
	v25 =	vmul.f32 v60, v51;
	v24 =	vadd.f32 v24, v30;
	v32 =	vadd.f32 v35, v14  }
0x194: {  	v30 =	vbroadcast v1, $0x6;
	v53 =	vadd.f32 v16, v16;
	v54 =	vadd.f32 v18, v18  }
0x195: {  	v14 =	vbroadcast v1, $0x5;
	v61 =	vadd.f32 v26, v26;
	v0 =	vadd.f32 v0, v28  }
0x196: {  	v2 =	vadd.f32 v2, v28;
	v13 =	vmul.f32 v13, v51;
	v20 =	vadd.f32 v20, v29  }
0x197: {  	v29 =	vbroadcast v8, $0x2;
	v25 =	vadd.f32 v25, v31;
	v31 =	vbroadcast v1, $0x4  }
0x198: {  	v3 =	vand.u32 v33, v30;
	v5 =	vand.u32 v33, v14;
	v55 =	vadd.f32 v22, v22  }
0x199: {  	vm9 =	vne.s32 v3, $0x0;
	v3 =	vbroadcast v52, $0xD;
	vm10 =	vne.s32 v5, $0x0  }
0x19a: {  	v5 =	vbroadcast v52, $0xC;
	v30 =	vsub.f32 v0, v4;
	v0 =	vbroadcast v52, $0xB  }
0x19b: {  	v4 =	vadd.f32 v10, v10;
	v23 =	vadd.f32 v13, v23;
	v13 =	vbroadcast v8, $0x8  }
0x19c: {  	[tilespmem:$0x1FF10] =	vst v6;
	v29 =	vmul.f32 v29, v51;
	v6 =	vand.u32 v33, v31;
	v3 =	vadd.f32 v3, v28  }
0x19d: {  	vm11 =	vne.s32 v6, $0x0;
	v6 =	vbroadcast v52, $0xA;
	v0 =	vadd.f32 v0, v28  }
0x19e: {  	v5 =	vadd.f32 v5, v28;
	v13 =	vmul.f32 v13, v51;
	v29 =	vadd.f32 v29, v12  }
0x19f: {  	v12 =	vsub.f32 v2, v7;
	v2 =	vbroadcast v52, $0x8;
	v7 =	vadd.f32 v23, v23  }
0x1a0: {  	v41 =	vsub.f32 v3, v4;
	v3 =	vbroadcast v52, $0x9;
	v49 =	vsub.f32 v5, v53  }
0x1a1: {  	v5 =	vbroadcast v52, $0x0;
	v6 =	vadd.f32 v6, v28;
	v27 =	vadd.f32 v13, v27  }
0x1a2: {  	v13 =	vbroadcast v8, $0x1;
	v8 =	vbroadcast v8, $0x0;
	v43 =	vsub.f32 v0, v7  }
0x1a3: {  	v7 =	vand.u32 v33, v62;
	v2 =	vadd.f32 v2, v28;
	v62 =	vadd.f32 v24, v24  }
0x1a4: {  	v0 =	vbroadcast v52, $0x6;
	v3 =	vadd.f32 v3, v28;
	v5 =	vadd.f32 v5, v28  }
0x1a5: {  	vm13 =	vne.s32 v7, $0x0;
	v7 =	vbroadcast v52, $0x5;
	v44 =	vsub.f32 v6, v55  }
0x1a6: {  	v13 =	vmul.f32 v13, v51;
	v8 =	vmul.f32 v8, v51;
	v0 =	vadd.f32 v0, v28  }
0x1a7: {  	v45 =	vsub.f32 v3, v54;
	v3 =	vbroadcast v52, $0x4;
	v7 =	vadd.f32 v7, v28  }
0x1a8: {  	v6 =	vbroadcast v52, $0x3;
	v15 =	vadd.f32 v13, v15;
	v8 =	vadd.f32 v8, v11  }
0x1a9: {  	v13 =	vbroadcast v1, $0x3;
	v59 =	vadd.f32 v3, v28;
	v3 =	vadd.f32 v27, v27  }
0x1aa: {  	v56 =	vbroadcast v52, $0x1;
	v60 =	vadd.f32 v6, v28;
	v8 =	vadd.f32 v8, v8  }
0x1ab: {  	v1 =	vbroadcast v1, $0x1;
	v4 =	vand.u32 v33, v13;
	v46 =	vsub.f32 v2, v3  }
0x1ac: {  	v3 =	vsub.f32 v0, v62;
	v0 =	vbroadcast v21, $0x5;
	v8 =	vsub.f32 v5, v8  }
0x1ad: {  	v1 =	vand.u32 v33, v1;
	vm12 =	vne.s32 v4, $0x0;
	v2 =	vbroadcast v21, $0x8  }
0x1ae: {  	v4 =	vbroadcast v52, $0x7;
	[tilespmem:$0x1FF70] =	vst v0;
	v0 =	vbroadcast v21, $0x6;
	vm14 =	vle.f32 v8, $5.760000230e+00  }
0x1af: {  	[tilespmem:$0x1FF60] =	vst v2;
	vm0 =	vmand vm0, vm14;
	vm14 =	vne.s32 v1, $0x0;
	v1 =	vbroadcast v21, $0x7  }
0x1b0: {  	v6 =	vadd.f32 v56, v28;
	v5 =	vbroadcast v52, $0x2;
	v4 =	vadd.f32 v4, v28;
	[tilespmem:$0x1FF80] =	vst v0  }
0x1b1: {  	v2 =	vadd.f32 v15, v15;
	v0 =	vbroadcast v21, $0x3;
	[tilespmem:$0x1FF50] =	vst v1;
	v1 =	vadd.f32 v20, v20  }
0x1b2: {  	v5 =	vadd.f32 v5, v28;
	v47 =	vsub.f32 v4, v61  }
0x1b3: {  	v4 =	vadd.f32 v29, v29;
	[tilespmem:$0x1FF90] =	vst v0;
	v0 =	vsub.f32 v7, v1;
	v1 =	vbroadcast v21, $0x4  }
0x1b4: {  	p0 =	sne.s32 s11, $0x1;
	[tilespmem:$0x1FF40] =	vst v33;
	v58 =	vbroadcast v21, $0xA;
	v6 =	vsub.f32 v6, v2;
	v2 =	vadd.f32 v32, v32  }
.Ltmp3:
0x1b5: {  	[tilespmem:$0x1FFA0] =	vst v1;
	v1 =	vbroadcast v21, $0x1;
	(pc) =	sbr.rel @!p0 .LBB2_9-.Ltmp3, $4  }
0x1b6: {  	[tilespmem:$0x1FF30] =	vst v58;
	v5 =	vsub.f32 v5, v4;
	v4 =	vsub.f32 v59, v2;
	v2 =	vbroadcast v21, $0x0  }
0x1b7: {  	v63 =	vadd.f32 v25, v25;
	[tilespmem:$0x1FFB0] =	vst v1;
	v1 =	vbroadcast v21, $0x2  }
0x1b8: {  	v40 =	vbroadcast v21, $0xB;
	v39 =	vbroadcast v21, $0x9;
	[tilespmem:$0x1FFD0] =	vst v2  }
0x1b9: {  	s11 =	sadd.s32 $0xFFFFFFFF, s11;
	v14 =	vmovc v51;
	v13 =	vmovc v48;
	v2 =	vnsel vm0, $0x501502F9, v8;
	vm0 =	vle.f32 v6, $5.760000230e+00;
	[tilespmem:$0x1FFC0] =	vst v1;
	v1 =	vsub.f32 v60, v63  }
.LBB2_8:
0x1ba: {  	v15 =	vld [tilespmem:$0x1FEE0];
	_ =	sdelay $0x3  }
0x1bb: {  	v7 =	vimm.s32 $0x0  }
0x1bc: {  	vm0 =	vmand vm14, vm0;
	v7 =	vsel vm15, $0xFFFFFFFF, v7;
	vm15 =	vlt.f32 v2, v15  }
0x1bd: {  	v37 =	vld [tilespmem:$0x1FEC0];
	vm1 =	vle.f32 v5, $5.760000230e+00;
	v29 =	vnsel vm0, $0x501502F9, v6;
	v23 =	vsel vm15, v2, v15  }
0x1be: {  	v8 =	vld [tilespmem:$0x1FFD0];
	vm0 =	vmand vm13, vm1;
	vm1 =	vle.f32 v1, $5.760000230e+00;
	vm14 =	vlt.f32 v29, v23  }
0x1bf: {  	v27 =	vnsel vm0, $0x501502F9, v5;
	vm0 =	vmand vm12, vm1;
	v19 =	vsel vm14, v29, v23  }
0x1c0: {  	vm1 =	vle.f32 v4, $5.760000230e+00;
	v22 =	vnsel vm0, $0x501502F9, v1;
	vm13 =	vlt.f32 v27, v19  }
0x1c1: {  	vm0 =	vmand vm11, vm1;
	vm1 =	vle.f32 v0, $5.760000230e+00;
	v17 =	vsel vm13, v27, v19  }
0x1c2: {  	v6 =	vld [tilespmem:$0x1FFB0];
	v18 =	vnsel vm0, $0x501502F9, v4;
	vm0 =	vmand vm10, vm1;
	vm12 =	vlt.f32 v22, v17  }
0x1c3: {  	vm1 =	vle.f32 v3, $5.760000230e+00;
	v24 =	vsel vm15, v8, v37;
	v1 =	vsel vm12, v22, v17  }
0x1c4: {  	v5 =	vld [tilespmem:$0x1FFC0];
	v16 =	vnsel vm0, $0x501502F9, v0;
	vm0 =	vmand vm9, vm1;
	vm11 =	vlt.f32 v18, v1  }
0x1c5: {  	v54 =	vld [tilespmem:$0x1FF90];
	vm1 =	vle.f32 v47, $5.760000230e+00;
	v0 =	vnsel vm0, $0x501502F9, v3;
	v10 =	vsel vm11, v18, v1  }
0x1c6: {  	v26 =	vld [tilespmem:$0x1FFA0];
	vm0 =	vmand vm8, vm1;
	vm1 =	vle.f32 v46, $5.760000230e+00;
	vm10 =	vlt.f32 v16, v10  }
0x1c7: {  	v33 =	vld [tilespmem:$0x1FF70];
	v20 =	vsel vm14, v6, v24;
	v9 =	vnsel vm0, $0x501502F9, v47;
	v4 =	vsel vm10, v16, v10  }
0x1c8: {  	v31 =	vld [tilespmem:$0x1FF80];
	vm0 =	vmand vm7, vm1;
	vm1 =	vle.f32 v45, $5.760000230e+00;
	vm9 =	vlt.f32 v0, v4  }
0x1c9: {  	v51 =	vld [tilespmem:$0x1FF50];
	[tilespmem:$0x1FBA0] =	vst v7;
	v7 =	vnsel vm0, $0x501502F9, v46;
	v11 =	vsel vm13, v5, v20;
	v25 =	vsel vm9, v0, v4  }
0x1ca: {  	v48 =	vld [tilespmem:$0x1FF60];
	vm0 =	vmand vm6, vm1;
	v28 =	vsel vm12, v54, v11;
	vm8 =	vlt.f32 v9, v25  }
0x1cb: {  	vm1 =	vle.f32 v44, $5.760000230e+00;
	v32 =	vsel vm11, v26, v28;
	v62 =	vsel vm8, v9, v25  }
0x1cc: {  	v36 =	vld [tilespmem:$0x1FF30];
	v3 =	vnsel vm0, $0x501502F9, v45;
	v34 =	vsel vm10, v33, v32;
	vm7 =	vlt.f32 v7, v62  }
0x1cd: {  	vm0 =	vmand vm5, vm1;
	v35 =	vsel vm9, v31, v34;
	v59 =	vsel vm7, v7, v62  }
0x1ce: {  	vm1 =	vle.f32 v43, $5.760000230e+00;
	v63 =	vsel vm8, v51, v35;
	vm6 =	vlt.f32 v3, v59  }
0x1cf: {  	v61 =	vnsel vm0, $0x501502F9, v44;
	v60 =	vsel vm7, v48, v63;
	v56 =	vsel vm6, v3, v59  }
0x1d0: {  	vm0 =	vmand vm4, vm1;
	v58 =	vsel vm6, v39, v60;
	vm5 =	vlt.f32 v61, v56  }
0x1d1: {  	v46 =	vmovc v39;
	[tilespmem:$0x1FBB0] =	vst v58;
	v53 =	vsel vm5, v61, v56;
	v39 =	vsel vm5, v36, v58;
	v58 =	vnsel vm0, $0x501502F9, v43  }
0x1d2: {  	[tilespmem:$0x1FF30] =	vst v36;
	vm1 =	vle.f32 v49, $5.760000230e+00;
	vm4 =	vlt.f32 v58, v53  }
0x1d3: {  	vm0 =	vmand vm3, vm1;
	[tilespmem:$0x1FBC0] =	vst v39;
	v36 =	vsel vm4, v40, v39;
	v39 =	vld [tilespmem:$0x1FF20]  }
0x1d4: {  	vm1 =	vle.f32 v41, $5.760000230e+00;
	v55 =	vnsel vm0, $0x501502F9, v49;
	v50 =	vsel vm4, v58, v53  }
0x1d5: {  	vm0 =	vmand vm2, vm1;
	v49 =	vld [tilespmem:$0x1FEF0];
	vm3 =	vlt.f32 v55, v50  }
0x1d6: {  	s10 =	sadd.s32 $0x10, s10;
	v52 =	vnsel vm0, $0x501502F9, v41;
	v47 =	vsel vm3, v55, v50  }
0x1d7: {  	v45 =	vimm.s32 $0x0;
	v43 =	vld [tilespmem:s10+$0x0];
	vm2 =	vlt.f32 v52, v47  }
0x1d8: {  	[tilespmem:$0x1FBE0] =	vst v36;
	v42 =	vsel vm3, v39, v36;
	v36 =	vsel vm2, $0xFFFFFFFF, v45  }
0x1d9: {  	[tilespmem:$0x1FBF0] =	vst v36;
	v36 =	vld [tilespmem:$0x1FF00]  }
0x1da: {  	vm1 =	vle.f32 v12, $5.760000230e+00;
	vm0 =	vnez.u8 v49  }
0x1db: {  	v38 =	vimm.s32 $0x0;
	vm0 =	vmand vm0, vm1  }
0x1dc: {  	v38 =	vsel vm3, $0xFFFFFFFF, v38;
	v49 =	vnsel vm0, $0x501502F9, v12;
	v12 =	vbroadcast v43, $0xF  }
0x1dd: {  	[tilespmem:$0x1FBD0] =	vst v38;
	v45 =	vsel vm2, v52, v47  }
0x1de: {  	[tilespmem:$0x1FC60] =	vst v12;
	v12 =	vimm.s32 $0x0;
	v38 =	vsel vm2, v36, v42;
	vm2 =	vlt.f32 v49, v45  }
0x1df: {  	[tilespmem:$0x1FC00] =	vst v42;
	v42 =	vld [tilespmem:$0x1FF10];
	v12 =	vsel vm2, $0xFFFFFFFF, v12  }
0x1e0: {  	[tilespmem:$0x1FC10] =	vst v12;
	v12 =	vld [tilespmem:$0x1FBA0];
	_ =	sdelay $0x4  }
0x1e1: {  	vm0 =	vnez.u8 v12;
	v12 =	vsel vm2, v42, v38  }
0x1e2: {  	[tilespmem:$0x1FC50] =	vst v12;
	v12 =	vld [tilespmem:$0x1FE90]  }
0x1e3: {  	vm1 =	vle.f32 v30, $5.760000230e+00  }
0x1e4: {  	v21 =	vbroadcast v21, $0xF;
	vm0 =	vmand vm0, vm1  }
0x1e5: {  	v41 =	vsel vm2, v49, v45;
	v44 =	vnsel vm0, $0x501502F9, v30  }
0x1e6: {  	[tilespmem:$0x1FC30] =	vst v21;
	v21 =	vimm.s32 $0x0;
	vm1 =	vlt.f32 v44, v41  }
0x1e7: {  	v21 =	vsel vm1, $0xFFFFFFFF, v21;
	vm0 =	vlt.f32 v2, v12  }
0x1e8: {  	[tilespmem:$0x1FC40] =	vst v21;
	v21 =	vsel vm0, v2, v12;
	v12 =	vld [tilespmem:$0x1FEA0]  }
0x1e9: {  	[tilespmem:$0x1FC20] =	vst v38;
	v38 =	vld [tilespmem:$0x1FED0];
	_ =	sdelay $0x3  }
0x1ea: {  	v30 =	vsel vm0, v8, v12;
	v12 =	vld [tilespmem:$0x1FEB0]  }
0x1eb: {  	vm1 =	vlt.f32 v2, v38  }
0x1ec: {  	v2 =	vsel vm1, v2, v38;
	v21 =	vsel vm1, v38, v21  }
0x1ed: {  	v2 =	vsel vm15, v15, v2;
	vm0 =	vlt.f32 v29, v21  }
0x1ee: {  	vm2 =	vlt.f32 v29, v2;
	v21 =	vsel vm0, v29, v21  }
0x1ef: {  	v21 =	vsel vm2, v2, v21;
	v38 =	vsel vm1, v8, v12  }
0x1f0: {  	v2 =	vsel vm2, v29, v2;
	vm3 =	vlt.f32 v27, v21;
	v38 =	vsel vm15, v37, v38  }
0x1f1: {  	v2 =	vsel vm14, v23, v2;
	v21 =	vsel vm3, v27, v21;
	v29 =	vsel vm2, v6, v38  }
0x1f2: {  	v30 =	vsel vm1, v12, v30;
	vm1 =	vlt.f32 v27, v2;
	v23 =	vsel vm14, v24, v29  }
0x1f3: {  	v21 =	vsel vm1, v2, v21;
	v2 =	vsel vm1, v27, v2;
	v37 =	vsel vm1, v5, v23  }
0x1f4: {  	v2 =	vsel vm13, v19, v2;
	v19 =	vsel vm13, v20, v37;
	vm13 =	vlt.f32 v22, v21  }
0x1f5: {  	v24 =	vsel vm0, v6, v30;
	vm0 =	vlt.f32 v22, v2;
	v21 =	vsel vm13, v22, v21  }
0x1f6: {  	v20 =	vsel vm2, v38, v24;
	v21 =	vsel vm0, v2, v21;
	v2 =	vsel vm0, v22, v2  }
0x1f7: {  	v22 =	vsel vm0, v54, v19;
	v2 =	vsel vm12, v17, v2;
	vm2 =	vlt.f32 v18, v21  }
0x1f8: {  	v17 =	vsel vm12, v11, v22;
	vm12 =	vlt.f32 v18, v2;
	v21 =	vsel vm2, v18, v21  }
0x1f9: {  	v20 =	vsel vm3, v5, v20;
	v21 =	vsel vm12, v2, v21;
	v2 =	vsel vm12, v18, v2  }
0x1fa: {  	v24 =	vsel vm1, v23, v20;
	v1 =	vsel vm11, v1, v2;
	vm14 =	vlt.f32 v16, v21  }
0x1fb: {  	v37 =	vsel vm13, v54, v24;
	vm1 =	vlt.f32 v16, v1;
	v20 =	vsel vm14, v16, v21  }
0x1fc: {  	v11 =	vsel vm12, v26, v17;
	v20 =	vsel vm1, v1, v20;
	v1 =	vsel vm1, v16, v1  }
0x1fd: {  	v2 =	vsel vm11, v28, v11;
	v1 =	vsel vm10, v10, v1;
	vm3 =	vlt.f32 v0, v20  }
0x1fe: {  	v27 =	vsel vm1, v33, v2;
	vm15 =	vlt.f32 v0, v1;
	v38 =	vsel vm3, v0, v20  }
0x1ff: {  	v32 =	vsel vm10, v32, v27;
	v16 =	vsel vm15, v1, v38;
	v0 =	vsel vm15, v0, v1  }
0x200: {  	v1 =	vsel vm15, v31, v32;
	v0 =	vsel vm9, v4, v0;
	vm13 =	vlt.f32 v9, v16  }
0x201: {  	v1 =	vsel vm9, v34, v1;
	vm9 =	vlt.f32 v9, v0;
	v8 =	vsel vm13, v9, v16  }
0x202: {  	v4 =	vsel vm0, v19, v37;
	v8 =	vsel vm9, v0, v8;
	v0 =	vsel vm9, v9, v0  }
0x203: {  	v54 =	vsel vm9, v51, v1;
	v0 =	vsel vm8, v25, v0;
	vm10 =	vlt.f32 v7, v8  }
0x204: {  	v5 =	vsel vm8, v35, v54;
	vm8 =	vlt.f32 v7, v0;
	v6 =	vsel vm10, v7, v8  }
0x205: {  	v4 =	vsel vm2, v26, v4;
	v6 =	vsel vm8, v0, v6;
	v0 =	vsel vm8, v7, v0  }
0x206: {  	v7 =	vsel vm8, v48, v5;
	v0 =	vsel vm7, v62, v0;
	vm11 =	vlt.f32 v3, v6  }
0x207: {  	v7 =	vsel vm7, v63, v7;
	vm7 =	vlt.f32 v3, v0;
	v6 =	vsel vm11, v3, v6  }
0x208: {  	v4 =	vsel vm12, v17, v4;
	v6 =	vsel vm7, v0, v6;
	v0 =	vsel vm7, v3, v0  }
0x209: {  	v3 =	vsel vm7, v46, v7;
	v0 =	vsel vm6, v59, v0;
	vm12 =	vlt.f32 v61, v6  }
0x20a: {  	v3 =	vsel vm6, v60, v3;
	v60 =	vld [tilespmem:$0x1FF30];
	vm6 =	vlt.f32 v61, v0;
	v6 =	vsel vm12, v61, v6  }
0x20b: {  	v6 =	vsel vm6, v0, v6;
	v0 =	vsel vm6, v61, v0;
	v61 =	vld [tilespmem:$0x1FBB0];
	_ =	sdelay $0x3  }
0x20c: {  	v8 =	vsel vm6, v60, v3  }
0x20d: {  	v62 =	vsel vm5, v61, v8;
	v8 =	vld [tilespmem:$0x1FBC0];
	_ =	sdelay $0x1  }
0x20e: {  	v0 =	vsel vm5, v56, v0  }
0x20f: {  	v4 =	vsel vm14, v33, v4;
	vm14 =	vlt.f32 v58, v6;
	vm5 =	vlt.f32 v58, v0  }
0x210: {  	v2 =	vsel vm1, v2, v4;
	v4 =	vsel vm14, v58, v6;
	v6 =	vsel vm5, v40, v62  }
0x211: {  	v63 =	vsel vm4, v8, v6;
	v8 =	vld [tilespmem:$0x1FBD0];
	_ =	sdelay $0x4  }
0x212: {  	vm0 =	vnez.u8 v8;
	v8 =	vld [tilespmem:$0x1FBE0]  }
0x213: {  	v4 =	vsel vm5, v0, v4;
	v0 =	vsel vm5, v58, v0  }
0x214: {  	v0 =	vsel vm4, v53, v0  }
0x215: {  	vm4 =	vlt.f32 v55, v0  }
0x216: {  	v6 =	vsel vm4, v39, v63  }
0x217: {  	v20 =	vsel vm0, v8, v6;
	v8 =	vld [tilespmem:$0x1FBF0];
	_ =	sdelay $0x3  }
0x218: {  	vm1 =	vlt.f32 v55, v4  }
0x219: {  	v4 =	vsel vm1, v55, v4;
	vm2 =	vnez.u8 v8;
	v8 =	vld [tilespmem:$0x1FC00]  }
0x21a: {  	v4 =	vsel vm4, v0, v4;
	v0 =	vsel vm4, v55, v0  }
0x21b: {  	v0 =	vsel vm0, v50, v0  }
0x21c: {  	v2 =	vsel vm3, v31, v2;
	vm3 =	vlt.f32 v52, v0  }
0x21d: {  	v6 =	vsel vm3, v36, v20  }
0x21e: {  	v22 =	vsel vm2, v8, v6;
	v8 =	vld [tilespmem:$0x1FC10];
	_ =	sdelay $0x3  }
0x21f: {  	v2 =	vsel vm15, v32, v2;
	vm0 =	vlt.f32 v52, v4  }
0x220: {  	v2 =	vsel vm13, v51, v2;
	v4 =	vsel vm0, v52, v4;
	vm13 =	vnez.u8 v8;
	v8 =	vld [tilespmem:$0x1FC20]  }
0x221: {  	v4 =	vsel vm3, v0, v4;
	v0 =	vsel vm3, v52, v0  }
0x222: {  	v0 =	vsel vm2, v47, v0  }
0x223: {  	vm2 =	vlt.f32 v49, v0  }
0x224: {  	v6 =	vsel vm2, v42, v22  }
0x225: {  	vm15 =	vlt.f32 v49, v4;
	v23 =	vsel vm13, v8, v6;
	v6 =	vld [tilespmem:$0x1FC40]  }
0x226: {  	v4 =	vsel vm15, v49, v4  }
0x227: {  	v4 =	vsel vm2, v0, v4;
	v0 =	vsel vm2, v49, v0  }
0x228: {  	v0 =	vsel vm13, v45, v0;
	vm13 =	vlt.f32 v44, v4  }
0x229: {  	v1 =	vsel vm9, v1, v2;
	v2 =	vsel vm13, v44, v4;
	v4 =	vld [tilespmem:$0x1FC30]  }
0x22a: {  	v1 =	vsel vm10, v48, v1;
	vm10 =	vnez.u8 v6;
	v6 =	vld [tilespmem:$0x1FC50];
	_ =	sdelay $0x1  }
0x22b: {  	vm9 =	vlt.f32 v44, v0  }
0x22c: {  	v2 =	vsel vm9, v0, v2;
	v0 =	vsel vm9, v44, v0  }
0x22d: {  	[tilespmem:$0x1FE90] =	vst v2;
	v2 =	vsel vm9, v4, v23;
	v0 =	vsel vm10, v41, v0  }
0x22e: {  	[tilespmem:$0x1FED0] =	vst v0;
	v0 =	vsel vm10, v6, v2  }
0x22f: {  	[tilespmem:$0x1FEB0] =	vst v0;
	v0 =	vsel vm8, v5, v1  }
0x230: {  	v0 =	vsel vm11, v46, v0  }
0x231: {  	v0 =	vsel vm7, v7, v0  }
0x232: {  	v0 =	vsel vm12, v60, v0  }
0x233: {  	v0 =	vsel vm6, v3, v0  }
0x234: {  	v0 =	vsel vm14, v40, v0  }
0x235: {  	v21 =	vand.u32 $0xFFFF, v43;
	v0 =	vsel vm5, v62, v0  }
0x236: {  	v7 =	vbroadcast v21, $0xE;
	v3 =	vbroadcast v43, $0x2;
	_ =	sdelay $0x1  }
0x237: {  	[tilespmem:$0x1FC70] =	vst v3;
	v3 =	vsel vm1, v39, v0;
	v0 =	vmov v7  }
0x238: {  	[tilespmem:$0x1FF10] =	vst v0;
	v0 =	vbroadcast v21, $0x7;
	_ =	sdelay $0x1  }
0x239: {  	[tilespmem:$0x1FF50] =	vst v0;
	v0 =	vbroadcast v21, $0x8;
	_ =	sdelay $0x1  }
0x23a: {  	[tilespmem:$0x1FF60] =	vst v0;
	v0 =	vbroadcast v21, $0x5;
	_ =	sdelay $0x1  }
0x23b: {  	v3 =	vsel vm4, v63, v3;
	[tilespmem:$0x1FF70] =	vst v0;
	v0 =	vbroadcast v21, $0x6  }
0x23c: {  	v3 =	vsel vm0, v36, v3  }
0x23d: {  	v3 =	vsel vm3, v20, v3;
	[tilespmem:$0x1FF80] =	vst v0;
	v0 =	vbroadcast v21, $0x3  }
0x23e: {  	v3 =	vsel vm15, v42, v3  }
0x23f: {  	v5 =	vmov v4;
	v3 =	vsel vm2, v22, v3;
	[tilespmem:$0x1FF90] =	vst v0;
	v0 =	vbroadcast v21, $0x4  }
0x240: {  	v3 =	vsel vm13, v5, v3  }
0x241: {  	[tilespmem:$0x1FFA0] =	vst v0;
	v0 =	vsel vm9, v23, v3  }
0x242: {  	[tilespmem:$0x1FEA0] =	vst v0;
	v0 =	vbroadcast v21, $0x1  }
0x243: {  	v19 =	vld.idx.msk [tilespmem:v21+s31+$0x0], $0xffff  }
0x244: {  	[tilespmem:$0x1FFB0] =	vst v0;
	v0 =	vbroadcast v21, $0x2;
	_ =	sdelay $0x1  }
0x245: {  	[tilespmem:$0x1FFC0] =	vst v0;
	v0 =	vbroadcast v21, $0x0  }
0x246: {  	v18 =	vld.idx.msk [tilespmem:v21+s26+$0x0], $0xffff  }
0x247: {  	[tilespmem:$0x1FFD0] =	vst v0;
	v0 =	vbroadcast v19, $0xE  }
0x248: {  	v15 =	vbroadcast v43, $0x8  }
0x249: {  	v12 =	vbroadcast v43, $0x1;
	[tilespmem:$0x1FCA0] =	vst v0;
	v0 =	vbroadcast v19, $0xD  }
0x24a: {  	v28 =	vbroadcast v43, $0xA;
	v11 =	vbroadcast v43, $0x0;
	v27 =	vld.idx.msk [tilespmem:v21+s25+$0x0], $0xffff  }
0x24b: {  	v24 =	vbroadcast v21, $0xD;
	[tilespmem:$0x1FCB0] =	vst v0;
	v0 =	vbroadcast v18, $0x7  }
0x24c: {  	[tilespmem:$0x1FC80] =	vst v12;
	v34 =	vbroadcast v43, $0x6;
	v26 =	vbroadcast v21, $0xC;
	v54 =	vld [tilespmem:$0x1FF40]  }
0x24d: {  	v17 =	vbroadcast v43, $0xB;
	v25 =	vbroadcast v21, $0xB;
	[tilespmem:$0x1FCC0] =	vst v0;
	v0 =	vld [tilespmem:$0x1FC60]  }
0x24e: {  	[tilespmem:$0x1FC90] =	vst v11;
	v33 =	vbroadcast v18, $0xF;
	v37 =	vbroadcast v18, $0xE  }
0x24f: {  	[tilespmem:$0x1FD20] =	vst v25;
	v11 =	vbroadcast v27, $0xD;
	v25 =	vbroadcast v19, $0x7;
	v1 =	vsel vm10, v44, v41  }
0x250: {  	v12 =	vbroadcast v27, $0x9;
	[tilespmem:$0x1FEE0] =	vst v1;
	v1 =	vsel vm10, v4, v6;
	v4 =	vbroadcast v43, $0xE  }
0x251: {  	v9 =	vbroadcast v19, $0x5;
	v10 =	vbroadcast v27, $0x7  }
0x252: {  	[tilespmem:$0x1FF00] =	vst v24;
	v32 =	vbroadcast v43, $0x4;
	v24 =	vand.u32 v54, v0;
	v0 =	vand.u32 v54, v4  }
0x253: {  	v2 =	vbroadcast v43, $0xD;
	[tilespmem:$0x1FD30] =	vst v0;
	v0 =	vbroadcast v18, $0x6  }
0x254: {  	v51 =	vbroadcast v43, $0x5;
	v33 =	vmul.f32 v33, v14  }
0x255: {  	v8 =	vbroadcast v21, $0x9;
	[tilespmem:$0x1FCD0] =	vst v0;
	v0 =	vand.u32 v54, v2;
	v2 =	vand.u32 v54, v15  }
0x256: {  	v49 =	vbroadcast v43, $0x7;
	[tilespmem:$0x1FD90] =	vst v2;
	v2 =	vbroadcast v18, $0x3  }
0x257: {  	v48 =	vbroadcast v43, $0x9;
	v58 =	vbroadcast v27, $0xF;
	[tilespmem:$0x1FE40] =	vst v8  }
0x258: {  	v59 =	vbroadcast v19, $0xC;
	v53 =	vbroadcast v18, $0x8;
	[tilespmem:$0x1FD00] =	vst v2;
	v2 =	vand.u32 v54, v49  }
0x259: {  	v58 =	vmul.f32 v58, v13;
	v55 =	vbroadcast v18, $0xA;
	[tilespmem:$0x1FDA0] =	vst v2;
	v2 =	vand.u32 v54, v34  }
0x25a: {  	v50 =	vbroadcast v19, $0xF;
	[tilespmem:$0x1FDB0] =	vst v2;
	v2 =	vbroadcast v18, $0x2  }
0x25b: {  	v47 =	vbroadcast v27, $0xC;
	v8 =	vbroadcast v27, $0x6;
	[tilespmem:$0x1FEC0] =	vst v1  }
0x25c: {  	v45 =	vbroadcast v19, $0xA;
	v40 =	vbroadcast v43, $0x3;
	[tilespmem:$0x1FD10] =	vst v2;
	v2 =	vand.u32 v54, v51  }
0x25d: {  	v8 =	vmul.f32 v8, v13;
	v44 =	vbroadcast v19, $0x9;
	[tilespmem:$0x1FDC0] =	vst v2;
	v2 =	vand.u32 v54, v32  }
0x25e: {  	v41 =	vbroadcast v27, $0xA;
	v6 =	vbroadcast v21, $0xA;
	v20 =	vld.idx.msk [tilespmem:v21+s24+$0x0], $0xffff;
	[tilespmem:$0x1FDE0] =	vst v2;
	v2 =	vand.u32 v54, v40  }
0x25f: {  	v46 =	vbroadcast v27, $0x8;
	v1 =	vbroadcast v43, $0xC;
	[tilespmem:$0x1FE10] =	vst v2;
	v2 =	vld [tilespmem:$0x1FC70]  }
0x260: {  	[tilespmem:$0x1FF30] =	vst v6;
	v6 =	vbroadcast v19, $0x4;
	v62 =	vbroadcast v27, $0xE  }
0x261: {  	v63 =	vbroadcast v19, $0xB;
	v36 =	vbroadcast v27, $0x2  }
0x262: {  	[tilespmem:$0x1FF20] =	vst v26;
	v42 =	vbroadcast v27, $0x4;
	v22 =	vbroadcast v27, $0xB  }
0x263: {  	v56 =	vbroadcast v20, $0xF;
	v31 =	vbroadcast v20, $0xD;
	[tilespmem:$0x1FD40] =	vst v0;
	v0 =	vand.u32 v54, v1  }
0x264: {  	v43 =	vbroadcast v20, $0xA;
	[tilespmem:$0x1FD50] =	vst v0;
	v0 =	vbroadcast v18, $0x5;
	v2 =	vand.u32 v54, v2  }
0x265: {  	v38 =	vbroadcast v20, $0x9;
	v26 =	vbroadcast v20, $0x8;
	[tilespmem:$0x1FE30] =	vst v2;
	v2 =	vld [tilespmem:$0x1FC80]  }
0x266: {  	vm15 =	vne.s32 v24, $0x0;
	v24 =	vmul.f32 v37, v14;
	v37 =	vld [tilespmem:$0x1FFE0];
	[tilespmem:$0x1FCE0] =	vst v0;
	v0 =	vand.u32 v54, v17  }
0x267: {  	v7 =	vbroadcast v20, $0x7;
	v5 =	vbroadcast v20, $0x6;
	v15 =	vld [tilespmem:$0x1FC90];
	[tilespmem:$0x1FD60] =	vst v0;
	v0 =	vand.u32 v54, v28  }
0x268: {  	v56 =	vmul.f32 v56, v57;
	[tilespmem:$0x1FD70] =	vst v0;
	v0 =	vbroadcast v18, $0x4  }
0x269: {  	v3 =	vbroadcast v20, $0x5;
	v4 =	vbroadcast v27, $0x5  }
0x26a: {  	[tilespmem:$0x1FCF0] =	vst v0;
	v0 =	vand.u32 v54, v48;
	v48 =	vbroadcast v27, $0x3;
	v2 =	vand.u32 v54, v2  }
0x26b: {  	v32 =	vbroadcast v27, $0x1;
	[tilespmem:$0x1FE50] =	vst v2;
	v2 =	vbroadcast v27, $0x0;
	v27 =	vld [tilespmem:$0x1FCB0]  }
0x26c: {  	v28 =	vbroadcast v20, $0x3;
	v54 =	vand.u32 v54, v15;
	v15 =	vadd.f32 v50, v37  }
0x26d: {  	v23 =	vbroadcast v20, $0xB;
	v3 =	vmul.f32 v3, v57  }
0x26e: {  	v1 =	vbroadcast v20, $0x4;
	v28 =	vmul.f32 v28, v57;
	[tilespmem:$0x1FDD0] =	vst v15;
	v15 =	vld [tilespmem:$0x1FCA0]  }
0x26f: {  	v58 =	vadd.f32 v58, v56;
	[tilespmem:$0x1FD80] =	vst v0;
	v0 =	vbroadcast v19, $0x2;
	v48 =	vmul.f32 v48, v13  }
0x270: {  	v50 =	vmul.f32 v31, v57;
	v31 =	vmul.f32 v11, v13;
	v11 =	vadd.f32 v27, v37  }
0x271: {  	v27 =	vadd.f32 v59, v37;
	v59 =	vadd.f32 v63, v37;
	v63 =	vmul.f32 v47, v13  }
0x272: {  	v47 =	vadd.f32 v45, v37;
	v45 =	vmul.f32 v23, v57;
	v23 =	vmul.f32 v22, v13  }
0x273: {  	v22 =	vmul.f32 v41, v13;
	v41 =	vmul.f32 v53, v14;
	v15 =	vadd.f32 v15, v37  }
0x274: {  	[tilespmem:$0x1FE20] =	vst v27;
	v27 =	vadd.f32 v44, v37;
	v44 =	vmul.f32 v43, v57;
	v43 =	vmul.f32 v55, v14  }
0x275: {  	v53 =	vld [tilespmem:$0x1FD00];
	[tilespmem:$0x1FDF0] =	vst v11;
	v11 =	vadd.f32 v9, v37;
	v9 =	vmul.f32 v7, v57;
	v55 =	vmul.f32 v46, v13  }
0x276: {  	v7 =	vadd.f32 v6, v37;
	v6 =	vmul.f32 v5, v57;
	v5 =	vadd.f32 v0, v37  }
0x277: {  	v0 =	vmul.f32 v1, v57;
	v1 =	vmul.f32 v4, v13;
	v23 =	vadd.f32 v23, v45  }
0x278: {  	[tilespmem:$0x1FE00] =	vst v15;
	v15 =	vadd.f32 v25, v37;
	v25 =	vmul.f32 v38, v57;
	v38 =	vmul.f32 v26, v57  }
0x279: {  	v60 =	vbroadcast v20, $0xE;
	v1 =	vadd.f32 v1, v3;
	v3 =	vadd.f32 v8, v6  }
0x27a: {  	v6 =	vadd.f32 v48, v28;
	v45 =	vadd.f32 v55, v38;
	v55 =	vmul.f32 v53, v14  }
0x27b: {  	v62 =	vmul.f32 v62, v13;
	v60 =	vmul.f32 v60, v57  }
0x27c: {  	v35 =	vbroadcast v20, $0xC;
	v28 =	vadd.f32 v33, v58;
	v6 =	vadd.f32 v55, v6  }
0x27d: {  	v62 =	vadd.f32 v62, v60;
	v51 =	vbroadcast v20, $0x2;
	v40 =	vbroadcast v20, $0x1  }
0x27e: {  	v20 =	vbroadcast v20, $0x0;
	v60 =	vadd.f32 v28, v28;
	v28 =	vadd.f32 v6, v6;
	v6 =	vld [tilespmem:$0x1FDB0];
	_ =	sdelay $0x1  }
0x27f: {  	v20 =	vmul.f32 v20, v57;
	v2 =	vmul.f32 v2, v13;
	_ =	sdelay $0x1  }
0x280: {  	v2 =	vadd.f32 v2, v20;
	v20 =	vld [tilespmem:$0x1FCD0]  }
0x281: {  	vm9 =	vne.s32 v6, $0x0;
	v6 =	vld [tilespmem:$0x1FDC0];
	_ =	sdelay $0x1  }
0x282: {  	v30 =	vbroadcast v18, $0xC  }
0x283: {  	v29 =	vbroadcast v18, $0x9;
	v12 =	vmul.f32 v12, v13  }
0x284: {  	v35 =	vmul.f32 v35, v57;
	v20 =	vmul.f32 v20, v14  }
0x285: {  	v29 =	vmul.f32 v29, v14;
	v12 =	vadd.f32 v12, v25;
	vm10 =	vne.s32 v6, $0x0;
	v6 =	vld [tilespmem:$0x1FDD0]  }
0x286: {  	v30 =	vmul.f32 v30, v14;
	v35 =	vadd.f32 v63, v35;
	v3 =	vadd.f32 v20, v3;
	v20 =	vld [tilespmem:$0x1FD30]  }
0x287: {  	v12 =	vadd.f32 v29, v12  }
0x288: {  	v30 =	vadd.f32 v30, v35  }
0x289: {  	v24 =	vadd.f32 v24, v62;
	v63 =	vadd.f32 v12, v12;
	v12 =	vld [tilespmem:$0x1FD70]  }
0x28a: {  	v62 =	vadd.f32 v30, v30;
	v30 =	vsub.f32 v6, v60;
	v6 =	vld [tilespmem:$0x1FDE0]  }
0x28b: {  	vm0 =	vne.s32 v20, $0x0;
	v20 =	vimm.s32 $0x0  }
0x28c: {  	v61 =	vbroadcast v18, $0xD;
	v20 =	vsel vm0, $0xFFFFFFFF, v20  }
0x28d: {  	[tilespmem:$0x1FEF0] =	vst v20;
	v20 =	vld [tilespmem:$0x1FD50]  }
0x28e: {  	v61 =	vmul.f32 v61, v14;
	v31 =	vadd.f32 v31, v50;
	vm5 =	vne.s32 v12, $0x0;
	v12 =	vld [tilespmem:$0x1FD80]  }
0x28f: {  	vm11 =	vne.s32 v6, $0x0;
	v6 =	vld [tilespmem:$0x1FDF0]  }
0x290: {  	v31 =	vadd.f32 v61, v31  }
0x291: {  	v10 =	vmul.f32 v10, v13  }
0x292: {  	vm3 =	vne.s32 v20, $0x0;
	v20 =	vadd.f32 v31, v31  }
0x293: {  	v9 =	vadd.f32 v10, v9;
	vm6 =	vne.s32 v12, $0x0;
	v12 =	vld [tilespmem:$0x1FD90]  }
0x294: {  	v10 =	vadd.f32 v41, v45;
	v41 =	vsub.f32 v6, v20;
	v6 =	vld [tilespmem:$0x1FE00]  }
0x295: {  	v16 =	vbroadcast v19, $0x6  }
0x296: {  	v52 =	vbroadcast v19, $0x8;
	v39 =	vbroadcast v18, $0xB  }
0x297: {  	v24 =	vadd.f32 v24, v24;
	v49 =	vbroadcast v19, $0x1;
	v17 =	vbroadcast v19, $0x3  }
0x298: {  	v34 =	vbroadcast v19, $0x0;
	v19 =	vbroadcast v18, $0x1  }
0x299: {  	v18 =	vbroadcast v18, $0x0;
	vm7 =	vne.s32 v12, $0x0;
	v12 =	vsub.f32 v6, v24;
	v6 =	vld [tilespmem:$0x1FE10]  }
0x29a: {  	v39 =	vmul.f32 v39, v14  }
0x29b: {  	v36 =	vmul.f32 v36, v13;
	v18 =	vmul.f32 v18, v14  }
0x29c: {  	v42 =	vmul.f32 v42, v13;
	v52 =	vadd.f32 v52, v37;
	v16 =	vadd.f32 v16, v37;
	v50 =	vld [tilespmem:$0x1FCF0]  }
0x29d: {  	v51 =	vmul.f32 v51, v57;
	v2 =	vadd.f32 v18, v2;
	v4 =	vadd.f32 v49, v37;
	v49 =	vld [tilespmem:$0x1FCE0]  }
0x29e: {  	v17 =	vadd.f32 v17, v37;
	v34 =	vadd.f32 v34, v37;
	vm12 =	vne.s32 v6, $0x0;
	v6 =	vld [tilespmem:$0x1FE20]  }
0x29f: {  	v40 =	vmul.f32 v40, v57;
	v46 =	vadd.f32 v36, v51;
	v2 =	vadd.f32 v2, v2;
	v29 =	vld [tilespmem:$0x1FD10]  }
0x2a0: {  	v61 =	vld [tilespmem:$0x1FD60];
	v22 =	vadd.f32 v22, v44;
	v44 =	vmul.f32 v32, v13;
	v0 =	vadd.f32 v42, v0  }
0x2a1: {  	v51 =	vmul.f32 v50, v14;
	v23 =	vadd.f32 v39, v23;
	v2 =	vsub.f32 v34, v2  }
0x2a2: {  	v19 =	vmul.f32 v19, v14;
	v48 =	vld [tilespmem:$0x1FCC0];
	v8 =	vadd.f32 v44, v40;
	v22 =	vadd.f32 v43, v22  }
0x2a3: {  	v0 =	vadd.f32 v51, v0;
	v32 =	vmul.f32 v49, v14;
	v49 =	vsub.f32 v6, v62;
	v6 =	vld [tilespmem:$0x1FE30]  }
0x2a4: {  	v58 =	vld [tilespmem:$0x1FD40];
	v23 =	vadd.f32 v23, v23;
	v8 =	vadd.f32 v19, v8;
	v29 =	vmul.f32 v29, v14  }
0x2a5: {  	vm4 =	vne.s32 v61, $0x0;
	v22 =	vadd.f32 v22, v22;
	v3 =	vadd.f32 v3, v3  }
0x2a6: {  	vm1 =	vle.f32 v2, $5.760000230e+00;
	v56 =	vadd.f32 v29, v46;
	v29 =	vadd.f32 v0, v0;
	v0 =	vld [tilespmem:$0x1FDA0]  }
0x2a7: {  	v43 =	vsub.f32 v59, v23;
	v26 =	vmul.f32 v48, v14;
	v1 =	vadd.f32 v32, v1  }
0x2a8: {  	v10 =	vadd.f32 v10, v10;
	v44 =	vsub.f32 v47, v22;
	vm13 =	vne.s32 v6, $0x0;
	v6 =	vld [tilespmem:$0x1FE50]  }
0x2a9: {  	vm2 =	vne.s32 v58, $0x0;
	v3 =	vsub.f32 v16, v3;
	v9 =	vadd.f32 v26, v9  }
0x2aa: {  	p0 =	sne.s32 s11, $0x1;
	v1 =	vadd.f32 v1, v1;
	v45 =	vsub.f32 v27, v63;
	vm0 =	vne.s32 v54, $0x0  }
.Ltmp4:
0x2ab: {  	v9 =	vadd.f32 v9, v9;
	vm8 =	vne.s32 v0, $0x0;
	v0 =	vadd.f32 v8, v8;
	(pc) =	sbr.rel @p0 .LBB2_8-.Ltmp4, $4  }
0x2ac: {  	vm0 =	vmand vm0, vm1;
	v46 =	vsub.f32 v52, v10;
	v8 =	vadd.f32 v56, v56  }
0x2ad: {  	v47 =	vsub.f32 v15, v9;
	vm14 =	vne.s32 v6, $0x0;
	v6 =	vsub.f32 v4, v0  }
0x2ae: {  	v39 =	vld [tilespmem:$0x1FE40];
	v2 =	vnsel vm0, $0x501502F9, v2;
	v5 =	vsub.f32 v5, v8;
	v0 =	vsub.f32 v11, v1  }
0x2af: {  	s11 =	sadd.s32 $0xFFFFFFFF, s11;
	v40 =	vld [tilespmem:$0x1FD20];
	v4 =	vsub.f32 v7, v29;
	v1 =	vsub.f32 v17, v28;
	vm0 =	vle.f32 v6, $5.760000230e+00  }
.LBB2_9:
0x2b0: {  	v7 =	vld [tilespmem:$0x1FE90]  }
0x2b1: {  	v15 =	vld [tilespmem:$0x1FED0]  }
0x2b2: {  	v9 =	vld [tilespmem:$0x1FEE0]  }
0x2b3: {  	v14 =	vld [tilespmem:$0x1FEC0]  }
0x2b4: {  	vm0 =	vmand vm14, vm0;
	v11 =	vld [tilespmem:$0x1FFD0]  }
0x2b5: {  	vm1 =	vle.f32 v5, $5.760000230e+00;
	v10 =	vld [tilespmem:$0x1FEA0];
	v28 =	vimm.s32 $0x0;
	vm14 =	vle.f32 v1, $5.760000230e+00  }
0x2b6: {  	v13 =	vld [tilespmem:$0x1FEB0];
	v6 =	vnsel vm0, $0x501502F9, v6;
	vm13 =	vmand vm13, vm1;
	vm14 =	vmand vm12, vm14  }
0x2b7: {  	v42 =	vnsel vm13, $0x501502F9, v5;
	vm12 =	vle.f32 v4, $5.760000230e+00;
	v50 =	vnsel vm14, $0x501502F9, v1  }
0x2b8: {  	vm0 =	vlt.f32 v2, v7;
	vm1 =	vlt.f32 v2, v15;
	vm13 =	vlt.f32 v2, v9  }
0x2b9: {  	v7 =	vsel vm0, v2, v7;
	v8 =	vsel vm1, v2, v15;
	v48 =	vsel vm13, v2, v9  }
0x2ba: {  	v17 =	vld [tilespmem:$0x1FFB0];
	v10 =	vsel vm0, v11, v10;
	v8 =	vsel vm13, v9, v8;
	v9 =	vsel vm13, v11, v14  }
0x2bb: {  	vm0 =	vlt.f32 v6, v48;
	v11 =	vsel vm1, v11, v13;
	v7 =	vsel vm1, v15, v7  }
0x2bc: {  	v10 =	vsel vm1, v13, v10;
	vm1 =	vmand vm11, vm12;
	vm12 =	vle.f32 v0, $5.760000230e+00  }
0x2bd: {  	v11 =	vsel vm13, v14, v11;
	vm13 =	vlt.f32 v6, v8;
	v14 =	vsel vm0, v6, v48  }
0x2be: {  	v16 =	vld [tilespmem:$0x1FFC0];
	v52 =	vnsel vm1, $0x501502F9, v4;
	vm1 =	vmand vm10, vm12;
	v13 =	vsel vm13, v6, v8  }
0x2bf: {  	v15 =	vsel vm13, v17, v11;
	vm14 =	vlt.f32 v42, v14;
	v2 =	vsel vm0, v48, v13  }
0x2c0: {  	v13 =	vsel vm0, v17, v9;
	v9 =	vsel vm0, v9, v15;
	vm0 =	vlt.f32 v6, v7  }
0x2c1: {  	v55 =	vld [tilespmem:$0x1FF90];
	v53 =	vnsel vm1, $0x501502F9, v0;
	v51 =	vsel vm14, v42, v14;
	v6 =	vsel vm0, v6, v7  }
0x2c2: {  	vm10 =	vlt.f32 v50, v51;
	vm1 =	vlt.f32 v42, v2;
	v10 =	vsel vm0, v17, v10  }
0x2c3: {  	v6 =	vsel vm13, v8, v6;
	v8 =	vsel vm14, v16, v13;
	v15 =	vsel vm1, v42, v2  }
0x2c4: {  	v54 =	vsel vm1, v16, v9;
	v10 =	vsel vm13, v11, v10;
	vm0 =	vlt.f32 v42, v6  }
0x2c5: {  	v14 =	vsel vm14, v14, v15;
	v15 =	vsel vm10, v50, v51;
	v5 =	vsel vm0, v42, v6  }
0x2c6: {  	v6 =	vsel vm14, v13, v54;
	vm11 =	vlt.f32 v50, v14;
	v13 =	vsel vm10, v55, v8  }
0x2c7: {  	vm12 =	vlt.f32 v52, v15;
	v10 =	vsel vm0, v16, v10;
	vm0 =	vle.f32 v3, $5.760000230e+00  }
0x2c8: {  	vm14 =	vle.f32 v47, $5.760000230e+00;
	v11 =	vsel vm11, v50, v14;
	vm0 =	vmand vm9, vm0  }
0x2c9: {  	v20 =	vld [tilespmem:$0x1FFA0];
	v2 =	vsel vm1, v2, v5;
	v9 =	vsel vm1, v9, v10;
	v7 =	vsel vm10, v51, v11  }
0x2ca: {  	v11 =	vsel vm11, v55, v6;
	v58 =	vnsel vm0, $0x501502F9, v3;
	vm0 =	vmand vm8, vm14  }
0x2cb: {  	vm1 =	vlt.f32 v50, v2;
	vm14 =	vle.f32 v46, $5.760000230e+00;
	v8 =	vsel vm10, v8, v11  }
0x2cc: {  	v19 =	vld [tilespmem:$0x1FF70];
	vm10 =	vlt.f32 v52, v7;
	v1 =	vsel vm1, v50, v2;
	v9 =	vsel vm1, v55, v9  }
0x2cd: {  	v62 =	vnsel vm0, $0x501502F9, v47;
	vm0 =	vmand vm7, vm14;
	v11 =	vsel vm10, v52, v7  }
0x2ce: {  	v56 =	vsel vm10, v20, v8;
	v1 =	vsel vm11, v14, v1;
	v6 =	vsel vm11, v6, v9  }
0x2cf: {  	v18 =	vld [tilespmem:$0x1FF80];
	v63 =	vnsel vm0, $0x501502F9, v46;
	v11 =	vsel vm12, v15, v11;
	v15 =	vsel vm12, v52, v15  }
0x2d0: {  	v16 =	vsel vm12, v13, v56;
	v13 =	vsel vm12, v20, v13;
	vm12 =	vlt.f32 v53, v15  }
0x2d1: {  	vm8 =	vlt.f32 v53, v11;
	v57 =	vsel vm12, v53, v15;
	v10 =	vsel vm12, v19, v13  }
0x2d2: {  	v59 =	vsel vm8, v53, v11;
	v14 =	vsel vm8, v19, v16;
	vm13 =	vlt.f32 v58, v57  }
0x2d3: {  	v2 =	vsel vm12, v15, v59;
	v13 =	vsel vm12, v13, v14;
	vm12 =	vlt.f32 v52, v1  }
0x2d4: {  	v15 =	vsel vm13, v58, v57;
	vm9 =	vlt.f32 v58, v2;
	v14 =	vsel vm13, v18, v10  }
0x2d5: {  	v1 =	vsel vm12, v52, v1;
	v6 =	vsel vm12, v20, v6;
	vm12 =	vle.f32 v45, $5.760000230e+00  }
0x2d6: {  	v33 =	vld [tilespmem:$0x1FF50];
	v60 =	vsel vm9, v58, v2;
	v61 =	vsel vm9, v18, v13;
	v1 =	vsel vm10, v7, v1  }
0x2d7: {  	vm0 =	vmand vm6, vm12;
	v6 =	vsel vm10, v8, v6;
	vm12 =	vle.f32 v44, $5.760000230e+00  }
0x2d8: {  	v5 =	vsel vm13, v57, v60;
	v10 =	vsel vm13, v10, v61;
	vm11 =	vlt.f32 v53, v1  }
0x2d9: {  	vm13 =	vlt.f32 v62, v15;
	v38 =	vnsel vm0, $0x501502F9, v45;
	vm0 =	vmand vm5, vm12  }
0x2da: {  	vm12 =	vle.f32 v49, $5.760000230e+00;
	v0 =	vsel vm11, v53, v1;
	v32 =	vsel vm13, v62, v15  }
0x2db: {  	vm7 =	vlt.f32 v62, v5;
	v8 =	vsel vm13, v33, v14;
	v6 =	vsel vm11, v19, v6  }
0x2dc: {  	v46 =	vnsel vm0, $0x501502F9, v44;
	v0 =	vsel vm8, v11, v0;
	v9 =	vsel vm7, v62, v5  }
0x2dd: {  	v11 =	vsel vm7, v33, v10;
	v6 =	vsel vm8, v16, v6;
	vm10 =	vlt.f32 v63, v32  }
0x2de: {  	vm14 =	vlt.f32 v58, v0;
	v9 =	vsel vm13, v15, v9;
	v11 =	vsel vm13, v14, v11  }
0x2df: {  	v36 =	vsel vm10, v63, v32;
	v14 =	vld [tilespmem:$0x1FF60];
	v0 =	vsel vm14, v58, v0;
	v34 =	vsel vm14, v18, v6  }
0x2e0: {  	vm6 =	vlt.f32 v63, v9;
	vm13 =	vlt.f32 v38, v36;
	v0 =	vsel vm9, v2, v0  }
0x2e1: {  	v2 =	vsel vm9, v13, v34;
	v35 =	vsel vm6, v63, v9;
	v13 =	vsel vm13, v38, v36  }
0x2e2: {  	vm9 =	vle.f32 v12, $5.760000230e+00;
	v3 =	vsel vm10, v32, v35;
	vm11 =	vlt.f32 v62, v0  }
0x2e3: {  	v0 =	vsel vm11, v62, v0;
	vm5 =	vlt.f32 v38, v3;
	v2 =	vsel vm11, v33, v2  }
0x2e4: {  	vm11 =	vlt.f32 v46, v13;
	v62 =	vbroadcast v21, $0xF;
	v37 =	vsel vm6, v14, v11  }
0x2e5: {  	v51 =	vld [tilespmem:$0x1FEF0];
	v0 =	vsel vm7, v5, v0;
	v42 =	vsel vm5, v38, v3;
	v2 =	vsel vm7, v10, v2  }
0x2e6: {  	v10 =	vsel vm11, v46, v13;
	v7 =	vsel vm10, v8, v37;
	v8 =	vsel vm10, v14, v8  }
0x2e7: {  	v5 =	vsel vm13, v36, v42;
	vm14 =	vlt.f32 v63, v0;
	vm10 =	vle.f32 v43, $5.760000230e+00  }
0x2e8: {  	v15 =	vld [tilespmem:$0x1FF30];
	v36 =	vlaneseq.u32;
	v45 =	vsel vm5, v39, v7;
	v0 =	vsel vm14, v63, v0  }
0x2e9: {  	vm0 =	vmand vm4, vm10;
	vm4 =	vlt.f32 v46, v5;
	v2 =	vsel vm14, v14, v2  }
0x2ea: {  	vm10 =	vnez.u8 v51;
	v6 =	vsel vm13, v8, v45;
	v8 =	vsel vm13, v39, v8  }
0x2eb: {  	v0 =	vsel vm6, v9, v0;
	v9 =	vsel vm4, v46, v5;
	v47 =	vnsel vm0, $0x501502F9, v43  }
0x2ec: {  	vm0 =	vmand vm3, vm12;
	v2 =	vsel vm6, v11, v2;
	v9 =	vsel vm11, v13, v9  }
0x2ed: {  	v13 =	vsel vm4, v15, v6;
	vm7 =	vlt.f32 v38, v0;
	vm13 =	vlt.f32 v47, v10  }
0x2ee: {  	v49 =	vnsel vm0, $0x501502F9, v49;
	v13 =	vsel vm11, v8, v13;
	v8 =	vsel vm11, v15, v8  }
0x2ef: {  	v0 =	vsel vm7, v38, v0;
	v48 =	vsel vm13, v47, v10;
	vm3 =	vlt.f32 v47, v9  }
0x2f0: {  	v2 =	vsel vm7, v39, v2;
	vm7 =	vle.f32 v41, $5.760000230e+00;
	v0 =	vsel vm5, v3, v0  }
0x2f1: {  	v14 =	vsel vm13, v40, v8;
	v11 =	vsel vm3, v47, v9;
	v2 =	vsel vm5, v7, v2  }
0x2f2: {  	vm0 =	vmand vm2, vm7;
	vm11 =	vlt.f32 v49, v48;
	vm14 =	vlt.f32 v46, v0  }
0x2f3: {  	v10 =	vsel vm13, v10, v11;
	v11 =	vsel vm3, v40, v13;
	v50 =	vnsel vm0, $0x501502F9, v41  }
0x2f4: {  	vm0 =	vmand vm10, vm9;
	v52 =	vsel vm11, v49, v48;
	v0 =	vsel vm14, v46, v0  }
0x2f5: {  	v8 =	vsel vm13, v8, v11;
	v2 =	vsel vm14, v15, v2;
	v0 =	vsel vm4, v5, v0  }
0x2f6: {  	vm12 =	vlt.f32 v49, v10;
	v56 =	vnsel vm0, $0x501502F9, v12;
	vm8 =	vlt.f32 v47, v0  }
0x2f7: {  	vm14 =	vle.f32 v30, $5.760000230e+00;
	v2 =	vsel vm4, v6, v2;
	v0 =	vsel vm8, v47, v0  }
0x2f8: {  	v54 =	vsel vm12, v49, v10;
	vm0 =	vmand vm15, vm14;
	v0 =	vsel vm3, v9, v0;
	v9 =	vld [tilespmem:$0x1FF20]  }
0x2f9: {  	vm15 =	vlt.f32 v50, v52;
	v3 =	vsel vm11, v48, v54;
	vm13 =	vlt.f32 v49, v0  }
0x2fa: {  	v11 =	vld [tilespmem:$0x1FF00];
	v58 =	vnsel vm0, $0x501502F9, v30;
	vm9 =	vlt.f32 v50, v3;
	v0 =	vsel vm13, v49, v0  }
0x2fb: {  	v2 =	vsel vm8, v40, v2;
	v4 =	vsel vm9, v50, v3;
	v0 =	vsel vm12, v10, v0  }
0x2fc: {  	v2 =	vsel vm3, v13, v2;
	v4 =	vsel vm15, v52, v4;
	vm8 =	vlt.f32 v50, v0  }
0x2fd: {  	v53 =	vsel vm11, v9, v14;
	v55 =	vsel vm12, v9, v8;
	v2 =	vsel vm13, v9, v2  }
0x2fe: {  	v9 =	vsel vm15, v50, v52;
	v0 =	vsel vm8, v50, v0;
	v6 =	vsel vm11, v14, v55  }
0x2ff: {  	v10 =	vsel vm15, v11, v53;
	v2 =	vsel vm12, v8, v2;
	v0 =	vsel vm9, v3, v0  }
0x300: {  	vm11 =	vlt.f32 v56, v4;
	v8 =	vld [tilespmem:$0x1FF10];
	vm12 =	vlt.f32 v56, v9;
	v57 =	vsel vm9, v11, v6  }
0x301: {  	v2 =	vsel vm8, v11, v2;
	vm10 =	vlt.f32 v56, v0;
	v59 =	vsel vm11, v56, v4  }
0x302: {  	v1 =	vsel vm12, v56, v9;
	v5 =	vsel vm15, v53, v57;
	v2 =	vsel vm9, v6, v2  }
0x303: {  	v0 =	vsel vm10, v56, v0;
	v60 =	vsel vm12, v9, v59;
	vm15 =	vlt.f32 v58, v1  }
0x304: {  	v0 =	vsel vm11, v4, v0;
	vm14 =	vlt.f32 v58, v60;
	v12 =	vsel vm15, v58, v1  }
0x305: {  	vm13 =	vlt.f32 v58, v0;
	v63 =	vsel vm14, v58, v60;
	v2 =	vsel vm10, v8, v2  }
0x306: {  	v61 =	vsel vm12, v8, v10;
	v8 =	vsel vm11, v8, v5;
	v0 =	vsel vm13, v58, v0  }
0x307: {  	v27 =	vld [tilespmem:$0x1FE80];
	v13 =	vsel vm15, v1, v63;
	v8 =	vsel vm12, v10, v8;
	v2 =	vsel vm11, v5, v2  }
0x308: {  	v29 =	vld [tilespmem:$0x1FE70];
	v32 =	vsel vm15, v62, v61;
	v2 =	vsel vm13, v62, v2;
	v9 =	vsel vm14, v62, v8  }
0x309: {  	v30 =	vld [tilespmem:$0x1FE60];
	v31 =	vsel vm15, v61, v9;
	v9 =	vsel vm14, v60, v0;
	v22 =	vsel vm14, v8, v2  }
.LBB2_10:
0x30a: {  	v0 =	vmax.f32 v12, $2.384185790e-07;
	v6 =	vimm.f32 $3.535533850e-01  }
0x30b: {  	v2 =	vmax.f32 v13, $2.384185790e-07;
	v5 =	vmax.f32 v9, $2.384185790e-07;
	vm0 =	vlt.f32 v0, $4.000000000e+00  }
0x30c: {  	vm14 =	vlt.f32 v0, $1.000000000e+00;
	vm15 =	vlt.f32 v0, $2.500000000e-01;
	vm4 =	vlt.f32 v0, $6.250000000e-02  }
0x30d: {  	vm5 =	vlt.f32 v0, $1.562500000e-02;
	vm6 =	vlt.f32 v0, $3.906250000e-03;
	vm7 =	vlt.f32 v0, $9.765625000e-04  }
0x30e: {  	vm8 =	vlt.f32 v0, $2.441406250e-04;
	vm9 =	vlt.f32 v0, $6.103515630e-05;
	vm10 =	vlt.f32 v0, $1.525878910e-05  }
0x30f: {  	vm11 =	vlt.f32 v0, $3.814697270e-06;
	vm12 =	vlt.f32 v2, $4.000000000e+00;
	vm1 =	vlt.f32 v0, $9.536743160e-07  }
0x310: {  	vm13 =	vlt.f32 v2, $1.000000000e+00;
	v1 =	vsel vm0, $0x3F3504F3, v6;
	v3 =	vsel vm12, $0x3F3504F3, v6  }
0x311: {  	vm12 =	vlt.f32 v2, $1.525878910e-05;
	v1 =	vsel vm14, $0x3FB504F3, v1;
	v3 =	vsel vm13, $0x3FB504F3, v3  }
0x312: {  	vm14 =	vlt.f32 v2, $2.500000000e-01;
	vm13 =	vlt.f32 v5, $2.500000000e-01;
	v1 =	vsel vm15, $0x403504F3, v1  }
0x313: {  	vm15 =	vgt.f32 v0, $1.000000000e+09;
	v3 =	vsel vm14, $0x403504F3, v3;
	v0 =	vmul.f32 $5.000000000e-01, v0  }
0x314: {  	vm14 =	vlt.f32 v5, $6.250000000e-02;
	v1 =	vsel vm4, $0x40B504F3, v1;
	vm4 =	vlt.f32 v2, $6.250000000e-02  }
0x315: {  	v1 =	vsel vm5, $0x413504F3, v1;
	v3 =	vsel vm4, $0x40B504F3, v3;
	vm5 =	vlt.f32 v2, $1.562500000e-02  }
0x316: {  	vm4 =	vlt.f32 v5, $1.562500000e-02;
	v1 =	vsel vm6, $0x41B504F3, v1;
	v3 =	vsel vm5, $0x413504F3, v3  }
0x317: {  	vm6 =	vlt.f32 v2, $3.906250000e-03;
	vm5 =	vlt.f32 v5, $3.906250000e-03;
	v1 =	vsel vm7, $0x423504F3, v1  }
0x318: {  	v3 =	vsel vm6, $0x41B504F3, v3;
	vm7 =	vlt.f32 v2, $9.765625000e-04;
	v1 =	vsel vm8, $0x42B504F3, v1  }
0x319: {  	vm6 =	vlt.f32 v2, $9.536743160e-07;
	v3 =	vsel vm7, $0x423504F3, v3;
	v1 =	vsel vm9, $0x433504F3, v1  }
0x31a: {  	vm8 =	vlt.f32 v2, $2.441406250e-04;
	v1 =	vsel vm10, $0x43B504F3, v1;
	vm10 =	vlt.f32 v5, $4.000000000e+00  }
0x31b: {  	v1 =	vsel vm11, $0x443504F3, v1;
	v6 =	vsel vm10, $0x3F3504F3, v6;
	vm11 =	vlt.f32 v5, $1.000000000e+00  }
0x31c: {  	vm7 =	vlt.f32 v5, $9.765625000e-04;
	v3 =	vsel vm8, $0x42B504F3, v3;
	v6 =	vsel vm11, $0x3FB504F3, v6  }
0x31d: {  	vm9 =	vlt.f32 v2, $6.103515630e-05;
	vm8 =	vlt.f32 v5, $2.441406250e-04;
	v6 =	vsel vm13, $0x403504F3, v6  }
0x31e: {  	v3 =	vsel vm9, $0x433504F3, v3;
	vm9 =	vgt.f32 v2, $1.000000000e+09;
	v6 =	vsel vm14, $0x40B504F3, v6  }
0x31f: {  	v3 =	vsel vm12, $0x43B504F3, v3;
	vm10 =	vlt.f32 v5, $6.103515630e-05;
	v6 =	vsel vm4, $0x413504F3, v6  }
0x320: {  	vm12 =	vlt.f32 v5, $3.814697270e-06;
	v1 =	vsel vm1, $0x44B504F3, v1;
	v6 =	vsel vm5, $0x41B504F3, v6  }
0x321: {  	vm11 =	vlt.f32 v5, $1.525878910e-05;
	v1 =	vsel vm15, $0x3727C5AC, v1;
	v6 =	vsel vm7, $0x423504F3, v6  }
0x322: {  	vm15 =	vlt.f32 v2, $3.814697270e-06;
	v2 =	vmul.f32 $5.000000000e-01, v2;
	v6 =	vsel vm8, $0x42B504F3, v6  }
0x323: {  	vm13 =	vlt.f32 v5, $9.536743160e-07;
	v3 =	vsel vm15, $0x443504F3, v3;
	v6 =	vsel vm10, $0x433504F3, v6  }
0x324: {  	v4 =	vmul.f32 v1, v0;
	v3 =	vsel vm6, $0x44B504F3, v3;
	v6 =	vsel vm11, $0x43B504F3, v6  }
0x325: {  	vm14 =	vgt.f32 v5, $1.000000000e+09;
	v3 =	vsel vm9, $0x3727C5AC, v3;
	v6 =	vsel vm12, $0x443504F3, v6  }
0x326: {  	v5 =	vmul.f32 $5.000000000e-01, v5;
	v7 =	vmul.f32 v3, v2;
	v6 =	vsel vm13, $0x44B504F3, v6  }
0x327: {  	v4 =	vmul.f32 v4, v1;
	v6 =	vsel vm14, $0x3727C5AC, v6  }
0x328: {  	v7 =	vmul.f32 v7, v3;
	v8 =	vmul.f32 v6, v5  }
0x329: {  	v4 =	vsub.f32 $1.500000000e+00, v4  }
0x32a: {  	v7 =	vsub.f32 $1.500000000e+00, v7;
	v8 =	vmul.f32 v8, v6  }
0x32b: {  	v1 =	vmul.f32 v4, v1  }
0x32c: {  	v3 =	vmul.f32 v7, v3;
	v4 =	vsub.f32 $1.500000000e+00, v8  }
0x32d: {  	v7 =	vmul.f32 v1, v0  }
0x32e: {  	v8 =	vmul.f32 v3, v2;
	v4 =	vmul.f32 v4, v6  }
0x32f: {  	v6 =	vmul.f32 v7, v1  }
0x330: {  	v7 =	vmul.f32 v8, v3;
	v8 =	vmul.f32 v4, v5  }
0x331: {  	v6 =	vsub.f32 $1.500000000e+00, v6  }
0x332: {  	v7 =	vsub.f32 $1.500000000e+00, v7;
	v8 =	vmul.f32 v8, v4  }
0x333: {  	v1 =	vmul.f32 v6, v1  }
0x334: {  	v3 =	vmul.f32 v7, v3;
	v6 =	vsub.f32 $1.500000000e+00, v8  }
0x335: {  	v7 =	vmul.f32 v1, v0  }
0x336: {  	v8 =	vmul.f32 v3, v2;
	v4 =	vmul.f32 v6, v4  }
0x337: {  	v6 =	vmul.f32 v7, v1  }
0x338: {  	v7 =	vmul.f32 v8, v3;
	v8 =	vmul.f32 v4, v5  }
0x339: {  	v6 =	vsub.f32 $1.500000000e+00, v6  }
0x33a: {  	v7 =	vsub.f32 $1.500000000e+00, v7;
	v8 =	vmul.f32 v8, v4  }
0x33b: {  	v1 =	vmul.f32 v6, v1  }
0x33c: {  	v3 =	vmul.f32 v7, v3;
	v6 =	vsub.f32 $1.500000000e+00, v8  }
0x33d: {  	v7 =	vmul.f32 v1, v0  }
0x33e: {  	v8 =	vmul.f32 v3, v2;
	v4 =	vmul.f32 v6, v4  }
0x33f: {  	v6 =	vmul.f32 v7, v1  }
0x340: {  	v7 =	vmul.f32 v8, v3;
	v8 =	vmul.f32 v4, v5  }
0x341: {  	v6 =	vsub.f32 $1.500000000e+00, v6  }
0x342: {  	v7 =	vsub.f32 $1.500000000e+00, v7;
	v8 =	vmul.f32 v8, v4  }
0x343: {  	v1 =	vmul.f32 v6, v1  }
0x344: {  	v3 =	vmul.f32 v7, v3;
	v6 =	vsub.f32 $1.500000000e+00, v8  }
0x345: {  	v0 =	vmul.f32 v1, v0  }
0x346: {  	v2 =	vmul.f32 v3, v2;
	v4 =	vmul.f32 v6, v4  }
0x347: {  	v0 =	vmul.f32 v0, v1  }
0x348: {  	v2 =	vmul.f32 v2, v3;
	v5 =	vmul.f32 v4, v5  }
0x349: {  	v0 =	vsub.f32 $1.500000000e+00, v0  }
0x34a: {  	v2 =	vsub.f32 $1.500000000e+00, v2;
	v5 =	vmul.f32 v5, v4  }
0x34b: {  	v0 =	vmul.f32 v0, v1  }
0x34c: {  	v1 =	vmax.f32 v12, $0.0e+00;
	v2 =	vmul.f32 v2, v3;
	v3 =	vsub.f32 $1.500000000e+00, v5  }
0x34d: {  	v0 =	vmul.f32 v0, v1;
	v1 =	vmax.f32 v13, $0.0e+00  }
0x34e: {  	v1 =	vmul.f32 v2, v1;
	v2 =	vmul.f32 v3, v4  }
0x34f: {  	v0 =	vadd.f32 $9.999999930e-09, v0;
	v3 =	vmax.f32 v9, $0.0e+00  }
0x350: {  	v1 =	vadd.f32 $9.999999930e-09, v1;
	v2 =	vmul.f32 v2, v3  }
0x351: {  	(erf) = vrcp.f32 v0  }
0x352: {  	(erf) = vrcp.f32 v1;
	v0 =	vadd.f32 $9.999999930e-09, v2;
	_ =	sdelay $0x1  }
0x353: {  	(erf) = vrcp.f32 v0;
	_ =	sdelay $0x5  }
0x354: {  	v0 =	vpop (erf)  }
0x355: {  	v2 =	vpop (erf)  }
0x356: {  	v1 =	vadd.f32 v2, v0  }
0x357: {  	v4 =	vpop (erf)  }
0x358: {  	v1 =	vadd.f32 v4, v1  }
0x359: {  	v7 =	vld.idx.msk [tilespmem:v32+s23+$0x0], $0xffff  }
0x35a: {  	v6 =	vld.idx.msk [tilespmem:v32+s2+$0x0], $0xffff;
	v1 =	vmax.f32 v1, $9.999999930e-09  }
0x35b: {  	s10 =	simm.s32 $0xB000;
	v5 =	vld.idx.msk [tilespmem:v32+s0+$0x0], $0xffff;
	(erf) = vrcp.f32 v1  }
0x35c: {  	v3 =	vld [tilespmem:s10+$0x0];
	_ =	sdelay $0x2  }
0x35d: {  	vm15 =	vge.f32 v12, $5.000000000e+09;
	v7 =	vsub.f32 v29, v7;
	v12 =	vld.idx.msk [tilespmem:v22+s2+$0x0], $0xffff  }
0x35e: {  	v10 =	vld.idx.msk [tilespmem:v31+s2+$0x0], $0xffff;
	v6 =	vsub.f32 v30, v6  }
0x35f: {  	v7 =	vsel vm15, $0x0, v7;
	v9 =	vld.idx.msk [tilespmem:v31+s0+$0x0], $0xffff;
	v5 =	vsub.f32 v27, v5;
	v17 =	vbroadcast v3, $0x2  }
0x360: {  	v11 =	vld.idx.msk [tilespmem:v31+s23+$0x0], $0xffff;
	v6 =	vsel vm15, $0x0, v6;
	v18 =	vbroadcast v3, $0x0;
	v19 =	vbroadcast v3, $0x7  }
0x361: {  	v5 =	vsel vm15, $0x0, v5;
	v21 =	vbroadcast v3, $0x8;
	v24 =	vbroadcast v3, $0x1  }
0x362: {  	v14 =	vld.idx.msk [tilespmem:v32+s28+$0x0], $0xffff;
	v12 =	vsub.f32 v30, v12;
	v25 =	vbroadcast v3, $0x6;
	v18 =	vmul.f32 v18, v5;
	v8 =	vpop (erf)  }
0x363: {  	v13 =	vld.idx.msk [tilespmem:v22+s0+$0x0], $0xffff;
	v17 =	vmul.f32 v17, v7;
	v1 =	vmul.f32 v8, v0;
	v0 =	vadd.s32 $0x410, v22  }
0x364: {  	v15 =	vld.idx.msk [tilespmem:v22+s23+$0x0], $0xffff;
	v2 =	vmul.f32 v8, v2;
	v4 =	vmul.f32 v8, v4;
	v8 =	vsub.f32 v27, v9  }
0x365: {  	v16 =	vld.idx.msk [tilespmem:v31+s28+$0x0], $0xffff;
	v9 =	vsub.f32 v30, v10;
	v10 =	vsub.f32 v29, v11;
	v11 =	vbroadcast v3, $0x3  }
0x366: {  	v1 =	vsel vm15, $0x0, v1;
	v2 =	vsel vm15, $0x0, v2;
	v8 =	vsel vm15, $0x0, v8  }
0x367: {  	v4 =	vsel vm15, $0x0, v4;
	v9 =	vsel vm15, $0x0, v9;
	v20 =	vmul.f32 v11, v8  }
0x368: {  	v22 =	vld.idx.msk [tilespmem:v22+s28+$0x0], $0xffff;
	v11 =	vsel vm15, $0x0, v12;
	v12 =	vsub.f32 v27, v13;
	v23 =	vmul.f32 v14, v1  }
0x369: {  	v13 =	vsub.f32 v29, v15;
	v15 =	vbroadcast v3, $0x5;
	v14 =	vbroadcast v3, $0x4  }
0x36a: {  	v10 =	vsel vm15, $0x0, v10;
	v16 =	vmul.f32 v16, v2;
	v19 =	vmul.f32 v19, v11  }
0x36b: {  	v12 =	vsel vm15, $0x0, v12;
	v26 =	vmul.f32 v14, v9;
	v27 =	vmul.f32 v15, v10  }
0x36c: {  	v15 =	vmul.f32 v24, v6;
	v16 =	vadd.f32 v16, v23;
	v23 =	vmul.f32 v25, v12  }
0x36d: {  	v13 =	vsel vm15, $0x0, v13;
	v22 =	vmul.f32 v22, v4;
	v20 =	vadd.f32 v26, v20  }
0x36e: {  	v21 =	vmul.f32 v21, v13;
	v24 =	vadd.f32 v15, v18;
	v23 =	vadd.f32 v19, v23  }
0x36f: {  	v18 =	vadd.f32 v22, v16;
	v19 =	vadd.f32 v20, v27  }
0x370: {  	s13 =	simm.s32 $0x0;
	v14 =	vadd.s32 $0x410, v31;
	v20 =	vadd.f32 v24, v17;
	v21 =	vadd.f32 v23, v21  }
0x371: {  	s12 =	simm.s32 $0x410;
	s11 =	smov.u32 s9;
	v15 =	vadd.s32 $0x410, v32;
	v16 =	vadd.s32 s13, v0;
	v17 =	vadd.s32 s13, v14  }
.LBB2_11:
0x372: {  	p0 =	sne.s32 s12, $0x7DF0;
	v22 =	vadd.s32 s13, v15;
	v18 =	vadd.f32 v20, v18;
	v19 =	vadd.f32 v21, v19;
	s10 =	sadd.s32 $0x10, s10;
	s9 =	sadd.s32 $0x100, s9  }
0x373: {  	s13 =	smov.u32 s12;
	s12 =	sadd.s32 $0x410, s12  }
0x374: {  	v3 =	vbroadcast v3, $0x9;
	v18 =	vadd.f32 v19, v18;
	_ =	sdelay $0x1  }
0x375: {  	v3 =	vadd.f32 v18, v3;
	_ =	sdelay $0x1  }
0x376: {  	v3 =	vmax.f32 v3, $0.0e+00  }
0x377: {  	[tilespmem:s11+$0x0] =	vst v3;
	s11 =	smov.u32 s9  }
0x378: {  	v3 =	vld [tilespmem:s10+$0x0];
	_ =	sdelay $0x2  }
0x379: {  	v18 =	vld.idx.msk [tilespmem:v22+s28+$0x0], $0xffff  }
0x37a: {  	v17 =	vld.idx.msk [tilespmem:v17+s28+$0x0], $0xffff  }
0x37b: {  	v19 =	vbroadcast v3, $0x2;
	v20 =	vbroadcast v3, $0x3  }
0x37c: {  	v21 =	vbroadcast v3, $0x0;
	v22 =	vbroadcast v3, $0x7;
	v16 =	vld.idx.msk [tilespmem:v16+s28+$0x0], $0xffff  }
0x37d: {  	v23 =	vbroadcast v3, $0x8;
	v20 =	vmul.f32 v20, v8  }
0x37e: {  	v21 =	vmul.f32 v21, v5;
	v22 =	vmul.f32 v22, v11  }
0x37f: {  	v24 =	vbroadcast v3, $0x5;
	v18 =	vmul.f32 v18, v1  }
0x380: {  	v25 =	vbroadcast v3, $0x4;
	v17 =	vmul.f32 v17, v2  }
0x381: {  	v26 =	vbroadcast v3, $0x1;
	v27 =	vbroadcast v3, $0x6  }
0x382: {  	v24 =	vmul.f32 v24, v10;
	v17 =	vadd.f32 v17, v18;
	v18 =	vmul.f32 v25, v9  }
0x383: {  	v25 =	vmul.f32 v26, v6;
	v26 =	vmul.f32 v27, v12  }
.Ltmp5:
0x384: {  	v23 =	vmul.f32 v23, v13;
	v16 =	vmul.f32 v16, v4;
	v20 =	vadd.f32 v18, v20;
	(pc) =	sbr.rel @p0 .LBB2_11-.Ltmp5, $4  }
0x385: {  	v21 =	vadd.f32 v25, v21;
	v25 =	vmul.f32 v19, v7;
	v22 =	vadd.f32 v22, v26  }
0x386: {  	v18 =	vadd.f32 v16, v17;
	v19 =	vadd.f32 v20, v24  }
0x387: {  	v20 =	vadd.f32 v21, v25;
	v21 =	vadd.f32 v22, v23  }
0x388: {  	v17 =	vadd.s32 s13, v14;
	v16 =	vadd.s32 s13, v0  }
0x389: {  	v0 =	vadd.f32 v20, v18;
	v1 =	vadd.f32 v21, v19  }
0x38a: {  	s8 =	sadd.s32 $0x1, s8  }
0x38b: {  	v63 =	vbroadcast v3, $0x9;
	p0 =	sne.s32 s8, $0x10;
	v0 =	vadd.f32 v1, v0  }
.Ltmp6:
0x38c: {  	_ = 	snop;
	(pc) =	sbr.rel @p0 .LBB2_4-.Ltmp6, $3  }
0x38d: {  	v0 =	vadd.f32 v0, v63;
	_ =	sdelay $0x1  }
0x38e: {  	v0 =	vmax.f32 v0, $0.0e+00  }
0x38f: {  	s7 =	sadd.s32 $0x10, s7;
	s6 =	sadd.s32 $0x1, s6;
	[tilespmem:s11+$0x0] =	vst v0  }
0x390: {  	s1 =	sadd.s32 $0x1, s1  }
0x391: {  	p0 =	sne.s32 s1, s22  }
.Ltmp7:
0x392: {  	s5 =	simm.s32 $0xB200;
	(pc) =	sbr.rel @p0 .LBB2_1-.Ltmp7, $4  }
0x393: {  	[hbm4b:s21+s3] =	stream.linear.scatter [tilespmem:s5], [sflag:$0x2], $0x2000, $0x38;
	[tilespmem:$0xD200] =	vst v63  }
0x394: {  	_ =	swait.ge [sflag:s29], $0x2000  }
0x395: {  	[sflag:s29] =	ssyncset.done $0x0  }
0x396: {  	[sflag:s29] =	ssyncadd.s32 $0xFFFFE000  }
0x397: {  	_ =	sfence.sel $0x180000  }
0x398: {  	[bflag:$0x0] =	sbarrier.arrive $0xFFFF  }
0x399: {  	_ =	strace $0x90000047  }
0x39a: {  	s0 =	stileid.u32;
	[bflag:$0x2] =	sbarrier.arrive $0xFFFF  }
0x39b: {  	p0 =	sne.s32 s0, $0x0;
	s0 =	rddreg [dreg:$0x5]  }
0x39c: {  	s0 =	sadd.s32 @!p0 $0x100000, s0  }
0x39d: {  	[sflag:s0] =	ssyncadd.tile.s32 @!p0 $0x1;
	_ =	shalt  }
.Lfunc_end2:
_tile_overlayer_lowered:
.L_overlay_start_2:
0x39e: {  	(tag) =	ssettag $0x2  }
0x39f: {  	s0 =	rddreg [dreg:$0x0];
	s2 =	stileid.u32  }
0x3a0: {  	s1 =	rddreg [dreg:$0x1];
	p0 =	sne.s32 s2, $0x0  }
0x3a1: {  	s3 =	rddreg [dreg:$0x2];
	[bflag:$0x3] =	sbarrier.arrive $0xFFFF;
	s2 =	simm.s32 @!p0 $0x1C02  }
0x3a2: {  	[timem:s3], [sflag:s2] =	dma.local @!p0 [hbm:s0], s1  }
0x3a3: {  	s0 =	simm.s32 @!p0 $0x2  }
0x3a4: {  	_ =	swait.ge @!p0 [sflag:s0], s1  }
0x3a5: {  	s1 =	ssub.s32 @!p0 $0x0, s1;
	[sflag:s0] =	ssyncset.done @!p0 $0x0  }
0x3a6: {  	[sflag:s0] =	ssyncadd.s32 @!p0 s1  }
0x3a7: {  	[bflag:$0x3] =	sbarrier.arrive $0xFFFF  }
0x3a8: {  	_ =	shalt  }

</sc_bundles>
